<compile_context>
chip_gen: v7x
topology: tpu7x:2x2x1
jax: 0.10.2.dev20260603
libtpu: 0.0.44.dev20260713+nightly
codegen_flags: <defaults>
</compile_context>

<pallas_src>
import functools

import jax
import jax.numpy as jnp
from jax import lax
from jax.experimental import pallas as pl
from jax.experimental.pallas import tpu as pltpu
from jax.experimental.pallas import tpu_sc as plsc

N_NODES = 100000
N_EDGES = 1600000
RS = 6.0
INV_W = 5.0
BOHR = 1.8897259886
LN2 = 0.6931471805599453

NW = 32
CE = 3200
NT = CE // 128
NCH = N_EDGES // CE
SMAX = -(-NCH // NW)
NODE_WORKERS = 25
NPW = N_NODES // NODE_WORKERS

_REFLECTIVE = (0, 2, 1, 3)
_SAME_ORB = (0, 3, 4, 7, 8, 9)

_i32 = jnp.int32
_f32 = jnp.float32


def _sc_body(eat, el, at, tab, edge_out, node_out,
             eat_v0, eat_v1, el_v0, el_v1, out_a0, out_a1, out_b0, out_b1,
             at_v, outn_v, tab_v, in_s0, in_s1, out_s0, out_s1):
    eat_vs = (eat_v0, eat_v1)
    el_vs = (el_v0, el_v1)
    out_as = (out_a0, out_a1)
    out_bs = (out_b0, out_b1)
    in_sems = (in_s0, in_s1)
    out_sems = (out_s0, out_s1)

    wid = lax.axis_index("s") * 2 + lax.axis_index("c")
    pltpu.sync_copy(tab, tab_v)
    lane = lax.iota(_i32, 16)

    def start_in(c, b):
        base = c * CE
        pltpu.async_copy(eat.at[:, pl.ds(base, CE)], eat_vs[b], in_sems[b])
        pltpu.async_copy(el.at[pl.ds(base, CE)], el_vs[b], in_sems[b])

    def wait_in(b):
        pltpu.make_async_copy(
            eat.at[:, pl.ds(0, CE)], eat_vs[b], in_sems[b]).wait()
        pltpu.make_async_copy(
            el.at[pl.ds(0, CE)], el_vs[b], in_sems[b]).wait()

    def start_out(c, b):
        tb = c * NT
        pltpu.async_copy(
            out_as[b], edge_out.at[0, pl.ds(tb, NT), :, :], out_sems[b])
        pltpu.async_copy(
            out_bs[b], edge_out.at[1, pl.ds(tb, NT), pl.ds(0, 2), :],
            out_sems[b])

    def wait_out(b):
        pltpu.make_async_copy(
            out_as[b], edge_out.at[0, pl.ds(0, NT), :, :], out_sems[b]).wait()
        pltpu.make_async_copy(
            out_bs[b], edge_out.at[1, pl.ds(0, NT), pl.ds(0, 2), :],
            out_sems[b]).wait()

    def compute(b):
        eat_v, el_v, out_a, out_b = eat_vs[b], el_vs[b], out_as[b], out_bs[b]

        @plsc.parallel_loop(0, CE // 16, unroll=4)
        def _(i):
            t = i >> 3
            sub = (i & 7) * 16
            sl = pl.ds(i * 16, 16)
            ti = eat_v[0, sl]
            tj = eat_v[1, sl]
            r = el_v[sl]
            idx = ti * 2 + tj
            bits = lax.bitcast_convert_type(r, _i32)
            ef = ((bits >> 23) - 127).astype(_f32)
            m = lax.bitcast_convert_type(
                (bits & 0x007FFFFF) | 0x3F800000, _f32)
            lnm = -1.7306317 + m * (2.7922552 + m * (
                -1.442481 + m * (0.43586185 + m * -0.054862853)))
            lnr = ef * LN2 + lnm
            for_ = 1.0 / (r * (1.0 + jnp.exp((r - RS) * INV_W)))
            dsub = pl.ds(sub, 16)
            for k in range(10):
                w = plsc.load_gather(tab_v, [idx + (4 * k)])
                na2 = lax.bitcast_convert_type(w, _f32)
                cval = lax.bitcast_convert_type(w << 16, _f32)
                v = cval * jnp.exp(na2 * lnr) * for_
                if k < 8:
                    out_a[t, k, dsub] = v
                else:
                    out_b[t, k - 8, dsub] = v

    start_in(wid, 0)

    def pair_body(p, carry):
        for h in range(2):
            s = 2 * p + h
            c = wid + s * NW

            @pl.when(c < NCH)
            def _(c=c, h=h, s=s, p=p):
                cn = wid + (s + 1) * NW

                @pl.when(cn < NCH)
                def _():
                    start_in(cn, 1 - h)

                wait_in(h)

                @pl.when(p > 0)
                def _():
                    wait_out(h)

                compute(h)
                start_out(c, h)

        return carry

    lax.fori_loop(0, SMAX // 2, pair_body, 0)
    wait_out(0)
    wait_out(1)

    @pl.when(wid < NODE_WORKERS)
    def _():
        nbase = wid * NPW
        pltpu.sync_copy(at.at[pl.ds(nbase, NPW)], at_v)

        @plsc.parallel_loop(0, NPW // 16, unroll=4)
        def _(i):
            a = at_v[pl.ds(i * 16, 16)]
            nids = lane + i * 16
            for j in range(3):
                w = plsc.load_gather(tab_v, [a + (40 + 2 * j)])
                plsc.store_scatter(
                    outn_v, [nids, jnp.full((16,), j, _i32)],
                    lax.bitcast_convert_type(w, _f32))

        pltpu.sync_copy(outn_v, node_out.at[pl.ds(nbase, NPW), :])


_sc_kernel = functools.partial(
    pl.kernel,
    _sc_body,
    out_type=(
        jax.ShapeDtypeStruct((2, N_EDGES // 128, 8, 128), jnp.float32),
        jax.ShapeDtypeStruct((N_NODES, 3), jnp.float32),
    ),
    mesh=plsc.VectorSubcoreMesh(core_axis_name="c", subcore_axis_name="s"),
    compiler_params=pltpu.CompilerParams(
        needs_layout_passes=False, use_tc_tiling_on_sc=False),
    scratch_types=[
        pltpu.VMEM((2, CE), jnp.int32),
        pltpu.VMEM((2, CE), jnp.int32),
        pltpu.VMEM((CE,), jnp.float32),
        pltpu.VMEM((CE,), jnp.float32),
        pltpu.VMEM((NT, 8, 128), jnp.float32),
        pltpu.VMEM((NT, 8, 128), jnp.float32),
        pltpu.VMEM((NT, 2, 128), jnp.float32),
        pltpu.VMEM((NT, 2, 128), jnp.float32),
        pltpu.VMEM((NPW,), jnp.int32),
        pltpu.VMEM((NPW, 3), jnp.float32),
        pltpu.VMEM((64,), jnp.int32),
        pltpu.SemaphoreType.DMA,
        pltpu.SemaphoreType.DMA,
        pltpu.SemaphoreType.DMA,
        pltpu.SemaphoreType.DMA,
    ],
)()


def kernel(edge_atom_types, edge_length, atom_type, hopping_param,
           onsite_param, bond_length_table):
    refl = hopping_param[jnp.array(_REFLECTIVE, dtype=_i32)]
    mask = jnp.zeros((10,), dtype=hopping_param.dtype)
    mask = mask.at[jnp.array(_SAME_ORB, dtype=_i32)].set(1.0)[None, :, None]
    hp = hopping_param * (1.0 - mask) + 0.5 * (hopping_param + refl) * mask

    alpha1 = hp[..., 0]
    a2 = jnp.abs(hp[..., 1])
    ti_b = jnp.array([0, 0, 1, 1], dtype=_i32)
    tj_b = jnp.array([0, 1, 0, 1], dtype=_i32)
    r0b = 0.5 * (bond_length_table[ti_b] + bond_length_table[tj_b]) / BOHR
    cb = alpha1 * r0b[:, None] ** (1.0 + a2)
    node_t = onsite_param[:, :, 0]

    cb_bits = lax.bitcast_convert_type(
        cb.astype(jnp.bfloat16), jnp.uint16).astype(_i32)
    na2_bits = lax.bitcast_convert_type(
        (-a2).astype(jnp.bfloat16), jnp.uint16).astype(_i32)
    packed = (na2_bits << 16) | cb_bits

    tab = jnp.zeros((64,), dtype=_i32)
    tab = tab.at[0:40].set(packed.T.reshape(-1))
    tab = tab.at[40:46].set(lax.bitcast_convert_type(
        node_t.astype(_f32), _i32).T.reshape(-1))
    edge_tiles, node_features = _sc_kernel(
        edge_atom_types.astype(_i32), edge_length,
        atom_type.astype(_i32), tab)
    edge_features = edge_tiles.transpose(1, 3, 0, 2).reshape(
        N_EDGES, 16)[:, :10]
    return edge_features, node_features

# --- scband reference (transcript-rebuilt; emitter-appended) ---
"""Pipeline reference for scband-nnsk-59923383713794 (READ-ONLY COPY).

The authoritative reference and input builder live on the scoring server;
editing this copy changes nothing except your own understanding.
"""

import jax, jax.numpy as jnp
import numpy as np

N_NODES = 100000
N_EDGES = 1600000
N_ATOM_TYPES = 2
N_BOND_TYPES = 4  # Si-Si, Si-O, O-Si, O-O
REDUCED = 10      # s-s:1, s-p:1, s-d:1, p-p:2, p-d:2, d-d:3
N_ONSITE = 3      # n_onsite_Es for s,p,d
RS = 6.0
W = 0.2
BOHR = 1.8897259886

# reflective_bonds: bond i-j -> bond j-i for bond order [Si-Si, Si-O, O-Si, O-O]
REFLECTIVE = np.array([0, 2, 1, 3], dtype=np.int32)
# orbpair layout: s-s [0:1], s-p [1:2], s-d [2:3], p-p [3:5], p-d [5:7], d-d [7:10]
# same-orbital (iorb == jorb) slots that get hermitian-symmetrized:
SAME_ORB_IDX = np.array([0, 3, 4, 7, 8, 9], dtype=np.int32)


def setup_inputs(seed: int = 0) -> dict:
    key = jax.random.key(seed)
    k1, k2, k3, k4, k5 = jax.random.split(key, 5)
    edge_atom_types = jax.random.randint(k1, (2, N_EDGES), 0, N_ATOM_TYPES)
    # physical bond lengths in Angstrom-ish range, strictly positive
    edge_length = jax.random.uniform(k2, (N_EDGES,), minval=1.5, maxval=5.5, dtype=jnp.float32)
    atom_type = jax.random.randint(k3, (N_NODES,), 0, N_ATOM_TYPES)
    hopping_param = 0.01 * jax.random.normal(k4, (N_BOND_TYPES, REDUCED, 2), dtype=jnp.float32)
    onsite_param = 0.01 * jax.random.normal(k5, (N_ATOM_TYPES, N_ONSITE, 1), dtype=jnp.float32)
    bond_length_table = jnp.array([2.22, 1.32], dtype=jnp.float32)  # per-element reference bond lengths
    return {
        "edge_atom_types": edge_atom_types,
        "edge_length": edge_length,
        "atom_type": atom_type,
        "hopping_param": hopping_param,
        "onsite_param": onsite_param,
        "bond_length_table": bond_length_table,
    }


def reference(edge_atom_types, edge_length, atom_type, hopping_param, onsite_param, bond_length_table):
    # --- hermitian symmetrization of same-orbital pair params across reflective bonds ---
    refl = hopping_param[jnp.asarray(REFLECTIVE)]                       # [4, 10, 2]
    mask = jnp.zeros((REDUCED,), dtype=hopping_param.dtype)
    mask = mask.at[jnp.asarray(SAME_ORB_IDX)].set(1.0)[None, :, None]    # [1, 10, 1]
    hp = hopping_param * (1.0 - mask) + 0.5 * (hopping_param + refl) * mask

    # --- bond type transform (edge embedding index) ---
    ti = edge_atom_types[0]
    tj = edge_atom_types[1]
    edge_index = ti * N_ATOM_TYPES + tj                                  # [E]
    r0 = 0.5 * (bond_length_table[ti] + bond_length_table[tj])           # [E]

    # --- memory-bound gather: per-edge SK parameter lookup ---
    para = jnp.take(hp, edge_index, axis=0)                              # [E, 10, 2]

    # --- powerlaw hopping formula (get_skhij) ---
    alpha1 = para[..., 0]                                                # [E, 10]
    alpha2 = jnp.abs(para[..., 1])                                       # [E, 10]
    r0b = (r0 / BOHR)[:, None]                                           # [E, 1]
    rij = edge_length[:, None]                                           # [E, 1]
    fcut = (1.0 / (1.0 + jnp.exp((edge_length - RS) / W)))[:, None]      # [E, 1]
    edge_features = alpha1 * (r0b / rij) ** (1.0 + alpha2) * fcut        # [E, 10]

    # --- uniform onsite energies (get_skEs): per-atom lookup ---
    node_features = jnp.take(onsite_param, atom_type, axis=0)[:, :, 0]   # [N, 3]

    return edge_features, node_features

if __name__ == "__main__":
    import jax
    _d = setup_inputs()
    print(jax.jit(kernel)(*tuple(_d.values())))

</pallas_src>

<mosaic_0001>
#map = affine_map<(d0, d1) -> (0, 0)>
#map1 = affine_map<(d0, d1) -> (0)>
#map2 = affine_map<(d0, d1) -> (0, 0, 0, 0)>
module attributes {stable_mosaic.version = 14 : i64} {
  func.func @_sc_body(%arg0: i32, %arg1: i32, %arg2: memref<2x1600000xi32, #tpu.memory_space<hbm>>, %arg3: memref<1600000xf32, #tpu.memory_space<hbm>>, %arg4: memref<100000xi32, #tpu.memory_space<hbm>>, %arg5: memref<64xi32, #tpu.memory_space<hbm>>, %arg6: memref<2x12500x8x128xf32, #tpu.memory_space<hbm>>, %arg7: memref<100000x3xf32, #tpu.memory_space<hbm>>, %arg8: memref<2x3200xi32, #tpu.memory_space<vmem>>, %arg9: memref<2x3200xi32, #tpu.memory_space<vmem>>, %arg10: memref<3200xf32, #tpu.memory_space<vmem>>, %arg11: memref<3200xf32, #tpu.memory_space<vmem>>, %arg12: memref<25x8x128xf32, #tpu.memory_space<vmem>>, %arg13: memref<25x8x128xf32, #tpu.memory_space<vmem>>, %arg14: memref<25x2x128xf32, #tpu.memory_space<vmem>>, %arg15: memref<25x2x128xf32, #tpu.memory_space<vmem>>, %arg16: memref<4000xi32, #tpu.memory_space<vmem>>, %arg17: memref<4000x3xf32, #tpu.memory_space<vmem>>, %arg18: memref<64xi32, #tpu.memory_space<vmem>>, %arg19: memref<!tpu.dma_semaphore, #tpu.memory_space<semaphore_mem>>, %arg20: memref<!tpu.dma_semaphore, #tpu.memory_space<semaphore_mem>>, %arg21: memref<!tpu.dma_semaphore, #tpu.memory_space<semaphore_mem>>, %arg22: memref<!tpu.dma_semaphore, #tpu.memory_space<semaphore_mem>>) attributes {dimension_semantics = [#tpu.dimension_semantics<core_parallel>, #tpu.dimension_semantics<subcore_parallel>], iteration_bounds = array<i64: 2, 16>, scalar_prefetch = 0 : i64, scratch_operands = 15 : i64, tpu.core_type = #tpu.core_type<sc_vector_subcore>, window_params = [{transform_indices = #map}, {transform_indices = #map1}, {transform_indices = #map1}, {transform_indices = #map1}, {transform_indices = #map2}, {transform_indices = #map}]} {
    %mul3A = arith.constant 2 : i32
    %mul3A_0 = arith.muli %arg1, %mul3A : i32
    %add3A = arith.addi %mul3A_0, %arg0 : i32
    "tpu.region"() ({
      %run_scoped3A = tpu.sem_alloc : memref<!tpu.dma_semaphore, #tpu.memory_space<semaphore_mem>>
      tpu.enqueue_dma source(%arg5 : memref<64xi32, #tpu.memory_space<hbm>>) target(%arg18 : memref<64xi32, #tpu.memory_space<vmem>>) target_semaphore(%run_scoped3A : memref<!tpu.dma_semaphore, #tpu.memory_space<semaphore_mem>>)
      tpu.wait_dma2 semaphore(%run_scoped3A : memref<!tpu.dma_semaphore, #tpu.memory_space<semaphore_mem>>) src(%arg5 : memref<64xi32, #tpu.memory_space<hbm>>) dst(%arg18 : memref<64xi32, #tpu.memory_space<vmem>>)
      tpu.yield
    }) : () -> ()
    %iota3A = tpu.iota {dimensions = array<i32: 0>} : vector<16xi32>
    %mul3A_1 = arith.constant 3200 : i32
    %mul3A_2 = arith.muli %add3A, %mul3A_1 : i32
    %dma_start3A = arith.constant 0 : i32
    %dma_start3A_3 = tpu.memref_slice %arg2[%dma_start3A, %mul3A_2] : memref<2x1600000xi32, #tpu.memory_space<hbm>> -> memref<2x3200xi32, #tpu.memory_space<hbm>>
    %dma_start3A_4 = arith.constant 0 : i32
    %dma_start3A_5 = tpu.memref_slice %arg2[%dma_start3A_4, %mul3A_2] : memref<2x1600000xi32, #tpu.memory_space<hbm>> -> memref<2x3200xi32, #tpu.memory_space<hbm>>
    tpu.enqueue_dma source(%dma_start3A_5 : memref<2x3200xi32, #tpu.memory_space<hbm>>) target(%arg8 : memref<2x3200xi32, #tpu.memory_space<vmem>>) target_semaphore(%arg19 : memref<!tpu.dma_semaphore, #tpu.memory_space<semaphore_mem>>)
    %dma_start3A_6 = tpu.memref_slice %arg3[%mul3A_2] : memref<1600000xf32, #tpu.memory_space<hbm>> -> memref<3200xf32, #tpu.memory_space<hbm>>
    %dma_start3A_7 = tpu.memref_slice %arg3[%mul3A_2] : memref<1600000xf32, #tpu.memory_space<hbm>> -> memref<3200xf32, #tpu.memory_space<hbm>>
    tpu.enqueue_dma source(%dma_start3A_7 : memref<3200xf32, #tpu.memory_space<hbm>>) target(%arg10 : memref<3200xf32, #tpu.memory_space<vmem>>) target_semaphore(%arg19 : memref<!tpu.dma_semaphore, #tpu.memory_space<semaphore_mem>>)
    %scan3A = arith.constant 0 : i32
    %scan3A_8 = arith.constant 0 : i32
    %scan3A_9 = arith.constant 8 : i32
    %scan3A_10 = arith.addi %scan3A_8, %scan3A_9 : i32
    %scan3A_11 = arith.constant 1 : i32
    scf.for %scan3A_58 = %scan3A_8 to %scan3A_10 step %scan3A_11  : i32 {
      %mul3A_59 = arith.constant 2 : i32
      %mul3A_60 = arith.muli %mul3A_59, %scan3A_58 : i32
      %add3A_61 = arith.constant 0 : i32
      %add3A_62 = arith.addi %mul3A_60, %add3A_61 : i32
      %mul3A_63 = arith.constant 32 : i32
      %mul3A_64 = arith.muli %add3A_62, %mul3A_63 : i32
      %add3A_65 = arith.addi %add3A, %mul3A_64 : i32
      %lt3A_66 = arith.constant 500 : i32
      %lt3A_67 = arith.cmpi slt, %add3A_65, %lt3A_66 : i32
      %convert_element_type3A_68 = arith.extui %lt3A_67 : i1 to i32
      %cond3A_69 = arith.constant 0 : i32
      %cond3A_70 = arith.cmpi ne, %convert_element_type3A_68, %cond3A_69 : i32
      scf.if %cond3A_70 {
        %add3A_83 = arith.constant 1 : i32
        %add3A_84 = arith.addi %add3A_62, %add3A_83 : i32
        %mul3A_85 = arith.constant 32 : i32
        %mul3A_86 = arith.muli %add3A_84, %mul3A_85 : i32
        %add3A_87 = arith.addi %add3A, %mul3A_86 : i32
        %lt3A_88 = arith.constant 500 : i32
        %lt3A_89 = arith.cmpi slt, %add3A_87, %lt3A_88 : i32
        %convert_element_type3A_90 = arith.extui %lt3A_89 : i1 to i32
        %cond3A_91 = arith.constant 0 : i32
        %cond3A_92 = arith.cmpi ne, %convert_element_type3A_90, %cond3A_91 : i32
        scf.if %cond3A_92 {
          %mul3A_129 = arith.constant 3200 : i32
          %mul3A_130 = arith.muli %add3A_87, %mul3A_129 : i32
          %dma_start3A_131 = arith.constant 0 : i32
          %dma_start3A_132 = tpu.memref_slice %arg2[%dma_start3A_131, %mul3A_130] : memref<2x1600000xi32, #tpu.memory_space<hbm>> -> memref<2x3200xi32, #tpu.memory_space<hbm>>
          %dma_start3A_133 = arith.constant 0 : i32
          %dma_start3A_134 = tpu.memref_slice %arg2[%dma_start3A_133, %mul3A_130] : memref<2x1600000xi32, #tpu.memory_space<hbm>> -> memref<2x3200xi32, #tpu.memory_space<hbm>>
          tpu.enqueue_dma source(%dma_start3A_134 : memref<2x3200xi32, #tpu.memory_space<hbm>>) target(%arg9 : memref<2x3200xi32, #tpu.memory_space<vmem>>) target_semaphore(%arg20 : memref<!tpu.dma_semaphore, #tpu.memory_space<semaphore_mem>>)
          %dma_start3A_135 = tpu.memref_slice %arg3[%mul3A_130] : memref<1600000xf32, #tpu.memory_space<hbm>> -> memref<3200xf32, #tpu.memory_space<hbm>>
          %dma_start3A_136 = tpu.memref_slice %arg3[%mul3A_130] : memref<1600000xf32, #tpu.memory_space<hbm>> -> memref<3200xf32, #tpu.memory_space<hbm>>
          tpu.enqueue_dma source(%dma_start3A_136 : memref<3200xf32, #tpu.memory_space<hbm>>) target(%arg11 : memref<3200xf32, #tpu.memory_space<vmem>>) target_semaphore(%arg20 : memref<!tpu.dma_semaphore, #tpu.memory_space<semaphore_mem>>)
        } else {
        }
        %dma_wait3A_93 = arith.constant 0 : i32
        %dma_wait3A_94 = arith.constant 0 : i32
        %dma_wait3A_95 = tpu.memref_slice %arg2[%dma_wait3A_93, %dma_wait3A_94] : memref<2x1600000xi32, #tpu.memory_space<hbm>> -> memref<2x3200xi32, #tpu.memory_space<hbm>>
        %dma_wait3A_96 = arith.constant 0 : i32
        %dma_wait3A_97 = arith.constant 0 : i32
        %dma_wait3A_98 = tpu.memref_slice %arg2[%dma_wait3A_96, %dma_wait3A_97] : memref<2x1600000xi32, #tpu.memory_space<hbm>> -> memref<2x3200xi32, #tpu.memory_space<hbm>>
        tpu.wait_dma2 semaphore(%arg19 : memref<!tpu.dma_semaphore, #tpu.memory_space<semaphore_mem>>) src(%dma_wait3A_98 : memref<2x3200xi32, #tpu.memory_space<hbm>>) dst(%arg8 : memref<2x3200xi32, #tpu.memory_space<vmem>>)
        %dma_wait3A_99 = arith.constant 0 : i32
        %dma_wait3A_100 = tpu.memref_slice %arg3[%dma_wait3A_99] : memref<1600000xf32, #tpu.memory_space<hbm>> -> memref<3200xf32, #tpu.memory_space<hbm>>
        %dma_wait3A_101 = arith.constant 0 : i32
        %dma_wait3A_102 = tpu.memref_slice %arg3[%dma_wait3A_101] : memref<1600000xf32, #tpu.memory_space<hbm>> -> memref<3200xf32, #tpu.memory_space<hbm>>
        tpu.wait_dma2 semaphore(%arg19 : memref<!tpu.dma_semaphore, #tpu.memory_space<semaphore_mem>>) src(%dma_wait3A_102 : memref<3200xf32, #tpu.memory_space<hbm>>) dst(%arg10 : memref<3200xf32, #tpu.memory_space<vmem>>)
        %gt3A = arith.constant 0 : i32
        %gt3A_103 = arith.cmpi sgt, %scan3A_58, %gt3A : i32
        %convert_element_type3A_104 = arith.extui %gt3A_103 : i1 to i32
        %cond3A_105 = arith.constant 0 : i32
        %cond3A_106 = arith.cmpi ne, %convert_element_type3A_104, %cond3A_105 : i32
        scf.if %cond3A_106 {
          %dma_wait3A_129 = arith.constant 0 : i32
          %dma_wait3A_130 = arith.constant 0 : i32
          %dma_wait3A_131 = arith.constant 0 : i32
          %dma_wait3A_132 = arith.constant 0 : i32
          %dma_wait3A_133 = tpu.memref_slice %arg6[%dma_wait3A_129, %dma_wait3A_130, %dma_wait3A_131, %dma_wait3A_132] : memref<2x12500x8x128xf32, #tpu.memory_space<hbm>> -> memref<1x25x8x128xf32, #tpu.memory_space<hbm>>
          %dma_wait3A_134 = tpu.memref_squeeze %dma_wait3A_133 : memref<1x25x8x128xf32, #tpu.memory_space<hbm>> -> memref<25x8x128xf32, #tpu.memory_space<hbm>>
          %dma_wait3A_135 = arith.constant 0 : i32
          %dma_wait3A_136 = arith.constant 0 : i32
          %dma_wait3A_137 = arith.constant 0 : i32
          %dma_wait3A_138 = tpu.memref_slice %arg6[%dma_wait3A_129, %dma_wait3A_135, %dma_wait3A_136, %dma_wait3A_137] : memref<2x12500x8x128xf32, #tpu.memory_space<hbm>> -> memref<1x25x8x128xf32, #tpu.memory_space<hbm>>
          %dma_wait3A_139 = tpu.memref_squeeze %dma_wait3A_138 : memref<1x25x8x128xf32, #tpu.memory_space<hbm>> -> memref<25x8x128xf32, #tpu.memory_space<hbm>>
          tpu.wait_dma2 semaphore(%arg21 : memref<!tpu.dma_semaphore, #tpu.memory_space<semaphore_mem>>) src(%arg12 : memref<25x8x128xf32, #tpu.memory_space<vmem>>) dst(%dma_wait3A_139 : memref<25x8x128xf32, #tpu.memory_space<hbm>>)
          %dma_wait3A_140 = arith.constant 1 : i32
          %dma_wait3A_141 = arith.constant 0 : i32
          %dma_wait3A_142 = arith.constant 0 : i32
          %dma_wait3A_143 = arith.constant 0 : i32
          %dma_wait3A_144 = tpu.memref_slice %arg6[%dma_wait3A_140, %dma_wait3A_141, %dma_wait3A_142, %dma_wait3A_143] : memref<2x12500x8x128xf32, #tpu.memory_space<hbm>> -> memref<1x25x2x128xf32, #tpu.memory_space<hbm>>
          %dma_wait3A_145 = tpu.memref_squeeze %dma_wait3A_144 : memref<1x25x2x128xf32, #tpu.memory_space<hbm>> -> memref<25x2x128xf32, #tpu.memory_space<hbm>>
          %dma_wait3A_146 = arith.constant 0 : i32
          %dma_wait3A_147 = arith.constant 0 : i32
          %dma_wait3A_148 = arith.constant 0 : i32
          %dma_wait3A_149 = tpu.memref_slice %arg6[%dma_wait3A_140, %dma_wait3A_146, %dma_wait3A_147, %dma_wait3A_148] : memref<2x12500x8x128xf32, #tpu.memory_space<hbm>> -> memref<1x25x2x128xf32, #tpu.memory_space<hbm>>
          %dma_wait3A_150 = tpu.memref_squeeze %dma_wait3A_149 : memref<1x25x2x128xf32, #tpu.memory_space<hbm>> -> memref<25x2x128xf32, #tpu.memory_space<hbm>>
          tpu.wait_dma2 semaphore(%arg21 : memref<!tpu.dma_semaphore, #tpu.memory_space<semaphore_mem>>) src(%arg14 : memref<25x2x128xf32, #tpu.memory_space<vmem>>) dst(%dma_wait3A_150 : memref<25x2x128xf32, #tpu.memory_space<hbm>>)
        } else {
        }
        %parallel_loop3A = arith.constant 0 : i32
        %parallel_loop3A_107 = arith.constant 200 : i32
        %parallel_loop3A_108 = arith.constant 1 : i32
        scf.for %parallel_loop3A_129 = %parallel_loop3A to %parallel_loop3A_107 step %parallel_loop3A_108  : i32 {
          %parallel_loop3A_130 = arith.constant 3 : i32
          %parallel_loop3A_131 = arith.shrsi %parallel_loop3A_129, %parallel_loop3A_130 : i32
          %parallel_loop3A_132 = arith.constant 7 : i32
          %parallel_loop3A_133 = arith.andi %parallel_loop3A_129, %parallel_loop3A_132 : i32
          %parallel_loop3A_134 = arith.constant 16 : i32
          %parallel_loop3A_135 = arith.muli %parallel_loop3A_133, %parallel_loop3A_134 : i32
          %parallel_loop3A_136 = arith.constant 16 : i32
          %parallel_loop3A_137 = arith.muli %parallel_loop3A_129, %parallel_loop3A_136 : i32
          %parallel_loop3A_138 = arith.constant 0 : i32
          %parallel_loop3A_139 = arith.index_cast %parallel_loop3A_138 : i32 to index
          %parallel_loop3A_140 = arith.index_cast %parallel_loop3A_137 : i32 to index
          %parallel_loop3A_141 = tpu.vector_load %arg8[%parallel_loop3A_139, %parallel_loop3A_140] {strides = array<i32>} : memref<2x3200xi32, #tpu.memory_space<vmem>>, vector<16xi32>,
          %parallel_loop3A_142 = arith.constant 1 : i32
          %parallel_loop3A_143 = arith.index_cast %parallel_loop3A_142 : i32 to index
          %parallel_loop3A_144 = arith.index_cast %parallel_loop3A_137 : i32 to index
          %parallel_loop3A_145 = tpu.vector_load %arg8[%parallel_loop3A_143, %parallel_loop3A_144] {strides = array<i32>} : memref<2x3200xi32, #tpu.memory_space<vmem>>, vector<16xi32>,
          %parallel_loop3A_146 = arith.index_cast %parallel_loop3A_137 : i32 to index
          %parallel_loop3A_147 = tpu.vector_load %arg10[%parallel_loop3A_146] {strides = array<i32>} : memref<3200xf32, #tpu.memory_space<vmem>>, vector<16xf32>,
          %parallel_loop3A_148 = arith.constant 2 : i32
          %parallel_loop3A_149 = vector.broadcast %parallel_loop3A_148 : i32 to vector<16xi32>
          %parallel_loop3A_150 = arith.muli %parallel_loop3A_141, %parallel_loop3A_149 : vector<16xi32>
          %parallel_loop3A_151 = arith.addi %parallel_loop3A_150, %parallel_loop3A_145 : vector<16xi32>
          %parallel_loop3A_152 = tpu.bitcast %parallel_loop3A_147 : vector<16xf32> -> vector<16xi32>
          %parallel_loop3A_153 = arith.constant 23 : i32
          %parallel_loop3A_154 = vector.broadcast %parallel_loop3A_153 : i32 to vector<16xi32>
          %parallel_loop3A_155 = arith.shrsi %parallel_loop3A_152, %parallel_loop3A_154 : vector<16xi32>
          %parallel_loop3A_156 = arith.constant 127 : i32
          %parallel_loop3A_157 = vector.broadcast %parallel_loop3A_156 : i32 to vector<16xi32>
          %parallel_loop3A_158 = arith.subi %parallel_loop3A_155, %parallel_loop3A_157 : vector<16xi32>
          %parallel_loop3A_159 = arith.sitofp %parallel_loop3A_158 : vector<16xi32> to vector<16xf32>
          %parallel_loop3A_160 = arith.constant 8388607 : i32
          %parallel_loop3A_161 = vector.broadcast %parallel_loop3A_160 : i32 to vector<16xi32>
          %parallel_loop3A_162 = arith.andi %parallel_loop3A_152, %parallel_loop3A_161 : vector<16xi32>
          %parallel_loop3A_163 = arith.constant 1065353216 : i32
          %parallel_loop3A_164 = vector.broadcast %parallel_loop3A_163 : i32 to vector<16xi32>
          %parallel_loop3A_165 = arith.ori %parallel_loop3A_162, %parallel_loop3A_164 : vector<16xi32>
          %parallel_loop3A_166 = tpu.bitcast %parallel_loop3A_165 : vector<16xi32> -> vector<16xf32>
          %parallel_loop3A_167 = arith.constant -0.0548628531 : f32
          %parallel_loop3A_168 = vector.broadcast %parallel_loop3A_167 : f32 to vector<16xf32>
          %parallel_loop3A_169 = arith.mulf %parallel_loop3A_166, %parallel_loop3A_168 : vector<16xf32>
          %parallel_loop3A_170 = arith.constant 0.435861856 : f32
          %parallel_loop3A_171 = vector.broadcast %parallel_loop3A_170 : f32 to vector<16xf32>
          %parallel_loop3A_172 = arith.addf %parallel_loop3A_171, %parallel_loop3A_169 : vector<16xf32>
          %parallel_loop3A_173 = arith.mulf %parallel_loop3A_166, %parallel_loop3A_172 : vector<16xf32>
          %parallel_loop3A_174 = arith.constant -1.44248104 : f32
          %parallel_loop3A_175 = vector.broadcast %parallel_loop3A_174 : f32 to vector<16xf32>
          %parallel_loop3A_176 = arith.addf %parallel_loop3A_175, %parallel_loop3A_173 : vector<16xf32>
          %parallel_loop3A_177 = arith.mulf %parallel_loop3A_166, %parallel_loop3A_176 : vector<16xf32>
          %parallel_loop3A_178 = arith.constant 2.79225516 : f32
          %parallel_loop3A_179 = vector.broadcast %parallel_loop3A_178 : f32 to vector<16xf32>
          %parallel_loop3A_180 = arith.addf %parallel_loop3A_179, %parallel_loop3A_177 : vector<16xf32>
          %parallel_loop3A_181 = arith.mulf %parallel_loop3A_166, %parallel_loop3A_180 : vector<16xf32>
          %parallel_loop3A_182 = arith.constant -1.73063171 : f32
          %parallel_loop3A_183 = vector.broadcast %parallel_loop3A_182 : f32 to vector<16xf32>
          %parallel_loop3A_184 = arith.addf %parallel_loop3A_183, %parallel_loop3A_181 : vector<16xf32>
          %parallel_loop3A_185 = arith.constant 0.693147182 : f32
          %parallel_loop3A_186 = vector.broadcast %parallel_loop3A_185 : f32 to vector<16xf32>
          %parallel_loop3A_187 = arith.mulf %parallel_loop3A_159, %parallel_loop3A_186 : vector<16xf32>
          %parallel_loop3A_188 = arith.addf %parallel_loop3A_187, %parallel_loop3A_184 : vector<16xf32>
          %parallel_loop3A_189 = arith.constant 6.000000e+00 : f32
          %parallel_loop3A_190 = vector.broadcast %parallel_loop3A_189 : f32 to vector<16xf32>
          %parallel_loop3A_191 = arith.subf %parallel_loop3A_147, %parallel_loop3A_190 : vector<16xf32>
          %parallel_loop3A_192 = arith.constant 5.000000e+00 : f32
          %parallel_loop3A_193 = vector.broadcast %parallel_loop3A_192 : f32 to vector<16xf32>
          %parallel_loop3A_194 = arith.mulf %parallel_loop3A_191, %parallel_loop3A_193 : vector<16xf32>
          %parallel_loop3A_195 = math.exp %parallel_loop3A_194 : vector<16xf32>
          %parallel_loop3A_196 = arith.constant 1.000000e+00 : f32
          %parallel_loop3A_197 = vector.broadcast %parallel_loop3A_196 : f32 to vector<16xf32>
          %parallel_loop3A_198 = arith.addf %parallel_loop3A_197, %parallel_loop3A_195 : vector<16xf32>
          %parallel_loop3A_199 = arith.mulf %parallel_loop3A_147, %parallel_loop3A_198 : vector<16xf32>
          %parallel_loop3A_200 = arith.constant 1.000000e+00 : f32
          %parallel_loop3A_201 = vector.broadcast %parallel_loop3A_200 : f32 to vector<16xf32>
          %parallel_loop3A_202 = arith.divf %parallel_loop3A_201, %parallel_loop3A_199 : vector<16xf32>
          %parallel_loop3A_203 = arith.constant 0 : i32
          %parallel_loop3A_204 = vector.broadcast %parallel_loop3A_203 : i32 to vector<16xi32>
          %parallel_loop3A_205 = arith.addi %parallel_loop3A_151, %parallel_loop3A_204 : vector<16xi32>
          %parallel_loop3A_206 = tpu.vector_load_idx %arg18[%parallel_loop3A_205] : memref<64xi32, #tpu.memory_space<vmem>>[vector<16xi32>], vector<16xi32>,
          %parallel_loop3A_207 = tpu.bitcast %parallel_loop3A_206 : vector<16xi32> -> vector<16xf32>
          %parallel_loop3A_208 = arith.constant 16 : i32
          %parallel_loop3A_209 = vector.broadcast %parallel_loop3A_208 : i32 to vector<16xi32>
          %parallel_loop3A_210 = arith.shli %parallel_loop3A_206, %parallel_loop3A_209 : vector<16xi32>
          %parallel_loop3A_211 = tpu.bitcast %parallel_loop3A_210 : vector<16xi32> -> vector<16xf32>
          %parallel_loop3A_212 = arith.mulf %parallel_loop3A_207, %parallel_loop3A_188 : vector<16xf32>
          %parallel_loop3A_213 = math.exp %parallel_loop3A_212 : vector<16xf32>
          %parallel_loop3A_214 = arith.mulf %parallel_loop3A_211, %parallel_loop3A_213 : vector<16xf32>
          %parallel_loop3A_215 = arith.mulf %parallel_loop3A_214, %parallel_loop3A_202 : vector<16xf32>
          %parallel_loop3A_216 = arith.constant 0 : i32
          %parallel_loop3A_217 = arith.index_cast %parallel_loop3A_131 : i32 to index
          %parallel_loop3A_218 = arith.index_cast %parallel_loop3A_216 : i32 to index
          %parallel_loop3A_219 = arith.index_cast %parallel_loop3A_135 : i32 to index
          %parallel_loop3A_220 = tpu.vector_load %arg12[%parallel_loop3A_217, %parallel_loop3A_218, %parallel_loop3A_219] {strides = array<i32>} : memref<25x8x128xf32, #tpu.memory_space<vmem>>, vector<16xf32>,
          tpu.vector_store %arg12[%parallel_loop3A_217, %parallel_loop3A_218, %parallel_loop3A_219], %parallel_loop3A_215 {strides = array<i32>} : memref<25x8x128xf32, #tpu.memory_space<vmem>>, vector<16xf32>,
          %parallel_loop3A_221 = arith.constant 4 : i32
          %parallel_loop3A_222 = vector.broadcast %parallel_loop3A_221 : i32 to vector<16xi32>
          %parallel_loop3A_223 = arith.addi %parallel_loop3A_151, %parallel_loop3A_222 : vector<16xi32>
          %parallel_loop3A_224 = tpu.vector_load_idx %arg18[%parallel_loop3A_223] : memref<64xi32, #tpu.memory_space<vmem>>[vector<16xi32>], vector<16xi32>,
          %parallel_loop3A_225 = tpu.bitcast %parallel_loop3A_224 : vector<16xi32> -> vector<16xf32>
          %parallel_loop3A_226 = arith.constant 16 : i32
          %parallel_loop3A_227 = vector.broadcast %parallel_loop3A_226 : i32 to vector<16xi32>
          %parallel_loop3A_228 = arith.shli %parallel_loop3A_224, %parallel_loop3A_227 : vector<16xi32>
          %parallel_loop3A_229 = tpu.bitcast %parallel_loop3A_228 : vector<16xi32> -> vector<16xf32>
          %parallel_loop3A_230 = arith.mulf %parallel_loop3A_225, %parallel_loop3A_188 : vector<16xf32>
          %parallel_loop3A_231 = math.exp %parallel_loop3A_230 : vector<16xf32>
          %parallel_loop3A_232 = arith.mulf %parallel_loop3A_229, %parallel_loop3A_231 : vector<16xf32>
          %parallel_loop3A_233 = arith.mulf %parallel_loop3A_232, %parallel_loop3A_202 : vector<16xf32>
          %parallel_loop3A_234 = arith.constant 1 : i32
          %parallel_loop3A_235 = arith.index_cast %parallel_loop3A_131 : i32 to index
          %parallel_loop3A_236 = arith.index_cast %parallel_loop3A_234 : i32 to index
          %parallel_loop3A_237 = arith.index_cast %parallel_loop3A_135 : i32 to index
          %parallel_loop3A_238 = tpu.vector_load %arg12[%parallel_loop3A_235, %parallel_loop3A_236, %parallel_loop3A_237] {strides = array<i32>} : memref<25x8x128xf32, #tpu.memory_space<vmem>>, vector<16xf32>,
          tpu.vector_store %arg12[%parallel_loop3A_235, %parallel_loop3A_236, %parallel_loop3A_237], %parallel_loop3A_233 {strides = array<i32>} : memref<25x8x128xf32, #tpu.memory_space<vmem>>, vector<16xf32>,
          %parallel_loop3A_239 = arith.constant 8 : i32
          %parallel_loop3A_240 = vector.broadcast %parallel_loop3A_239 : i32 to vector<16xi32>
          %parallel_loop3A_241 = arith.addi %parallel_loop3A_151, %parallel_loop3A_240 : vector<16xi32>
          %parallel_loop3A_242 = tpu.vector_load_idx %arg18[%parallel_loop3A_241] : memref<64xi32, #tpu.memory_space<vmem>>[vector<16xi32>], vector<16xi32>,
          %parallel_loop3A_243 = tpu.bitcast %parallel_loop3A_242 : vector<16xi32> -> vector<16xf32>
          %parallel_loop3A_244 = arith.constant 16 : i32
          %parallel_loop3A_245 = vector.broadcast %parallel_loop3A_244 : i32 to vector<16xi32>
          %parallel_loop3A_246 = arith.shli %parallel_loop3A_242, %parallel_loop3A_245 : vector<16xi32>
          %parallel_loop3A_247 = tpu.bitcast %parallel_loop3A_246 : vector<16xi32> -> vector<16xf32>
          %parallel_loop3A_248 = arith.mulf %parallel_loop3A_243, %parallel_loop3A_188 : vector<16xf32>
          %parallel_loop3A_249 = math.exp %parallel_loop3A_248 : vector<16xf32>
          %parallel_loop3A_250 = arith.mulf %parallel_loop3A_247, %parallel_loop3A_249 : vector<16xf32>
          %parallel_loop3A_251 = arith.mulf %parallel_loop3A_250, %parallel_loop3A_202 : vector<16xf32>
          %parallel_loop3A_252 = arith.constant 2 : i32
          %parallel_loop3A_253 = arith.index_cast %parallel_loop3A_131 : i32 to index
          %parallel_loop3A_254 = arith.index_cast %parallel_loop3A_252 : i32 to index
          %parallel_loop3A_255 = arith.index_cast %parallel_loop3A_135 : i32 to index
          %parallel_loop3A_256 = tpu.vector_load %arg12[%parallel_loop3A_253, %parallel_loop3A_254, %parallel_loop3A_255] {strides = array<i32>} : memref<25x8x128xf32, #tpu.memory_space<vmem>>, vector<16xf32>,
          tpu.vector_store %arg12[%parallel_loop3A_253, %parallel_loop3A_254, %parallel_loop3A_255], %parallel_loop3A_251 {strides = array<i32>} : memref<25x8x128xf32, #tpu.memory_space<vmem>>, vector<16xf32>,
          %parallel_loop3A_257 = arith.constant 12 : i32
          %parallel_loop3A_258 = vector.broadcast %parallel_loop3A_257 : i32 to vector<16xi32>
          %parallel_loop3A_259 = arith.addi %parallel_loop3A_151, %parallel_loop3A_258 : vector<16xi32>
          %parallel_loop3A_260 = tpu.vector_load_idx %arg18[%parallel_loop3A_259] : memref<64xi32, #tpu.memory_space<vmem>>[vector<16xi32>], vector<16xi32>,
          %parallel_loop3A_261 = tpu.bitcast %parallel_loop3A_260 : vector<16xi32> -> vector<16xf32>
          %parallel_loop3A_262 = arith.constant 16 : i32
          %parallel_loop3A_263 = vector.broadcast %parallel_loop3A_262 : i32 to vector<16xi32>
          %parallel_loop3A_264 = arith.shli %parallel_loop3A_260, %parallel_loop3A_263 : vector<16xi32>
          %parallel_loop3A_265 = tpu.bitcast %parallel_loop3A_264 : vector<16xi32> -> vector<16xf32>
          %parallel_loop3A_266 = arith.mulf %parallel_loop3A_261, %parallel_loop3A_188 : vector<16xf32>
          %parallel_loop3A_267 = math.exp %parallel_loop3A_266 : vector<16xf32>
          %parallel_loop3A_268 = arith.mulf %parallel_loop3A_265, %parallel_loop3A_267 : vector<16xf32>
          %parallel_loop3A_269 = arith.mulf %parallel_loop3A_268, %parallel_loop3A_202 : vector<16xf32>
          %parallel_loop3A_270 = arith.constant 3 : i32
          %parallel_loop3A_271 = arith.index_cast %parallel_loop3A_131 : i32 to index
          %parallel_loop3A_272 = arith.index_cast %parallel_loop3A_270 : i32 to index
          %parallel_loop3A_273 = arith.index_cast %parallel_loop3A_135 : i32 to index
          %parallel_loop3A_274 = tpu.vector_load %arg12[%parallel_loop3A_271, %parallel_loop3A_272, %parallel_loop3A_273] {strides = array<i32>} : memref<25x8x128xf32, #tpu.memory_space<vmem>>, vector<16xf32>,
          tpu.vector_store %arg12[%parallel_loop3A_271, %parallel_loop3A_272, %parallel_loop3A_273], %parallel_loop3A_269 {strides = array<i32>} : memref<25x8x128xf32, #tpu.memory_space<vmem>>, vector<16xf32>,
          %parallel_loop3A_275 = arith.constant 16 : i32
          %parallel_loop3A_276 = vector.broadcast %parallel_loop3A_275 : i32 to vector<16xi32>
          %parallel_loop3A_277 = arith.addi %parallel_loop3A_151, %parallel_loop3A_276 : vector<16xi32>
          %parallel_loop3A_278 = tpu.vector_load_idx %arg18[%parallel_loop3A_277] : memref<64xi32, #tpu.memory_space<vmem>>[vector<16xi32>], vector<16xi32>,
          %parallel_loop3A_279 = tpu.bitcast %parallel_loop3A_278 : vector<16xi32> -> vector<16xf32>
          %parallel_loop3A_280 = arith.constant 16 : i32
          %parallel_loop3A_281 = vector.broadcast %parallel_loop3A_280 : i32 to vector<16xi32>
          %parallel_loop3A_282 = arith.shli %parallel_loop3A_278, %parallel_loop3A_281 : vector<16xi32>
          %parallel_loop3A_283 = tpu.bitcast %parallel_loop3A_282 : vector<16xi32> -> vector<16xf32>
          %parallel_loop3A_284 = arith.mulf %parallel_loop3A_279, %parallel_loop3A_188 : vector<16xf32>
          %parallel_loop3A_285 = math.exp %parallel_loop3A_284 : vector<16xf32>
          %parallel_loop3A_286 = arith.mulf %parallel_loop3A_283, %parallel_loop3A_285 : vector<16xf32>
          %parallel_loop3A_287 = arith.mulf %parallel_loop3A_286, %parallel_loop3A_202 : vector<16xf32>
          %parallel_loop3A_288 = arith.constant 4 : i32
          %parallel_loop3A_289 = arith.index_cast %parallel_loop3A_131 : i32 to index
          %parallel_loop3A_290 = arith.index_cast %parallel_loop3A_288 : i32 to index
          %parallel_loop3A_291 = arith.index_cast %parallel_loop3A_135 : i32 to index
          %parallel_loop3A_292 = tpu.vector_load %arg12[%parallel_loop3A_289, %parallel_loop3A_290, %parallel_loop3A_291] {strides = array<i32>} : memref<25x8x128xf32, #tpu.memory_space<vmem>>, vector<16xf32>,
          tpu.vector_store %arg12[%parallel_loop3A_289, %parallel_loop3A_290, %parallel_loop3A_291], %parallel_loop3A_287 {strides = array<i32>} : memref<25x8x128xf32, #tpu.memory_space<vmem>>, vector<16xf32>,
          %parallel_loop3A_293 = arith.constant 20 : i32
          %parallel_loop3A_294 = vector.broadcast %parallel_loop3A_293 : i32 to vector<16xi32>
          %parallel_loop3A_295 = arith.addi %parallel_loop3A_151, %parallel_loop3A_294 : vector<16xi32>
          %parallel_loop3A_296 = tpu.vector_load_idx %arg18[%parallel_loop3A_295] : memref<64xi32, #tpu.memory_space<vmem>>[vector<16xi32>], vector<16xi32>,
          %parallel_loop3A_297 = tpu.bitcast %parallel_loop3A_296 : vector<16xi32> -> vector<16xf32>
          %parallel_loop3A_298 = arith.constant 16 : i32
          %parallel_loop3A_299 = vector.broadcast %parallel_loop3A_298 : i32 to vector<16xi32>
          %parallel_loop3A_300 = arith.shli %parallel_loop3A_296, %parallel_loop3A_299 : vector<16xi32>
          %parallel_loop3A_301 = tpu.bitcast %parallel_loop3A_300 : vector<16xi32> -> vector<16xf32>
          %parallel_loop3A_302 = arith.mulf %parallel_loop3A_297, %parallel_loop3A_188 : vector<16xf32>
          %parallel_loop3A_303 = math.exp %parallel_loop3A_302 : vector<16xf32>
          %parallel_loop3A_304 = arith.mulf %parallel_loop3A_301, %parallel_loop3A_303 : vector<16xf32>
          %parallel_loop3A_305 = arith.mulf %parallel_loop3A_304, %parallel_loop3A_202 : vector<16xf32>
          %parallel_loop3A_306 = arith.constant 5 : i32
          %parallel_loop3A_307 = arith.index_cast %parallel_loop3A_131 : i32 to index
          %parallel_loop3A_308 = arith.index_cast %parallel_loop3A_306 : i32 to index
          %parallel_loop3A_309 = arith.index_cast %parallel_loop3A_135 : i32 to index
          %parallel_loop3A_310 = tpu.vector_load %arg12[%parallel_loop3A_307, %parallel_loop3A_308, %parallel_loop3A_309] {strides = array<i32>} : memref<25x8x128xf32, #tpu.memory_space<vmem>>, vector<16xf32>,
          tpu.vector_store %arg12[%parallel_loop3A_307, %parallel_loop3A_308, %parallel_loop3A_309], %parallel_loop3A_305 {strides = array<i32>} : memref<25x8x128xf32, #tpu.memory_space<vmem>>, vector<16xf32>,
          %parallel_loop3A_311 = arith.constant 24 : i32
          %parallel_loop3A_312 = vector.broadcast %parallel_loop3A_311 : i32 to vector<16xi32>
          %parallel_loop3A_313 = arith.addi %parallel_loop3A_151, %parallel_loop3A_312 : vector<16xi32>
          %parallel_loop3A_314 = tpu.vector_load_idx %arg18[%parallel_loop3A_313] : memref<64xi32, #tpu.memory_space<vmem>>[vector<16xi32>], vector<16xi32>,
          %parallel_loop3A_315 = tpu.bitcast %parallel_loop3A_314 : vector<16xi32> -> vector<16xf32>
          %parallel_loop3A_316 = arith.constant 16 : i32
          %parallel_loop3A_317 = vector.broadcast %parallel_loop3A_316 : i32 to vector<16xi32>
          %parallel_loop3A_318 = arith.shli %parallel_loop3A_314, %parallel_loop3A_317 : vector<16xi32>
          %parallel_loop3A_319 = tpu.bitcast %parallel_loop3A_318 : vector<16xi32> -> vector<16xf32>
          %parallel_loop3A_320 = arith.mulf %parallel_loop3A_315, %parallel_loop3A_188 : vector<16xf32>
          %parallel_loop3A_321 = math.exp %parallel_loop3A_320 : vector<16xf32>
          %parallel_loop3A_322 = arith.mulf %parallel_loop3A_319, %parallel_loop3A_321 : vector<16xf32>
          %parallel_loop3A_323 = arith.mulf %parallel_loop3A_322, %parallel_loop3A_202 : vector<16xf32>
          %parallel_loop3A_324 = arith.constant 6 : i32
          %parallel_loop3A_325 = arith.index_cast %parallel_loop3A_131 : i32 to index
          %parallel_loop3A_326 = arith.index_cast %parallel_loop3A_324 : i32 to index
          %parallel_loop3A_327 = arith.index_cast %parallel_loop3A_135 : i32 to index
          %parallel_loop3A_328 = tpu.vector_load %arg12[%parallel_loop3A_325, %parallel_loop3A_326, %parallel_loop3A_327] {strides = array<i32>} : memref<25x8x128xf32, #tpu.memory_space<vmem>>, vector<16xf32>,
          tpu.vector_store %arg12[%parallel_loop3A_325, %parallel_loop3A_326, %parallel_loop3A_327], %parallel_loop3A_323 {strides = array<i32>} : memref<25x8x128xf32, #tpu.memory_space<vmem>>, vector<16xf32>,
          %parallel_loop3A_329 = arith.constant 28 : i32
          %parallel_loop3A_330 = vector.broadcast %parallel_loop3A_329 : i32 to vector<16xi32>
          %parallel_loop3A_331 = arith.addi %parallel_loop3A_151, %parallel_loop3A_330 : vector<16xi32>
          %parallel_loop3A_332 = tpu.vector_load_idx %arg18[%parallel_loop3A_331] : memref<64xi32, #tpu.memory_space<vmem>>[vector<16xi32>], vector<16xi32>,
          %parallel_loop3A_333 = tpu.bitcast %parallel_loop3A_332 : vector<16xi32> -> vector<16xf32>
          %parallel_loop3A_334 = arith.constant 16 : i32
          %parallel_loop3A_335 = vector.broadcast %parallel_loop3A_334 : i32 to vector<16xi32>
          %parallel_loop3A_336 = arith.shli %parallel_loop3A_332, %parallel_loop3A_335 : vector<16xi32>
          %parallel_loop3A_337 = tpu.bitcast %parallel_loop3A_336 : vector<16xi32> -> vector<16xf32>
          %parallel_loop3A_338 = arith.mulf %parallel_loop3A_333, %parallel_loop3A_188 : vector<16xf32>
          %parallel_loop3A_339 = math.exp %parallel_loop3A_338 : vector<16xf32>
          %parallel_loop3A_340 = arith.mulf %parallel_loop3A_337, %parallel_loop3A_339 : vector<16xf32>
          %parallel_loop3A_341 = arith.mulf %parallel_loop3A_340, %parallel_loop3A_202 : vector<16xf32>
          %parallel_loop3A_342 = arith.constant 7 : i32
          %parallel_loop3A_343 = arith.index_cast %parallel_loop3A_131 : i32 to index
          %parallel_loop3A_344 = arith.index_cast %parallel_loop3A_342 : i32 to index
          %parallel_loop3A_345 = arith.index_cast %parallel_loop3A_135 : i32 to index
          %parallel_loop3A_346 = tpu.vector_load %arg12[%parallel_loop3A_343, %parallel_loop3A_344, %parallel_loop3A_345] {strides = array<i32>} : memref<25x8x128xf32, #tpu.memory_space<vmem>>, vector<16xf32>,
          tpu.vector_store %arg12[%parallel_loop3A_343, %parallel_loop3A_344, %parallel_loop3A_345], %parallel_loop3A_341 {strides = array<i32>} : memref<25x8x128xf32, #tpu.memory_space<vmem>>, vector<16xf32>,
          %parallel_loop3A_347 = arith.constant 32 : i32
          %parallel_loop3A_348 = vector.broadcast %parallel_loop3A_347 : i32 to vector<16xi32>
          %parallel_loop3A_349 = arith.addi %parallel_loop3A_151, %parallel_loop3A_348 : vector<16xi32>
          %parallel_loop3A_350 = tpu.vector_load_idx %arg18[%parallel_loop3A_349] : memref<64xi32, #tpu.memory_space<vmem>>[vector<16xi32>], vector<16xi32>,
          %parallel_loop3A_351 = tpu.bitcast %parallel_loop3A_350 : vector<16xi32> -> vector<16xf32>
          %parallel_loop3A_352 = arith.constant 16 : i32
          %parallel_loop3A_353 = vector.broadcast %parallel_loop3A_352 : i32 to vector<16xi32>
          %parallel_loop3A_354 = arith.shli %parallel_loop3A_350, %parallel_loop3A_353 : vector<16xi32>
          %parallel_loop3A_355 = tpu.bitcast %parallel_loop3A_354 : vector<16xi32> -> vector<16xf32>
          %parallel_loop3A_356 = arith.mulf %parallel_loop3A_351, %parallel_loop3A_188 : vector<16xf32>
          %parallel_loop3A_357 = math.exp %parallel_loop3A_356 : vector<16xf32>
          %parallel_loop3A_358 = arith.mulf %parallel_loop3A_355, %parallel_loop3A_357 : vector<16xf32>
          %parallel_loop3A_359 = arith.mulf %parallel_loop3A_358, %parallel_loop3A_202 : vector<16xf32>
          %parallel_loop3A_360 = arith.constant 0 : i32
          %parallel_loop3A_361 = arith.index_cast %parallel_loop3A_131 : i32 to index
          %parallel_loop3A_362 = arith.index_cast %parallel_loop3A_360 : i32 to index
          %parallel_loop3A_363 = arith.index_cast %parallel_loop3A_135 : i32 to index
          %parallel_loop3A_364 = tpu.vector_load %arg14[%parallel_loop3A_361, %parallel_loop3A_362, %parallel_loop3A_363] {strides = array<i32>} : memref<25x2x128xf32, #tpu.memory_space<vmem>>, vector<16xf32>,
          tpu.vector_store %arg14[%parallel_loop3A_361, %parallel_loop3A_362, %parallel_loop3A_363], %parallel_loop3A_359 {strides = array<i32>} : memref<25x2x128xf32, #tpu.memory_space<vmem>>, vector<16xf32>,
          %parallel_loop3A_365 = arith.constant 36 : i32
          %parallel_loop3A_366 = vector.broadcast %parallel_loop3A_365 : i32 to vector<16xi32>
          %parallel_loop3A_367 = arith.addi %parallel_loop3A_151, %parallel_loop3A_366 : vector<16xi32>
          %parallel_loop3A_368 = tpu.vector_load_idx %arg18[%parallel_loop3A_367] : memref<64xi32, #tpu.memory_space<vmem>>[vector<16xi32>], vector<16xi32>,
          %parallel_loop3A_369 = tpu.bitcast %parallel_loop3A_368 : vector<16xi32> -> vector<16xf32>
          %parallel_loop3A_370 = arith.constant 16 : i32
          %parallel_loop3A_371 = vector.broadcast %parallel_loop3A_370 : i32 to vector<16xi32>
          %parallel_loop3A_372 = arith.shli %parallel_loop3A_368, %parallel_loop3A_371 : vector<16xi32>
          %parallel_loop3A_373 = tpu.bitcast %parallel_loop3A_372 : vector<16xi32> -> vector<16xf32>
          %parallel_loop3A_374 = arith.mulf %parallel_loop3A_369, %parallel_loop3A_188 : vector<16xf32>
          %parallel_loop3A_375 = math.exp %parallel_loop3A_374 : vector<16xf32>
          %parallel_loop3A_376 = arith.mulf %parallel_loop3A_373, %parallel_loop3A_375 : vector<16xf32>
          %parallel_loop3A_377 = arith.mulf %parallel_loop3A_376, %parallel_loop3A_202 : vector<16xf32>
          %parallel_loop3A_378 = arith.constant 1 : i32
          %parallel_loop3A_379 = arith.index_cast %parallel_loop3A_131 : i32 to index
          %parallel_loop3A_380 = arith.index_cast %parallel_loop3A_378 : i32 to index
          %parallel_loop3A_381 = arith.index_cast %parallel_loop3A_135 : i32 to index
          %parallel_loop3A_382 = tpu.vector_load %arg14[%parallel_loop3A_379, %parallel_loop3A_380, %parallel_loop3A_381] {strides = array<i32>} : memref<25x2x128xf32, #tpu.memory_space<vmem>>, vector<16xf32>,
          tpu.vector_store %arg14[%parallel_loop3A_379, %parallel_loop3A_380, %parallel_loop3A_381], %parallel_loop3A_377 {strides = array<i32>} : memref<25x2x128xf32, #tpu.memory_space<vmem>>, vector<16xf32>,
        } {sc.loop_unroll_factor = 4 : i64, sc.parallel_access}
        %mul3A_109 = arith.constant 25 : i32
        %mul3A_110 = arith.muli %add3A_65, %mul3A_109 : i32
        %dma_start3A_111 = arith.constant 0 : i32
        %dma_start3A_112 = arith.constant 0 : i32
        %dma_start3A_113 = arith.constant 0 : i32
        %dma_start3A_114 = tpu.memref_slice %arg6[%dma_start3A_111, %mul3A_110, %dma_start3A_112, %dma_start3A_113] : memref<2x12500x8x128xf32, #tpu.memory_space<hbm>> -> memref<1x25x8x128xf32, #tpu.memory_space<hbm>>
        %dma_start3A_115 = tpu.memref_squeeze %dma_start3A_114 : memref<1x25x8x128xf32, #tpu.memory_space<hbm>> -> memref<25x8x128xf32, #tpu.memory_space<hbm>>
        %dma_start3A_116 = arith.constant 0 : i32
        %dma_start3A_117 = arith.constant 0 : i32
        %dma_start3A_118 = tpu.memref_slice %arg6[%dma_start3A_111, %mul3A_110, %dma_start3A_116, %dma_start3A_117] : memref<2x12500x8x128xf32, #tpu.memory_space<hbm>> -> memref<1x25x8x128xf32, #tpu.memory_space<hbm>>
        %dma_start3A_119 = tpu.memref_squeeze %dma_start3A_118 : memref<1x25x8x128xf32, #tpu.memory_space<hbm>> -> memref<25x8x128xf32, #tpu.memory_space<hbm>>
        tpu.enqueue_dma source(%arg12 : memref<25x8x128xf32, #tpu.memory_space<vmem>>) target(%dma_start3A_119 : memref<25x8x128xf32, #tpu.memory_space<hbm>>) target_semaphore(%arg21 : memref<!tpu.dma_semaphore, #tpu.memory_space<semaphore_mem>>)
        %dma_start3A_120 = arith.constant 1 : i32
        %dma_start3A_121 = arith.constant 0 : i32
        %dma_start3A_122 = arith.constant 0 : i32
        %dma_start3A_123 = tpu.memref_slice %arg6[%dma_start3A_120, %mul3A_110, %dma_start3A_121, %dma_start3A_122] : memref<2x12500x8x128xf32, #tpu.memory_space<hbm>> -> memref<1x25x2x128xf32, #tpu.memory_space<hbm>>
        %dma_start3A_124 = tpu.memref_squeeze %dma_start3A_123 : memref<1x25x2x128xf32, #tpu.memory_space<hbm>> -> memref<25x2x128xf32, #tpu.memory_space<hbm>>
        %dma_start3A_125 = arith.constant 0 : i32
        %dma_start3A_126 = arith.constant 0 : i32
        %dma_start3A_127 = tpu.memref_slice %arg6[%dma_start3A_120, %mul3A_110, %dma_start3A_125, %dma_start3A_126] : memref<2x12500x8x128xf32, #tpu.memory_space<hbm>> -> memref<1x25x2x128xf32, #tpu.memory_space<hbm>>
        %dma_start3A_128 = tpu.memref_squeeze %dma_start3A_127 : memref<1x25x2x128xf32, #tpu.memory_space<hbm>> -> memref<25x2x128xf32, #tpu.memory_space<hbm>>
        tpu.enqueue_dma source(%arg14 : memref<25x2x128xf32, #tpu.memory_space<vmem>>) target(%dma_start3A_128 : memref<25x2x128xf32, #tpu.memory_space<hbm>>) target_semaphore(%arg21 : memref<!tpu.dma_semaphore, #tpu.memory_space<semaphore_mem>>)
      } else {
      }
      %mul3A_71 = arith.constant 2 : i32
      %mul3A_72 = arith.muli %mul3A_71, %scan3A_58 : i32
      %add3A_73 = arith.constant 1 : i32
      %add3A_74 = arith.addi %mul3A_72, %add3A_73 : i32
      %mul3A_75 = arith.constant 32 : i32
      %mul3A_76 = arith.muli %add3A_74, %mul3A_75 : i32
      %add3A_77 = arith.addi %add3A, %mul3A_76 : i32
      %lt3A_78 = arith.constant 500 : i32
      %lt3A_79 = arith.cmpi slt, %add3A_77, %lt3A_78 : i32
      %convert_element_type3A_80 = arith.extui %lt3A_79 : i1 to i32
      %cond3A_81 = arith.constant 0 : i32
      %cond3A_82 = arith.cmpi ne, %convert_element_type3A_80, %cond3A_81 : i32
      scf.if %cond3A_82 {
        %add3A_83 = arith.constant 1 : i32
        %add3A_84 = arith.addi %add3A_74, %add3A_83 : i32
        %mul3A_85 = arith.constant 32 : i32
        %mul3A_86 = arith.muli %add3A_84, %mul3A_85 : i32
        %add3A_87 = arith.addi %add3A, %mul3A_86 : i32
        %lt3A_88 = arith.constant 500 : i32
        %lt3A_89 = arith.cmpi slt, %add3A_87, %lt3A_88 : i32
        %convert_element_type3A_90 = arith.extui %lt3A_89 : i1 to i32
        %cond3A_91 = arith.constant 0 : i32
        %cond3A_92 = arith.cmpi ne, %convert_element_type3A_90, %cond3A_91 : i32
        scf.if %cond3A_92 {
          %mul3A_129 = arith.constant 3200 : i32
          %mul3A_130 = arith.muli %add3A_87, %mul3A_129 : i32
          %dma_start3A_131 = arith.constant 0 : i32
          %dma_start3A_132 = tpu.memref_slice %arg2[%dma_start3A_131, %mul3A_130] : memref<2x1600000xi32, #tpu.memory_space<hbm>> -> memref<2x3200xi32, #tpu.memory_space<hbm>>
          %dma_start3A_133 = arith.constant 0 : i32
          %dma_start3A_134 = tpu.memref_slice %arg2[%dma_start3A_133, %mul3A_130] : memref<2x1600000xi32, #tpu.memory_space<hbm>> -> memref<2x3200xi32, #tpu.memory_space<hbm>>
          tpu.enqueue_dma source(%dma_start3A_134 : memref<2x3200xi32, #tpu.memory_space<hbm>>) target(%arg8 : memref<2x3200xi32, #tpu.memory_space<vmem>>) target_semaphore(%arg19 : memref<!tpu.dma_semaphore, #tpu.memory_space<semaphore_mem>>)
          %dma_start3A_135 = tpu.memref_slice %arg3[%mul3A_130] : memref<1600000xf32, #tpu.memory_space<hbm>> -> memref<3200xf32, #tpu.memory_space<hbm>>
          %dma_start3A_136 = tpu.memref_slice %arg3[%mul3A_130] : memref<1600000xf32, #tpu.memory_space<hbm>> -> memref<3200xf32, #tpu.memory_space<hbm>>
          tpu.enqueue_dma source(%dma_start3A_136 : memref<3200xf32, #tpu.memory_space<hbm>>) target(%arg10 : memref<3200xf32, #tpu.memory_space<vmem>>) target_semaphore(%arg19 : memref<!tpu.dma_semaphore, #tpu.memory_space<semaphore_mem>>)
        } else {
        }
        %dma_wait3A_93 = arith.constant 0 : i32
        %dma_wait3A_94 = arith.constant 0 : i32
        %dma_wait3A_95 = tpu.memref_slice %arg2[%dma_wait3A_93, %dma_wait3A_94] : memref<2x1600000xi32, #tpu.memory_space<hbm>> -> memref<2x3200xi32, #tpu.memory_space<hbm>>
        %dma_wait3A_96 = arith.constant 0 : i32
        %dma_wait3A_97 = arith.constant 0 : i32
        %dma_wait3A_98 = tpu.memref_slice %arg2[%dma_wait3A_96, %dma_wait3A_97] : memref<2x1600000xi32, #tpu.memory_space<hbm>> -> memref<2x3200xi32, #tpu.memory_space<hbm>>
        tpu.wait_dma2 semaphore(%arg20 : memref<!tpu.dma_semaphore, #tpu.memory_space<semaphore_mem>>) src(%dma_wait3A_98 : memref<2x3200xi32, #tpu.memory_space<hbm>>) dst(%arg9 : memref<2x3200xi32, #tpu.memory_space<vmem>>)
        %dma_wait3A_99 = arith.constant 0 : i32
        %dma_wait3A_100 = tpu.memref_slice %arg3[%dma_wait3A_99] : memref<1600000xf32, #tpu.memory_space<hbm>> -> memref<3200xf32, #tpu.memory_space<hbm>>
        %dma_wait3A_101 = arith.constant 0 : i32
        %dma_wait3A_102 = tpu.memref_slice %arg3[%dma_wait3A_101] : memref<1600000xf32, #tpu.memory_space<hbm>> -> memref<3200xf32, #tpu.memory_space<hbm>>
        tpu.wait_dma2 semaphore(%arg20 : memref<!tpu.dma_semaphore, #tpu.memory_space<semaphore_mem>>) src(%dma_wait3A_102 : memref<3200xf32, #tpu.memory_space<hbm>>) dst(%arg11 : memref<3200xf32, #tpu.memory_space<vmem>>)
        %gt3A = arith.constant 0 : i32
        %gt3A_103 = arith.cmpi sgt, %scan3A_58, %gt3A : i32
        %convert_element_type3A_104 = arith.extui %gt3A_103 : i1 to i32
        %cond3A_105 = arith.constant 0 : i32
        %cond3A_106 = arith.cmpi ne, %convert_element_type3A_104, %cond3A_105 : i32
        scf.if %cond3A_106 {
          %dma_wait3A_129 = arith.constant 0 : i32
          %dma_wait3A_130 = arith.constant 0 : i32
          %dma_wait3A_131 = arith.constant 0 : i32
          %dma_wait3A_132 = arith.constant 0 : i32
          %dma_wait3A_133 = tpu.memref_slice %arg6[%dma_wait3A_129, %dma_wait3A_130, %dma_wait3A_131, %dma_wait3A_132] : memref<2x12500x8x128xf32, #tpu.memory_space<hbm>> -> memref<1x25x8x128xf32, #tpu.memory_space<hbm>>
          %dma_wait3A_134 = tpu.memref_squeeze %dma_wait3A_133 : memref<1x25x8x128xf32, #tpu.memory_space<hbm>> -> memref<25x8x128xf32, #tpu.memory_space<hbm>>
          %dma_wait3A_135 = arith.constant 0 : i32
          %dma_wait3A_136 = arith.constant 0 : i32
          %dma_wait3A_137 = arith.constant 0 : i32
          %dma_wait3A_138 = tpu.memref_slice %arg6[%dma_wait3A_129, %dma_wait3A_135, %dma_wait3A_136, %dma_wait3A_137] : memref<2x12500x8x128xf32, #tpu.memory_space<hbm>> -> memref<1x25x8x128xf32, #tpu.memory_space<hbm>>
          %dma_wait3A_139 = tpu.memref_squeeze %dma_wait3A_138 : memref<1x25x8x128xf32, #tpu.memory_space<hbm>> -> memref<25x8x128xf32, #tpu.memory_space<hbm>>
          tpu.wait_dma2 semaphore(%arg22 : memref<!tpu.dma_semaphore, #tpu.memory_space<semaphore_mem>>) src(%arg13 : memref<25x8x128xf32, #tpu.memory_space<vmem>>) dst(%dma_wait3A_139 : memref<25x8x128xf32, #tpu.memory_space<hbm>>)
          %dma_wait3A_140 = arith.constant 1 : i32
          %dma_wait3A_141 = arith.constant 0 : i32
          %dma_wait3A_142 = arith.constant 0 : i32
          %dma_wait3A_143 = arith.constant 0 : i32
          %dma_wait3A_144 = tpu.memref_slice %arg6[%dma_wait3A_140, %dma_wait3A_141, %dma_wait3A_142, %dma_wait3A_143] : memref<2x12500x8x128xf32, #tpu.memory_space<hbm>> -> memref<1x25x2x128xf32, #tpu.memory_space<hbm>>
          %dma_wait3A_145 = tpu.memref_squeeze %dma_wait3A_144 : memref<1x25x2x128xf32, #tpu.memory_space<hbm>> -> memref<25x2x128xf32, #tpu.memory_space<hbm>>
          %dma_wait3A_146 = arith.constant 0 : i32
          %dma_wait3A_147 = arith.constant 0 : i32
          %dma_wait3A_148 = arith.constant 0 : i32
          %dma_wait3A_149 = tpu.memref_slice %arg6[%dma_wait3A_140, %dma_wait3A_146, %dma_wait3A_147, %dma_wait3A_148] : memref<2x12500x8x128xf32, #tpu.memory_space<hbm>> -> memref<1x25x2x128xf32, #tpu.memory_space<hbm>>
          %dma_wait3A_150 = tpu.memref_squeeze %dma_wait3A_149 : memref<1x25x2x128xf32, #tpu.memory_space<hbm>> -> memref<25x2x128xf32, #tpu.memory_space<hbm>>
          tpu.wait_dma2 semaphore(%arg22 : memref<!tpu.dma_semaphore, #tpu.memory_space<semaphore_mem>>) src(%arg15 : memref<25x2x128xf32, #tpu.memory_space<vmem>>) dst(%dma_wait3A_150 : memref<25x2x128xf32, #tpu.memory_space<hbm>>)
        } else {
        }
        %parallel_loop3A = arith.constant 0 : i32
        %parallel_loop3A_107 = arith.constant 200 : i32
        %parallel_loop3A_108 = arith.constant 1 : i32
        scf.for %parallel_loop3A_129 = %parallel_loop3A to %parallel_loop3A_107 step %parallel_loop3A_108  : i32 {
          %parallel_loop3A_130 = arith.constant 3 : i32
          %parallel_loop3A_131 = arith.shrsi %parallel_loop3A_129, %parallel_loop3A_130 : i32
          %parallel_loop3A_132 = arith.constant 7 : i32
          %parallel_loop3A_133 = arith.andi %parallel_loop3A_129, %parallel_loop3A_132 : i32
          %parallel_loop3A_134 = arith.constant 16 : i32
          %parallel_loop3A_135 = arith.muli %parallel_loop3A_133, %parallel_loop3A_134 : i32
          %parallel_loop3A_136 = arith.constant 16 : i32
          %parallel_loop3A_137 = arith.muli %parallel_loop3A_129, %parallel_loop3A_136 : i32
          %parallel_loop3A_138 = arith.constant 0 : i32
          %parallel_loop3A_139 = arith.index_cast %parallel_loop3A_138 : i32 to index
          %parallel_loop3A_140 = arith.index_cast %parallel_loop3A_137 : i32 to index
          %parallel_loop3A_141 = tpu.vector_load %arg9[%parallel_loop3A_139, %parallel_loop3A_140] {strides = array<i32>} : memref<2x3200xi32, #tpu.memory_space<vmem>>, vector<16xi32>,
          %parallel_loop3A_142 = arith.constant 1 : i32
          %parallel_loop3A_143 = arith.index_cast %parallel_loop3A_142 : i32 to index
          %parallel_loop3A_144 = arith.index_cast %parallel_loop3A_137 : i32 to index
          %parallel_loop3A_145 = tpu.vector_load %arg9[%parallel_loop3A_143, %parallel_loop3A_144] {strides = array<i32>} : memref<2x3200xi32, #tpu.memory_space<vmem>>, vector<16xi32>,
          %parallel_loop3A_146 = arith.index_cast %parallel_loop3A_137 : i32 to index
          %parallel_loop3A_147 = tpu.vector_load %arg11[%parallel_loop3A_146] {strides = array<i32>} : memref<3200xf32, #tpu.memory_space<vmem>>, vector<16xf32>,
          %parallel_loop3A_148 = arith.constant 2 : i32
          %parallel_loop3A_149 = vector.broadcast %parallel_loop3A_148 : i32 to vector<16xi32>
          %parallel_loop3A_150 = arith.muli %parallel_loop3A_141, %parallel_loop3A_149 : vector<16xi32>
          %parallel_loop3A_151 = arith.addi %parallel_loop3A_150, %parallel_loop3A_145 : vector<16xi32>
          %parallel_loop3A_152 = tpu.bitcast %parallel_loop3A_147 : vector<16xf32> -> vector<16xi32>
          %parallel_loop3A_153 = arith.constant 23 : i32
          %parallel_loop3A_154 = vector.broadcast %parallel_loop3A_153 : i32 to vector<16xi32>
          %parallel_loop3A_155 = arith.shrsi %parallel_loop3A_152, %parallel_loop3A_154 : vector<16xi32>
          %parallel_loop3A_156 = arith.constant 127 : i32
          %parallel_loop3A_157 = vector.broadcast %parallel_loop3A_156 : i32 to vector<16xi32>
          %parallel_loop3A_158 = arith.subi %parallel_loop3A_155, %parallel_loop3A_157 : vector<16xi32>
          %parallel_loop3A_159 = arith.sitofp %parallel_loop3A_158 : vector<16xi32> to vector<16xf32>
          %parallel_loop3A_160 = arith.constant 8388607 : i32
          %parallel_loop3A_161 = vector.broadcast %parallel_loop3A_160 : i32 to vector<16xi32>
          %parallel_loop3A_162 = arith.andi %parallel_loop3A_152, %parallel_loop3A_161 : vector<16xi32>
          %parallel_loop3A_163 = arith.constant 1065353216 : i32
          %parallel_loop3A_164 = vector.broadcast %parallel_loop3A_163 : i32 to vector<16xi32>
          %parallel_loop3A_165 = arith.ori %parallel_loop3A_162, %parallel_loop3A_164 : vector<16xi32>
          %parallel_loop3A_166 = tpu.bitcast %parallel_loop3A_165 : vector<16xi32> -> vector<16xf32>
          %parallel_loop3A_167 = arith.constant -0.0548628531 : f32
          %parallel_loop3A_168 = vector.broadcast %parallel_loop3A_167 : f32 to vector<16xf32>
          %parallel_loop3A_169 = arith.mulf %parallel_loop3A_166, %parallel_loop3A_168 : vector<16xf32>
          %parallel_loop3A_170 = arith.constant 0.435861856 : f32
          %parallel_loop3A_171 = vector.broadcast %parallel_loop3A_170 : f32 to vector<16xf32>
          %parallel_loop3A_172 = arith.addf %parallel_loop3A_171, %parallel_loop3A_169 : vector<16xf32>
          %parallel_loop3A_173 = arith.mulf %parallel_loop3A_166, %parallel_loop3A_172 : vector<16xf32>
          %parallel_loop3A_174 = arith.constant -1.44248104 : f32
          %parallel_loop3A_175 = vector.broadcast %parallel_loop3A_174 : f32 to vector<16xf32>
          %parallel_loop3A_176 = arith.addf %parallel_loop3A_175, %parallel_loop3A_173 : vector<16xf32>
          %parallel_loop3A_177 = arith.mulf %parallel_loop3A_166, %parallel_loop3A_176 : vector<16xf32>
          %parallel_loop3A_178 = arith.constant 2.79225516 : f32
          %parallel_loop3A_179 = vector.broadcast %parallel_loop3A_178 : f32 to vector<16xf32>
          %parallel_loop3A_180 = arith.addf %parallel_loop3A_179, %parallel_loop3A_177 : vector<16xf32>
          %parallel_loop3A_181 = arith.mulf %parallel_loop3A_166, %parallel_loop3A_180 : vector<16xf32>
          %parallel_loop3A_182 = arith.constant -1.73063171 : f32
          %parallel_loop3A_183 = vector.broadcast %parallel_loop3A_182 : f32 to vector<16xf32>
          %parallel_loop3A_184 = arith.addf %parallel_loop3A_183, %parallel_loop3A_181 : vector<16xf32>
          %parallel_loop3A_185 = arith.constant 0.693147182 : f32
          %parallel_loop3A_186 = vector.broadcast %parallel_loop3A_185 : f32 to vector<16xf32>
          %parallel_loop3A_187 = arith.mulf %parallel_loop3A_159, %parallel_loop3A_186 : vector<16xf32>
          %parallel_loop3A_188 = arith.addf %parallel_loop3A_187, %parallel_loop3A_184 : vector<16xf32>
          %parallel_loop3A_189 = arith.constant 6.000000e+00 : f32
          %parallel_loop3A_190 = vector.broadcast %parallel_loop3A_189 : f32 to vector<16xf32>
          %parallel_loop3A_191 = arith.subf %parallel_loop3A_147, %parallel_loop3A_190 : vector<16xf32>
          %parallel_loop3A_192 = arith.constant 5.000000e+00 : f32
          %parallel_loop3A_193 = vector.broadcast %parallel_loop3A_192 : f32 to vector<16xf32>
          %parallel_loop3A_194 = arith.mulf %parallel_loop3A_191, %parallel_loop3A_193 : vector<16xf32>
          %parallel_loop3A_195 = math.exp %parallel_loop3A_194 : vector<16xf32>
          %parallel_loop3A_196 = arith.constant 1.000000e+00 : f32
          %parallel_loop3A_197 = vector.broadcast %parallel_loop3A_196 : f32 to vector<16xf32>
          %parallel_loop3A_198 = arith.addf %parallel_loop3A_197, %parallel_loop3A_195 : vector<16xf32>
          %parallel_loop3A_199 = arith.mulf %parallel_loop3A_147, %parallel_loop3A_198 : vector<16xf32>
          %parallel_loop3A_200 = arith.constant 1.000000e+00 : f32
          %parallel_loop3A_201 = vector.broadcast %parallel_loop3A_200 : f32 to vector<16xf32>
          %parallel_loop3A_202 = arith.divf %parallel_loop3A_201, %parallel_loop3A_199 : vector<16xf32>
          %parallel_loop3A_203 = arith.constant 0 : i32
          %parallel_loop3A_204 = vector.broadcast %parallel_loop3A_203 : i32 to vector<16xi32>
          %parallel_loop3A_205 = arith.addi %parallel_loop3A_151, %parallel_loop3A_204 : vector<16xi32>
          %parallel_loop3A_206 = tpu.vector_load_idx %arg18[%parallel_loop3A_205] : memref<64xi32, #tpu.memory_space<vmem>>[vector<16xi32>], vector<16xi32>,
          %parallel_loop3A_207 = tpu.bitcast %parallel_loop3A_206 : vector<16xi32> -> vector<16xf32>
          %parallel_loop3A_208 = arith.constant 16 : i32
          %parallel_loop3A_209 = vector.broadcast %parallel_loop3A_208 : i32 to vector<16xi32>
          %parallel_loop3A_210 = arith.shli %parallel_loop3A_206, %parallel_loop3A_209 : vector<16xi32>
          %parallel_loop3A_211 = tpu.bitcast %parallel_loop3A_210 : vector<16xi32> -> vector<16xf32>
          %parallel_loop3A_212 = arith.mulf %parallel_loop3A_207, %parallel_loop3A_188 : vector<16xf32>
          %parallel_loop3A_213 = math.exp %parallel_loop3A_212 : vector<16xf32>
          %parallel_loop3A_214 = arith.mulf %parallel_loop3A_211, %parallel_loop3A_213 : vector<16xf32>
          %parallel_loop3A_215 = arith.mulf %parallel_loop3A_214, %parallel_loop3A_202 : vector<16xf32>
          %parallel_loop3A_216 = arith.constant 0 : i32
          %parallel_loop3A_217 = arith.index_cast %parallel_loop3A_131 : i32 to index
          %parallel_loop3A_218 = arith.index_cast %parallel_loop3A_216 : i32 to index
          %parallel_loop3A_219 = arith.index_cast %parallel_loop3A_135 : i32 to index
          %parallel_loop3A_220 = tpu.vector_load %arg13[%parallel_loop3A_217, %parallel_loop3A_218, %parallel_loop3A_219] {strides = array<i32>} : memref<25x8x128xf32, #tpu.memory_space<vmem>>, vector<16xf32>,
          tpu.vector_store %arg13[%parallel_loop3A_217, %parallel_loop3A_218, %parallel_loop3A_219], %parallel_loop3A_215 {strides = array<i32>} : memref<25x8x128xf32, #tpu.memory_space<vmem>>, vector<16xf32>,
          %parallel_loop3A_221 = arith.constant 4 : i32
          %parallel_loop3A_222 = vector.broadcast %parallel_loop3A_221 : i32 to vector<16xi32>
          %parallel_loop3A_223 = arith.addi %parallel_loop3A_151, %parallel_loop3A_222 : vector<16xi32>
          %parallel_loop3A_224 = tpu.vector_load_idx %arg18[%parallel_loop3A_223] : memref<64xi32, #tpu.memory_space<vmem>>[vector<16xi32>], vector<16xi32>,
          %parallel_loop3A_225 = tpu.bitcast %parallel_loop3A_224 : vector<16xi32> -> vector<16xf32>
          %parallel_loop3A_226 = arith.constant 16 : i32
          %parallel_loop3A_227 = vector.broadcast %parallel_loop3A_226 : i32 to vector<16xi32>
          %parallel_loop3A_228 = arith.shli %parallel_loop3A_224, %parallel_loop3A_227 : vector<16xi32>
          %parallel_loop3A_229 = tpu.bitcast %parallel_loop3A_228 : vector<16xi32> -> vector<16xf32>
          %parallel_loop3A_230 = arith.mulf %parallel_loop3A_225, %parallel_loop3A_188 : vector<16xf32>
          %parallel_loop3A_231 = math.exp %parallel_loop3A_230 : vector<16xf32>
          %parallel_loop3A_232 = arith.mulf %parallel_loop3A_229, %parallel_loop3A_231 : vector<16xf32>
          %parallel_loop3A_233 = arith.mulf %parallel_loop3A_232, %parallel_loop3A_202 : vector<16xf32>
          %parallel_loop3A_234 = arith.constant 1 : i32
          %parallel_loop3A_235 = arith.index_cast %parallel_loop3A_131 : i32 to index
          %parallel_loop3A_236 = arith.index_cast %parallel_loop3A_234 : i32 to index
          %parallel_loop3A_237 = arith.index_cast %parallel_loop3A_135 : i32 to index
          %parallel_loop3A_238 = tpu.vector_load %arg13[%parallel_loop3A_235, %parallel_loop3A_236, %parallel_loop3A_237] {strides = array<i32>} : memref<25x8x128xf32, #tpu.memory_space<vmem>>, vector<16xf32>,
          tpu.vector_store %arg13[%parallel_loop3A_235, %parallel_loop3A_236, %parallel_loop3A_237], %parallel_loop3A_233 {strides = array<i32>} : memref<25x8x128xf32, #tpu.memory_space<vmem>>, vector<16xf32>,
          %parallel_loop3A_239 = arith.constant 8 : i32
          %parallel_loop3A_240 = vector.broadcast %parallel_loop3A_239 : i32 to vector<16xi32>
          %parallel_loop3A_241 = arith.addi %parallel_loop3A_151, %parallel_loop3A_240 : vector<16xi32>
          %parallel_loop3A_242 = tpu.vector_load_idx %arg18[%parallel_loop3A_241] : memref<64xi32, #tpu.memory_space<vmem>>[vector<16xi32>], vector<16xi32>,
          %parallel_loop3A_243 = tpu.bitcast %parallel_loop3A_242 : vector<16xi32> -> vector<16xf32>
          %parallel_loop3A_244 = arith.constant 16 : i32
          %parallel_loop3A_245 = vector.broadcast %parallel_loop3A_244 : i32 to vector<16xi32>
          %parallel_loop3A_246 = arith.shli %parallel_loop3A_242, %parallel_loop3A_245 : vector<16xi32>
          %parallel_loop3A_247 = tpu.bitcast %parallel_loop3A_246 : vector<16xi32> -> vector<16xf32>
          %parallel_loop3A_248 = arith.mulf %parallel_loop3A_243, %parallel_loop3A_188 : vector<16xf32>
          %parallel_loop3A_249 = math.exp %parallel_loop3A_248 : vector<16xf32>
          %parallel_loop3A_250 = arith.mulf %parallel_loop3A_247, %parallel_loop3A_249 : vector<16xf32>
          %parallel_loop3A_251 = arith.mulf %parallel_loop3A_250, %parallel_loop3A_202 : vector<16xf32>
          %parallel_loop3A_252 = arith.constant 2 : i32
          %parallel_loop3A_253 = arith.index_cast %parallel_loop3A_131 : i32 to index
          %parallel_loop3A_254 = arith.index_cast %parallel_loop3A_252 : i32 to index
          %parallel_loop3A_255 = arith.index_cast %parallel_loop3A_135 : i32 to index
          %parallel_loop3A_256 = tpu.vector_load %arg13[%parallel_loop3A_253, %parallel_loop3A_254, %parallel_loop3A_255] {strides = array<i32>} : memref<25x8x128xf32, #tpu.memory_space<vmem>>, vector<16xf32>,
          tpu.vector_store %arg13[%parallel_loop3A_253, %parallel_loop3A_254, %parallel_loop3A_255], %parallel_loop3A_251 {strides = array<i32>} : memref<25x8x128xf32, #tpu.memory_space<vmem>>, vector<16xf32>,
          %parallel_loop3A_257 = arith.constant 12 : i32
          %parallel_loop3A_258 = vector.broadcast %parallel_loop3A_257 : i32 to vector<16xi32>
          %parallel_loop3A_259 = arith.addi %parallel_loop3A_151, %parallel_loop3A_258 : vector<16xi32>
          %parallel_loop3A_260 = tpu.vector_load_idx %arg18[%parallel_loop3A_259] : memref<64xi32, #tpu.memory_space<vmem>>[vector<16xi32>], vector<16xi32>,
          %parallel_loop3A_261 = tpu.bitcast %parallel_loop3A_260 : vector<16xi32> -> vector<16xf32>
          %parallel_loop3A_262 = arith.constant 16 : i32
          %parallel_loop3A_263 = vector.broadcast %parallel_loop3A_262 : i32 to vector<16xi32>
          %parallel_loop3A_264 = arith.shli %parallel_loop3A_260, %parallel_loop3A_263 : vector<16xi32>
          %parallel_loop3A_265 = tpu.bitcast %parallel_loop3A_264 : vector<16xi32> -> vector<16xf32>
          %parallel_loop3A_266 = arith.mulf %parallel_loop3A_261, %parallel_loop3A_188 : vector<16xf32>
          %parallel_loop3A_267 = math.exp %parallel_loop3A_266 : vector<16xf32>
          %parallel_loop3A_268 = arith.mulf %parallel_loop3A_265, %parallel_loop3A_267 : vector<16xf32>
          %parallel_loop3A_269 = arith.mulf %parallel_loop3A_268, %parallel_loop3A_202 : vector<16xf32>
          %parallel_loop3A_270 = arith.constant 3 : i32
          %parallel_loop3A_271 = arith.index_cast %parallel_loop3A_131 : i32 to index
          %parallel_loop3A_272 = arith.index_cast %parallel_loop3A_270 : i32 to index
          %parallel_loop3A_273 = arith.index_cast %parallel_loop3A_135 : i32 to index
          %parallel_loop3A_274 = tpu.vector_load %arg13[%parallel_loop3A_271, %parallel_loop3A_272, %parallel_loop3A_273] {strides = array<i32>} : memref<25x8x128xf32, #tpu.memory_space<vmem>>, vector<16xf32>,
          tpu.vector_store %arg13[%parallel_loop3A_271, %parallel_loop3A_272, %parallel_loop3A_273], %parallel_loop3A_269 {strides = array<i32>} : memref<25x8x128xf32, #tpu.memory_space<vmem>>, vector<16xf32>,
          %parallel_loop3A_275 = arith.constant 16 : i32
          %parallel_loop3A_276 = vector.broadcast %parallel_loop3A_275 : i32 to vector<16xi32>
          %parallel_loop3A_277 = arith.addi %parallel_loop3A_151, %parallel_loop3A_276 : vector<16xi32>
          %parallel_loop3A_278 = tpu.vector_load_idx %arg18[%parallel_loop3A_277] : memref<64xi32, #tpu.memory_space<vmem>>[vector<16xi32>], vector<16xi32>,
          %parallel_loop3A_279 = tpu.bitcast %parallel_loop3A_278 : vector<16xi32> -> vector<16xf32>
          %parallel_loop3A_280 = arith.constant 16 : i32
          %parallel_loop3A_281 = vector.broadcast %parallel_loop3A_280 : i32 to vector<16xi32>
          %parallel_loop3A_282 = arith.shli %parallel_loop3A_278, %parallel_loop3A_281 : vector<16xi32>
          %parallel_loop3A_283 = tpu.bitcast %parallel_loop3A_282 : vector<16xi32> -> vector<16xf32>
          %parallel_loop3A_284 = arith.mulf %parallel_loop3A_279, %parallel_loop3A_188 : vector<16xf32>
          %parallel_loop3A_285 = math.exp %parallel_loop3A_284 : vector<16xf32>
          %parallel_loop3A_286 = arith.mulf %parallel_loop3A_283, %parallel_loop3A_285 : vector<16xf32>
          %parallel_loop3A_287 = arith.mulf %parallel_loop3A_286, %parallel_loop3A_202 : vector<16xf32>
          %parallel_loop3A_288 = arith.constant 4 : i32
          %parallel_loop3A_289 = arith.index_cast %parallel_loop3A_131 : i32 to index
          %parallel_loop3A_290 = arith.index_cast %parallel_loop3A_288 : i32 to index
          %parallel_loop3A_291 = arith.index_cast %parallel_loop3A_135 : i32 to index
          %parallel_loop3A_292 = tpu.vector_load %arg13[%parallel_loop3A_289, %parallel_loop3A_290, %parallel_loop3A_291] {strides = array<i32>} : memref<25x8x128xf32, #tpu.memory_space<vmem>>, vector<16xf32>,
          tpu.vector_store %arg13[%parallel_loop3A_289, %parallel_loop3A_290, %parallel_loop3A_291], %parallel_loop3A_287 {strides = array<i32>} : memref<25x8x128xf32, #tpu.memory_space<vmem>>, vector<16xf32>,
          %parallel_loop3A_293 = arith.constant 20 : i32
          %parallel_loop3A_294 = vector.broadcast %parallel_loop3A_293 : i32 to vector<16xi32>
          %parallel_loop3A_295 = arith.addi %parallel_loop3A_151, %parallel_loop3A_294 : vector<16xi32>
          %parallel_loop3A_296 = tpu.vector_load_idx %arg18[%parallel_loop3A_295] : memref<64xi32, #tpu.memory_space<vmem>>[vector<16xi32>], vector<16xi32>,
          %parallel_loop3A_297 = tpu.bitcast %parallel_loop3A_296 : vector<16xi32> -> vector<16xf32>
          %parallel_loop3A_298 = arith.constant 16 : i32
          %parallel_loop3A_299 = vector.broadcast %parallel_loop3A_298 : i32 to vector<16xi32>
          %parallel_loop3A_300 = arith.shli %parallel_loop3A_296, %parallel_loop3A_299 : vector<16xi32>
          %parallel_loop3A_301 = tpu.bitcast %parallel_loop3A_300 : vector<16xi32> -> vector<16xf32>
          %parallel_loop3A_302 = arith.mulf %parallel_loop3A_297, %parallel_loop3A_188 : vector<16xf32>
          %parallel_loop3A_303 = math.exp %parallel_loop3A_302 : vector<16xf32>
          %parallel_loop3A_304 = arith.mulf %parallel_loop3A_301, %parallel_loop3A_303 : vector<16xf32>
          %parallel_loop3A_305 = arith.mulf %parallel_loop3A_304, %parallel_loop3A_202 : vector<16xf32>
          %parallel_loop3A_306 = arith.constant 5 : i32
          %parallel_loop3A_307 = arith.index_cast %parallel_loop3A_131 : i32 to index
          %parallel_loop3A_308 = arith.index_cast %parallel_loop3A_306 : i32 to index
          %parallel_loop3A_309 = arith.index_cast %parallel_loop3A_135 : i32 to index
          %parallel_loop3A_310 = tpu.vector_load %arg13[%parallel_loop3A_307, %parallel_loop3A_308, %parallel_loop3A_309] {strides = array<i32>} : memref<25x8x128xf32, #tpu.memory_space<vmem>>, vector<16xf32>,
          tpu.vector_store %arg13[%parallel_loop3A_307, %parallel_loop3A_308, %parallel_loop3A_309], %parallel_loop3A_305 {strides = array<i32>} : memref<25x8x128xf32, #tpu.memory_space<vmem>>, vector<16xf32>,
          %parallel_loop3A_311 = arith.constant 24 : i32
          %parallel_loop3A_312 = vector.broadcast %parallel_loop3A_311 : i32 to vector<16xi32>
          %parallel_loop3A_313 = arith.addi %parallel_loop3A_151, %parallel_loop3A_312 : vector<16xi32>
          %parallel_loop3A_314 = tpu.vector_load_idx %arg18[%parallel_loop3A_313] : memref<64xi32, #tpu.memory_space<vmem>>[vector<16xi32>], vector<16xi32>,
          %parallel_loop3A_315 = tpu.bitcast %parallel_loop3A_314 : vector<16xi32> -> vector<16xf32>
          %parallel_loop3A_316 = arith.constant 16 : i32
          %parallel_loop3A_317 = vector.broadcast %parallel_loop3A_316 : i32 to vector<16xi32>
          %parallel_loop3A_318 = arith.shli %parallel_loop3A_314, %parallel_loop3A_317 : vector<16xi32>
          %parallel_loop3A_319 = tpu.bitcast %parallel_loop3A_318 : vector<16xi32> -> vector<16xf32>
          %parallel_loop3A_320 = arith.mulf %parallel_loop3A_315, %parallel_loop3A_188 : vector<16xf32>
          %parallel_loop3A_321 = math.exp %parallel_loop3A_320 : vector<16xf32>
          %parallel_loop3A_322 = arith.mulf %parallel_loop3A_319, %parallel_loop3A_321 : vector<16xf32>
          %parallel_loop3A_323 = arith.mulf %parallel_loop3A_322, %parallel_loop3A_202 : vector<16xf32>
          %parallel_loop3A_324 = arith.constant 6 : i32
          %parallel_loop3A_325 = arith.index_cast %parallel_loop3A_131 : i32 to index
          %parallel_loop3A_326 = arith.index_cast %parallel_loop3A_324 : i32 to index
          %parallel_loop3A_327 = arith.index_cast %parallel_loop3A_135 : i32 to index
          %parallel_loop3A_328 = tpu.vector_load %arg13[%parallel_loop3A_325, %parallel_loop3A_326, %parallel_loop3A_327] {strides = array<i32>} : memref<25x8x128xf32, #tpu.memory_space<vmem>>, vector<16xf32>,
          tpu.vector_store %arg13[%parallel_loop3A_325, %parallel_loop3A_326, %parallel_loop3A_327], %parallel_loop3A_323 {strides = array<i32>} : memref<25x8x128xf32, #tpu.memory_space<vmem>>, vector<16xf32>,
          %parallel_loop3A_329 = arith.constant 28 : i32
          %parallel_loop3A_330 = vector.broadcast %parallel_loop3A_329 : i32 to vector<16xi32>
          %parallel_loop3A_331 = arith.addi %parallel_loop3A_151, %parallel_loop3A_330 : vector<16xi32>
          %parallel_loop3A_332 = tpu.vector_load_idx %arg18[%parallel_loop3A_331] : memref<64xi32, #tpu.memory_space<vmem>>[vector<16xi32>], vector<16xi32>,
          %parallel_loop3A_333 = tpu.bitcast %parallel_loop3A_332 : vector<16xi32> -> vector<16xf32>
          %parallel_loop3A_334 = arith.constant 16 : i32
          %parallel_loop3A_335 = vector.broadcast %parallel_loop3A_334 : i32 to vector<16xi32>
          %parallel_loop3A_336 = arith.shli %parallel_loop3A_332, %parallel_loop3A_335 : vector<16xi32>
          %parallel_loop3A_337 = tpu.bitcast %parallel_loop3A_336 : vector<16xi32> -> vector<16xf32>
          %parallel_loop3A_338 = arith.mulf %parallel_loop3A_333, %parallel_loop3A_188 : vector<16xf32>
          %parallel_loop3A_339 = math.exp %parallel_loop3A_338 : vector<16xf32>
          %parallel_loop3A_340 = arith.mulf %parallel_loop3A_337, %parallel_loop3A_339 : vector<16xf32>
          %parallel_loop3A_341 = arith.mulf %parallel_loop3A_340, %parallel_loop3A_202 : vector<16xf32>
          %parallel_loop3A_342 = arith.constant 7 : i32
          %parallel_loop3A_343 = arith.index_cast %parallel_loop3A_131 : i32 to index
          %parallel_loop3A_344 = arith.index_cast %parallel_loop3A_342 : i32 to index
          %parallel_loop3A_345 = arith.index_cast %parallel_loop3A_135 : i32 to index
          %parallel_loop3A_346 = tpu.vector_load %arg13[%parallel_loop3A_343, %parallel_loop3A_344, %parallel_loop3A_345] {strides = array<i32>} : memref<25x8x128xf32, #tpu.memory_space<vmem>>, vector<16xf32>,
          tpu.vector_store %arg13[%parallel_loop3A_343, %parallel_loop3A_344, %parallel_loop3A_345], %parallel_loop3A_341 {strides = array<i32>} : memref<25x8x128xf32, #tpu.memory_space<vmem>>, vector<16xf32>,
          %parallel_loop3A_347 = arith.constant 32 : i32
          %parallel_loop3A_348 = vector.broadcast %parallel_loop3A_347 : i32 to vector<16xi32>
          %parallel_loop3A_349 = arith.addi %parallel_loop3A_151, %parallel_loop3A_348 : vector<16xi32>
          %parallel_loop3A_350 = tpu.vector_load_idx %arg18[%parallel_loop3A_349] : memref<64xi32, #tpu.memory_space<vmem>>[vector<16xi32>], vector<16xi32>,
          %parallel_loop3A_351 = tpu.bitcast %parallel_loop3A_350 : vector<16xi32> -> vector<16xf32>
          %parallel_loop3A_352 = arith.constant 16 : i32
          %parallel_loop3A_353 = vector.broadcast %parallel_loop3A_352 : i32 to vector<16xi32>
          %parallel_loop3A_354 = arith.shli %parallel_loop3A_350, %parallel_loop3A_353 : vector<16xi32>
          %parallel_loop3A_355 = tpu.bitcast %parallel_loop3A_354 : vector<16xi32> -> vector<16xf32>
          %parallel_loop3A_356 = arith.mulf %parallel_loop3A_351, %parallel_loop3A_188 : vector<16xf32>
          %parallel_loop3A_357 = math.exp %parallel_loop3A_356 : vector<16xf32>
          %parallel_loop3A_358 = arith.mulf %parallel_loop3A_355, %parallel_loop3A_357 : vector<16xf32>
          %parallel_loop3A_359 = arith.mulf %parallel_loop3A_358, %parallel_loop3A_202 : vector<16xf32>
          %parallel_loop3A_360 = arith.constant 0 : i32
          %parallel_loop3A_361 = arith.index_cast %parallel_loop3A_131 : i32 to index
          %parallel_loop3A_362 = arith.index_cast %parallel_loop3A_360 : i32 to index
          %parallel_loop3A_363 = arith.index_cast %parallel_loop3A_135 : i32 to index
          %parallel_loop3A_364 = tpu.vector_load %arg15[%parallel_loop3A_361, %parallel_loop3A_362, %parallel_loop3A_363] {strides = array<i32>} : memref<25x2x128xf32, #tpu.memory_space<vmem>>, vector<16xf32>,
          tpu.vector_store %arg15[%parallel_loop3A_361, %parallel_loop3A_362, %parallel_loop3A_363], %parallel_loop3A_359 {strides = array<i32>} : memref<25x2x128xf32, #tpu.memory_space<vmem>>, vector<16xf32>,
          %parallel_loop3A_365 = arith.constant 36 : i32
          %parallel_loop3A_366 = vector.broadcast %parallel_loop3A_365 : i32 to vector<16xi32>
          %parallel_loop3A_367 = arith.addi %parallel_loop3A_151, %parallel_loop3A_366 : vector<16xi32>
          %parallel_loop3A_368 = tpu.vector_load_idx %arg18[%parallel_loop3A_367] : memref<64xi32, #tpu.memory_space<vmem>>[vector<16xi32>], vector<16xi32>,
          %parallel_loop3A_369 = tpu.bitcast %parallel_loop3A_368 : vector<16xi32> -> vector<16xf32>
          %parallel_loop3A_370 = arith.constant 16 : i32
          %parallel_loop3A_371 = vector.broadcast %parallel_loop3A_370 : i32 to vector<16xi32>
          %parallel_loop3A_372 = arith.shli %parallel_loop3A_368, %parallel_loop3A_371 : vector<16xi32>
          %parallel_loop3A_373 = tpu.bitcast %parallel_loop3A_372 : vector<16xi32> -> vector<16xf32>
          %parallel_loop3A_374 = arith.mulf %parallel_loop3A_369, %parallel_loop3A_188 : vector<16xf32>
          %parallel_loop3A_375 = math.exp %parallel_loop3A_374 : vector<16xf32>
          %parallel_loop3A_376 = arith.mulf %parallel_loop3A_373, %parallel_loop3A_375 : vector<16xf32>
          %parallel_loop3A_377 = arith.mulf %parallel_loop3A_376, %parallel_loop3A_202 : vector<16xf32>
          %parallel_loop3A_378 = arith.constant 1 : i32
          %parallel_loop3A_379 = arith.index_cast %parallel_loop3A_131 : i32 to index
          %parallel_loop3A_380 = arith.index_cast %parallel_loop3A_378 : i32 to index
          %parallel_loop3A_381 = arith.index_cast %parallel_loop3A_135 : i32 to index
          %parallel_loop3A_382 = tpu.vector_load %arg15[%parallel_loop3A_379, %parallel_loop3A_380, %parallel_loop3A_381] {strides = array<i32>} : memref<25x2x128xf32, #tpu.memory_space<vmem>>, vector<16xf32>,
          tpu.vector_store %arg15[%parallel_loop3A_379, %parallel_loop3A_380, %parallel_loop3A_381], %parallel_loop3A_377 {strides = array<i32>} : memref<25x2x128xf32, #tpu.memory_space<vmem>>, vector<16xf32>,
        } {sc.loop_unroll_factor = 4 : i64, sc.parallel_access}
        %mul3A_109 = arith.constant 25 : i32
        %mul3A_110 = arith.muli %add3A_77, %mul3A_109 : i32
        %dma_start3A_111 = arith.constant 0 : i32
        %dma_start3A_112 = arith.constant 0 : i32
        %dma_start3A_113 = arith.constant 0 : i32
        %dma_start3A_114 = tpu.memref_slice %arg6[%dma_start3A_111, %mul3A_110, %dma_start3A_112, %dma_start3A_113] : memref<2x12500x8x128xf32, #tpu.memory_space<hbm>> -> memref<1x25x8x128xf32, #tpu.memory_space<hbm>>
        %dma_start3A_115 = tpu.memref_squeeze %dma_start3A_114 : memref<1x25x8x128xf32, #tpu.memory_space<hbm>> -> memref<25x8x128xf32, #tpu.memory_space<hbm>>
        %dma_start3A_116 = arith.constant 0 : i32
        %dma_start3A_117 = arith.constant 0 : i32
        %dma_start3A_118 = tpu.memref_slice %arg6[%dma_start3A_111, %mul3A_110, %dma_start3A_116, %dma_start3A_117] : memref<2x12500x8x128xf32, #tpu.memory_space<hbm>> -> memref<1x25x8x128xf32, #tpu.memory_space<hbm>>
        %dma_start3A_119 = tpu.memref_squeeze %dma_start3A_118 : memref<1x25x8x128xf32, #tpu.memory_space<hbm>> -> memref<25x8x128xf32, #tpu.memory_space<hbm>>
        tpu.enqueue_dma source(%arg13 : memref<25x8x128xf32, #tpu.memory_space<vmem>>) target(%dma_start3A_119 : memref<25x8x128xf32, #tpu.memory_space<hbm>>) target_semaphore(%arg22 : memref<!tpu.dma_semaphore, #tpu.memory_space<semaphore_mem>>)
        %dma_start3A_120 = arith.constant 1 : i32
        %dma_start3A_121 = arith.constant 0 : i32
        %dma_start3A_122 = arith.constant 0 : i32
        %dma_start3A_123 = tpu.memref_slice %arg6[%dma_start3A_120, %mul3A_110, %dma_start3A_121, %dma_start3A_122] : memref<2x12500x8x128xf32, #tpu.memory_space<hbm>> -> memref<1x25x2x128xf32, #tpu.memory_space<hbm>>
        %dma_start3A_124 = tpu.memref_squeeze %dma_start3A_123 : memref<1x25x2x128xf32, #tpu.memory_space<hbm>> -> memref<25x2x128xf32, #tpu.memory_space<hbm>>
        %dma_start3A_125 = arith.constant 0 : i32
        %dma_start3A_126 = arith.constant 0 : i32
        %dma_start3A_127 = tpu.memref_slice %arg6[%dma_start3A_120, %mul3A_110, %dma_start3A_125, %dma_start3A_126] : memref<2x12500x8x128xf32, #tpu.memory_space<hbm>> -> memref<1x25x2x128xf32, #tpu.memory_space<hbm>>
        %dma_start3A_128 = tpu.memref_squeeze %dma_start3A_127 : memref<1x25x2x128xf32, #tpu.memory_space<hbm>> -> memref<25x2x128xf32, #tpu.memory_space<hbm>>
        tpu.enqueue_dma source(%arg15 : memref<25x2x128xf32, #tpu.memory_space<vmem>>) target(%dma_start3A_128 : memref<25x2x128xf32, #tpu.memory_space<hbm>>) target_semaphore(%arg22 : memref<!tpu.dma_semaphore, #tpu.memory_space<semaphore_mem>>)
      } else {
      }
    }
    %scan3A_12 = arith.constant 8 : i32
    %dma_wait3A = arith.constant 0 : i32
    %dma_wait3A_13 = arith.constant 0 : i32
    %dma_wait3A_14 = arith.constant 0 : i32
    %dma_wait3A_15 = arith.constant 0 : i32
    %dma_wait3A_16 = tpu.memref_slice %arg6[%dma_wait3A, %dma_wait3A_13, %dma_wait3A_14, %dma_wait3A_15] : memref<2x12500x8x128xf32, #tpu.memory_space<hbm>> -> memref<1x25x8x128xf32, #tpu.memory_space<hbm>>
    %dma_wait3A_17 = tpu.memref_squeeze %dma_wait3A_16 : memref<1x25x8x128xf32, #tpu.memory_space<hbm>> -> memref<25x8x128xf32, #tpu.memory_space<hbm>>
    %dma_wait3A_18 = arith.constant 0 : i32
    %dma_wait3A_19 = arith.constant 0 : i32
    %dma_wait3A_20 = arith.constant 0 : i32
    %dma_wait3A_21 = tpu.memref_slice %arg6[%dma_wait3A, %dma_wait3A_18, %dma_wait3A_19, %dma_wait3A_20] : memref<2x12500x8x128xf32, #tpu.memory_space<hbm>> -> memref<1x25x8x128xf32, #tpu.memory_space<hbm>>
    %dma_wait3A_22 = tpu.memref_squeeze %dma_wait3A_21 : memref<1x25x8x128xf32, #tpu.memory_space<hbm>> -> memref<25x8x128xf32, #tpu.memory_space<hbm>>
    tpu.wait_dma2 semaphore(%arg21 : memref<!tpu.dma_semaphore, #tpu.memory_space<semaphore_mem>>) src(%arg12 : memref<25x8x128xf32, #tpu.memory_space<vmem>>) dst(%dma_wait3A_22 : memref<25x8x128xf32, #tpu.memory_space<hbm>>)
    %dma_wait3A_23 = arith.constant 1 : i32
    %dma_wait3A_24 = arith.constant 0 : i32
    %dma_wait3A_25 = arith.constant 0 : i32
    %dma_wait3A_26 = arith.constant 0 : i32
    %dma_wait3A_27 = tpu.memref_slice %arg6[%dma_wait3A_23, %dma_wait3A_24, %dma_wait3A_25, %dma_wait3A_26] : memref<2x12500x8x128xf32, #tpu.memory_space<hbm>> -> memref<1x25x2x128xf32, #tpu.memory_space<hbm>>
    %dma_wait3A_28 = tpu.memref_squeeze %dma_wait3A_27 : memref<1x25x2x128xf32, #tpu.memory_space<hbm>> -> memref<25x2x128xf32, #tpu.memory_space<hbm>>
    %dma_wait3A_29 = arith.constant 0 : i32
    %dma_wait3A_30 = arith.constant 0 : i32
    %dma_wait3A_31 = arith.constant 0 : i32
    %dma_wait3A_32 = tpu.memref_slice %arg6[%dma_wait3A_23, %dma_wait3A_29, %dma_wait3A_30, %dma_wait3A_31] : memref<2x12500x8x128xf32, #tpu.memory_space<hbm>> -> memref<1x25x2x128xf32, #tpu.memory_space<hbm>>
    %dma_wait3A_33 = tpu.memref_squeeze %dma_wait3A_32 : memref<1x25x2x128xf32, #tpu.memory_space<hbm>> -> memref<25x2x128xf32, #tpu.memory_space<hbm>>
    tpu.wait_dma2 semaphore(%arg21 : memref<!tpu.dma_semaphore, #tpu.memory_space<semaphore_mem>>) src(%arg14 : memref<25x2x128xf32, #tpu.memory_space<vmem>>) dst(%dma_wait3A_33 : memref<25x2x128xf32, #tpu.memory_space<hbm>>)
    %dma_wait3A_34 = arith.constant 0 : i32
    %dma_wait3A_35 = arith.constant 0 : i32
    %dma_wait3A_36 = arith.constant 0 : i32
    %dma_wait3A_37 = arith.constant 0 : i32
    %dma_wait3A_38 = tpu.memref_slice %arg6[%dma_wait3A_34, %dma_wait3A_35, %dma_wait3A_36, %dma_wait3A_37] : memref<2x12500x8x128xf32, #tpu.memory_space<hbm>> -> memref<1x25x8x128xf32, #tpu.memory_space<hbm>>
    %dma_wait3A_39 = tpu.memref_squeeze %dma_wait3A_38 : memref<1x25x8x128xf32, #tpu.memory_space<hbm>> -> memref<25x8x128xf32, #tpu.memory_space<hbm>>
    %dma_wait3A_40 = arith.constant 0 : i32
    %dma_wait3A_41 = arith.constant 0 : i32
    %dma_wait3A_42 = arith.constant 0 : i32
    %dma_wait3A_43 = tpu.memref_slice %arg6[%dma_wait3A_34, %dma_wait3A_40, %dma_wait3A_41, %dma_wait3A_42] : memref<2x12500x8x128xf32, #tpu.memory_space<hbm>> -> memref<1x25x8x128xf32, #tpu.memory_space<hbm>>
    %dma_wait3A_44 = tpu.memref_squeeze %dma_wait3A_43 : memref<1x25x8x128xf32, #tpu.memory_space<hbm>> -> memref<25x8x128xf32, #tpu.memory_space<hbm>>
    tpu.wait_dma2 semaphore(%arg22 : memref<!tpu.dma_semaphore, #tpu.memory_space<semaphore_mem>>) src(%arg13 : memref<25x8x128xf32, #tpu.memory_space<vmem>>) dst(%dma_wait3A_44 : memref<25x8x128xf32, #tpu.memory_space<hbm>>)
    %dma_wait3A_45 = arith.constant 1 : i32
    %dma_wait3A_46 = arith.constant 0 : i32
    %dma_wait3A_47 = arith.constant 0 : i32
    %dma_wait3A_48 = arith.constant 0 : i32
    %dma_wait3A_49 = tpu.memref_slice %arg6[%dma_wait3A_45, %dma_wait3A_46, %dma_wait3A_47, %dma_wait3A_48] : memref<2x12500x8x128xf32, #tpu.memory_space<hbm>> -> memref<1x25x2x128xf32, #tpu.memory_space<hbm>>
    %dma_wait3A_50 = tpu.memref_squeeze %dma_wait3A_49 : memref<1x25x2x128xf32, #tpu.memory_space<hbm>> -> memref<25x2x128xf32, #tpu.memory_space<hbm>>
    %dma_wait3A_51 = arith.constant 0 : i32
    %dma_wait3A_52 = arith.constant 0 : i32
    %dma_wait3A_53 = arith.constant 0 : i32
    %dma_wait3A_54 = tpu.memref_slice %arg6[%dma_wait3A_45, %dma_wait3A_51, %dma_wait3A_52, %dma_wait3A_53] : memref<2x12500x8x128xf32, #tpu.memory_space<hbm>> -> memref<1x25x2x128xf32, #tpu.memory_space<hbm>>
    %dma_wait3A_55 = tpu.memref_squeeze %dma_wait3A_54 : memref<1x25x2x128xf32, #tpu.memory_space<hbm>> -> memref<25x2x128xf32, #tpu.memory_space<hbm>>
    tpu.wait_dma2 semaphore(%arg22 : memref<!tpu.dma_semaphore, #tpu.memory_space<semaphore_mem>>) src(%arg15 : memref<25x2x128xf32, #tpu.memory_space<vmem>>) dst(%dma_wait3A_55 : memref<25x2x128xf32, #tpu.memory_space<hbm>>)
    %lt3A = arith.constant 25 : i32
    %lt3A_56 = arith.cmpi slt, %add3A, %lt3A : i32
    %convert_element_type3A = arith.extui %lt3A_56 : i1 to i32
    %cond3A = arith.constant 0 : i32
    %cond3A_57 = arith.cmpi ne, %convert_element_type3A, %cond3A : i32
    scf.if %cond3A_57 {
      %mul3A_58 = arith.constant 4000 : i32
      %mul3A_59 = arith.muli %add3A, %mul3A_58 : i32
      "tpu.region"() ({
        %run_scoped3A = tpu.sem_alloc : memref<!tpu.dma_semaphore, #tpu.memory_space<semaphore_mem>>
        %dma_start3A_62 = tpu.memref_slice %arg4[%mul3A_59] : memref<100000xi32, #tpu.memory_space<hbm>> -> memref<4000xi32, #tpu.memory_space<hbm>>
        %dma_start3A_63 = tpu.memref_slice %arg4[%mul3A_59] : memref<100000xi32, #tpu.memory_space<hbm>> -> memref<4000xi32, #tpu.memory_space<hbm>>
        tpu.enqueue_dma source(%dma_start3A_63 : memref<4000xi32, #tpu.memory_space<hbm>>) target(%arg16 : memref<4000xi32, #tpu.memory_space<vmem>>) target_semaphore(%run_scoped3A : memref<!tpu.dma_semaphore, #tpu.memory_space<semaphore_mem>>)
        %dma_wait3A_64 = tpu.memref_slice %arg4[%mul3A_59] : memref<100000xi32, #tpu.memory_space<hbm>> -> memref<4000xi32, #tpu.memory_space<hbm>>
        %dma_wait3A_65 = tpu.memref_slice %arg4[%mul3A_59] : memref<100000xi32, #tpu.memory_space<hbm>> -> memref<4000xi32, #tpu.memory_space<hbm>>
        tpu.wait_dma2 semaphore(%run_scoped3A : memref<!tpu.dma_semaphore, #tpu.memory_space<semaphore_mem>>) src(%dma_wait3A_65 : memref<4000xi32, #tpu.memory_space<hbm>>) dst(%arg16 : memref<4000xi32, #tpu.memory_space<vmem>>)
        tpu.yield
      }) : () -> ()
      %parallel_loop3A = arith.constant 0 : i32
      %parallel_loop3A_60 = arith.constant 250 : i32
      %parallel_loop3A_61 = arith.constant 1 : i32
      scf.for %parallel_loop3A_62 = %parallel_loop3A to %parallel_loop3A_60 step %parallel_loop3A_61  : i32 {
        %parallel_loop3A_63 = arith.constant 16 : i32
        %parallel_loop3A_64 = arith.muli %parallel_loop3A_62, %parallel_loop3A_63 : i32
        %parallel_loop3A_65 = arith.index_cast %parallel_loop3A_64 : i32 to index
        %parallel_loop3A_66 = tpu.vector_load %arg16[%parallel_loop3A_65] {strides = array<i32>} : memref<4000xi32, #tpu.memory_space<vmem>>, vector<16xi32>,
        %parallel_loop3A_67 = arith.constant 16 : i32
        %parallel_loop3A_68 = arith.muli %parallel_loop3A_62, %parallel_loop3A_67 : i32
        %parallel_loop3A_69 = vector.broadcast %parallel_loop3A_68 : i32 to vector<16xi32>
        %parallel_loop3A_70 = arith.addi %iota3A, %parallel_loop3A_69 : vector<16xi32>
        %parallel_loop3A_71 = arith.constant 40 : i32
        %parallel_loop3A_72 = vector.broadcast %parallel_loop3A_71 : i32 to vector<16xi32>
        %parallel_loop3A_73 = arith.addi %parallel_loop3A_66, %parallel_loop3A_72 : vector<16xi32>
        %parallel_loop3A_74 = tpu.vector_load_idx %arg18[%parallel_loop3A_73] : memref<64xi32, #tpu.memory_space<vmem>>[vector<16xi32>], vector<16xi32>,
        %parallel_loop3A_75 = arith.constant 0 : i32
        %parallel_loop3A_76 = vector.broadcast %parallel_loop3A_75 : i32 to vector<16xi32>
        %parallel_loop3A_77 = tpu.bitcast %parallel_loop3A_74 : vector<16xi32> -> vector<16xf32>
        tpu.vector_store_idx %arg17[%parallel_loop3A_70, %parallel_loop3A_76], %parallel_loop3A_77 : memref<4000x3xf32, #tpu.memory_space<vmem>>[vector<16xi32>, vector<16xi32>], vector<16xf32>,
        %parallel_loop3A_78 = arith.constant 42 : i32
        %parallel_loop3A_79 = vector.broadcast %parallel_loop3A_78 : i32 to vector<16xi32>
        %parallel_loop3A_80 = arith.addi %parallel_loop3A_66, %parallel_loop3A_79 : vector<16xi32>
        %parallel_loop3A_81 = tpu.vector_load_idx %arg18[%parallel_loop3A_80] : memref<64xi32, #tpu.memory_space<vmem>>[vector<16xi32>], vector<16xi32>,
        %parallel_loop3A_82 = arith.constant 1 : i32
        %parallel_loop3A_83 = vector.broadcast %parallel_loop3A_82 : i32 to vector<16xi32>
        %parallel_loop3A_84 = tpu.bitcast %parallel_loop3A_81 : vector<16xi32> -> vector<16xf32>
        tpu.vector_store_idx %arg17[%parallel_loop3A_70, %parallel_loop3A_83], %parallel_loop3A_84 : memref<4000x3xf32, #tpu.memory_space<vmem>>[vector<16xi32>, vector<16xi32>], vector<16xf32>,
        %parallel_loop3A_85 = arith.constant 44 : i32
        %parallel_loop3A_86 = vector.broadcast %parallel_loop3A_85 : i32 to vector<16xi32>
        %parallel_loop3A_87 = arith.addi %parallel_loop3A_66, %parallel_loop3A_86 : vector<16xi32>
        %parallel_loop3A_88 = tpu.vector_load_idx %arg18[%parallel_loop3A_87] : memref<64xi32, #tpu.memory_space<vmem>>[vector<16xi32>], vector<16xi32>,
        %parallel_loop3A_89 = arith.constant 2 : i32
        %parallel_loop3A_90 = vector.broadcast %parallel_loop3A_89 : i32 to vector<16xi32>
        %parallel_loop3A_91 = tpu.bitcast %parallel_loop3A_88 : vector<16xi32> -> vector<16xf32>
        tpu.vector_store_idx %arg17[%parallel_loop3A_70, %parallel_loop3A_90], %parallel_loop3A_91 : memref<4000x3xf32, #tpu.memory_space<vmem>>[vector<16xi32>, vector<16xi32>], vector<16xf32>,
      } {sc.loop_unroll_factor = 4 : i64, sc.parallel_access}
      "tpu.region"() ({
        %run_scoped3A = tpu.sem_alloc : memref<!tpu.dma_semaphore, #tpu.memory_space<semaphore_mem>>
        %dma_start3A_62 = arith.constant 0 : i32
        %dma_start3A_63 = tpu.memref_slice %arg7[%mul3A_59, %dma_start3A_62] : memref<100000x3xf32, #tpu.memory_space<hbm>> -> memref<4000x3xf32, #tpu.memory_space<hbm>>
        %dma_start3A_64 = arith.constant 0 : i32
        %dma_start3A_65 = tpu.memref_slice %arg7[%mul3A_59, %dma_start3A_64] : memref<100000x3xf32, #tpu.memory_space<hbm>> -> memref<4000x3xf32, #tpu.memory_space<hbm>>
        tpu.enqueue_dma source(%arg17 : memref<4000x3xf32, #tpu.memory_space<vmem>>) target(%dma_start3A_65 : memref<4000x3xf32, #tpu.memory_space<hbm>>) target_semaphore(%run_scoped3A : memref<!tpu.dma_semaphore, #tpu.memory_space<semaphore_mem>>)
        %dma_wait3A_66 = arith.constant 0 : i32
        %dma_wait3A_67 = tpu.memref_slice %arg7[%mul3A_59, %dma_wait3A_66] : memref<100000x3xf32, #tpu.memory_space<hbm>> -> memref<4000x3xf32, #tpu.memory_space<hbm>>
        %dma_wait3A_68 = arith.constant 0 : i32
        %dma_wait3A_69 = tpu.memref_slice %arg7[%mul3A_59, %dma_wait3A_68] : memref<100000x3xf32, #tpu.memory_space<hbm>> -> memref<4000x3xf32, #tpu.memory_space<hbm>>
        tpu.wait_dma2 semaphore(%run_scoped3A : memref<!tpu.dma_semaphore, #tpu.memory_space<semaphore_mem>>) src(%arg17 : memref<4000x3xf32, #tpu.memory_space<vmem>>) dst(%dma_wait3A_69 : memref<4000x3xf32, #tpu.memory_space<hbm>>)
        tpu.yield
      }) : () -> ()
    } else {
    }
    return
  }
}

</mosaic_0001>

<sc_bundles>
// kernel: kernel.3.cloned.1.call-start
scs
__scs_entry_jumppad:
0x0: {  	(pc) =	sbr.rel $0x88, $3  }
0x1: {  	(tag) =	ssettag $0x0;
	lr =	simm.s32 $0x1  }
0x2: {  	[smem:$0x3F9B] =	sst lr;
	_ =	strace $0xD0000000  }
0x3: {  	_ = 	snop  }
0x4: {  	_ = 	snop  }
0x5: {  	_ = 	snop  }
0x6: {  	_ = 	snop  }
0x7: {  	_ = 	snop  }
__scs_overlays_trampoline_lowered:
0x8: {  	[smem:$0x3FAA] =	sst s0  }
0x9: {  	[smem:$0x3FAB] =	sst s1  }
0xa: {  	[smem:$0x3FAC] =	sst s2  }
0xb: {  	[smem:$0x3FAD] =	sst s3  }
0xc: {  	[smem:$0x3FAE] =	sst s4  }
0xd: {  	[smem:$0x3FAF] =	sst s5  }
0xe: {  	[smem:$0x3FB0] =	sst s6  }
0xf: {  	[smem:$0x3FB1] =	sst s7  }
0x10: {  	[smem:$0x3FB2] =	sst s8  }
0x11: {  	[smem:$0x3FB3] =	sst s9;
	s0 =	simm.s32 @!p0 $0x0  }
0x12: {  	s1 =	sld [smem:$0x3F99];
	s0 =	simm.s32 @p0 $0x1  }
0x13: {  	[smem:$0x3FB4] =	sst s0;
	s0 =	simm.s32 @!p1 $0x0  }
0x14: {  	s2 =	sld [smem:$0x3F98];
	s0 =	simm.s32 @p1 $0x1  }
0x15: {  	[smem:$0x3FB5] =	sst s0;
	s0 =	simm.s32 @!p2 $0x0  }
0x16: {  	s3 =	sld [smem:$0x3FDB];
	s0 =	simm.s32 @p2 $0x1  }
0x17: {  	s4 =	simm.s32 $0x1BF5;
	[smem:$0x3FB7] =	sst s0  }
0x18: {  	s0 =	sld [smem:$0x3F9A];
	_ =	swait.ge [sflag:s4], $0x0  }
0x19: {  	s7 =	sld [smem:$0x3F9B]  }
0x1a: {  	s8 =	sadd.s32 $0xFFFFE003, lr  }
0x1b: {  	s9 =	sadd.s32 $0xFFFFFEF7, lr;
	s5 =	simm.s32 $0xFFFFFFFF;
	p2 =	slt.u32 s8, $0xFFFFF086  }
0x1c: {  	p1 =	slt.u32 s9, $0xF7A;
	s5 =	simm.s32 @!p2 $0x0  }
0x1d: {  	s5 =	simm.s32 @p1 $0x1;
	p0 =	seq.s32 s7, s2  }
0x1e: {  	s7 =	smul.u32 @!p0 $0xF7A, s2;
	p2 =	seq.s32 @!p0 s5, $0x0  }
0x1f: {  	s9 =	smul.u32 $0xF7A, s1;
	s8 =	simm.s32 @!p0 $0x1BF5;
	p2 =	por !p2, p0  }
0x20: {  	[sflag:s8] =	ssyncset.s32 @!p0 $0xFFFFF086;
	s6 =	sadd.s32 @!p0 s3, s7;
	s7 =	simm.s32 @!p0 $0x108  }
0x21: {  	s3 =	sadd.s32 s3, s9;
	s6 =	sadd.s32 @!p0 $0x88, s6;
	s7 =	simm.s32 @p2 $0x1082  }
0x22: {  	[simem:s7], [sflag:s8] =	dma.local @!p0 [hbm:s6], $0xF7A  }
0x23: {  	s9 =	sor.u32 $0xD0000000, s2;
	s6 =	simm.s32 $0x108;
	_ =	swait.ge @!p0 [sflag:s8], $0x0  }
0x24: {  	s3 =	sadd.s32 $0x88, s3;
	s6 =	simm.s32 @!p1 $0x1082;
	[sflag:s4] =	ssyncset.s32 $0xFFFFF086  }
0x25: {  	[simem:s6], [sflag:s4] =	dma.local [hbm:s3], $0xF7A  }
0x26: {  	[smem:$0x3F9B] =	sst s1;
	(tag) =	ssettag s2;
	_ =	strace s9  }
0x27: {  	s1 =	sld [smem:$0x3FAB]  }
0x28: {  	s2 =	sld [smem:$0x3FAC]  }
0x29: {  	s4 =	sld [smem:$0x3FAE]  }
0x2a: {  	p0 =	seq.s32 s5, $0x0;
	s5 =	sld [smem:$0x3FAF]  }
0x2b: {  	s6 =	sld [smem:$0x3FB0]  }
0x2c: {  	s7 =	sld [smem:$0x3FB1]  }
0x2d: {  	s3 =	simm.s32 $0x108;
	s8 =	sld [smem:$0x3FB2]  }
0x2e: {  	s3 =	simm.s32 @!p0 $0x1082;
	s9 =	sld [smem:$0x3FB3]  }
0x2f: {  	lr =	sadd.s32 s0, s3;
	s0 =	sld [smem:$0x3FAA]  }
0x30: {  	s3 =	sld [smem:$0x3FAD]  }
0x31: {  	[smem:$0x3FB6] =	sst s10  }
0x32: {  	s10 =	sld [smem:$0x3FB4];
	_ =	sdelay $0x3  }
0x33: {  	p0 =	seq.s32 s10, $0x1;
	s10 =	sld [smem:$0x3FB6];
	_ =	sdelay $0x3  }
0x34: {  	[smem:$0x3FB6] =	sst s10  }
0x35: {  	s10 =	sld [smem:$0x3FB5];
	_ =	sdelay $0x3  }
0x36: {  	p1 =	seq.s32 s10, $0x1;
	s10 =	sld [smem:$0x3FB6];
	_ =	sdelay $0x3  }
0x37: {  	[smem:$0x3FB6] =	sst s10  }
0x38: {  	s10 =	sld [smem:$0x3FB7]  }
0x39: {  	_ = 	snop;
	(pc) =	sbr.ind lr, $3  }
0x3a: {  	_ = 	snop  }
0x3b: {  	_ = 	snop  }
0x3c: {  	p2 =	seq.s32 s10, $0x1;
	s10 =	sld [smem:$0x3FB6]  }
0x3d: {  	_ =	shalt  }
0x3e: {  	_ =	shalt  }
0x3f: {  	_ =	shalt  }
0x40: {  	_ =	shalt  }
0x41: {  	_ =	shalt  }
0x42: {  	_ =	shalt  }
0x43: {  	_ =	shalt  }
0x44: {  	_ =	shalt  }
0x45: {  	_ =	shalt  }
0x46: {  	_ =	shalt  }
0x47: {  	_ =	shalt  }
0x48: {  	_ =	shalt  }
0x49: {  	_ =	shalt  }
0x4a: {  	_ =	shalt  }
0x4b: {  	_ =	shalt  }
0x4c: {  	_ =	shalt  }
0x4d: {  	_ =	shalt  }
0x4e: {  	_ =	shalt  }
0x4f: {  	_ =	shalt  }
0x50: {  	_ =	shalt  }
0x51: {  	_ =	shalt  }
0x52: {  	_ =	shalt  }
0x53: {  	_ =	shalt  }
0x54: {  	_ =	shalt  }
0x55: {  	_ =	shalt  }
0x56: {  	_ =	shalt  }
0x57: {  	_ =	shalt  }
0x58: {  	_ =	shalt  }
0x59: {  	_ =	shalt  }
0x5a: {  	_ =	shalt  }
0x5b: {  	_ =	shalt  }
0x5c: {  	_ =	shalt  }
0x5d: {  	_ =	shalt  }
0x5e: {  	_ =	shalt  }
0x5f: {  	_ =	shalt  }
0x60: {  	_ =	shalt  }
0x61: {  	_ =	shalt  }
0x62: {  	_ =	shalt  }
0x63: {  	_ =	shalt  }
0x64: {  	_ =	shalt  }
0x65: {  	_ =	shalt  }
0x66: {  	_ =	shalt  }
0x67: {  	_ =	shalt  }
0x68: {  	_ =	shalt  }
0x69: {  	_ =	shalt  }
0x6a: {  	_ =	shalt  }
0x6b: {  	_ =	shalt  }
0x6c: {  	_ =	shalt  }
0x6d: {  	_ =	shalt  }
0x6e: {  	_ =	shalt  }
0x6f: {  	_ =	shalt  }
0x70: {  	_ =	shalt  }
0x71: {  	_ =	shalt  }
0x72: {  	_ =	shalt  }
0x73: {  	_ =	shalt  }
0x74: {  	_ =	shalt  }
0x75: {  	_ =	shalt  }
0x76: {  	_ =	shalt  }
0x77: {  	_ =	shalt  }
0x78: {  	_ =	shalt  }
0x79: {  	_ =	shalt  }
0x7a: {  	_ =	shalt  }
0x7b: {  	_ =	shalt  }
0x7c: {  	_ =	shalt  }
0x7d: {  	_ =	shalt  }
0x7e: {  	_ =	shalt  }
0x7f: {  	_ =	shalt  }
0x80: {  	_ =	shalt  }
0x81: {  	_ =	shalt  }
0x82: {  	_ =	shalt  }
0x83: {  	_ =	shalt  }
0x84: {  	_ =	shalt  }
0x85: {  	_ =	shalt  }
0x86: {  	_ =	shalt  }
0x87: {  	_ =	shalt  }
.Lfunc_end0:
.L_simem_size_0:
called_computation_lowered:
.L_overlay_start_0:
0x88: {  	s2 =	sld [smem:$0x3FD9]  }
0x89: {  	s3 =	sld [smem:$0x3FFE];
	_ =	sdelay $0x1  }
0x8a: {  	s1 =	srdreg.scid  }
0x8b: {  	s0 =	sand.u32 $0x1, s1  }
0x8c: {  	s14 =	sshll.u32 s0, $0xA;
	s2 =	sadd.s32 s3, s2  }
0x8d: {  	s2 =	sadd.s32 s2, s14  }
0x8e: {  	[smem:$0x3FC2] =	sst s2  }
0x8f: {  	_ = 	snop  }
0x90: {  	s2 =	sld [smem:$0x3FD0];
	_ =	sdelay $0x1  }
0x91: {  	s15 =	sld [smem:$0x3FC8]  }
0x92: {  	s5 =	simm.s32 $0xA;
	s6 =	simm.s32 $0x10;
	s4 =	sld [smem:$0x3FC7]  }
0x93: {  	[smem:s6], [sflag:s5] =	dma.local [hbm:s2], $0x1  }
0x94: {  	_ =	swait.eq [sflag:s5], $0x1  }
0x95: {  	[sflag:s5] =	ssyncset.done $0x0  }
0x96: {  	s16 =	sld [smem:$0x10];
	[sflag:s5] =	ssyncadd.s32 $0xFFFFFFFF  }
0x97: {  	s17 =	sld [smem:$0x11];
	(tm) =	ssettm $0x1  }
0x98: {  	s18 =	sld [smem:$0x3FFB];
	_ =	sdelay $0x3  }
0x99: {  	_ =	strace s18  }
0x9a: {  	s6 =	sld [smem:$0x3FFC];
	_ =	sdelay $0x3  }
0x9b: {  	_ =	strace s6  }
0x9c: {  	s6 =	sld [smem:$0x3FFD];
	_ =	sdelay $0x3  }
0x9d: {  	_ =	strace s6  }
0x9e: {  	_ =	strace $0x8FFFFFFF  }
0x9f: {  	s19 =	sld [smem:$0x3FDB];
	_ =	sdelay $0x1  }
0xa0: {  	s7 =	simm.s32 $_scs_section_size  }
0xa1: {  	s8 =	simm.s32 $_size__tile_overlayer_lowered;
	s9 =	simm.s32 $_tile_overlayer_lowered  }
0xa2: {  	s22 =	simm.s32 $0x1BFF;
	s21 =	sshll.u32 s9, $0x1;
	s6 =	sadd.s32 s7, s19  }
0xa3: {  	s10 =	simm.s32 $0x0;
	s20 =	sshll.u32 s8, $0x1;
	s8 =	sadd.s32 s21, s6  }
0xa4: {  	[timem:s10], [sflag:s22] =	dma.local [hbm:s8], s20  }
0xa5: {  	_ =	swait.ge [sflag:s22], s20  }
0xa6: {  	s7 =	ssub.s32 $0x0, s20;
	[sflag:s22] =	ssyncset.done $0x0  }
0xa7: {  	[sflag:s22] =	ssyncadd.s32 s7;
	_ =	sdelay $0x1  }
0xa8: {  	s23 =	simm.s32 $0x1B8B  }
0xa9: {  	_ =	swait.ge [sflag:s23], $0x1  }
0xaa: {  	[sflag:s23] =	ssyncset.done $0x0  }
0xab: {  	s25 =	simm.s32 $0x1B8E;
	s24 =	sld [smem:$0x3FFE];
	[sflag:s23] =	ssyncadd.s32 $0xFFFFFFFF  }
0xac: {  	s26 =	simm.s32 $execute0_lowered;
	[smem:$0x3FD2] =	sst s25  }
0xad: {  	s8 =	sshll.u32 s26, $0x1;
	_ =	strace $0x80000046;
	[dreg:$0x1] =	wrdreg $0xFFFFFFFF  }
0xae: {  	s28 =	simm.s32 $_size_execute0_lowered;
	s6 =	sadd.s32 s6, s8;
	[dreg:$0x0] =	wrdreg $0x0  }
0xaf: {  	s8 =	sshll.u32 s28, $0x1;
	[dreg:$0x2] =	wrdreg s6  }
0xb0: {  	[dreg:$0x3] =	wrdreg s8  }
0xb1: {  	[dreg:$0x4] =	wrdreg $0xC0  }
0xb2: {  	_ =	task [dreg:s10], $0x5FFFF  }
0xb3: {  	[dreg:$0x1] =	wrdreg $0xFFFFFFFF  }
0xb4: {  	[dreg:$0x0] =	wrdreg $0x60  }
0xb5: {  	[dreg:$0x2] =	wrdreg s24  }
0xb6: {  	[dreg:$0x3] =	wrdreg s15  }
0xb7: {  	[dreg:$0x4] =	wrdreg s4  }
0xb8: {  	[dreg:$0x5] =	wrdreg s17  }
0xb9: {  	[dreg:$0x6] =	wrdreg s16  }
0xba: {  	[dreg:$0x7] =	wrdreg $0x9  }
0xbb: {  	_ =	task.clear_ibuf [dreg:s10], $0x8FFFF;
	_ =	strace $0x90000046  }
0xbc: {  	s29 =	simm.s32 $0x9;
	_ =	strace $0x80000048  }
0xbd: {  	_ =	swait.ge [sflag:s29], $0x1  }
0xbe: {  	[sflag:s29] =	ssyncadd.s32 $0xFFFFFFFF  }
0xbf: {  	_ =	strace $0x90000048  }
0xc0: {  	_ =	sfence  }
0xc1: {  	s30 =	sld [smem:$0x0];
	_ =	sdelay $0x2  }
0xc2: {  	s31 =	sshll.u32 s1, $0xD;
	s1 =	sshrl.u32 s1, $0x2  }
0xc3: {  	s3 =	sand.u32 $0x4000, s31;
	s1 =	sadd.s32 s1, s30  }
0xc4: {  	s0 =	sor.u32 s3, s0;
	s1 =	sshll.u32 s1, $0x11  }
0xc5: {  	s0 =	sor.u32 s1, s0  }
0xc6: {  	s0 =	sadd.s32 $0x8F2B, s0  }
0xc7: {  	[sflag:s0] =	ssyncadd.remote.s32 $0x1  }
0xc8: {  	_ =	sfence.sel $0xFFFF  }
0xc9: {  	[dreg:$0x0] =	wrdreg $0xFFFFFFFF;
	(pc) =	sbr.abs _section_cstart, $3  }
0xca: {  	[dreg:$0x1] =	wrdreg $0xFFFFFFFF  }
0xcb: {  	_ =	task.clear_ibuf [dreg:s10], $0x2FFFF;
	_ =	strace $0x9FFFFFFF  }
0xcc: {  	(tm) =	ssettm $0x7FFFFFFF  }
0xcd: {  	_ =	shalt  }
tec
execute0_lowered:
.L_overlay_start_1:
0x0: {  	(tag) =	ssettag $0x1  }
0x1: {  	s0 =	rddreg [dreg:$0x0]  }
0x2: {  	s7 =	rddreg [dreg:$0x1]  }
0x3: {  	s1 =	rddreg [dreg:$0x2]  }
0x4: {  	s2 =	srdreg.scid;
	s3 =	stileid.u32  }
0x5: {  	s4 =	simm.s32 $0x0;
	s2 =	sand.u32 $0x1, s2;
	s3 =	sshll.u32 s3, $0x1  }
0x6: {  	s14 =	simm.s32 $0x1D1A0;
	[smem:$0x7FF] =	sst s4;
	s8 =	sor.u32 s2, s3  }
0x7: {  	s9 =	sadd.s32 $0x1000, s0;
	_ =	strace $0x80000047;
	s3 =	smul.u32 $0xFA0, s8  }
0x8: {  	s2 =	ssub.s32 $0x2, s2;
	[dreg:$0x7] =	wrdreg s9;
	s26 =	smul.u32 $0x190, s8  }
0x9: {  	s5 =	sshrl.u32 s2, $0x1;
	s30 =	sor.u32 $0x40, s8;
	[dreg:$0x6] =	wrdreg s8  }
0xa: {  	s6 =	smul.u32 $0x1F4, s8;
	[dreg:$0xa] =	wrdreg s30;
	s28 =	sadd.s32 s9, s26  }
.Ltmp0:
0xb: {  	s29 =	sadd.s32 s7, s26;
	[dreg:$0x8] =	wrdreg s28;
	(pc) =	sbr.rel .LBB2_1-.Ltmp0, $4  }
0xc: {  	v0 =	vlaneseq.u32;
	s2 =	ssub.s32 s2, s5;
	s1 =	sadd.s32 s1, s6;
	[dreg:$0x9] =	wrdreg s29  }
0xd: {  	v39 =	vmul.u32 $0x8, v0;
	s0 =	sadd.s32 s3, s0;
	s31 =	smax.u32 s2, $0x1;
	[dreg:$0xb] =	wrdreg s1  }
0xe: {  	p0 =	sgt.u32 s8, $0x18;
	s0 =	sadd.s32 $0x62C00, s0;
	[dreg:$0xd] =	wrdreg s31  }
0xf: {  	[tilespmem:$0x1FFF0] =	vst v39;
	s6 =	simm.s32 $0x5;
	s1 =	simm.s32 $0x0;
	[dreg:$0xc] =	wrdreg s0  }
.LBB2_15:
0x10: {  	s1 =	sadd.s32 $0x1, s1;
	s0 =	rddreg [dreg:$0xd]  }
0x11: {  	p1 =	sne.s32 s1, s0  }
.Ltmp1:
0x12: {  	_ = 	snop;
	(pc) =	sbr.rel @!p1 .LBB2_16-.Ltmp1, $1  }
0x13: {  	_ =	sdelay $0x3  }
.LBB2_1:
0x14: {  	[dreg:$0xe] =	wrdreg s1  }
0x15: {  	s0 =	rddreg [dreg:$0x3];
	s28 =	simm.s32 $0x0  }
0x16: {  	[tilespmem:s14], [sflag:$0x5] =	stream.linear.gather [hbm4b:s0+s28], $0x40, $0x38;
	[tilespmem:$0x1D1E0] =	vst v63  }
0x17: {  	_ =	swait.ge [sflag:s6], $0x40  }
.Ltmp2:
0x18: {  	s2 =	simm.s32 $0xC80;
	[sflag:s6] =	ssyncset.done $0x0;
	(pc) =	sbr.rel .LBB2_2-.Ltmp2, $4  }
0x19: {  	s3 =	simm.s32 $0x186A00;
	s29 =	rddreg [dreg:$0x8];
	[sflag:s6] =	ssyncadd.s32 $0xFFFFFFC0  }
0x1a: {  	[tilespmem:s28], [sflag:$0x1] =	stream.strided.gather [hbm4b:s29+s2], $0x1900, s3, s2, $0x38;
	[tilespmem:$0x1D1E0] =	vst v63  }
0x1b: {  	s31 =	simm.s32 $0x3200;
	s5 =	simm.s32 $0x0;
	s30 =	rddreg [dreg:$0x9]  }
0x1c: {  	[tilespmem:s31], [sflag:$0x1] =	stream.linear.gather [hbm4b:s30+s28], $0xC80, $0x38;
	[tilespmem:$0x1D1E0] =	vst v63  }
.LBB2_8:
0x1d: {  	s5 =	rddreg [dreg:$0xf]  }
0x1e: {  	s5 =	sadd.s32 $0x1, s5  }
0x1f: {  	p1 =	sne.s32 s5, $0x8  }
.Ltmp3:
0x20: {  	_ = 	snop;
	(pc) =	sbr.rel @!p1 .LBB2_9-.Ltmp3, $1  }
0x21: {  	_ =	sdelay $0x3  }
.LBB2_2:
0x22: {  	s1 =	sshll.u32 s5, $0x6;
	s0 =	rddreg [dreg:$0x6]  }
0x23: {  	s0 =	sor.u32 s0, s1  }
0x24: {  	[dreg:$0x12] =	wrdreg s0;
	s0 =	sor.u32 $0x20, s0  }
0x25: {  	[dreg:$0x11] =	wrdreg s1;
	p2 =	sgt.u32 s0, $0x1F3  }
0x26: {  	[dreg:$0x10] =	wrdreg s0;
	s0 =	smul.u32 @!p2 $0x190, s0  }
0x27: {  	s1 =	rddreg [dreg:$0x7];
	s2 =	simm.s32 @!p2 $0xC80  }
0x28: {  	s3 =	simm.s32 @!p2 $0x186A00;
	s4 =	simm.s32 @!p2 $0x1900;
	s1 =	sadd.s32 @!p2 s1, s0  }
0x29: {  	[tilespmem:s4], [sflag:$0x2] =	stream.strided.gather @!p2 [hbm4b:s1+s2], $0x1900, s3, s2, $0x38;
	[tilespmem:$0x1D1E0] =	vst v63  }
0x2a: {  	s18 =	simm.s32 $0x1;
	s1 =	rddreg [dreg:$0x1]  }
0x2b: {  	s2 =	simm.s32 @!p2 $0x3E80;
	s0 =	sadd.s32 @!p2 s1, s0;
	s1 =	simm.s32 @!p2 $0x0  }
0x2c: {  	[tilespmem:s2], [sflag:$0x2] =	stream.linear.gather @!p2 [hbm4b:s0+s1], $0xC80, $0x38;
	[tilespmem:$0x1D1E0] =	vst v63  }
0x2d: {  	_ =	swait.ge [sflag:s18], $0x1900  }
0x2e: {  	[sflag:s18] =	ssyncset.done $0x0  }
0x2f: {  	[sflag:s18] =	ssyncadd.s32 $0xFFFFE700  }
0x30: {  	_ =	swait.ge [sflag:s18], $0xC80  }
0x31: {  	p1 =	seq.s32 s5, $0x0;
	[sflag:s18] =	ssyncset.done $0x0  }
0x32: {  	s0 =	simm.s32 @!p1 $0x3;
	[dreg:$0xf] =	wrdreg s5;
	[sflag:s18] =	ssyncadd.s32 $0xFFFFF380  }
0x33: {  	_ =	swait.ge @!p1 [sflag:s0], $0x6400  }
0x34: {  	[sflag:s0] =	ssyncset.done @!p1 $0x0  }
0x35: {  	[sflag:s0] =	ssyncadd.s32 @!p1 $0xFFFF9C00  }
0x36: {  	_ =	swait.ge @!p1 [sflag:s0], $0x1900  }
0x37: {  	[sflag:s0] =	ssyncset.done @!p1 $0x0  }
0x38: {  	s19 =	simm.s32 $0x3220;
	[sflag:s0] =	ssyncadd.s32 @!p1 $0xFFFFE700  }
0x39: {  	v1 =	vld [tilespmem:s19+$0x10];
	_ =	sdelay $0x4  }
0x3a: {  	v0 =	vand.u32 $0x7FFFFF, v1  }
0x3b: {  	v2 =	vld [tilespmem:s19+$0xFFFFFFE0];
	v3 =	vor.u32 $0x3F800000, v0  }
0x3c: {  	s20 =	simm.s32 $0xCB0;
	v4 =	vld [tilespmem:s19+$0xFFFFFFF0];
	v5 =	vmul.f32 $5.486285310e-02, v3  }
0x3d: {  	v6 =	vld [tilespmem:s20+$0xFFFFF380]  }
0x3e: {  	v7 =	vld [tilespmem:s20+$0x0];
	v5 =	vsub.f32 $4.358618560e-01, v5;
	_ =	sdelay $0x1  }
0x3f: {  	v8 =	vadd.f32 $-6.000000000e+00, v1;
	v5 =	vmul.f32 v3, v5  }
0x40: {  	v9 =	vand.u32 $0x7FFFFF, v2;
	v10 =	vadd.f32 $-6.000000000e+00, v2;
	v0 =	vld [tilespmem:s19+$0x0]  }
0x41: {  	v6 =	vshll.u32 v6, $0x1;
	v8 =	vmul.f32 $5.000000000e+00, v8;
	v5 =	vadd.f32 $-1.442481040e+00, v5  }
0x42: {  	v11 =	vand.u32 $0x7FFFFF, v4;
	v13 =	vshra.s32 v1, $0x17;
	v6 =	vadd.s32 v7, v6  }
0x43: {  	v13 =	vadd.s32 $0xFFFFFF81, v13;
	v7 =	vmul.f32 $1.442695020e+00, v8;
	v5 =	vmul.f32 v3, v5  }
0x44: {  	v9 =	vor.u32 $0x3F800000, v9;
	v11 =	vor.u32 $0x3F800000, v11;
	v13 =	vcvt.s32.f32 v13  }
0x45: {  	v12 =	vand.u32 $0x7FFFFF, v0;
	(erf) = vpow2.f32 v7;
	v5 =	vadd.f32 $2.792255160e+00, v5  }
0x46: {  	v8 =	vmul.f32 $5.486285310e-02, v9;
	v7 =	vmul.f32 $5.486285310e-02, v11;
	v12 =	vor.u32 $0x3F800000, v12  }
0x47: {  	v14 =	vmul.f32 $5.486285310e-02, v12;
	v3 =	vmul.f32 v3, v5  }
0x48: {  	v10 =	vmul.f32 $5.000000000e+00, v10;
	v8 =	vsub.f32 $4.358618560e-01, v8;
	v5 =	vsub.f32 $4.358618560e-01, v7;
	v7 =	vld.idx.msk [tilespmem:v6+s14+$0x0], $0xffff  }
0x49: {  	v13 =	vmul.f32 $6.931471820e-01, v13;
	v14 =	vsub.f32 $4.358618560e-01, v14;
	v3 =	vadd.f32 $-1.730631710e+00, v3  }
0x4a: {  	v15 =	vadd.f32 $-6.000000000e+00, v4;
	v10 =	vmul.f32 $1.442695020e+00, v10;
	v8 =	vmul.f32 v9, v8  }
0x4b: {  	v14 =	vmul.f32 v12, v14;
	v17 =	vmul.f32 v11, v5;
	v5 =	vadd.f32 v3, v13  }
0x4c: {  	v16 =	vadd.f32 $-6.000000000e+00, v0;
	v3 =	vadd.f32 $-1.442481040e+00, v8;
	v8 =	vmul.f32 $5.000000000e+00, v15  }
0x4d: {  	v19 =	vld [tilespmem:s20+$0xFFFFF360];
	(erf) = vpow2.f32 v10;
	v14 =	vadd.f32 $-1.442481040e+00, v14;
	v15 =	vmul.f32 v7, v5  }
0x4e: {  	v18 =	vpop (erf);
	v13 =	vmul.f32 $5.000000000e+00, v16;
	v8 =	vmul.f32 $1.442695020e+00, v8  }
0x4f: {  	v10 =	vadd.f32 $1.000000000e+00, v18;
	v18 =	vld [tilespmem:s20+$0xFFFFF370];
	v14 =	vmul.f32 v12, v14;
	v15 =	vmul.f32 $1.442695020e+00, v15  }
0x50: {  	v16 =	vld [tilespmem:s20+$0xFFFFF350];
	v13 =	vmul.f32 $1.442695020e+00, v13;
	(erf) = vpow2.f32 v8  }
0x51: {  	v1 =	vmul.f32 v10, v1;
	v8 =	vld [tilespmem:s20+$0xFFFFFFD0];
	(erf) = vpow2.f32 v15  }
0x52: {  	v19 =	vshll.u32 v19, $0x1;
	v10 =	vld [tilespmem:s20+$0xFFFFFFE0];
	v14 =	vadd.f32 $2.792255160e+00, v14;
	(erf) = vpow2.f32 v13  }
0x53: {  	v22 =	vshra.s32 v0, $0x17;
	v3 =	vmul.f32 v9, v3;
	v13 =	vld [tilespmem:s20+$0xFFFFFFF0];
	(erf) = vrcp.f32 v1  }
0x54: {  	v17 =	vadd.f32 $-1.442481040e+00, v17;
	v12 =	vmul.f32 v12, v14;
	v7 =	vshll.u32 v7, $0x10  }
0x55: {  	v18 =	vshll.u32 v18, $0x1;
	v3 =	vadd.f32 $2.792255160e+00, v3;
	v16 =	vshll.u32 v16, $0x1  }
0x56: {  	v12 =	vadd.f32 $-1.730631710e+00, v12;
	v15 =	vmul.f32 v11, v17;
	v21 =	vadd.s32 v8, v16  }
0x57: {  	v20 =	vadd.s32 v10, v19;
	v19 =	vadd.s32 $0x4, v6;
	v17 =	vshra.s32 v2, $0x17  }
0x58: {  	v10 =	vpop (erf);
	v3 =	vmul.f32 v9, v3;
	v15 =	vadd.f32 $2.792255160e+00, v15;
	v16 =	vadd.s32 v13, v18  }
0x59: {  	v10 =	vadd.f32 $1.000000000e+00, v10;
	v1 =	vshra.s32 v4, $0x17;
	v8 =	vadd.s32 $0xFFFFFF81, v17;
	v13 =	vpop (erf)  }
0x5a: {  	v1 =	vadd.s32 $0xFFFFFF81, v1;
	v9 =	vmul.f32 v11, v15;
	v8 =	vcvt.s32.f32 v8;
	v14 =	vpop (erf)  }
0x5b: {  	s21 =	simm.s32 $0x0;
	v11 =	vadd.s32 $0xFFFFFF81, v22;
	v1 =	vcvt.s32.f32 v1;
	v18 =	vld.idx.msk [tilespmem:v21+s14+$0x0], $0xffff;
	v7 =	vmul.f32 v7, v14;
	v23 =	vpop (erf)  }
0x5c: {  	s22 =	simm.s32 $0x30;
	s0 =	sand.u32 $0x3FFFFC00, s21;
	v3 =	vadd.f32 $-1.730631710e+00, v3;
	v24 =	vld.idx.msk [tilespmem:v20+s14+$0x0], $0xffff;
	v11 =	vcvt.s32.f32 v11;
	v8 =	vmul.f32 $6.931471820e-01, v8;
	v22 =	vpop (erf)  }
0x5d: {  	s24 =	sand.u32 $0x70, s22;
	s23 =	sadd.s32 $0x4B00, s0;
	v9 =	vadd.f32 $-1.730631710e+00, v9;
	v1 =	vmul.f32 $6.931471820e-01, v1;
	v25 =	vld.idx.msk [tilespmem:v16+s14+$0x0], $0xffff;
	v7 =	vmul.f32 v7, v22  }
0x5e: {  	s6 =	sor.u32 s24, s23;
	v11 =	vmul.f32 $6.931471820e-01, v11;
	v17 =	vadd.f32 v3, v8;
	v3 =	vadd.f32 $1.000000000e+00, v13  }
0x5f: {  	v57 =	vadd.f32 v9, v1;
	v1 =	vmul.f32 v10, v2;
	[tilespmem:s6+$0x0] =	vst v7  }
0x60: {  	v14 =	vadd.f32 v12, v11;
	v2 =	vmul.f32 v3, v4;
	v3 =	vmul.f32 v18, v17;
	v4 =	vld.idx.msk [tilespmem:v19+s14+$0x0], $0xffff  }
0x61: {  	(erf) = vrcp.f32 v1;
	v1 =	vmul.f32 v24, v57  }
0x62: {  	v3 =	vmul.f32 $1.442695020e+00, v3;
	v7 =	vmul.f32 v25, v14  }
0x63: {  	v1 =	vmul.f32 $1.442695020e+00, v1;
	(erf) = vrcp.f32 v2  }
0x64: {  	v2 =	vadd.f32 $1.000000000e+00, v23;
	(erf) = vpow2.f32 v3;
	v7 =	vmul.f32 $1.442695020e+00, v7  }
0x65: {  	(erf) = vpow2.f32 v1;
	v1 =	vmul.f32 v4, v5  }
0x66: {  	v0 =	vmul.f32 v2, v0;
	(erf) = vpow2.f32 v7  }
0x67: {  	v1 =	vmul.f32 $1.442695020e+00, v1  }
0x68: {  	(erf) = vrcp.f32 v0  }
0x69: {  	(erf) = vpow2.f32 v1;
	_ =	sdelay $0x1  }
0x6a: {  	v13 =	vpop (erf)  }
0x6b: {  	v3 =	vshll.u32 v24, $0x10;
	v11 =	vpop (erf)  }
0x6c: {  	v0 =	vshll.u32 v18, $0x10;
	v1 =	vpop (erf)  }
0x6d: {  	v2 =	vadd.s32 $0x4, v21;
	v8 =	vshll.u32 v25, $0x10;
	v0 =	vmul.f32 v0, v1;
	v1 =	vpop (erf)  }
0x6e: {  	s25 =	simm.s32 $0x0;
	v7 =	vadd.s32 $0x4, v20;
	v1 =	vmul.f32 v3, v1;
	v3 =	vpop (erf)  }
0x6f: {  	s26 =	simm.s32 $0x10;
	s5 =	sand.u32 $0x40, s25;
	v9 =	vadd.s32 $0x4, v16;
	v0 =	vmul.f32 v0, v13;
	v3 =	vmul.f32 v8, v3  }
0x70: {  	s30 =	simm.s32 $0x20;
	s2 =	sand.u32 $0x50, s26;
	s13 =	sor.u32 s5, s23;
	v8 =	vpop (erf);
	v1 =	vmul.f32 v1, v11  }
0x71: {  	s8 =	sand.u32 $0x60, s30;
	s12 =	sor.u32 s2, s23;
	[tilespmem:s13+$0x0] =	vst v0;
	v0 =	vmul.f32 v3, v8;
	v3 =	vshll.u32 v4, $0x10;
	v4 =	vpop (erf)  }
0x72: {  	s9 =	sor.u32 s8, s23;
	v2 =	vld.idx.msk [tilespmem:v2+s14+$0x0], $0xffff;
	[tilespmem:s12+$0x0] =	vst v1;
	v1 =	vmul.f32 v3, v4;
	v3 =	vadd.s32 $0x8, v6  }
0x73: {  	v4 =	vld.idx.msk [tilespmem:v7+s14+$0x0], $0xffff;
	[tilespmem:s9+$0x0] =	vst v0  }
0x74: {  	v0 =	vld.idx.msk [tilespmem:v9+s14+$0x0], $0xffff;
	v1 =	vmul.f32 v1, v22;
	_ =	sdelay $0x1  }
0x75: {  	[tilespmem:s6+$0x80] =	vst v1  }
0x76: {  	v1 =	vmul.f32 v2, v17;
	v3 =	vld.idx.msk [tilespmem:v3+s14+$0x0], $0xffff  }
0x77: {  	v7 =	vmul.f32 v4, v57  }
0x78: {  	v10 =	vmov v8;
	v1 =	vmul.f32 $1.442695020e+00, v1;
	v8 =	vmul.f32 v0, v14  }
0x79: {  	v7 =	vmul.f32 $1.442695020e+00, v7  }
0x7a: {  	v8 =	vmul.f32 $1.442695020e+00, v8;
	(erf) = vpow2.f32 v1  }
0x7b: {  	(erf) = vpow2.f32 v7;
	v1 =	vmul.f32 v3, v5  }
0x7c: {  	(erf) = vpow2.f32 v8  }
0x7d: {  	v1 =	vmul.f32 $1.442695020e+00, v1;
	_ =	sdelay $0x1  }
0x7e: {  	(erf) = vpow2.f32 v1;
	_ =	sdelay $0x2  }
0x7f: {  	v4 =	vshll.u32 v4, $0x10  }
0x80: {  	v1 =	vshll.u32 v2, $0x10;
	v2 =	vpop (erf)  }
0x81: {  	v7 =	vadd.s32 $0x8, v21;
	v1 =	vmul.f32 v1, v2;
	v2 =	vpop (erf)  }
0x82: {  	v0 =	vshll.u32 v0, $0x10;
	v8 =	vadd.s32 $0x8, v20;
	v2 =	vmul.f32 v4, v2;
	v4 =	vpop (erf)  }
0x83: {  	v9 =	vadd.s32 $0x8, v16;
	v1 =	vmul.f32 v1, v13;
	v0 =	vmul.f32 v0, v4  }
0x84: {  	v2 =	vmul.f32 v2, v11  }
0x85: {  	[tilespmem:s13+$0x80] =	vst v1;
	v0 =	vmul.f32 v0, v10;
	v1 =	vshll.u32 v3, $0x10;
	v3 =	vpop (erf)  }
0x86: {  	v4 =	vld.idx.msk [tilespmem:v7+s14+$0x0], $0xffff;
	[tilespmem:s12+$0x80] =	vst v2;
	v2 =	vadd.s32 $0xC, v6;
	v1 =	vmul.f32 v1, v3  }
0x87: {  	v3 =	vld.idx.msk [tilespmem:v8+s14+$0x0], $0xffff;
	[tilespmem:s9+$0x80] =	vst v0  }
0x88: {  	v0 =	vld.idx.msk [tilespmem:v9+s14+$0x0], $0xffff;
	v1 =	vmul.f32 v1, v22;
	_ =	sdelay $0x1  }
0x89: {  	[tilespmem:s6+$0x100] =	vst v1  }
0x8a: {  	v1 =	vmul.f32 v4, v17;
	v2 =	vld.idx.msk [tilespmem:v2+s14+$0x0], $0xffff  }
0x8b: {  	v7 =	vmul.f32 v3, v57  }
0x8c: {  	v1 =	vmul.f32 $1.442695020e+00, v1;
	v8 =	vmul.f32 v0, v14  }
0x8d: {  	v7 =	vmul.f32 $1.442695020e+00, v7  }
0x8e: {  	v8 =	vmul.f32 $1.442695020e+00, v8;
	(erf) = vpow2.f32 v1  }
0x8f: {  	(erf) = vpow2.f32 v7;
	v1 =	vmul.f32 v2, v5  }
0x90: {  	(erf) = vpow2.f32 v8  }
0x91: {  	v1 =	vmul.f32 $1.442695020e+00, v1;
	_ =	sdelay $0x1  }
0x92: {  	(erf) = vpow2.f32 v1;
	_ =	sdelay $0x3  }
0x93: {  	v1 =	vshll.u32 v4, $0x10;
	v4 =	vpop (erf)  }
0x94: {  	v3 =	vshll.u32 v3, $0x10;
	v7 =	vadd.s32 $0xC, v21;
	v1 =	vmul.f32 v1, v4;
	v4 =	vpop (erf)  }
0x95: {  	v0 =	vshll.u32 v0, $0x10;
	v8 =	vadd.s32 $0xC, v20;
	v3 =	vmul.f32 v3, v4;
	v4 =	vpop (erf)  }
0x96: {  	v9 =	vadd.s32 $0xC, v16;
	v1 =	vmul.f32 v1, v13;
	v0 =	vmul.f32 v0, v4  }
0x97: {  	v3 =	vmul.f32 v3, v11  }
0x98: {  	[tilespmem:s13+$0x100] =	vst v1;
	v0 =	vmul.f32 v0, v10;
	v1 =	vshll.u32 v2, $0x10;
	v2 =	vpop (erf)  }
0x99: {  	v4 =	vld.idx.msk [tilespmem:v7+s14+$0x0], $0xffff;
	[tilespmem:s12+$0x100] =	vst v3;
	v1 =	vmul.f32 v1, v2;
	v2 =	vadd.s32 $0x10, v6  }
0x9a: {  	v3 =	vld.idx.msk [tilespmem:v8+s14+$0x0], $0xffff;
	[tilespmem:s9+$0x100] =	vst v0  }
0x9b: {  	v0 =	vld.idx.msk [tilespmem:v9+s14+$0x0], $0xffff;
	v1 =	vmul.f32 v1, v22;
	_ =	sdelay $0x1  }
0x9c: {  	[tilespmem:s6+$0x180] =	vst v1  }
0x9d: {  	v1 =	vld.idx.msk [tilespmem:v2+s14+$0x0], $0xffff;
	v2 =	vmul.f32 v4, v17  }
0x9e: {  	v7 =	vmul.f32 v3, v57  }
0x9f: {  	v8 =	vmul.f32 v0, v14;
	v2 =	vmul.f32 $1.442695020e+00, v2  }
0xa0: {  	v7 =	vmul.f32 $1.442695020e+00, v7  }
0xa1: {  	v8 =	vmul.f32 $1.442695020e+00, v8;
	(erf) = vpow2.f32 v2  }
0xa2: {  	(erf) = vpow2.f32 v7  }
0xa3: {  	v2 =	vmul.f32 v1, v5;
	(erf) = vpow2.f32 v8;
	_ =	sdelay $0x1  }
0xa4: {  	v2 =	vmul.f32 $1.442695020e+00, v2;
	_ =	sdelay $0x1  }
0xa5: {  	(erf) = vpow2.f32 v2;
	_ =	sdelay $0x2  }
0xa6: {  	s31 =	simm.s32 $0x3260;
	v2 =	vshll.u32 v4, $0x10;
	v4 =	vpop (erf)  }
0xa7: {  	v9 =	vld [tilespmem:s31+$0x10];
	v3 =	vshll.u32 v3, $0x10;
	v8 =	vadd.s32 $0x10, v21;
	v2 =	vmul.f32 v2, v4;
	v4 =	vpop (erf)  }
0xa8: {  	v0 =	vshll.u32 v0, $0x10;
	v3 =	vmul.f32 v3, v4;
	v4 =	vpop (erf)  }
0xa9: {  	v18 =	vadd.s32 $0x10, v16;
	v12 =	vmovc v11;
	v7 =	vld [tilespmem:s31+$0xFFFFFFE0];
	v2 =	vmul.f32 v2, v13;
	v0 =	vmul.f32 v0, v4  }
0xaa: {  	v11 =	vmov v10;
	v10 =	vadd.s32 $0x10, v20;
	v4 =	vld [tilespmem:s31+$0xFFFFFFF0];
	v19 =	vmul.f32 v3, v12  }
0xab: {  	v3 =	vld [tilespmem:s31+$0x0];
	[tilespmem:s13+$0x180] =	vst v2;
	v0 =	vmul.f32 v0, v11  }
0xac: {  	s3 =	simm.s32 $0xCF0;
	v1 =	vshll.u32 v1, $0x10;
	v23 =	vpop (erf);
	[tilespmem:s12+$0x180] =	vst v19;
	v2 =	vld.idx.msk [tilespmem:v8+s14+$0x0], $0xffff;
	v8 =	vand.u32 $0x7FFFFF, v9  }
0xad: {  	v23 =	vmul.f32 v1, v23;
	v19 =	vld [tilespmem:s3+$0xFFFFF380];
	[tilespmem:s9+$0x180] =	vst v0;
	v8 =	vor.u32 $0x3F800000, v8  }
0xae: {  	v24 =	vadd.s32 $0x14, v6;
	v0 =	vld.idx.msk [tilespmem:v18+s14+$0x0], $0xffff;
	v18 =	vmul.f32 $5.486285310e-02, v8  }
0xaf: {  	v1 =	vld.idx.msk [tilespmem:v10+s14+$0x0], $0xffff;
	v10 =	vmul.f32 v23, v22  }
0xb0: {  	v26 =	vld [tilespmem:s3+$0x0];
	v18 =	vsub.f32 $4.358618560e-01, v18  }
0xb1: {  	v27 =	vadd.f32 $-6.000000000e+00, v9;
	v39 =	vshra.s32 v9, $0x17;
	[tilespmem:s6+$0x200] =	vst v10;
	v10 =	vand.u32 $0x7FFFFF, v7  }
0xb2: {  	v25 =	vand.u32 $0x7FFFFF, v4;
	v10 =	vor.u32 $0x3F800000, v10;
	v18 =	vmul.f32 v8, v18  }
0xb3: {  	v27 =	vmul.f32 $5.000000000e+00, v27;
	v29 =	vor.u32 $0x3F800000, v25;
	v24 =	vld.idx.msk [tilespmem:v24+s14+$0x0], $0xffff;
	v28 =	vmul.f32 $5.486285310e-02, v10  }
0xb4: {  	v30 =	vand.u32 $0x7FFFFF, v3;
	v19 =	vshll.u32 v19, $0x1;
	v18 =	vadd.f32 $-1.442481040e+00, v18  }
0xb5: {  	v34 =	vsub.f32 $4.358618560e-01, v28;
	v28 =	vadd.s32 v26, v19;
	v19 =	vmul.f32 $1.442695020e+00, v27  }
0xb6: {  	v31 =	vmul.f32 $5.486285310e-02, v29;
	v30 =	vor.u32 $0x3F800000, v30;
	v18 =	vmul.f32 v8, v18  }
0xb7: {  	v62 =	vadd.s32 $0xFFFFFF81, v39;
	v26 =	vmul.f32 $5.486285310e-02, v30;
	(erf) = vpow2.f32 v19  }
0xb8: {  	v27 =	vsub.f32 $4.358618560e-01, v31;
	v31 =	vmul.f32 v24, v5;
	v18 =	vadd.f32 $2.792255160e+00, v18  }
0xb9: {  	v19 =	vmul.f32 v10, v34;
	v34 =	vcvt.s32.f32 v62  }
0xba: {  	v31 =	vmul.f32 $1.442695020e+00, v31;
	v8 =	vmul.f32 v8, v18  }
0xbb: {  	v23 =	vadd.f32 $-6.000000000e+00, v7;
	v26 =	vsub.f32 $4.358618560e-01, v26;
	v27 =	vmul.f32 v29, v27  }
0xbc: {  	v63 =	vld.idx.msk [tilespmem:v28+s14+$0x0], $0xffff;
	(erf) = vpow2.f32 v31;
	v31 =	vmul.f32 $6.931471820e-01, v34;
	v8 =	vadd.f32 $-1.730631710e+00, v8  }
0xbd: {  	v33 =	vld [tilespmem:s3+$0xFFFFF370];
	v42 =	vmul.f32 $5.000000000e+00, v23;
	v27 =	vadd.f32 $-1.442481040e+00, v27;
	v26 =	vmul.f32 v30, v26  }
0xbe: {  	v35 =	vadd.f32 $-6.000000000e+00, v4;
	v23 =	vadd.f32 v8, v31  }
0xbf: {  	v8 =	vadd.f32 $-1.442481040e+00, v26;
	v26 =	vmul.f32 v29, v27;
	v27 =	vmul.f32 $1.442695020e+00, v42  }
0xc0: {  	v35 =	vmul.f32 $5.000000000e+00, v35;
	v19 =	vadd.f32 $-1.442481040e+00, v19;
	v18 =	vadd.f32 $-6.000000000e+00, v3;
	v44 =	vpop (erf)  }
0xc1: {  	v31 =	vmul.f32 v63, v23;
	(erf) = vpow2.f32 v27;
	v27 =	vadd.f32 $1.000000000e+00, v44  }
0xc2: {  	v47 =	vshll.u32 v33, $0x1;
	v25 =	vld [tilespmem:s3+$0xFFFFF350];
	v43 =	vmul.f32 $1.442695020e+00, v35;
	v18 =	vmul.f32 $5.000000000e+00, v18  }
0xc3: {  	v45 =	vshra.s32 v7, $0x17;
	v19 =	vmul.f32 v10, v19;
	v31 =	vmul.f32 $1.442695020e+00, v31  }
0xc4: {  	v32 =	vld [tilespmem:s3+$0xFFFFF360];
	v48 =	vadd.s32 $0xFFFFFF81, v45;
	v18 =	vmul.f32 $1.442695020e+00, v18;
	(erf) = vpow2.f32 v43  }
0xc5: {  	v36 =	vld [tilespmem:s3+$0xFFFFFFD0];
	v24 =	vshll.u32 v24, $0x10;
	v9 =	vmul.f32 v27, v9;
	(erf) = vpow2.f32 v31;
	v27 =	vpop (erf)  }
0xc6: {  	v37 =	vld [tilespmem:s3+$0xFFFFFFE0];
	v31 =	vadd.s32 $0x18, v6;
	(erf) = vpow2.f32 v18;
	v18 =	vmul.f32 v24, v27  }
0xc7: {  	v46 =	vshra.s32 v4, $0x17;
	v25 =	vshll.u32 v25, $0x1;
	(erf) = vrcp.f32 v9  }
0xc8: {  	v38 =	vld [tilespmem:s3+$0xFFFFFFF0];
	v52 =	vadd.s32 $0x4, v28;
	v19 =	vadd.f32 $2.792255160e+00, v19;
	v18 =	vmul.f32 v18, v22  }
0xc9: {  	v34 =	vadd.s32 $0xFFFFFF81, v46;
	v8 =	vmul.f32 v30, v8;
	v24 =	vadd.f32 $2.792255160e+00, v26  }
0xca: {  	v10 =	vmul.f32 v10, v19;
	v26 =	vshll.u32 v32, $0x1;
	v27 =	vadd.s32 v36, v25;
	[tilespmem:s6+$0x280] =	vst v18  }
0xcb: {  	v8 =	vadd.f32 $2.792255160e+00, v8;
	v25 =	vadd.s32 v37, v26;
	v18 =	vmul.f32 v29, v24;
	v29 =	vld.idx.msk [tilespmem:v31+s14+$0x0], $0xffff  }
0xcc: {  	v49 =	vshll.u32 v63, $0x10;
	v9 =	vshra.s32 v3, $0x17;
	v26 =	vcvt.s32.f32 v48;
	v19 =	vpop (erf)  }
0xcd: {  	v8 =	vmul.f32 v30, v8;
	v9 =	vadd.s32 $0xFFFFFF81, v9;
	v24 =	vadd.s32 v38, v47;
	v30 =	vpop (erf)  }
0xce: {  	v10 =	vadd.f32 $-1.730631710e+00, v10;
	v9 =	vcvt.s32.f32 v9;
	v54 =	vmul.f32 $6.931471820e-01, v26;
	v50 =	vpop (erf)  }
0xcf: {  	s7 =	simm.s32 $0x70;
	s4 =	simm.s32 $0x200;
	v31 =	vcvt.s32.f32 v34;
	v51 =	vld.idx.msk [tilespmem:v27+s14+$0x0], $0xffff;
	v19 =	vadd.f32 $1.000000000e+00, v19;
	v32 =	vmul.f32 v49, v50;
	v53 =	vpop (erf)  }
0xd0: {  	s1 =	sand.u32 $0x3FFFFC00, s4;
	v8 =	vadd.f32 $-1.730631710e+00, v8;
	v9 =	vmul.f32 $6.931471820e-01, v9;
	v37 =	vld.idx.msk [tilespmem:v25+s14+$0x0], $0xffff;
	v26 =	vpop (erf);
	v55 =	vmul.f32 v29, v5  }
0xd1: {  	s1 =	sadd.s32 $0x4B00, s1;
	s23 =	sand.u32 $0x70, s7;
	v58 =	vadd.f32 v10, v54;
	v7 =	vmul.f32 v19, v7;
	v32 =	vmul.f32 v32, v26  }
0xd2: {  	s3 =	sor.u32 s23, s1;
	v18 =	vadd.f32 $-1.730631710e+00, v18;
	v31 =	vmul.f32 $6.931471820e-01, v31;
	v38 =	vld.idx.msk [tilespmem:v24+s14+$0x0], $0xffff;
	v10 =	vmul.f32 $1.442695020e+00, v55  }
0xd3: {  	v30 =	vadd.f32 $1.000000000e+00, v30;
	v61 =	vadd.f32 v8, v9;
	(erf) = vrcp.f32 v7;
	[tilespmem:s3+$0x0] =	vst v32  }
0xd4: {  	v62 =	vadd.f32 v18, v31;
	v8 =	vmul.f32 v51, v58;
	v7 =	vld.idx.msk [tilespmem:v52+s14+$0x0], $0xffff;
	(erf) = vpow2.f32 v10  }
0xd5: {  	v4 =	vmul.f32 v30, v4  }
0xd6: {  	v8 =	vmul.f32 $1.442695020e+00, v8;
	v9 =	vmul.f32 v37, v62  }
0xd7: {  	v10 =	vmul.f32 v38, v61;
	(erf) = vrcp.f32 v4  }
0xd8: {  	v30 =	vadd.f32 $1.000000000e+00, v53;
	(erf) = vpow2.f32 v8;
	v9 =	vmul.f32 $1.442695020e+00, v9  }
0xd9: {  	v4 =	vmul.f32 $1.442695020e+00, v10;
	v8 =	vmul.f32 v7, v23  }
0xda: {  	v3 =	vmul.f32 v30, v3;
	(erf) = vpow2.f32 v9  }
0xdb: {  	(erf) = vpow2.f32 v4;
	v4 =	vmul.f32 $1.442695020e+00, v8  }
0xdc: {  	v56 =	vpop (erf);
	(erf) = vrcp.f32 v3  }
0xdd: {  	v3 =	vmul.f32 v2, v17;
	(erf) = vpow2.f32 v4;
	v4 =	vshll.u32 v29, $0x10;
	v8 =	vpop (erf)  }
0xde: {  	v4 =	vmul.f32 v4, v8  }
0xdf: {  	v3 =	vmul.f32 $1.442695020e+00, v3  }
0xe0: {  	v9 =	vmul.f32 v1, v57;
	v8 =	vadd.s32 $0x1C, v6;
	v59 =	vpop (erf);
	v4 =	vmul.f32 v4, v22  }
0xe1: {  	v31 =	vshll.u32 v51, $0x10;
	v30 =	vpop (erf)  }
0xe2: {  	v9 =	vmul.f32 $1.442695020e+00, v9;
	v30 =	vmul.f32 v31, v30  }
0xe3: {  	v10 =	vadd.s32 $0x4, v27;
	(erf) = vpow2.f32 v3;
	v3 =	vpop (erf)  }
0xe4: {  	s10 =	simm.s32 $0x40;
	v36 =	vshll.u32 v37, $0x10;
	v29 =	vadd.s32 $0x4, v25;
	[tilespmem:s6+$0x300] =	vst v4;
	(erf) = vpow2.f32 v9;
	v4 =	vpop (erf)  }
0xe5: {  	s31 =	sand.u32 $0x40, s10;
	v31 =	vshll.u32 v38, $0x10;
	v9 =	vmul.f32 v30, v56;
	v3 =	vmul.f32 v36, v3;
	v8 =	vld.idx.msk [tilespmem:v8+s14+$0x0], $0xffff;
	v19 =	vpop (erf)  }
0xe6: {  	s7 =	simm.s32 $0x50;
	s21 =	sor.u32 s31, s1;
	v63 =	vadd.s32 $0x4, v24;
	v7 =	vshll.u32 v7, $0x10;
	v4 =	vmul.f32 v31, v4;
	v30 =	vpop (erf)  }
0xe7: {  	s11 =	simm.s32 $0x60;
	s26 =	sand.u32 $0x50, s7;
	[tilespmem:s21+$0x0] =	vst v9;
	v3 =	vmul.f32 v3, v59;
	v7 =	vmul.f32 v7, v30  }
0xe8: {  	s4 =	sor.u32 s26, s1;
	s20 =	sand.u32 $0x60, s11;
	v9 =	vld.idx.msk [tilespmem:v10+s14+$0x0], $0xffff;
	v30 =	vadd.s32 $0x8, v28;
	v4 =	vmul.f32 v4, v19  }
0xe9: {  	s1 =	sor.u32 s20, s1;
	v31 =	vmul.f32 v0, v14;
	[tilespmem:s4+$0x0] =	vst v3;
	v3 =	vmul.f32 v7, v26  }
0xea: {  	v10 =	vld.idx.msk [tilespmem:v29+s14+$0x0], $0xffff;
	[tilespmem:s1+$0x0] =	vst v4;
	v4 =	vmul.f32 v8, v5  }
0xeb: {  	v7 =	vmul.f32 $1.442695020e+00, v31;
	v29 =	vld.idx.msk [tilespmem:v63+s14+$0x0], $0xffff  }
0xec: {  	[tilespmem:s3+$0x80] =	vst v3;
	v4 =	vmul.f32 $1.442695020e+00, v4  }
0xed: {  	v2 =	vshll.u32 v2, $0x10;
	(erf) = vpow2.f32 v7;
	v7 =	vld.idx.msk [tilespmem:v30+s14+$0x0], $0xffff;
	v30 =	vmul.f32 v9, v58;
	v3 =	vpop (erf)  }
0xee: {  	v1 =	vshll.u32 v1, $0x10;
	(erf) = vpow2.f32 v4;
	v2 =	vmul.f32 v2, v3;
	v3 =	vpop (erf)  }
0xef: {  	v1 =	vmul.f32 v1, v3;
	v3 =	vmul.f32 v10, v62  }
0xf0: {  	v4 =	vmul.f32 $1.442695020e+00, v30;
	v30 =	vmul.f32 v29, v61  }
0xf1: {  	v3 =	vmul.f32 $1.442695020e+00, v3  }
0xf2: {  	v31 =	vmul.f32 v7, v23;
	v30 =	vmul.f32 $1.442695020e+00, v30  }
0xf3: {  	v37 =	vadd.s32 $0x14, v21;
	(erf) = vpow2.f32 v4  }
0xf4: {  	(erf) = vpow2.f32 v3;
	v3 =	vmul.f32 $1.442695020e+00, v31  }
0xf5: {  	v2 =	vmul.f32 v2, v13;
	(erf) = vpow2.f32 v30  }
0xf6: {  	v30 =	vpop (erf);
	(erf) = vpow2.f32 v3  }
0xf7: {  	v0 =	vshll.u32 v0, $0x10;
	v4 =	vadd.s32 $0x14, v20;
	v1 =	vmul.f32 v1, v12;
	[tilespmem:s13+$0x200] =	vst v2  }
0xf8: {  	v2 =	vld.idx.msk [tilespmem:v37+s14+$0x0], $0xffff;
	v0 =	vmul.f32 v0, v30  }
0xf9: {  	[tilespmem:s12+$0x200] =	vst v1;
	v1 =	vshll.u32 v8, $0x10;
	v3 =	vadd.s32 $0x14, v16;
	v8 =	vpop (erf)  }
0xfa: {  	v1 =	vmul.f32 v1, v8;
	v8 =	vadd.s32 $0x20, v6;
	v0 =	vmul.f32 v0, v11  }
0xfb: {  	v9 =	vshll.u32 v9, $0x10  }
0xfc: {  	v10 =	vshll.u32 v10, $0x10;
	v7 =	vshll.u32 v7, $0x10;
	v4 =	vld.idx.msk [tilespmem:v4+s14+$0x0], $0xffff;
	v38 =	vpop (erf);
	[tilespmem:s9+$0x200] =	vst v0;
	v0 =	vmul.f32 v1, v22  }
0xfd: {  	v30 =	vadd.s32 $0x8, v27;
	v39 =	vmul.f32 v2, v17;
	v9 =	vmul.f32 v9, v38;
	v40 =	vpop (erf)  }
0xfe: {  	v1 =	vadd.s32 $0x8, v25;
	v3 =	vld.idx.msk [tilespmem:v3+s14+$0x0], $0xffff;
	[tilespmem:s6+$0x380] =	vst v0;
	v0 =	vshll.u32 v29, $0x10;
	v10 =	vmul.f32 v10, v40;
	v41 =	vpop (erf)  }
0xff: {  	v31 =	vadd.s32 $0x8, v24;
	v9 =	vmul.f32 v9, v56;
	v8 =	vld.idx.msk [tilespmem:v8+s14+$0x0], $0xffff;
	v0 =	vmul.f32 v0, v41;
	v42 =	vpop (erf)  }
0x100: {  	v43 =	vadd.s32 $0xC, v28;
	v10 =	vmul.f32 v10, v59;
	v7 =	vmul.f32 v7, v42  }
0x101: {  	v29 =	vmul.f32 v4, v57;
	[tilespmem:s21+$0x80] =	vst v9;
	v0 =	vmul.f32 v0, v19  }
0x102: {  	v9 =	vmul.f32 $1.442695020e+00, v39;
	v30 =	vld.idx.msk [tilespmem:v30+s14+$0x0], $0xffff;
	[tilespmem:s4+$0x80] =	vst v10;
	v7 =	vmul.f32 v7, v26  }
0x103: {  	v44 =	vmul.f32 v3, v14;
	v10 =	vmul.f32 $1.442695020e+00, v29;
	v1 =	vld.idx.msk [tilespmem:v1+s14+$0x0], $0xffff;
	[tilespmem:s1+$0x80] =	vst v0  }
0x104: {  	(erf) = vpow2.f32 v9;
	v0 =	vmul.f32 v8, v5;
	v9 =	vld.idx.msk [tilespmem:v31+s14+$0x0], $0xffff;
	[tilespmem:s3+$0x100] =	vst v7  }
0x105: {  	v29 =	vmul.f32 $1.442695020e+00, v44;
	(erf) = vpow2.f32 v10;
	v7 =	vld.idx.msk [tilespmem:v43+s14+$0x0], $0xffff  }
0x106: {  	v0 =	vmul.f32 $1.442695020e+00, v0  }
0x107: {  	(erf) = vpow2.f32 v29;
	v10 =	vmul.f32 v30, v58  }
0x108: {  	(erf) = vpow2.f32 v0  }
0x109: {  	v10 =	vmul.f32 $1.442695020e+00, v10;
	v0 =	vmul.f32 v1, v62  }
0x10a: {  	v29 =	vmul.f32 v9, v61;
	v31 =	vmul.f32 v7, v23  }
0x10b: {  	v0 =	vmul.f32 $1.442695020e+00, v0  }
0x10c: {  	(erf) = vpow2.f32 v10;
	v29 =	vmul.f32 $1.442695020e+00, v29  }
0x10d: {  	v10 =	vpop (erf);
	(erf) = vpow2.f32 v0;
	v0 =	vmul.f32 $1.442695020e+00, v31  }
0x10e: {  	v2 =	vshll.u32 v2, $0x10;
	v4 =	vshll.u32 v4, $0x10;
	(erf) = vpow2.f32 v29;
	v31 =	vpop (erf)  }
0x10f: {  	v3 =	vshll.u32 v3, $0x10;
	(erf) = vpow2.f32 v0;
	v4 =	vmul.f32 v4, v31  }
0x110: {  	v8 =	vshll.u32 v8, $0x10;
	v2 =	vmul.f32 v2, v10;
	v29 =	vadd.s32 $0x18, v21;
	v10 =	vpop (erf)  }
0x111: {  	v0 =	vadd.s32 $0x18, v20;
	v31 =	vpop (erf);
	v3 =	vmul.f32 v3, v10;
	v4 =	vmul.f32 v4, v12  }
0x112: {  	s15 =	simm.s32 $0x0;
	v6 =	vadd.s32 $0x24, v6;
	v2 =	vmul.f32 v2, v13;
	v8 =	vmul.f32 v8, v31  }
0x113: {  	s6 =	sand.u32 $0x3FFFFF00, s15;
	v31 =	vadd.s32 $0x18, v16;
	v3 =	vmul.f32 v3, v11  }
0x114: {  	s15 =	sadd.s32 $0x11300, s6;
	[tilespmem:s13+$0x280] =	vst v2;
	v2 =	vmul.f32 v8, v22  }
0x115: {  	s22 =	sor.u32 s24, s15;
	v9 =	vshll.u32 v9, $0x10;
	v10 =	vshll.u32 v30, $0x10;
	v29 =	vld.idx.msk [tilespmem:v29+s14+$0x0], $0xffff;
	[tilespmem:s12+$0x280] =	vst v4;
	v4 =	vpop (erf)  }
0x116: {  	v1 =	vshll.u32 v1, $0x10;
	v8 =	vadd.s32 $0xC, v27;
	v45 =	vld.idx.msk [tilespmem:v0+s14+$0x0], $0xffff;
	[tilespmem:s22+$0x0] =	vst v2;
	v4 =	vmul.f32 v10, v4;
	v0 =	vpop (erf)  }
0x117: {  	v7 =	vshll.u32 v7, $0x10;
	v30 =	vadd.s32 $0xC, v25;
	[tilespmem:s9+$0x280] =	vst v3;
	v6 =	vld.idx.msk [tilespmem:v6+s14+$0x0], $0xffff;
	v1 =	vmul.f32 v1, v0;
	v3 =	vpop (erf)  }
0x118: {  	v2 =	vadd.s32 $0xC, v24;
	v0 =	vld.idx.msk [tilespmem:v31+s14+$0x0], $0xffff;
	v4 =	vmul.f32 v4, v56;
	v3 =	vmul.f32 v9, v3;
	v9 =	vpop (erf)  }
0x119: {  	v1 =	vmul.f32 v1, v59;
	v7 =	vmul.f32 v7, v9;
	v9 =	vadd.s32 $0x10, v28  }
0x11a: {  	v10 =	vmul.f32 v29, v17;
	[tilespmem:s21+$0x100] =	vst v4;
	v3 =	vmul.f32 v3, v19  }
0x11b: {  	v4 =	vmul.f32 v45, v57;
	v8 =	vld.idx.msk [tilespmem:v8+s14+$0x0], $0xffff;
	[tilespmem:s4+$0x100] =	vst v1;
	v1 =	vmul.f32 v7, v26  }
0x11c: {  	v7 =	vmul.f32 $1.442695020e+00, v10;
	v10 =	vld.idx.msk [tilespmem:v30+s14+$0x0], $0xffff;
	[tilespmem:s1+$0x100] =	vst v3;
	v3 =	vmul.f32 v6, v5  }
0x11d: {  	v5 =	vmul.f32 v0, v14;
	v4 =	vmul.f32 $1.442695020e+00, v4;
	v2 =	vld.idx.msk [tilespmem:v2+s14+$0x0], $0xffff;
	[tilespmem:s3+$0x180] =	vst v1  }
0x11e: {  	(erf) = vpow2.f32 v7;
	v1 =	vmul.f32 $1.442695020e+00, v3;
	v9 =	vld.idx.msk [tilespmem:v9+s14+$0x0], $0xffff  }
0x11f: {  	v3 =	vmul.f32 $1.442695020e+00, v5;
	(erf) = vpow2.f32 v4  }
0x120: {  	v4 =	vmul.f32 v8, v58;
	(erf) = vpow2.f32 v1  }
0x121: {  	v1 =	vmul.f32 v10, v62;
	(erf) = vpow2.f32 v3  }
0x122: {  	v3 =	vmul.f32 $1.442695020e+00, v4;
	v4 =	vmul.f32 v2, v61  }
0x123: {  	v1 =	vmul.f32 $1.442695020e+00, v1;
	v5 =	vmul.f32 v9, v23  }
0x124: {  	v4 =	vmul.f32 $1.442695020e+00, v4;
	(erf) = vpow2.f32 v3  }
0x125: {  	(erf) = vpow2.f32 v1;
	v1 =	vmul.f32 $1.442695020e+00, v5  }
0x126: {  	(erf) = vpow2.f32 v4  }
0x127: {  	(erf) = vpow2.f32 v1;
	_ =	sdelay $0x1  }
0x128: {  	s16 =	simm.s32 $0x32A0;
	v1 =	vpop (erf)  }
0x129: {  	v30 =	vld [tilespmem:s16+$0x10];
	v7 =	vshll.u32 v45, $0x10;
	v4 =	vpop (erf)  }
0x12a: {  	s17 =	simm.s32 $0xD30;
	v6 =	vshll.u32 v6, $0x10;
	v3 =	vshll.u32 v29, $0x10;
	v5 =	vpop (erf)  }
0x12b: {  	v49 =	vld [tilespmem:s17+$0xFFFFF380];
	v10 =	vshll.u32 v10, $0x10;
	v3 =	vmul.f32 v3, v1;
	v1 =	vpop (erf)  }
0x12c: {  	v8 =	vshll.u32 v8, $0x10;
	v4 =	vmul.f32 v7, v4;
	v7 =	vpop (erf)  }
0x12d: {  	v48 =	vadd.s32 $0x14, v28;
	v29 =	vmul.f32 v6, v5;
	v5 =	vmul.f32 v8, v7;
	v6 =	vpop (erf)  }
0x12e: {  	v46 =	vand.u32 $0x7FFFFF, v30;
	v51 =	vadd.f32 $-6.000000000e+00, v30;
	v6 =	vmul.f32 v10, v6;
	v10 =	vpop (erf)  }
0x12f: {  	v31 =	vshll.u32 v2, $0x10;
	v7 =	vld [tilespmem:s16+$0xFFFFFFE0];
	v2 =	vmul.f32 v5, v56;
	v5 =	vshll.u32 v9, $0x10;
	v9 =	vpop (erf)  }
0x130: {  	v52 =	vshll.u32 v49, $0x1;
	v35 =	vor.u32 $0x3F800000, v46;
	v8 =	vld [tilespmem:s16+$0xFFFFFFF0];
	v47 =	vmul.f32 v5, v9  }
0x131: {  	v45 =	vshra.s32 v30, $0x17;
	v32 =	vmul.f32 $5.486285310e-02, v35;
	v43 =	vmul.f32 $5.000000000e+00, v51  }
0x132: {  	v49 =	vadd.s32 $0xFFFFFF81, v45;
	v31 =	vmul.f32 v31, v10;
	v33 =	vmul.f32 v47, v26  }
0x133: {  	v32 =	vsub.f32 $4.358618560e-01, v32;
	v53 =	vmul.f32 $1.442695020e+00, v43;
	v43 =	vcvt.s32.f32 v49  }
0x134: {  	v50 =	vld [tilespmem:s17+$0x0];
	v9 =	vmul.f32 v6, v59;
	v6 =	vmul.f32 v31, v19;
	v31 =	vand.u32 $0x7FFFFF, v7;
	[tilespmem:s3+$0x200] =	vst v33  }
0x135: {  	v51 =	vmul.f32 $6.931471820e-01, v43;
	v38 =	vor.u32 $0x3F800000, v31;
	v31 =	vand.u32 $0x7FFFFF, v8;
	v34 =	vld.idx.msk [tilespmem:v48+s14+$0x0], $0xffff  }
0x136: {  	v3 =	vmul.f32 v3, v13;
	v5 =	vld [tilespmem:s16+$0x0];
	v39 =	vor.u32 $0x3F800000, v31;
	v31 =	vmul.f32 v35, v32  }
0x137: {  	v4 =	vmul.f32 v4, v12;
	v37 =	vadd.f32 $-6.000000000e+00, v7;
	v44 =	vadd.f32 $-6.000000000e+00, v8  }
0x138: {  	(erf) = vpow2.f32 v53;
	v40 =	vmul.f32 $5.486285310e-02, v38;
	v31 =	vadd.f32 $-1.442481040e+00, v31  }
0x139: {  	v32 =	vadd.s32 v50, v52;
	v37 =	vmul.f32 $5.000000000e+00, v37;
	v52 =	vmul.f32 $5.000000000e+00, v44  }
0x13a: {  	v10 =	vadd.s32 $0x1C, v21;
	v31 =	vmul.f32 v35, v31;
	v63 =	vmul.f32 v34, v23  }
0x13b: {  	v41 =	vand.u32 $0x7FFFFF, v5;
	v42 =	vmul.f32 $5.486285310e-02, v39;
	v40 =	vsub.f32 $4.358618560e-01, v40  }
0x13c: {  	v41 =	vor.u32 $0x3F800000, v41;
	v31 =	vadd.f32 $2.792255160e+00, v31;
	v48 =	vmul.f32 $1.442695020e+00, v63  }
0x13d: {  	v60 =	vmul.f32 $5.486285310e-02, v41;
	v42 =	vsub.f32 $4.358618560e-01, v42;
	v47 =	vmul.f32 v38, v40  }
0x13e: {  	v50 =	vadd.f32 $-6.000000000e+00, v5;
	v31 =	vmul.f32 v35, v31;
	(erf) = vpow2.f32 v48  }
0x13f: {  	v37 =	vmul.f32 $1.442695020e+00, v37;
	v36 =	vsub.f32 $4.358618560e-01, v60;
	v42 =	vmul.f32 v39, v42;
	v45 =	vld.idx.msk [tilespmem:v32+s14+$0x0], $0xffff  }
0x140: {  	v43 =	vmul.f32 $1.442695020e+00, v52;
	v33 =	vadd.f32 $-1.442481040e+00, v47;
	v31 =	vadd.f32 $-1.730631710e+00, v31  }
0x141: {  	v47 =	vshra.s32 v7, $0x17;
	v34 =	vshll.u32 v34, $0x10;
	v42 =	vadd.f32 $-1.442481040e+00, v42  }
0x142: {  	v36 =	vmul.f32 v41, v36;
	v47 =	vadd.s32 $0xFFFFFF81, v47;
	v31 =	vadd.f32 v31, v51  }
0x143: {  	v35 =	vmul.f32 $5.000000000e+00, v50;
	v33 =	vmul.f32 v38, v33;
	v50 =	vshra.s32 v8, $0x17  }
0x144: {  	v46 =	vld [tilespmem:s17+$0xFFFFF350];
	v36 =	vadd.f32 $-1.442481040e+00, v36;
	v40 =	vmul.f32 v39, v42;
	v48 =	vpop (erf);
	v53 =	vmul.f32 v45, v31  }
0x145: {  	v49 =	vld [tilespmem:s17+$0xFFFFF360];
	v35 =	vmul.f32 $1.442695020e+00, v35;
	(erf) = vpow2.f32 v37;
	v60 =	vadd.f32 $1.000000000e+00, v48  }
0x146: {  	v33 =	vadd.f32 $2.792255160e+00, v33;
	(erf) = vpow2.f32 v43;
	v43 =	vld [tilespmem:s17+$0xFFFFFFD0];
	v44 =	vmul.f32 $1.442695020e+00, v53  }
0x147: {  	v36 =	vmul.f32 v41, v36;
	v51 =	vshra.s32 v5, $0x17;
	v48 =	vld [tilespmem:s17+$0xFFFFF370];
	v30 =	vmul.f32 v60, v30;
	v63 =	vpop (erf)  }
0x148: {  	v37 =	vld [tilespmem:s17+$0xFFFFFFE0];
	(erf) = vpow2.f32 v44;
	v44 =	vadd.s32 $0x18, v28;
	v34 =	vmul.f32 v34, v63  }
0x149: {  	v38 =	vmul.f32 v38, v33;
	v52 =	vadd.f32 $2.792255160e+00, v36;
	(erf) = vpow2.f32 v35;
	v35 =	vld [tilespmem:s17+$0xFFFFFFF0]  }
0x14a: {  	v53 =	vshll.u32 v46, $0x1;
	(erf) = vrcp.f32 v30;
	v34 =	vmul.f32 v34, v26  }
0x14b: {  	v38 =	vadd.f32 $-1.730631710e+00, v38;
	v60 =	vshll.u32 v49, $0x1;
	v36 =	vadd.s32 v43, v53  }
0x14c: {  	v48 =	vshll.u32 v48, $0x1;
	v30 =	vadd.f32 $2.792255160e+00, v40;
	v63 =	vadd.s32 $0xFFFFFF81, v50;
	[tilespmem:s3+$0x280] =	vst v34  }
0x14d: {  	v50 =	vadd.s32 $0xFFFFFF81, v51;
	v51 =	vmul.f32 v41, v52;
	v34 =	vadd.s32 v37, v60;
	v37 =	vld.idx.msk [tilespmem:v44+s14+$0x0], $0xffff  }
0x14e: {  	v54 =	vmovc v11;
	v40 =	vcvt.s32.f32 v47;
	v52 =	vcvt.s32.f32 v63;
	v33 =	vadd.s32 v35, v48  }
0x14f: {  	v45 =	vshll.u32 v45, $0x10;
	v43 =	vcvt.s32.f32 v50;
	v30 =	vmul.f32 v39, v30;
	v39 =	vpop (erf)  }
0x150: {  	v47 =	vadd.f32 $-1.730631710e+00, v51;
	v40 =	vmul.f32 $6.931471820e-01, v40;
	v63 =	vpop (erf);
	v39 =	vadd.f32 $1.000000000e+00, v39;
	v48 =	vld.idx.msk [tilespmem:v36+s14+$0x0], $0xffff  }
0x151: {  	v41 =	vmul.f32 $6.931471820e-01, v52;
	v43 =	vmul.f32 $6.931471820e-01, v43;
	v30 =	vadd.f32 $-1.730631710e+00, v30;
	v53 =	vpop (erf)  }
0x152: {  	s18 =	simm.s32 $0x400;
	v60 =	vadd.s32 $0x4, v32;
	v45 =	vmul.f32 v45, v53;
	v49 =	vpop (erf);
	v50 =	vld.idx.msk [tilespmem:v34+s14+$0x0], $0xffff;
	v52 =	vmul.f32 v37, v23  }
0x153: {  	s0 =	sand.u32 $0x3FFFFC00, s18;
	s19 =	simm.s32 $0xB0;
	v11 =	vadd.f32 v38, v40;
	v44 =	vadd.f32 $1.000000000e+00, v63;
	v63 =	vmul.f32 v39, v7;
	v35 =	vpop (erf);
	v51 =	vld.idx.msk [tilespmem:v33+s14+$0x0], $0xffff  }
0x154: {  	s0 =	sadd.s32 $0x4B00, s0;
	s19 =	sand.u32 $0x70, s19;
	v55 =	vmovc v12;
	v12 =	vadd.f32 v30, v41;
	v45 =	vmul.f32 v45, v35;
	v30 =	vmul.f32 $1.442695020e+00, v52  }
0x155: {  	s30 =	sor.u32 s19, s0;
	v18 =	vadd.f32 v47, v43;
	(erf) = vrcp.f32 v63;
	v47 =	vmul.f32 v48, v11  }
0x156: {  	v39 =	vmul.f32 v44, v8;
	v63 =	vadd.s32 $0x10, v24;
	[tilespmem:s30+$0x0] =	vst v45;
	(erf) = vpow2.f32 v30  }
0x157: {  	[tilespmem:s13+$0x300] =	vst v3;
	v53 =	vadd.s32 $0x10, v25;
	v3 =	vmul.f32 $1.442695020e+00, v47;
	v40 =	vld.idx.msk [tilespmem:v60+s14+$0x0], $0xffff;
	v30 =	vmul.f32 v50, v12  }
0x158: {  	v52 =	vadd.s32 $0x10, v27;
	v60 =	vmul.f32 v51, v18;
	(erf) = vrcp.f32 v39  }
0x159: {  	[tilespmem:s12+$0x300] =	vst v4;
	v30 =	vmul.f32 $1.442695020e+00, v30;
	(erf) = vpow2.f32 v3  }
0x15a: {  	v0 =	vshll.u32 v0, $0x10;
	[tilespmem:s1+$0x180] =	vst v6;
	v10 =	vld.idx.msk [tilespmem:v10+s14+$0x0], $0xffff  }
0x15b: {  	[tilespmem:s4+$0x180] =	vst v9;
	v4 =	vadd.f32 $1.000000000e+00, v49;
	v6 =	vld.idx.msk [tilespmem:v63+s14+$0x0], $0xffff;
	v38 =	vmul.f32 $1.442695020e+00, v60;
	(erf) = vpow2.f32 v30  }
0x15c: {  	v0 =	vmul.f32 v0, v1;
	[tilespmem:s21+$0x180] =	vst v2;
	v42 =	vadd.s32 $0x1C, v20;
	v1 =	vld.idx.msk [tilespmem:v53+s14+$0x0], $0xffff;
	v2 =	vmul.f32 v40, v31  }
0x15d: {  	v4 =	vmul.f32 v4, v5;
	v30 =	vld.idx.msk [tilespmem:v52+s14+$0x0], $0xffff;
	(erf) = vpow2.f32 v38  }
0x15e: {  	v0 =	vmul.f32 v0, v54;
	v53 =	vpop (erf);
	v2 =	vmul.f32 $1.442695020e+00, v2  }
0x15f: {  	v9 =	vshll.u32 v37, $0x10;
	v5 =	vmul.f32 v10, v17;
	(erf) = vrcp.f32 v4;
	v49 =	vpop (erf)  }
0x160: {  	v37 =	vadd.s32 $0x1C, v28;
	(erf) = vpow2.f32 v2;
	v9 =	vmul.f32 v9, v49  }
0x161: {  	v3 =	vld.idx.msk [tilespmem:v42+s14+$0x0], $0xffff;
	v44 =	vmul.f32 v6, v61;
	v42 =	vmul.f32 v1, v62;
	v4 =	vadd.s32 $0x1C, v16;
	v63 =	vpop (erf)  }
0x162: {  	v52 =	vshll.u32 v48, $0x10;
	v41 =	vmul.f32 v30, v58;
	v60 =	vpop (erf);
	v9 =	vmul.f32 v9, v26  }
0x163: {  	v38 =	vadd.s32 $0x4, v36;
	v44 =	vmul.f32 $1.442695020e+00, v44;
	v43 =	vmul.f32 v52, v60  }
0x164: {  	s24 =	simm.s32 $0x80;
	v48 =	vshll.u32 v50, $0x10;
	v42 =	vmul.f32 $1.442695020e+00, v42;
	v41 =	vmul.f32 $1.442695020e+00, v41;
	v49 =	vpop (erf);
	[tilespmem:s3+$0x300] =	vst v9  }
0x165: {  	s10 =	sand.u32 $0x40, s24;
	[tilespmem:s9+$0x300] =	vst v0;
	v39 =	vadd.s32 $0x4, v34;
	v45 =	vmul.f32 v48, v49;
	v43 =	vmul.f32 v43, v53;
	v37 =	vld.idx.msk [tilespmem:v37+s14+$0x0], $0xffff  }
0x166: {  	s25 =	simm.s32 $0x90;
	s17 =	sor.u32 s10, s0;
	v2 =	vmul.f32 $1.442695020e+00, v5;
	v0 =	vld.idx.msk [tilespmem:v4+s14+$0x0], $0xffff;
	v4 =	vshll.u32 v51, $0x10;
	(erf) = vpow2.f32 v41;
	v9 =	vpop (erf)  }
0x167: {  	s11 =	simm.s32 $0xA0;
	s24 =	sand.u32 $0x50, s25;
	v50 =	vadd.s32 $0x4, v33;
	v51 =	vmul.f32 v45, v63;
	[tilespmem:s17+$0x0] =	vst v43;
	v4 =	vmul.f32 v4, v9  }
0x168: {  	s7 =	sand.u32 $0x60, s11;
	s11 =	sor.u32 s24, s0;
	v5 =	vmul.f32 v3, v57;
	(erf) = vpow2.f32 v42;
	v60 =	vpop (erf);
	v38 =	vld.idx.msk [tilespmem:v38+s14+$0x0], $0xffff  }
0x169: {  	v40 =	vshll.u32 v40, $0x10;
	(erf) = vpow2.f32 v44;
	v52 =	vpop (erf);
	[tilespmem:s11+$0x0] =	vst v51;
	v4 =	vmul.f32 v4, v60  }
0x16a: {  	s18 =	sor.u32 s7, s0;
	v45 =	vadd.s32 $0x8, v32;
	v40 =	vmul.f32 v40, v52;
	v39 =	vld.idx.msk [tilespmem:v39+s14+$0x0], $0xffff;
	v48 =	vmul.f32 v37, v23  }
0x16b: {  	v5 =	vmul.f32 $1.442695020e+00, v5;
	(erf) = vpow2.f32 v2;
	[tilespmem:s18+$0x0] =	vst v4  }
0x16c: {  	v40 =	vmul.f32 v40, v35;
	v4 =	vld.idx.msk [tilespmem:v50+s14+$0x0], $0xffff;
	v2 =	vmul.f32 $1.442695020e+00, v48  }
0x16d: {  	(erf) = vpow2.f32 v5;
	v5 =	vmul.f32 v38, v11  }
0x16e: {  	[tilespmem:s30+$0x80] =	vst v40;
	(erf) = vpow2.f32 v2  }
0x16f: {  	v30 =	vshll.u32 v30, $0x10;
	v49 =	vpop (erf);
	v40 =	vld.idx.msk [tilespmem:v45+s14+$0x0], $0xffff;
	v2 =	vmul.f32 v39, v12;
	v5 =	vmul.f32 $1.442695020e+00, v5  }
0x170: {  	v47 =	vmul.f32 v0, v14;
	v30 =	vmul.f32 v30, v49  }
0x171: {  	v2 =	vmul.f32 $1.442695020e+00, v2;
	v50 =	vmul.f32 v4, v18  }
0x172: {  	v1 =	vshll.u32 v1, $0x10;
	v30 =	vmul.f32 v30, v56;
	(erf) = vpow2.f32 v5  }
0x173: {  	v51 =	vadd.s32 $0x14, v27;
	v5 =	vpop (erf);
	(erf) = vpow2.f32 v2;
	v43 =	vmul.f32 $1.442695020e+00, v50  }
0x174: {  	v2 =	vmul.f32 v40, v31;
	v1 =	vmul.f32 v1, v5;
	v5 =	vshll.u32 v6, $0x10;
	v6 =	vpop (erf)  }
0x175: {  	v42 =	vmul.f32 $1.442695020e+00, v47;
	v52 =	vadd.s32 $0x14, v25;
	v5 =	vmul.f32 v5, v6  }
0x176: {  	v46 =	vadd.s32 $0x14, v24;
	v6 =	vpop (erf);
	(erf) = vpow2.f32 v43;
	v2 =	vmul.f32 $1.442695020e+00, v2  }
0x177: {  	v10 =	vshll.u32 v10, $0x10;
	[tilespmem:s21+$0x200] =	vst v30;
	v1 =	vmul.f32 v1, v59;
	v30 =	vpop (erf);
	(erf) = vpow2.f32 v42  }
0x178: {  	v37 =	vshll.u32 v37, $0x10;
	v5 =	vmul.f32 v5, v19;
	(erf) = vpow2.f32 v2;
	v47 =	vpop (erf)  }
0x179: {  	v2 =	vshll.u32 v3, $0x10;
	v3 =	vld.idx.msk [tilespmem:v51+s14+$0x0], $0xffff;
	[tilespmem:s4+$0x200] =	vst v1;
	v1 =	vmul.f32 v10, v6;
	v6 =	vmul.f32 v37, v47  }
0x17a: {  	v10 =	vadd.s32 $0x20, v28;
	v42 =	vld.idx.msk [tilespmem:v52+s14+$0x0], $0xffff;
	[tilespmem:s1+$0x200] =	vst v5  }
0x17b: {  	v48 =	vshll.u32 v39, $0x10;
	v2 =	vmul.f32 v2, v30;
	v30 =	vshll.u32 v38, $0x10;
	v39 =	vld.idx.msk [tilespmem:v46+s14+$0x0], $0xffff  }
0x17c: {  	v5 =	vmul.f32 v6, v26  }
0x17d: {  	v1 =	vmul.f32 v1, v13;
	[tilespmem:$0x1FFA0] =	vst v55;
	v6 =	vpop (erf)  }
0x17e: {  	v41 =	vadd.s32 $0x8, v34;
	[tilespmem:s3+$0x380] =	vst v5;
	v5 =	vmul.f32 v3, v58;
	v6 =	vmul.f32 v30, v6;
	v30 =	vpop (erf)  }
0x17f: {  	v37 =	vadd.s32 $0x8, v36;
	v10 =	vld.idx.msk [tilespmem:v10+s14+$0x0], $0xffff;
	v50 =	vmul.f32 v42, v62;
	v30 =	vmul.f32 v48, v30  }
0x180: {  	v4 =	vshll.u32 v4, $0x10;
	v49 =	vpop (erf);
	v5 =	vmul.f32 $1.442695020e+00, v5;
	v48 =	vmul.f32 v39, v61  }
0x181: {  	v43 =	vadd.s32 $0x8, v33;
	v6 =	vmul.f32 v6, v53;
	v4 =	vmul.f32 v4, v49  }
0x182: {  	v38 =	vmul.f32 $1.442695020e+00, v50;
	v30 =	vmul.f32 v30, v63  }
0x183: {  	v0 =	vshll.u32 v0, $0x10;
	v51 =	vpop (erf);
	(erf) = vpow2.f32 v5;
	[tilespmem:s17+$0x80] =	vst v6;
	v4 =	vmul.f32 v4, v60  }
0x184: {  	v52 =	vpop (erf);
	v45 =	vmul.f32 $1.442695020e+00, v48;
	v6 =	vshll.u32 v40, $0x10;
	v37 =	vld.idx.msk [tilespmem:v37+s14+$0x0], $0xffff;
	[tilespmem:s11+$0x80] =	vst v30;
	v50 =	vmul.f32 v10, v23  }
0x185: {  	v0 =	vmul.f32 v0, v51;
	v6 =	vmul.f32 v6, v52;
	v30 =	vadd.s32 $0xC, v32;
	v5 =	vld.idx.msk [tilespmem:v41+s14+$0x0], $0xffff;
	[tilespmem:s18+$0x80] =	vst v4  }
0x186: {  	v49 =	vadd.s32 $0x20, v21;
	(erf) = vpow2.f32 v38;
	v41 =	vld.idx.msk [tilespmem:v43+s14+$0x0], $0xffff;
	v51 =	vmul.f32 $1.442695020e+00, v50  }
0x187: {  	(erf) = vpow2.f32 v45;
	v4 =	vadd.s32 $0x20, v20;
	v6 =	vmul.f32 v6, v35  }
0x188: {  	v2 =	vmul.f32 v2, v55;
	[tilespmem:s13+$0x380] =	vst v1;
	(erf) = vpow2.f32 v51  }
0x189: {  	[tilespmem:s30+$0x100] =	vst v6;
	v1 =	vmul.f32 v37, v11  }
0x18a: {  	[tilespmem:s12+$0x380] =	vst v2;
	v0 =	vmul.f32 v0, v54;
	v6 =	vld.idx.msk [tilespmem:v30+s14+$0x0], $0xffff;
	v2 =	vmul.f32 v5, v12  }
0x18b: {  	v52 =	vadd.s32 $0x20, v16;
	v30 =	vld.idx.msk [tilespmem:v49+s14+$0x0], $0xffff;
	v1 =	vmul.f32 $1.442695020e+00, v1;
	v48 =	vmul.f32 v41, v18  }
0x18c: {  	v4 =	vld.idx.msk [tilespmem:v4+s14+$0x0], $0xffff;
	[tilespmem:$0x1FFC0] =	vst v54;
	v2 =	vmul.f32 $1.442695020e+00, v2  }
0x18d: {  	[tilespmem:s9+$0x380] =	vst v0;
	v0 =	vshll.u32 v3, $0x10;
	v50 =	vpop (erf);
	v40 =	vmul.f32 $1.442695020e+00, v48;
	(erf) = vpow2.f32 v1  }
0x18e: {  	v0 =	vmul.f32 v0, v50;
	(erf) = vpow2.f32 v2  }
0x18f: {  	v39 =	vshll.u32 v39, $0x10;
	v51 =	vpop (erf);
	v2 =	vmul.f32 v6, v31;
	(erf) = vpow2.f32 v40  }
0x190: {  	v10 =	vshll.u32 v10, $0x10;
	v38 =	vld.idx.msk [tilespmem:v52+s14+$0x0], $0xffff;
	v52 =	vpop (erf);
	v49 =	vmul.f32 v30, v17;
	v0 =	vmul.f32 v0, v56  }
0x191: {  	v43 =	vadd.s32 $0x18, v27;
	v39 =	vmul.f32 v39, v52;
	v2 =	vmul.f32 $1.442695020e+00, v2;
	v48 =	vpop (erf)  }
0x192: {  	v42 =	vshll.u32 v42, $0x10;
	v3 =	vmul.f32 v4, v57;
	v10 =	vmul.f32 v10, v48  }
0x193: {  	v1 =	vadd.s32 $0x18, v24;
	(erf) = vpow2.f32 v2;
	v2 =	vmul.f32 v42, v51  }
0x194: {  	s16 =	simm.s32 $0x80;
	v44 =	vadd.s32 $0x18, v25;
	v39 =	vmul.f32 v39, v19;
	v10 =	vmul.f32 v10, v26  }
0x195: {  	s0 =	sand.u32 $0x3FFFFF00, s16;
	v28 =	vadd.s32 $0x24, v28;
	[tilespmem:s21+$0x280] =	vst v0;
	v0 =	vmul.f32 v38, v14;
	v2 =	vmul.f32 v2, v59  }
0x196: {  	s3 =	sadd.s32 $0x11300, s0;
	v45 =	vadd.s32 $0xC, v36;
	v37 =	vshll.u32 v37, $0x10;
	v46 =	vmul.f32 $1.442695020e+00, v49;
	v42 =	vld.idx.msk [tilespmem:v43+s14+$0x0], $0xffff;
	[tilespmem:s1+$0x280] =	vst v39;
	v50 =	vpop (erf)  }
0x197: {  	s16 =	sor.u32 s23, s3;
	v5 =	vshll.u32 v5, $0x10;
	v3 =	vmul.f32 $1.442695020e+00, v3;
	v0 =	vmul.f32 $1.442695020e+00, v0;
	[tilespmem:s4+$0x280] =	vst v2;
	v51 =	vpop (erf)  }
0x198: {  	v41 =	vshll.u32 v41, $0x10;
	v1 =	vld.idx.msk [tilespmem:v1+s14+$0x0], $0xffff;
	[tilespmem:s16+$0x0] =	vst v10;
	v2 =	vmul.f32 v37, v50;
	(erf) = vpow2.f32 v46;
	v10 =	vpop (erf)  }
0x199: {  	v49 =	vadd.s32 $0xC, v34;
	v52 =	vld.idx.msk [tilespmem:v44+s14+$0x0], $0xffff;
	v5 =	vmul.f32 v5, v51;
	v10 =	vmul.f32 v41, v10  }
0x19a: {  	v47 =	vadd.s32 $0xC, v33;
	v28 =	vld.idx.msk [tilespmem:v28+s14+$0x0], $0xffff;
	(erf) = vpow2.f32 v3;
	v2 =	vmul.f32 v2, v53  }
0x19b: {  	v3 =	vmul.f32 v5, v63;
	v5 =	vmul.f32 v42, v58  }
0x19c: {  	[tilespmem:s17+$0x100] =	vst v2;
	v2 =	vmul.f32 v10, v60  }
0x19d: {  	v6 =	vshll.u32 v6, $0x10;
	(erf) = vpow2.f32 v0;
	v48 =	vld.idx.msk [tilespmem:v45+s14+$0x0], $0xffff;
	[tilespmem:s11+$0x100] =	vst v3;
	v5 =	vmul.f32 $1.442695020e+00, v5;
	v10 =	vpop (erf)  }
0x19e: {  	v3 =	vadd.s32 $0x10, v32;
	[tilespmem:s18+$0x100] =	vst v2;
	v0 =	vmul.f32 v6, v10;
	v6 =	vmul.f32 v52, v62;
	v10 =	vld.idx.msk [tilespmem:v49+s14+$0x0], $0xffff  }
0x19f: {  	v23 =	vmul.f32 v28, v23;
	v2 =	vld.idx.msk [tilespmem:v47+s14+$0x0], $0xffff;
	v49 =	vmul.f32 v1, v61  }
0x1a0: {  	v0 =	vmul.f32 v0, v35;
	v6 =	vmul.f32 $1.442695020e+00, v6  }
0x1a1: {  	(erf) = vpow2.f32 v5;
	v5 =	vmul.f32 $1.442695020e+00, v23  }
0x1a2: {  	[tilespmem:s30+$0x180] =	vst v0;
	v0 =	vmul.f32 $1.442695020e+00, v49;
	(erf) = vpow2.f32 v6  }
0x1a3: {  	v3 =	vld.idx.msk [tilespmem:v3+s14+$0x0], $0xffff;
	(erf) = vpow2.f32 v5;
	v5 =	vmul.f32 v10, v12  }
0x1a4: {  	v6 =	vmul.f32 v48, v11;
	v23 =	vmul.f32 v2, v18  }
0x1a5: {  	(erf) = vpow2.f32 v0;
	v5 =	vmul.f32 $1.442695020e+00, v5  }
0x1a6: {  	v0 =	vmul.f32 $1.442695020e+00, v6;
	v6 =	vadd.s32 $0x24, v21;
	v21 =	vmul.f32 $1.442695020e+00, v23;
	_ =	sdelay $0x1  }
0x1a7: {  	v23 =	vshll.u32 v30, $0x10;
	v30 =	vpop (erf);
	(erf) = vpow2.f32 v0;
	v0 =	vmul.f32 v3, v31  }
0x1a8: {  	v23 =	vmul.f32 v23, v30;
	v30 =	vshll.u32 v38, $0x10;
	(erf) = vpow2.f32 v5;
	v5 =	vpop (erf)  }
0x1a9: {  	(erf) = vpow2.f32 v21;
	v0 =	vmul.f32 $1.442695020e+00, v0;
	v21 =	vpop (erf)  }
0x1aa: {  	v21 =	vmul.f32 v30, v21  }
0x1ab: {  	v4 =	vshll.u32 v4, $0x10;
	v30 =	vpop (erf);
	(erf) = vpow2.f32 v0;
	v0 =	vmul.f32 v29, v22  }
0x1ac: {  	v4 =	vmul.f32 v4, v5;
	v5 =	vmul.f32 v23, v13  }
0x1ad: {  	s0 =	sor.u32 s5, s15;
	v29 =	vpop (erf);
	[tilespmem:$0x1FF90] =	vst v0  }
0x1ae: {  	v0 =	vmul.f32 v21, v54;
	[tilespmem:s0+$0x0] =	vst v5;
	v5 =	vmul.f32 v4, v55;
	v4 =	vshll.u32 v28, $0x10;
	v21 =	vpop (erf)  }
0x1af: {  	v21 =	vmul.f32 v4, v21  }
0x1b0: {  	v23 =	vshll.u32 v42, $0x10  }
0x1b1: {  	s25 =	simm.s32 $0x32E0;
	v23 =	vmul.f32 v23, v30;
	v30 =	vshll.u32 v1, $0x10;
	v4 =	vpop (erf)  }
0x1b2: {  	v20 =	vadd.s32 $0x24, v20;
	v1 =	vadd.s32 $0x24, v16;
	v37 =	vld [tilespmem:s25+$0x10];
	v16 =	vmul.f32 v30, v4  }
0x1b3: {  	s6 =	sor.u32 s2, s15;
	v28 =	vld.idx.msk [tilespmem:v6+s14+$0x0], $0xffff;
	v6 =	vmul.f32 v23, v56;
	v23 =	vshll.u32 v48, $0x10;
	v41 =	vmul.f32 v21, v26;
	v21 =	vpop (erf)  }
0x1b4: {  	v22 =	vshll.u32 v52, $0x10;
	[tilespmem:s6+$0x0] =	vst v5;
	v5 =	vmul.f32 v16, v19;
	v16 =	vmul.f32 v23, v21  }
0x1b5: {  	v22 =	vmul.f32 v22, v29  }
0x1b6: {  	v21 =	vpop (erf)  }
0x1b7: {  	v3 =	vshll.u32 v3, $0x10;
	v29 =	vld.idx.msk [tilespmem:v20+s14+$0x0], $0xffff;
	v4 =	vmul.f32 v22, v59;
	v22 =	vand.u32 $0x7FFFFF, v37;
	v20 =	vpop (erf)  }
0x1b8: {  	v17 =	vmul.f32 v28, v17;
	v22 =	vor.u32 $0x3F800000, v22;
	v23 =	vmul.f32 v16, v53;
	v16 =	vpop (erf)  }
0x1b9: {  	v2 =	vshll.u32 v2, $0x10;
	v38 =	vld [tilespmem:s25+$0xFFFFFFF0];
	v51 =	vmul.f32 $5.486285310e-02, v22;
	v16 =	vmul.f32 v3, v16  }
0x1ba: {  	v50 =	vadd.s32 $0x14, v32;
	v2 =	vmul.f32 v2, v20;
	v17 =	vmul.f32 $1.442695020e+00, v17  }
0x1bb: {  	s2 =	simm.s32 $0xD70;
	v20 =	vld [tilespmem:s25+$0xFFFFFFE0];
	v16 =	vmul.f32 v16, v35  }
0x1bc: {  	v39 =	vmul.f32 v2, v60;
	(erf) = vpow2.f32 v17;
	v2 =	vld [tilespmem:s2+$0xFFFFF380];
	v17 =	vsub.f32 $4.358618560e-01, v51  }
0x1bd: {  	v54 =	vadd.f32 $-6.000000000e+00, v37;
	[tilespmem:s30+$0x200] =	vst v16;
	v16 =	vld [tilespmem:s2+$0x0]  }
0x1be: {  	v10 =	vshll.u32 v10, $0x10;
	v7 =	vld [tilespmem:s25+$0x0];
	v55 =	vand.u32 $0x7FFFFF, v38;
	v17 =	vmul.f32 v22, v17  }
0x1bf: {  	v48 =	vor.u32 $0x3F800000, v55;
	v3 =	vmul.f32 v29, v57;
	v57 =	vmul.f32 $5.000000000e+00, v54;
	v42 =	vld.idx.msk [tilespmem:v50+s14+$0x0], $0xffff  }
0x1c0: {  	v10 =	vmul.f32 v10, v21;
	v49 =	vmul.f32 $5.486285310e-02, v48;
	v55 =	vadd.f32 $-1.442481040e+00, v17  }
0x1c1: {  	v52 =	vand.u32 $0x7FFFFF, v20;
	v43 =	vmul.f32 $1.442695020e+00, v57;
	v2 =	vshll.u32 v2, $0x1  }
0x1c2: {  	v46 =	vor.u32 $0x3F800000, v52;
	v17 =	vadd.s32 v16, v2;
	v2 =	vmul.f32 v22, v55  }
0x1c3: {  	v49 =	vsub.f32 $4.358618560e-01, v49;
	v54 =	vand.u32 $0x7FFFFF, v7;
	v47 =	vmul.f32 $5.486285310e-02, v46  }
0x1c4: {  	(erf) = vpow2.f32 v43;
	v52 =	vmul.f32 v42, v31;
	v2 =	vadd.f32 $2.792255160e+00, v2  }
0x1c5: {  	v49 =	vmul.f32 v48, v49;
	v57 =	vsub.f32 $4.358618560e-01, v47;
	v55 =	vshra.s32 v37, $0x17  }
0x1c6: {  	v50 =	vadd.s32 $0xFFFFFF81, v55;
	v47 =	vmul.f32 $1.442695020e+00, v52;
	v2 =	vmul.f32 v22, v2  }
0x1c7: {  	v44 =	vadd.f32 $-6.000000000e+00, v20;
	v16 =	vadd.f32 $-6.000000000e+00, v38;
	v50 =	vcvt.s32.f32 v50  }
0x1c8: {  	v45 =	vmul.f32 v46, v57;
	(erf) = vpow2.f32 v47;
	v47 =	vld.idx.msk [tilespmem:v17+s14+$0x0], $0xffff;
	v2 =	vadd.f32 $-1.730631710e+00, v2  }
0x1c9: {  	v49 =	vadd.f32 $-1.442481040e+00, v49;
	v57 =	vmul.f32 $5.000000000e+00, v16;
	v50 =	vmul.f32 $6.931471820e-01, v50  }
0x1ca: {  	v51 =	vor.u32 $0x3F800000, v54;
	v43 =	vadd.f32 $-6.000000000e+00, v7;
	v44 =	vmul.f32 $5.000000000e+00, v44  }
0x1cb: {  	v54 =	vmul.f32 $5.486285310e-02, v51;
	v49 =	vmul.f32 v48, v49;
	v16 =	vadd.f32 v2, v50  }
0x1cc: {  	v26 =	vadd.s32 $0x10, v34;
	v43 =	vmul.f32 $5.000000000e+00, v43;
	v44 =	vmul.f32 $1.442695020e+00, v44;
	v2 =	vpop (erf)  }
0x1cd: {  	v22 =	vsub.f32 $4.358618560e-01, v54;
	v52 =	vmul.f32 $1.442695020e+00, v57;
	v54 =	vmul.f32 v47, v16;
	v57 =	vpop (erf)  }
0x1ce: {  	v43 =	vmul.f32 $1.442695020e+00, v43;
	v45 =	vadd.f32 $-1.442481040e+00, v45;
	v57 =	vadd.f32 $1.000000000e+00, v57  }
0x1cf: {  	v21 =	vadd.s32 $0x1C, v27;
	(erf) = vpow2.f32 v44;
	v44 =	vld [tilespmem:s2+$0xFFFFF370];
	v54 =	vmul.f32 $1.442695020e+00, v54  }
0x1d0: {  	v49 =	vadd.f32 $2.792255160e+00, v49;
	v45 =	vmul.f32 v46, v45;
	v50 =	vld [tilespmem:s2+$0xFFFFF350];
	(erf) = vpow2.f32 v52  }
0x1d1: {  	v9 =	vld [tilespmem:s2+$0xFFFFFFD0];
	v42 =	vshll.u32 v42, $0x10;
	v37 =	vmul.f32 v57, v37;
	(erf) = vpow2.f32 v54  }
0x1d2: {  	v45 =	vadd.f32 $2.792255160e+00, v45;
	v22 =	vmul.f32 v51, v22;
	v52 =	vld [tilespmem:s2+$0xFFFFF360];
	(erf) = vpow2.f32 v43;
	v57 =	vpop (erf)  }
0x1d3: {  	v55 =	vshra.s32 v20, $0x17;
	(erf) = vrcp.f32 v37;
	v37 =	vld [tilespmem:s2+$0xFFFFFFF0];
	v42 =	vmul.f32 v42, v57  }
0x1d4: {  	v46 =	vmul.f32 v46, v45;
	v22 =	vadd.f32 $-1.442481040e+00, v22;
	v54 =	vadd.s32 $0x18, v32;
	v57 =	vld [tilespmem:s2+$0xFFFFFFE0]  }
0x1d5: {  	s12 =	sor.u32 s8, s15;
	v44 =	vshll.u32 v44, $0x1;
	v50 =	vshll.u32 v50, $0x1;
	v42 =	vmul.f32 v42, v35  }
0x1d6: {  	[tilespmem:s12+$0x0] =	vst v0;
	v43 =	vadd.s32 v9, v50;
	v50 =	vshra.s32 v38, $0x17;
	v9 =	vshra.s32 v7, $0x17  }
0x1d7: {  	[tilespmem:s30+$0x280] =	vst v42;
	v42 =	vshll.u32 v52, $0x1;
	v52 =	vadd.s32 $0xFFFFFF81, v55;
	v55 =	vadd.s32 $0xFFFFFF81, v9  }
0x1d8: {  	v40 =	vmovc v13;
	v13 =	vld.idx.msk [tilespmem:v1+s14+$0x0], $0xffff;
	v22 =	vmul.f32 v51, v22;
	v50 =	vadd.s32 $0xFFFFFF81, v50;
	v1 =	vadd.s32 v37, v44  }
0x1d9: {  	v54 =	vld.idx.msk [tilespmem:v54+s14+$0x0], $0xffff;
	v45 =	vadd.s32 v57, v42;
	v37 =	vcvt.s32.f32 v52;
	v57 =	vcvt.s32.f32 v50  }
0x1da: {  	[tilespmem:s21+$0x300] =	vst v6;
	v30 =	vadd.s32 $0x10, v36;
	v22 =	vadd.f32 $2.792255160e+00, v22;
	v52 =	vcvt.s32.f32 v55;
	v55 =	vpop (erf)  }
0x1db: {  	v6 =	vld.idx.msk [tilespmem:v21+s14+$0x0], $0xffff;
	v48 =	vmul.f32 v48, v49;
	v21 =	vmul.f32 $6.931471820e-01, v37;
	v37 =	vadd.f32 $1.000000000e+00, v55  }
0x1dc: {  	v47 =	vshll.u32 v47, $0x10;
	v22 =	vmul.f32 v51, v22;
	v44 =	vadd.f32 $-1.730631710e+00, v46;
	v49 =	vpop (erf)  }
0x1dd: {  	v46 =	vadd.f32 $-1.730631710e+00, v48;
	v50 =	vld.idx.msk [tilespmem:v43+s14+$0x0], $0xffff;
	v42 =	vmul.f32 $6.931471820e-01, v57;
	v48 =	vmul.f32 $6.931471820e-01, v52;
	v57 =	vpop (erf)  }
0x1de: {  	s9 =	simm.s32 $0x600;
	v51 =	vadd.s32 $0x4, v17;
	v52 =	vmul.f32 v54, v31;
	v55 =	vld.idx.msk [tilespmem:v45+s14+$0x0], $0xffff;
	v47 =	vmul.f32 v47, v57;
	v15 =	vpop (erf)  }
0x1df: {  	s13 =	simm.s32 $0xF0;
	s5 =	sand.u32 $0x3FFFFC00, s9;
	v10 =	vmul.f32 v10, v63;
	v57 =	vmul.f32 v37, v20;
	v20 =	vadd.f32 v44, v21;
	v44 =	vld.idx.msk [tilespmem:v1+s14+$0x0], $0xffff;
	v37 =	vpop (erf)  }
0x1e0: {  	s28 =	sadd.s32 $0x4B00, s5;
	s25 =	sand.u32 $0x70, s13;
	v22 =	vadd.f32 $-1.730631710e+00, v22;
	v52 =	vmul.f32 $1.442695020e+00, v52;
	v47 =	vmul.f32 v47, v37  }
0x1e1: {  	s23 =	sor.u32 s25, s28;
	v21 =	vadd.f32 v46, v42;
	(erf) = vrcp.f32 v57;
	v57 =	vadd.f32 $1.000000000e+00, v49  }
0x1e2: {  	v22 =	vadd.f32 v22, v48;
	(erf) = vpow2.f32 v52;
	v52 =	vmul.f32 v50, v20;
	[tilespmem:s23+$0x0] =	vst v47  }
0x1e3: {  	v8 =	vadd.s32 $0x10, v33;
	v38 =	vmul.f32 v57, v38;
	v57 =	vmul.f32 v55, v21;
	v47 =	vld.idx.msk [tilespmem:v51+s14+$0x0], $0xffff  }
0x1e4: {  	[tilespmem:s17+$0x180] =	vst v23;
	v23 =	vmul.f32 $1.442695020e+00, v52;
	v52 =	vmul.f32 v44, v22  }
0x1e5: {  	[tilespmem:s11+$0x180] =	vst v10;
	v30 =	vld.idx.msk [tilespmem:v30+s14+$0x0], $0xffff;
	v10 =	vadd.f32 $1.000000000e+00, v15;
	(erf) = vrcp.f32 v38;
	v42 =	vmul.f32 $1.442695020e+00, v57  }
0x1e6: {  	v38 =	vld.idx.msk [tilespmem:v26+s14+$0x0], $0xffff;
	v26 =	vmul.f32 $1.442695020e+00, v52;
	(erf) = vpow2.f32 v23  }
0x1e7: {  	[tilespmem:s18+$0x180] =	vst v39;
	v10 =	vmul.f32 v10, v7;
	(erf) = vpow2.f32 v42  }
0x1e8: {  	v39 =	vld.idx.msk [tilespmem:v8+s14+$0x0], $0xffff;
	(erf) = vpow2.f32 v26;
	v26 =	vmul.f32 v47, v16  }
0x1e9: {  	v46 =	vmul.f32 v6, v58;
	v23 =	vadd.s32 $0x1C, v25  }
0x1ea: {  	v42 =	vadd.s32 $0x1C, v24;
	(erf) = vrcp.f32 v10;
	v8 =	vpop (erf);
	v26 =	vmul.f32 $1.442695020e+00, v26  }
0x1eb: {  	v48 =	vshll.u32 v54, $0x10;
	v10 =	vmul.f32 v30, v11;
	v57 =	vmul.f32 v38, v12;
	v54 =	vpop (erf)  }
0x1ec: {  	v48 =	vmul.f32 v48, v54;
	(erf) = vpow2.f32 v26  }
0x1ed: {  	[tilespmem:s4+$0x300] =	vst v4;
	v46 =	vmul.f32 $1.442695020e+00, v46;
	v49 =	vadd.s32 $0x1C, v32;
	v52 =	vmul.f32 v39, v18  }
0x1ee: {  	[tilespmem:s1+$0x300] =	vst v5;
	v4 =	vmul.f32 $1.442695020e+00, v10;
	v26 =	vmul.f32 v48, v35;
	v48 =	vld.idx.msk [tilespmem:v23+s14+$0x0], $0xffff;
	v23 =	vpop (erf)  }
0x1ef: {  	v52 =	vmul.f32 $1.442695020e+00, v52;
	v51 =	vmul.f32 $1.442695020e+00, v57;
	v10 =	vld.idx.msk [tilespmem:v42+s14+$0x0], $0xffff;
	v42 =	vshll.u32 v50, $0x10;
	v57 =	vpop (erf)  }
0x1f0: {  	(erf) = vpow2.f32 v4;
	v4 =	vshll.u32 v55, $0x10;
	[tilespmem:s30+$0x300] =	vst v26;
	v26 =	vmul.f32 v42, v57;
	v55 =	vpop (erf)  }
0x1f1: {  	s5 =	simm.s32 $0xC0;
	v5 =	vadd.s32 $0x4, v43;
	(erf) = vpow2.f32 v51;
	v4 =	vmul.f32 v4, v55  }
0x1f2: {  	s15 =	simm.s32 $0xD0;
	v0 =	vmovc v62;
	s13 =	sand.u32 $0x40, s5;
	v7 =	vadd.s32 $0x4, v45;
	(erf) = vpow2.f32 v52;
	v49 =	vld.idx.msk [tilespmem:v49+s14+$0x0], $0xffff;
	v51 =	vmul.f32 v26, v8  }
0x1f3: {  	s8 =	sand.u32 $0x50, s15;
	s15 =	sor.u32 s13, s28;
	v44 =	vshll.u32 v44, $0x10;
	v57 =	vpop (erf);
	v62 =	vmul.f32 v48, v62;
	v4 =	vmul.f32 v4, v23  }
0x1f4: {  	s29 =	sor.u32 s8, s28;
	v3 =	vmul.f32 $1.442695020e+00, v3;
	v50 =	vadd.s32 $0x4, v1;
	v42 =	vmul.f32 v44, v57;
	v26 =	vpop (erf);
	[tilespmem:s15+$0x0] =	vst v51  }
0x1f5: {  	s9 =	simm.s32 $0xE0;
	(erf) = vpow2.f32 v46;
	[tilespmem:s29+$0x0] =	vst v4;
	v4 =	vmul.f32 $1.442695020e+00, v62;
	v62 =	vshll.u32 v47, $0x10;
	v54 =	vpop (erf)  }
0x1f6: {  	s9 =	sand.u32 $0x60, s9;
	v42 =	vmul.f32 v42, v26;
	v5 =	vld.idx.msk [tilespmem:v5+s14+$0x0], $0xffff;
	v47 =	vadd.s32 $0x8, v17;
	v44 =	vmul.f32 v62, v54  }
0x1f7: {  	s28 =	sor.u32 s9, s28;
	v15 =	vmov v11;
	v57 =	vmul.f32 v10, v61;
	v55 =	vmul.f32 v49, v31;
	v11 =	vld.idx.msk [tilespmem:v7+s14+$0x0], $0xffff  }
0x1f8: {  	[tilespmem:s28+$0x0] =	vst v42;
	(erf) = vpow2.f32 v4;
	v4 =	vmul.f32 v44, v37  }
0x1f9: {  	v30 =	vshll.u32 v30, $0x10;
	v42 =	vmul.f32 $1.442695020e+00, v57;
	v46 =	vld.idx.msk [tilespmem:v50+s14+$0x0], $0xffff;
	v57 =	vmul.f32 $1.442695020e+00, v55;
	v62 =	vpop (erf)  }
0x1fa: {  	v9 =	vmul.f32 v13, v14;
	v30 =	vmul.f32 v30, v62;
	[tilespmem:s23+$0x80] =	vst v4  }
0x1fb: {  	v38 =	vshll.u32 v38, $0x10;
	v52 =	vpop (erf);
	(erf) = vpow2.f32 v57;
	v55 =	vmul.f32 v5, v20;
	v47 =	vld.idx.msk [tilespmem:v47+s14+$0x0], $0xffff  }
0x1fc: {  	v39 =	vshll.u32 v39, $0x10;
	v38 =	vmul.f32 v38, v52;
	v54 =	vpop (erf);
	v4 =	vmul.f32 v11, v21  }
0x1fd: {  	v39 =	vmul.f32 v39, v54;
	v50 =	vmul.f32 $1.442695020e+00, v55  }
0x1fe: {  	v30 =	vmul.f32 v30, v53;
	v57 =	vmul.f32 v46, v22  }
0x1ff: {  	v54 =	vadd.s32 $0x14, v36;
	v4 =	vmul.f32 $1.442695020e+00, v4;
	(erf) = vpow2.f32 v50  }
0x200: {  	v55 =	vadd.s32 $0x14, v34;
	v52 =	vmul.f32 $1.442695020e+00, v57;
	v62 =	vmul.f32 v47, v16  }
0x201: {  	v14 =	vadd.s32 $0x20, v24;
	v6 =	vshll.u32 v6, $0x10;
	(erf) = vpow2.f32 v4  }
0x202: {  	v51 =	vadd.s32 $0x20, v27;
	v38 =	vmul.f32 v38, v63;
	v57 =	vpop (erf);
	(erf) = vpow2.f32 v52  }
0x203: {  	[tilespmem:s17+$0x200] =	vst v30;
	v50 =	vadd.s32 $0x14, v33;
	v4 =	vadd.s32 $0x24, v27;
	v27 =	vmul.f32 v39, v60;
	v30 =	vpop (erf)  }
0x204: {  	[tilespmem:s11+$0x200] =	vst v38;
	v39 =	vld.idx.msk [tilespmem:v54+s14+$0x0], $0xffff;
	(erf) = vpow2.f32 v42;
	v42 =	vshll.u32 v49, $0x10;
	v38 =	vmul.f32 $1.442695020e+00, v62;
	v62 =	vpop (erf)  }
0x205: {  	v52 =	vld.idx.msk [tilespmem:v55+s14+$0x0], $0xffff;
	[tilespmem:s18+$0x200] =	vst v27;
	v27 =	vadd.s32 $0x20, v32;
	(erf) = vpow2.f32 v3;
	v3 =	vmul.f32 v42, v62  }
0x206: {  	v7 =	vmul.f32 $1.442695020e+00, v9;
	v44 =	vadd.s32 $0x20, v25;
	(erf) = vpow2.f32 v38  }
0x207: {  	v46 =	vshll.u32 v46, $0x10;
	v55 =	vshll.u32 v48, $0x10;
	v3 =	vmul.f32 v3, v35  }
0x208: {  	v48 =	vadd.s32 $0x8, v43;
	v30 =	vmul.f32 v55, v30;
	v42 =	vld.idx.msk [tilespmem:v50+s14+$0x0], $0xffff;
	v50 =	vmul.f32 v6, v57  }
0x209: {  	v6 =	vmul.f32 v39, v15;
	(erf) = vpow2.f32 v7;
	[tilespmem:s30+$0x380] =	vst v3;
	v3 =	vshll.u32 v5, $0x10;
	v5 =	vpop (erf)  }
0x20a: {  	v7 =	vshll.u32 v11, $0x10;
	v57 =	vmul.f32 v52, v12;
	v3 =	vmul.f32 v3, v5;
	v5 =	vpop (erf);
	v27 =	vld.idx.msk [tilespmem:v27+s14+$0x0], $0xffff  }
0x20b: {  	v49 =	vadd.s32 $0x8, v45;
	v6 =	vmul.f32 $1.442695020e+00, v6;
	v7 =	vmul.f32 v7, v5;
	v9 =	vpop (erf)  }
0x20c: {  	v5 =	vadd.s32 $0x24, v25;
	v25 =	vmul.f32 v3, v8;
	v46 =	vmul.f32 v46, v9  }
0x20d: {  	v62 =	vmul.f32 v42, v18;
	v9 =	vadd.s32 $0x8, v1;
	v55 =	vpop (erf);
	v7 =	vmul.f32 v7, v23  }
0x20e: {  	v3 =	vadd.s32 $0x24, v24;
	v38 =	vpop (erf);
	[tilespmem:s15+$0x80] =	vst v25;
	v24 =	vmul.f32 v46, v26;
	v25 =	vmul.f32 $1.442695020e+00, v57  }
0x20f: {  	v47 =	vshll.u32 v47, $0x10;
	v57 =	vpop (erf);
	v46 =	vld.idx.msk [tilespmem:v48+s14+$0x0], $0xffff;
	[tilespmem:s29+$0x80] =	vst v7;
	v7 =	vmul.f32 $1.442695020e+00, v62;
	v62 =	vmul.f32 v27, v31  }
0x210: {  	(erf) = vpow2.f32 v6;
	v6 =	vmul.f32 v47, v57;
	v57 =	vadd.s32 $0xC, v17;
	v49 =	vld.idx.msk [tilespmem:v49+s14+$0x0], $0xffff  }
0x211: {  	[tilespmem:s28+$0x80] =	vst v24;
	(erf) = vpow2.f32 v25;
	v24 =	vmul.f32 $1.442695020e+00, v62  }
0x212: {  	(erf) = vpow2.f32 v7;
	v7 =	vmul.f32 v6, v37  }
0x213: {  	v10 =	vshll.u32 v10, $0x10;
	v50 =	vmul.f32 v50, v56;
	v62 =	vld.idx.msk [tilespmem:v9+s14+$0x0], $0xffff;
	(erf) = vpow2.f32 v24  }
0x214: {  	v24 =	vshll.u32 v28, $0x10;
	v28 =	vmul.f32 v30, v59;
	[tilespmem:s23+$0x100] =	vst v7;
	v30 =	vmul.f32 v46, v20  }
0x215: {  	v54 =	vadd.s32 $0x18, v33;
	v7 =	vmul.f32 v24, v2;
	v47 =	vld.idx.msk [tilespmem:v57+s14+$0x0], $0xffff;
	v2 =	vmul.f32 v49, v21  }
0x216: {  	v32 =	vadd.s32 $0x24, v32;
	v11 =	vadd.s32 $0x20, v34;
	v10 =	vmul.f32 v10, v55  }
0x217: {  	[tilespmem:s21+$0x380] =	vst v50;
	v30 =	vmul.f32 $1.442695020e+00, v30;
	v57 =	vmul.f32 $1.442695020e+00, v2;
	v2 =	vadd.s32 $0x1C, v33  }
0x218: {  	v42 =	vshll.u32 v42, $0x10;
	v10 =	vmul.f32 v10, v19;
	v50 =	vpop (erf);
	v55 =	vmul.f32 v62, v22;
	[tilespmem:$0x1FFE0] =	vst v2  }
0x219: {  	(erf) = vpow2.f32 v30;
	v30 =	vshll.u32 v39, $0x10;
	[tilespmem:s4+$0x380] =	vst v28;
	v28 =	vmov v60;
	v60 =	vpop (erf)  }
0x21a: {  	v9 =	vadd.s32 $0x20, v36;
	v39 =	vld.idx.msk [tilespmem:v51+s14+$0x0], $0xffff;
	v51 =	vmul.f32 v30, v60;
	v60 =	vmul.f32 v47, v16  }
0x21b: {  	v48 =	vadd.s32 $0x18, v36;
	v27 =	vshll.u32 v27, $0x10;
	v55 =	vmul.f32 $1.442695020e+00, v55;
	[tilespmem:$0x1FF20] =	vst v9  }
0x21c: {  	(erf) = vpow2.f32 v57;
	v30 =	vpop (erf);
	[tilespmem:s1+$0x380] =	vst v10;
	v10 =	vshll.u32 v52, $0x10;
	v9 =	vmul.f32 $1.442695020e+00, v60  }
0x21d: {  	v25 =	vadd.s32 $0x18, v34;
	(erf) = vpow2.f32 v55;
	v44 =	vld.idx.msk [tilespmem:v44+s14+$0x0], $0xffff;
	v10 =	vmul.f32 v10, v30  }
0x21e: {  	v52 =	vpop (erf);
	v55 =	vld.idx.msk [tilespmem:v14+s14+$0x0], $0xffff;
	[tilespmem:$0x1FF30] =	vst v11;
	v51 =	vmul.f32 v51, v53;
	(erf) = vpow2.f32 v9;
	v9 =	vadd.s32 $0x20, v33  }
0x21f: {  	v6 =	vadd.s32 $0x1C, v36;
	v42 =	vmul.f32 v42, v52;
	v60 =	vpop (erf);
	v57 =	vmul.f32 v39, v58;
	[tilespmem:$0x1FF40] =	vst v9  }
0x220: {  	v10 =	vmul.f32 v10, v63;
	v27 =	vmul.f32 v27, v60;
	v60 =	vshll.u32 v29, $0x10;
	[tilespmem:s17+$0x280] =	vst v51  }
0x221: {  	v46 =	vshll.u32 v46, $0x10;
	v42 =	vmul.f32 v42, v28;
	v9 =	vmul.f32 v60, v38;
	v48 =	vld.idx.msk [tilespmem:v48+s14+$0x0], $0xffff  }
0x222: {  	v38 =	vmul.f32 v44, v0;
	v60 =	vadd.s32 $0x24, v36;
	v36 =	vmul.f32 $1.442695020e+00, v57  }
0x223: {  	s30 =	simm.s32 $0x100;
	v2 =	vmovc v0;
	v0 =	vshll.u32 v13, $0x10;
	v57 =	vmul.f32 v55, v61;
	v27 =	vmul.f32 v27, v35  }
0x224: {  	s1 =	sand.u32 $0x3FFFFF00, s30;
	[tilespmem:s11+$0x280] =	vst v10;
	v10 =	vadd.s32 $0xC, v43;
	v52 =	vpop (erf);
	v0 =	vmul.f32 v0, v50;
	(erf) = vpow2.f32 v36  }
0x225: {  	s30 =	sadd.s32 $0x11300, s1;
	v25 =	vld.idx.msk [tilespmem:v25+s14+$0x0], $0xffff;
	[tilespmem:s18+$0x280] =	vst v42;
	v42 =	vmul.f32 v46, v52;
	v50 =	vpop (erf);
	v51 =	vmul.f32 $1.442695020e+00, v57;
	v57 =	vshll.u32 v49, $0x10  }
0x226: {  	s19 =	sor.u32 s19, s30;
	v49 =	vld.idx.msk [tilespmem:v54+s14+$0x0], $0xffff;
	v54 =	vadd.s32 $0xC, v45;
	v36 =	vmul.f32 v57, v50;
	v57 =	vmul.f32 v48, v15  }
0x227: {  	v11 =	vadd.s32 $0x24, v34;
	v38 =	vmul.f32 $1.442695020e+00, v38;
	[tilespmem:s19+$0x0] =	vst v27;
	v42 =	vmul.f32 v42, v8  }
0x228: {  	v13 =	vmul.f32 v7, v40;
	v27 =	vshll.u32 v62, $0x10;
	v52 =	vpop (erf);
	v46 =	vld.idx.msk [tilespmem:v32+s14+$0x0], $0xffff;
	[tilespmem:$0x1FF50] =	vst v11;
	v36 =	vmul.f32 v36, v23  }
0x229: {  	(erf) = vpow2.f32 v38;
	v27 =	vmul.f32 v27, v52;
	[tilespmem:s15+$0x100] =	vst v42  }
0x22a: {  	v62 =	vmul.f32 v25, v12;
	v11 =	vld.idx.msk [tilespmem:v10+s14+$0x0], $0xffff;
	v10 =	vshll.u32 v47, $0x10;
	v50 =	vmul.f32 $1.442695020e+00, v57;
	[tilespmem:s29+$0x100] =	vst v36;
	v57 =	vpop (erf)  }
0x22b: {  	v38 =	vadd.s32 $0xC, v1;
	(erf) = vpow2.f32 v51;
	v54 =	vld.idx.msk [tilespmem:v54+s14+$0x0], $0xffff;
	v10 =	vmul.f32 v10, v57  }
0x22c: {  	v24 =	vadd.s32 $0x1C, v34;
	v34 =	vmul.f32 v27, v26;
	v62 =	vmul.f32 $1.442695020e+00, v62  }
0x22d: {  	v32 =	vadd.s32 $0x10, v17;
	v31 =	vmul.f32 v46, v31;
	v10 =	vmul.f32 v10, v37  }
0x22e: {  	v42 =	vmul.f32 v49, v18;
	[tilespmem:s28+$0x100] =	vst v34;
	(erf) = vpow2.f32 v50  }
0x22f: {  	v7 =	vadd.s32 $0x14, v43;
	v31 =	vmul.f32 $1.442695020e+00, v31;
	(erf) = vpow2.f32 v62;
	[tilespmem:s23+$0x180] =	vst v10  }
0x230: {  	v57 =	vld.idx.msk [tilespmem:v38+s14+$0x0], $0xffff;
	v62 =	vmul.f32 $1.442695020e+00, v42;
	[tilespmem:$0x1FF60] =	vst v7;
	v7 =	vmul.f32 v54, v21  }
0x231: {  	v50 =	vshll.u32 v39, $0x10;
	(erf) = vpow2.f32 v31  }
0x232: {  	v40 =	vpop (erf);
	(erf) = vpow2.f32 v62;
	v10 =	vld.idx.msk [tilespmem:v32+s14+$0x0], $0xffff;
	v62 =	vmul.f32 $1.442695020e+00, v7;
	v7 =	vadd.s32 $0x14, v1  }
0x233: {  	v30 =	vmov v12;
	v12 =	vadd.s32 $0x14, v45;
	v31 =	vmul.f32 v50, v40;
	[tilespmem:$0x1FF80] =	vst v7;
	v7 =	vld [tilespmem:$0x1FF90]  }
0x234: {  	v42 =	vmul.f32 v11, v20;
	[tilespmem:$0x1FF70] =	vst v12  }
0x235: {  	v31 =	vmul.f32 v31, v56;
	[tilespmem:s16+$0x80] =	vst v41  }
0x236: {  	s21 =	sor.u32 s31, s3;
	v29 =	vadd.s32 $0x24, v33;
	v33 =	vmul.f32 $1.442695020e+00, v42;
	[tilespmem:s0+$0x80] =	vst v13  }
0x237: {  	v47 =	vshll.u32 v44, $0x10;
	v50 =	vpop (erf);
	[tilespmem:s21+$0x0] =	vst v31  }
0x238: {  	v47 =	vmul.f32 v47, v50;
	v50 =	vshll.u32 v55, $0x10;
	(erf) = vpow2.f32 v33;
	[tilespmem:s22+$0x80] =	vst v7  }
0x239: {  	v55 =	vpop (erf);
	v39 =	vmul.f32 v57, v22;
	(erf) = vpow2.f32 v62;
	v62 =	vshll.u32 v48, $0x10;
	v7 =	vld [tilespmem:$0x1FFA0]  }
0x23a: {  	v55 =	vmul.f32 v50, v55  }
0x23b: {  	v39 =	vmul.f32 $1.442695020e+00, v39;
	v42 =	vpop (erf);
	v44 =	vmul.f32 v10, v16  }
0x23c: {  	v13 =	vmul.f32 v47, v59;
	v48 =	vmul.f32 v62, v42;
	v62 =	vpop (erf)  }
0x23d: {  	s4 =	sor.u32 s26, s3;
	(erf) = vpow2.f32 v39;
	v39 =	vmul.f32 $1.442695020e+00, v44;
	v44 =	vshll.u32 v46, $0x10;
	v46 =	vpop (erf)  }
0x23e: {  	v44 =	vmul.f32 v44, v46;
	[tilespmem:s4+$0x0] =	vst v13;
	v46 =	vmul.f32 v9, v7;
	v7 =	vadd.s32 $0x20, v43  }
0x23f: {  	v55 =	vmul.f32 v55, v19;
	[tilespmem:$0x1FFB0] =	vst v7  }
0x240: {  	s1 =	sor.u32 s20, s3;
	v7 =	vld.idx.msk [tilespmem:v4+s14+$0x0], $0xffff  }
0x241: {  	v4 =	vmul.f32 v48, v53;
	[tilespmem:s1+$0x0] =	vst v55;
	v48 =	vld.idx.msk [tilespmem:v5+s14+$0x0], $0xffff  }
0x242: {  	v5 =	vld [tilespmem:$0x1FFC0];
	_ =	sdelay $0x1  }
0x243: {  	v25 =	vshll.u32 v25, $0x10  }
0x244: {  	v49 =	vshll.u32 v49, $0x10;
	v25 =	vmul.f32 v25, v62;
	v50 =	vpop (erf)  }
0x245: {  	v31 =	vshll.u32 v11, $0x10;
	v12 =	vmul.f32 v49, v50;
	v11 =	vpop (erf);
	v35 =	vmul.f32 v44, v35  }
0x246: {  	v47 =	vmul.f32 v31, v11;
	v11 =	vshll.u32 v54, $0x10;
	v49 =	vmul.f32 v0, v5;
	v0 =	vpop (erf)  }
0x247: {  	[tilespmem:s17+$0x300] =	vst v4;
	v4 =	vshll.u32 v57, $0x10;
	v54 =	vmul.f32 v11, v0;
	v0 =	vpop (erf)  }
0x248: {  	v25 =	vmul.f32 v25, v63;
	[tilespmem:s19+$0x80] =	vst v35;
	v5 =	vmul.f32 v4, v0;
	v0 =	vadd.s32 $0x20, v1  }
0x249: {  	[tilespmem:$0x1FFD0] =	vst v0  }
0x24a: {  	v0 =	vld.idx.msk [tilespmem:v3+s14+$0x0], $0xffff;
	v3 =	vmul.f32 v12, v28;
	[tilespmem:s11+$0x300] =	vst v25  }
0x24b: {  	[tilespmem:s6+$0x80] =	vst v46  }
0x24c: {  	v34 =	vadd.s32 $0x18, v1;
	v38 =	vadd.s32 $0x10, v1;
	v40 =	vadd.s32 $0x24, v1;
	[tilespmem:s18+$0x300] =	vst v3  }
0x24d: {  	v27 =	vmovc v19;
	v44 =	vadd.s32 $0x1C, v1;
	v19 =	vshll.u32 v7, $0x10;
	v1 =	vmul.f32 v7, v58;
	v7 =	vld [tilespmem:$0x1FFE0];
	_ =	sdelay $0x3  }
0x24e: {  	v52 =	vadd.s32 $0x10, v43;
	v51 =	vadd.s32 $0x10, v45  }
0x24f: {  	v36 =	vadd.s32 $0x18, v43;
	v33 =	vadd.s32 $0x1C, v43;
	(erf) = vpow2.f32 v39  }
0x250: {  	v32 =	vadd.s32 $0x24, v43;
	v62 =	vadd.s32 $0x18, v45;
	v39 =	vadd.s32 $0x1C, v45;
	v4 =	vld.idx.msk [tilespmem:v6+s14+$0x0], $0xffff  }
0x251: {  	v14 =	vmovc v18;
	s20 =	sor.u32 s10, s30;
	s10 =	sor.u32 s24, s30;
	s0 =	sor.u32 s7, s30;
	v43 =	vadd.s32 $0x24, v45;
	v55 =	vadd.s32 $0x20, v45;
	v2 =	vmul.f32 v48, v2;
	v6 =	vld.idx.msk [tilespmem:v24+s14+$0x0], $0xffff  }
0x252: {  	s7 =	simm.s32 $0x3320;
	v31 =	vmovc v8;
	s19 =	simm.s32 $0xC;
	v18 =	vshll.u32 v48, $0x10;
	v25 =	vmul.f32 v54, v23;
	s6 =	simm.s32 $0xC;
	v3 =	vmul.f32 v47, v8;
	v58 =	vld.idx.msk [tilespmem:v7+s14+$0x0], $0xffff  }
.LBB2_3:
0x253: {  	[tilespmem:$0x1FE20] =	vst v15  }
0x254: {  	[tilespmem:$0x1FE40] =	vst v18  }
0x255: {  	v5 =	vmul.f32 v5, v26;
	[tilespmem:s29+$0x180] =	vst v25  }
0x256: {  	[tilespmem:s15+$0x180] =	vst v3;
	v2 =	vmul.f32 $1.442695020e+00, v2  }
0x257: {  	v24 =	vld [tilespmem:s7+$0x10];
	v35 =	vmov v20;
	v20 =	vmul.f32 $1.442695020e+00, v1;
	[tilespmem:s28+$0x180] =	vst v5;
	v7 =	vshll.u32 v4, $0x10  }
0x258: {  	s2 =	sadd.s32 $0x40, s2;
	v1 =	vld [tilespmem:s7+$0xFFFFFFF0];
	v5 =	vshll.u32 v10, $0x10;
	v10 =	vpop (erf);
	v3 =	vshll.u32 v0, $0x10;
	v0 =	vmul.f32 v0, v61;
	[tilespmem:$0x1FDD0] =	vst v2  }
0x259: {  	v45 =	vmov v23;
	v23 =	vld [tilespmem:s2+$0xFFFFF380];
	v2 =	vmul.f32 v5, v10;
	[tilespmem:$0x1FE50] =	vst v3  }
0x25a: {  	v50 =	vld [tilespmem:s2+$0xFFFFF360];
	v8 =	vmul.f32 v4, v15;
	v4 =	vmovc v27;
	[tilespmem:$0x1FDC0] =	vst v7;
	v0 =	vmul.f32 $1.442695020e+00, v0;
	v7 =	vmov v30  }
0x25b: {  	v41 =	vld [tilespmem:s2+$0xFFFFF350];
	v10 =	vadd.s32 $0x14, v17;
	(erf) = vpow2.f32 v20;
	[tilespmem:$0x1FEF0] =	vst v4  }
0x25c: {  	v3 =	vld [tilespmem:s7+$0xFFFFFFE0];
	v18 =	vshll.u32 v6, $0x10;
	v4 =	vand.u32 $0x7FFFFF, v24;
	v12 =	vmul.f32 v2, v37;
	[tilespmem:$0x1FDF0] =	vst v0  }
0x25d: {  	v9 =	vmovc v43;
	v5 =	vmul.f32 $1.442695020e+00, v8;
	v4 =	vor.u32 $0x3F800000, v4;
	v0 =	vld [tilespmem:s7+$0x0];
	[tilespmem:$0x1FE30] =	vst v7;
	v46 =	vmul.f32 v6, v7;
	v7 =	vmovc v28  }
0x25e: {  	v61 =	vmovc v14;
	v14 =	vmovc v22;
	v22 =	vand.u32 $0x7FFFFF, v1;
	v43 =	vadd.f32 $-6.000000000e+00, v1;
	v23 =	vshll.u32 v23, $0x1;
	[tilespmem:s12+$0x80] =	vst v49  }
0x25f: {  	v50 =	vshll.u32 v50, $0x1;
	v25 =	vmul.f32 $5.486285310e-02, v4;
	[tilespmem:s23+$0x200] =	vst v12;
	v22 =	vor.u32 $0x3F800000, v22  }
0x260: {  	v49 =	vshra.s32 v24, $0x17;
	v41 =	vshll.u32 v41, $0x1;
	v10 =	vld.idx.msk [tilespmem:v10+s14+$0x0], $0xffff;
	v57 =	vmul.f32 $5.486285310e-02, v22;
	[tilespmem:$0x1FE10] =	vst v7;
	v7 =	vmovc v33  }
0x261: {  	[tilespmem:$0x1FED0] =	vst v59;
	v42 =	vld [tilespmem:s2+$0x0];
	v43 =	vmul.f32 $5.000000000e+00, v43;
	v20 =	vand.u32 $0x7FFFFF, v3;
	v25 =	vsub.f32 $4.358618560e-01, v25  }
0x262: {  	[tilespmem:$0x1FE80] =	vst v60;
	v60 =	vmovc v21;
	v15 =	vmovc v26;
	v21 =	vadd.f32 $-6.000000000e+00, v3;
	v20 =	vor.u32 $0x3F800000, v20;
	v26 =	vand.u32 $0x7FFFFF, v0  }
0x263: {  	v2 =	vmovc v44;
	v25 =	vmul.f32 v4, v25;
	v26 =	vor.u32 $0x3F800000, v26;
	[tilespmem:$0x1FEC0] =	vst v7;
	v7 =	vmovc v40;
	v40 =	vadd.f32 $-6.000000000e+00, v24  }
0x264: {  	v11 =	vmovc v39;
	[tilespmem:$0x1FF10] =	vst v2;
	v39 =	vsub.f32 $4.358618560e-01, v57;
	v2 =	vmul.f32 $5.486285310e-02, v20;
	v59 =	vmul.f32 $5.486285310e-02, v26  }
0x265: {  	v6 =	vld.idx.msk [tilespmem:v51+s14+$0x0], $0xffff;
	v21 =	vmul.f32 $5.000000000e+00, v21;
	v25 =	vadd.f32 $-1.442481040e+00, v25;
	v51 =	vmul.f32 $5.000000000e+00, v40  }
0x266: {  	v44 =	vsub.f32 $4.358618560e-01, v59;
	v59 =	vadd.s32 v42, v23;
	v23 =	vmul.f32 v10, v16  }
0x267: {  	[tilespmem:$0x1FE60] =	vst v56;
	v56 =	vadd.s32 $0xFFFFFF81, v49;
	v25 =	vmul.f32 v4, v25;
	v51 =	vmul.f32 $1.442695020e+00, v51  }
0x268: {  	[tilespmem:$0x1FE00] =	vst v55;
	v54 =	vld [tilespmem:s2+$0xFFFFF370];
	v49 =	vadd.s32 $0x18, v17;
	v39 =	vmul.f32 v22, v39;
	v23 =	vmul.f32 $1.442695020e+00, v23  }
0x269: {  	[tilespmem:$0x1FEE0] =	vst v7;
	v7 =	vsub.f32 $4.358618560e-01, v2;
	v2 =	vpop (erf);
	v25 =	vadd.f32 $2.792255160e+00, v25;
	(erf) = vpow2.f32 v51  }
0x26a: {  	[tilespmem:$0x1FEA0] =	vst v9;
	v55 =	vadd.f32 $-6.000000000e+00, v0;
	v9 =	vmul.f32 $1.442695020e+00, v21;
	(erf) = vpow2.f32 v23  }
0x26b: {  	v8 =	vmovc v29;
	v27 =	vshra.s32 v0, $0x17;
	v4 =	vmul.f32 v4, v25;
	v51 =	vcvt.s32.f32 v56  }
0x26c: {  	[tilespmem:$0x1FEB0] =	vst v8;
	v39 =	vadd.f32 $-1.442481040e+00, v39;
	v44 =	vmul.f32 v26, v44;
	v33 =	vmul.f32 v20, v7;
	v8 =	vld.idx.msk [tilespmem:v59+s14+$0x0], $0xffff  }
0x26d: {  	v54 =	vshll.u32 v54, $0x1;
	v4 =	vadd.f32 $-1.730631710e+00, v4;
	v51 =	vmul.f32 $6.931471820e-01, v51  }
0x26e: {  	v39 =	vmul.f32 v22, v39;
	v44 =	vadd.f32 $-1.442481040e+00, v44;
	v33 =	vadd.f32 $-1.442481040e+00, v33  }
0x26f: {  	v55 =	vmul.f32 $5.000000000e+00, v55;
	v10 =	vshll.u32 v10, $0x10;
	v56 =	vadd.f32 v4, v51  }
0x270: {  	v39 =	vadd.f32 $2.792255160e+00, v39;
	v44 =	vmul.f32 v26, v44;
	v42 =	vmul.f32 v20, v33  }
0x271: {  	v7 =	vld [tilespmem:s2+$0xFFFFFFE0];
	v25 =	vshra.s32 v1, $0x17;
	(erf) = vpow2.f32 v9;
	v51 =	vmul.f32 v8, v56  }
0x272: {  	v57 =	vld [tilespmem:s2+$0xFFFFFFD0];
	v23 =	vshra.s32 v3, $0x17;
	v4 =	vadd.f32 $2.792255160e+00, v42;
	v42 =	vmul.f32 $1.442695020e+00, v43;
	v21 =	vpop (erf)  }
0x273: {  	v48 =	vld.idx.msk [tilespmem:v52+s14+$0x0], $0xffff;
	v33 =	vmul.f32 $1.442695020e+00, v55;
	v51 =	vmul.f32 $1.442695020e+00, v51;
	v21 =	vadd.f32 $1.000000000e+00, v21;
	v40 =	vpop (erf)  }
0x274: {  	v52 =	vld [tilespmem:s2+$0xFFFFFFF0];
	v44 =	vadd.f32 $2.792255160e+00, v44;
	(erf) = vpow2.f32 v42;
	v10 =	vmul.f32 v10, v40  }
0x275: {  	v23 =	vadd.s32 $0xFFFFFF81, v23;
	(erf) = vpow2.f32 v51;
	v21 =	vmul.f32 v21, v24  }
0x276: {  	v55 =	vadd.s32 v7, v50;
	(erf) = vpow2.f32 v33;
	v10 =	vmul.f32 v10, v37  }
0x277: {  	v43 =	vadd.s32 v57, v41;
	v7 =	vmul.f32 v26, v44;
	(erf) = vrcp.f32 v21  }
0x278: {  	v4 =	vmul.f32 v20, v4;
	v20 =	vmul.f32 v22, v39;
	v24 =	vadd.s32 $0xFFFFFF81, v25;
	[tilespmem:s23+$0x280] =	vst v10  }
0x279: {  	v41 =	vadd.s32 v52, v54;
	v7 =	vadd.f32 $-1.730631710e+00, v7;
	v21 =	vcvt.s32.f32 v24;
	v26 =	vld.idx.msk [tilespmem:v49+s14+$0x0], $0xffff  }
0x27a: {  	v22 =	vadd.f32 $-1.730631710e+00, v20;
	v25 =	vadd.s32 $0xFFFFFF81, v27;
	v10 =	vcvt.s32.f32 v23;
	v23 =	vpop (erf)  }
0x27b: {  	v20 =	vcvt.s32.f32 v25;
	v23 =	vadd.f32 $1.000000000e+00, v23;
	v21 =	vmul.f32 $6.931471820e-01, v21  }
0x27c: {  	v8 =	vshll.u32 v8, $0x10;
	v4 =	vadd.f32 $-1.730631710e+00, v4;
	v9 =	vmul.f32 $6.931471820e-01, v10  }
0x27d: {  	v24 =	vld.idx.msk [tilespmem:v43+s14+$0x0], $0xffff;
	v27 =	vmul.f32 $6.931471820e-01, v20;
	v21 =	vadd.f32 v22, v21;
	v3 =	vmul.f32 v23, v3;
	v33 =	vpop (erf)  }
0x27e: {  	s19 =	sadd.s32 $0x4, s19;
	s5 =	sadd.s32 $0x40, s5;
	v20 =	vadd.f32 v4, v9;
	v4 =	vld.idx.msk [tilespmem:v55+s14+$0x0], $0xffff;
	v10 =	vpop (erf);
	v23 =	vadd.f32 $1.000000000e+00, v33;
	v54 =	vmul.f32 v26, v16  }
0x27f: {  	s26 =	sshll.u32 s19, $0x7;
	s16 =	sadd.s32 $0x30, s5;
	v44 =	vld.idx.msk [tilespmem:v41+s14+$0x0], $0xffff;
	v22 =	vadd.f32 v7, v27;
	v8 =	vmul.f32 v8, v10;
	v10 =	vadd.s32 $0x4, v59;
	v40 =	vpop (erf)  }
0x280: {  	s12 =	smov.u32 s1;
	s1 =	smov.u32 s0;
	s0 =	sand.u32 $0x3FFFFC00, s26;
	v7 =	vadd.f32 $1.000000000e+00, v40;
	v1 =	vmul.f32 v23, v1;
	v57 =	vpop (erf);
	v27 =	vmul.f32 $1.442695020e+00, v54  }
0x281: {  	s16 =	sand.u32 $0x70, s16;
	s31 =	sadd.s32 $0x4B00, s0;
	(erf) = vrcp.f32 v3;
	v8 =	vmul.f32 v8, v57  }
0x282: {  	s26 =	sor.u32 s16, s31;
	v3 =	vmul.f32 v24, v20;
	v0 =	vmul.f32 v7, v0  }
0x283: {  	(erf) = vpow2.f32 v27;
	[tilespmem:s26+$0x0] =	vst v8;
	v8 =	vshll.u32 v4, $0x10;
	v4 =	vmul.f32 v4, v21  }
0x284: {  	v3 =	vmul.f32 $1.442695020e+00, v3;
	v7 =	vld.idx.msk [tilespmem:v10+s14+$0x0], $0xffff;
	v10 =	vmul.f32 v44, v22  }
0x285: {  	(erf) = vrcp.f32 v1;
	v23 =	vmul.f32 $1.442695020e+00, v4  }
0x286: {  	v27 =	vshll.u32 v44, $0x10;
	(erf) = vpow2.f32 v3;
	v44 =	vmul.f32 $1.442695020e+00, v10  }
0x287: {  	(erf) = vpow2.f32 v23  }
0x288: {  	(erf) = vpow2.f32 v44  }
0x289: {  	[tilespmem:$0x1FDE0] =	vst v53;
	v53 =	vld.idx.msk [tilespmem:v38+s14+$0x0], $0xffff;
	v23 =	vmul.f32 v7, v56  }
0x28a: {  	v28 =	vmul.f32 v6, v60;
	v50 =	vmul.f32 v48, v35;
	v1 =	vadd.s32 $0xC, v41  }
0x28b: {  	[tilespmem:$0x1FE70] =	vst v1;
	(erf) = vrcp.f32 v0;
	v0 =	vpop (erf);
	v1 =	vmul.f32 $1.442695020e+00, v23  }
0x28c: {  	v26 =	vshll.u32 v26, $0x10;
	v44 =	vmul.f32 $1.442695020e+00, v50;
	v29 =	vpop (erf)  }
0x28d: {  	v33 =	vshll.u32 v24, $0x10;
	v26 =	vmul.f32 v26, v29;
	(erf) = vpow2.f32 v1  }
0x28e: {  	v30 =	vmul.f32 v53, v14;
	v13 =	vshll.u32 v6, $0x10;
	v23 =	vpop (erf)  }
0x28f: {  	v6 =	vmul.f32 $1.442695020e+00, v28;
	v29 =	vadd.s32 $0x1C, v17;
	v28 =	vpop (erf);
	(erf) = vpow2.f32 v44  }
0x290: {  	v1 =	vmul.f32 v26, v37;
	v28 =	vmul.f32 v33, v28;
	v33 =	vpop (erf)  }
0x291: {  	v25 =	vadd.s32 $0x4, v55;
	(erf) = vpow2.f32 v6;
	v6 =	vmul.f32 v8, v33;
	v26 =	vpop (erf)  }
0x292: {  	s3 =	sadd.s32 $0x10, s5;
	v30 =	vmul.f32 $1.442695020e+00, v30;
	v42 =	vadd.s32 $0x4, v43;
	v27 =	vmul.f32 v27, v26  }
0x293: {  	s30 =	sadd.s32 $0x20, s5;
	s22 =	sand.u32 $0x50, s3;
	[tilespmem:s23+$0x300] =	vst v1;
	v40 =	vmul.f32 v6, v23  }
0x294: {  	s24 =	sand.u32 $0x40, s5;
	s3 =	sand.u32 $0x60, s30;
	s30 =	sor.u32 s22, s31;
	v29 =	vld.idx.msk [tilespmem:v29+s14+$0x0], $0xffff;
	(erf) = vpow2.f32 v30;
	v28 =	vmul.f32 v28, v0  }
0x295: {  	s0 =	sor.u32 s3, s31;
	s31 =	sor.u32 s24, s31;
	v26 =	vpop (erf);
	[tilespmem:s30+$0x0] =	vst v40  }
0x296: {  	v46 =	vmul.f32 $1.442695020e+00, v46;
	v7 =	vshll.u32 v7, $0x10;
	[tilespmem:s31+$0x0] =	vst v28;
	v39 =	vmul.f32 v27, v26;
	v25 =	vld.idx.msk [tilespmem:v25+s14+$0x0], $0xffff;
	v27 =	vpop (erf)  }
0x297: {  	v28 =	vld.idx.msk [tilespmem:v42+s14+$0x0], $0xffff;
	(erf) = vpow2.f32 v5;
	v7 =	vmul.f32 v7, v27  }
0x298: {  	v33 =	vpop (erf);
	(erf) = vpow2.f32 v46  }
0x299: {  	[tilespmem:$0x1FF00] =	vst v11;
	v11 =	vshll.u32 v48, $0x10;
	v27 =	vmul.f32 v29, v16;
	v7 =	vmul.f32 v7, v57  }
0x29a: {  	v50 =	vmov v31;
	v11 =	vmul.f32 v11, v33  }
0x29b: {  	v27 =	vmul.f32 $1.442695020e+00, v27;
	v40 =	vpop (erf);
	[tilespmem:s26+$0x80] =	vst v7;
	v7 =	vshll.u32 v25, $0x10;
	v25 =	vmul.f32 v25, v21  }
0x29c: {  	v42 =	vmovc v62;
	v62 =	vmovc v36;
	v36 =	vshll.u32 v28, $0x10;
	v28 =	vmul.f32 v28, v20;
	v13 =	vmul.f32 v13, v40  }
0x29d: {  	v12 =	vshll.u32 v53, $0x10;
	v40 =	vpop (erf);
	v11 =	vmul.f32 v11, v50;
	v25 =	vmul.f32 $1.442695020e+00, v25  }
0x29e: {  	v12 =	vmul.f32 v12, v40;
	v40 =	vmul.f32 $1.442695020e+00, v28  }
0x29f: {  	(erf) = vpow2.f32 v27  }
0x2a0: {  	v9 =	vadd.s32 $0x4, v41;
	[tilespmem:s15+$0x200] =	vst v11;
	v11 =	vmul.f32 v13, v45;
	(erf) = vpow2.f32 v40;
	v27 =	vpop (erf)  }
0x2a1: {  	v8 =	vadd.s32 $0x14, v55;
	(erf) = vpow2.f32 v25;
	v25 =	vpop (erf)  }
0x2a2: {  	[tilespmem:s29+$0x200] =	vst v11;
	v11 =	vld [tilespmem:$0x1FF70];
	v25 =	vmul.f32 v18, v25;
	v18 =	vmov v8  }
0x2a3: {  	[tilespmem:$0x1FF70] =	vst v18;
	v18 =	vld [tilespmem:$0x1FF80]  }
0x2a4: {  	[tilespmem:s0+$0x0] =	vst v39;
	v12 =	vmul.f32 v12, v15  }
0x2a5: {  	v47 =	vmul.f32 v58, v61;
	v5 =	vld.idx.msk [tilespmem:v9+s14+$0x0], $0xffff;
	v9 =	vadd.s32 $0x8, v59  }
0x2a6: {  	[tilespmem:s28+$0x200] =	vst v12;
	v12 =	vld [tilespmem:$0x1FDC0]  }
0x2a7: {  	v47 =	vmul.f32 $1.442695020e+00, v47;
	v48 =	vadd.s32 $0x18, v55;
	v52 =	vadd.s32 $0x10, v43  }
0x2a8: {  	v38 =	vadd.s32 $0x10, v41;
	v53 =	vadd.s32 $0x18, v43;
	v51 =	vadd.s32 $0x10, v55  }
0x2a9: {  	v49 =	vadd.s32 $0xC, v55;
	v24 =	vadd.s32 $0x8, v43;
	v54 =	vadd.s32 $0x8, v55  }
0x2aa: {  	v3 =	vadd.s32 $0x1C, v43;
	v4 =	vadd.s32 $0xC, v43;
	v1 =	vadd.s32 $0x1C, v55;
	v9 =	vld.idx.msk [tilespmem:v9+s14+$0x0], $0xffff  }
0x2ab: {  	v10 =	vadd.s32 $0x8, v41;
	v33 =	vmul.f32 v5, v22;
	v12 =	vmul.f32 v12, v27;
	v27 =	vld.idx.msk [tilespmem:v18+s14+$0x0], $0xffff  }
0x2ac: {  	v31 =	vadd.s32 $0x14, v43;
	v44 =	vadd.s32 $0x1C, v41;
	v30 =	vadd.s32 $0x14, v41;
	v18 =	vld [tilespmem:$0x1FDD0]  }
0x2ad: {  	[tilespmem:$0x1FE90] =	vst v1;
	v6 =	vadd.s32 $0x18, v41;
	v1 =	vmovc v34;
	v34 =	vadd.s32 $0x20, v55;
	v33 =	vmul.f32 $1.442695020e+00, v33  }
0x2ae: {  	v46 =	vadd.s32 $0x20, v41;
	v39 =	vmovc v32;
	v32 =	vadd.s32 $0x20, v43;
	v28 =	vshll.u32 v5, $0x10  }
0x2af: {  	v13 =	vld [tilespmem:$0x1FF60];
	v40 =	vadd.s32 $0x24, v41;
	(erf) = vpow2.f32 v33;
	v41 =	vmul.f32 v9, v56  }
0x2b0: {  	v5 =	vadd.s32 $0x24, v43;
	v43 =	vadd.s32 $0x24, v55;
	v55 =	vmovc v31;
	(erf) = vpow2.f32 v47  }
0x2b1: {  	v8 =	vmul.f32 $1.442695020e+00, v41;
	v41 =	vld [tilespmem:$0x1FDE0];
	v31 =	vpop (erf);
	(erf) = vpow2.f32 v18;
	v18 =	vmov v30  }
0x2b2: {  	[tilespmem:$0x1FF80] =	vst v18;
	v18 =	vld [tilespmem:$0x1FF20];
	_ =	sdelay $0x3  }
0x2b3: {  	[tilespmem:$0x1FF60] =	vst v55;
	v55 =	vmul.f32 v12, v41  }
0x2b4: {  	v13 =	vld.idx.msk [tilespmem:v13+s14+$0x0], $0xffff;
	(erf) = vpow2.f32 v8;
	v8 =	vmul.f32 v25, v63  }
0x2b5: {  	v11 =	vld.idx.msk [tilespmem:v11+s14+$0x0], $0xffff;
	[tilespmem:s17+$0x380] =	vst v55  }
0x2b6: {  	[tilespmem:s11+$0x380] =	vst v8;
	v8 =	vld [tilespmem:$0x1FDF0]  }
0x2b7: {  	v30 =	vld.idx.msk [tilespmem:v18+s14+$0x0], $0xffff  }
0x2b8: {  	v18 =	vld [tilespmem:$0x1FFB0]  }
0x2b9: {  	v29 =	vshll.u32 v29, $0x10  }
0x2ba: {  	v29 =	vmul.f32 v29, v31;
	v31 =	vadd.s32 $0x20, v17;
	_ =	sdelay $0x1  }
0x2bb: {  	v29 =	vmul.f32 v29, v37  }
0x2bc: {  	v12 =	vpop (erf);
	(erf) = vpow2.f32 v8;
	v8 =	vmov v18;
	v18 =	vld [tilespmem:$0x1FF30]  }
0x2bd: {  	v2 =	vmul.f32 v19, v2;
	[tilespmem:s23+$0x380] =	vst v29  }
0x2be: {  	v19 =	vmul.f32 v27, v14;
	[tilespmem:$0x1FF20] =	vst v8;
	v8 =	vmul.f32 v36, v12;
	v36 =	vshll.u32 v27, $0x10;
	v27 =	vld.idx.msk [tilespmem:v31+s14+$0x0], $0xffff  }
0x2bf: {  	v31 =	vld [tilespmem:$0x1FE00]  }
0x2c0: {  	v33 =	vshll.u32 v11, $0x10;
	v11 =	vmul.f32 v11, v60;
	v12 =	vpop (erf)  }
0x2c1: {  	v25 =	vshll.u32 v13, $0x10;
	v13 =	vmul.f32 v13, v35;
	v7 =	vmul.f32 v7, v12;
	v12 =	vpop (erf)  }
0x2c2: {  	v8 =	vmul.f32 v8, v0;
	v47 =	vmul.f32 v28, v12  }
0x2c3: {  	v58 =	vshll.u32 v58, $0x10;
	s17 =	smov.u32 s15;
	s15 =	smov.u32 s31;
	v11 =	vmul.f32 $1.442695020e+00, v11;
	v13 =	vmul.f32 $1.442695020e+00, v13  }
0x2c4: {  	v28 =	vpop (erf);
	v7 =	vmul.f32 v7, v23;
	[tilespmem:s15+$0x80] =	vst v8;
	v8 =	vmul.f32 v47, v26;
	v29 =	vld.idx.msk [tilespmem:v18+s14+$0x0], $0xffff;
	v18 =	vmov v31  }
0x2c5: {  	s11 =	smov.u32 s29;
	s29 =	smov.u32 s30;
	[tilespmem:$0x1FF30] =	vst v18;
	v18 =	vmul.f32 v58, v28;
	v28 =	vmul.f32 v27, v16  }
0x2c6: {  	v12 =	vpop (erf);
	(erf) = vpow2.f32 v13;
	[tilespmem:s29+$0x80] =	vst v7;
	v7 =	vmul.f32 $1.442695020e+00, v19;
	v58 =	vld [tilespmem:$0x1FE10]  }
0x2c7: {  	[tilespmem:s0+$0x80] =	vst v8;
	v8 =	vshll.u32 v9, $0x10;
	v9 =	vpop (erf);
	(erf) = vpow2.f32 v11;
	v31 =	vld.idx.msk [tilespmem:v24+s14+$0x0], $0xffff;
	v28 =	vmul.f32 $1.442695020e+00, v28  }
0x2c8: {  	v13 =	vld.idx.msk [tilespmem:v54+s14+$0x0], $0xffff;
	(erf) = vpow2.f32 v7  }
0x2c9: {  	v11 =	vpop (erf);
	(erf) = vpow2.f32 v28;
	v28 =	vld [tilespmem:$0x1FFD0]  }
0x2ca: {  	v8 =	vmul.f32 v8, v9  }
0x2cb: {  	v32 =	vmov v32;
	v7 =	vmul.f32 v18, v58  }
0x2cc: {  	[tilespmem:$0x1FFB0] =	vst v32;
	v8 =	vmul.f32 v8, v57  }
0x2cd: {  	s23 =	smov.u32 s26;
	v10 =	vld.idx.msk [tilespmem:v10+s14+$0x0], $0xffff;
	[tilespmem:s18+$0x380] =	vst v7;
	v7 =	vshll.u32 v31, $0x10;
	v31 =	vmul.f32 v31, v20  }
0x2ce: {  	[tilespmem:s23+$0x100] =	vst v8;
	v18 =	vmovc v46;
	v32 =	vmov v28;
	v28 =	vshll.u32 v13, $0x10;
	v13 =	vmul.f32 v13, v21  }
0x2cf: {  	v8 =	vld [tilespmem:$0x1FF40];
	[tilespmem:$0x1FFD0] =	vst v18;
	v18 =	vmul.f32 $1.442695020e+00, v31  }
0x2d0: {  	v46 =	vpop (erf);
	v13 =	vmul.f32 $1.442695020e+00, v13  }
0x2d1: {  	v9 =	vadd.s32 $0xC, v59;
	(erf) = vpow2.f32 v18;
	v31 =	vpop (erf)  }
0x2d2: {  	(erf) = vpow2.f32 v13;
	v13 =	vmul.f32 v25, v46;
	v25 =	vpop (erf)  }
0x2d3: {  	[tilespmem:$0x1FF40] =	vst v32;
	v32 =	vshll.u32 v10, $0x10;
	v10 =	vmul.f32 v10, v22;
	v25 =	vmul.f32 v36, v25  }
0x2d4: {  	v47 =	vld [tilespmem:$0x1FE30]  }
0x2d5: {  	v54 =	vld [tilespmem:$0x1FE20];
	v10 =	vmul.f32 $1.442695020e+00, v10;
	v25 =	vmul.f32 v25, v15  }
0x2d6: {  	v9 =	vld.idx.msk [tilespmem:v9+s14+$0x0], $0xffff;
	s18 =	smov.u32 s28  }
0x2d7: {  	v27 =	vshll.u32 v27, $0x10;
	v8 =	vld.idx.msk [tilespmem:v8+s14+$0x0], $0xffff;
	(erf) = vpow2.f32 v10;
	v36 =	vpop (erf);
	[tilespmem:s18+$0x280] =	vst v25  }
0x2d8: {  	v10 =	vmul.f32 v33, v31;
	v33 =	vmul.f32 v27, v36;
	v27 =	vadd.s32 $0x24, v17;
	v17 =	vmovc v59;
	v59 =	vld.idx.msk [tilespmem:v1+s14+$0x0], $0xffff  }
0x2d9: {  	v1 =	vld [tilespmem:$0x1FE50];
	_ =	sdelay $0x1  }
0x2da: {  	v31 =	vmul.f32 v9, v56;
	v10 =	vmul.f32 v10, v45  }
0x2db: {  	v19 =	vshll.u32 v29, $0x10;
	v29 =	vmul.f32 v29, v47;
	v13 =	vmul.f32 v13, v50  }
0x2dc: {  	v24 =	vshll.u32 v30, $0x10;
	v30 =	vmul.f32 v30, v54;
	v31 =	vmul.f32 $1.442695020e+00, v31;
	[tilespmem:s11+$0x280] =	vst v10;
	v10 =	vld [tilespmem:$0x1FE40]  }
0x2dd: {  	v46 =	vshll.u32 v8, $0x10;
	v8 =	vmul.f32 v8, v61;
	v25 =	vmul.f32 v1, v11;
	v1 =	vld [tilespmem:$0x1FE60]  }
0x2de: {  	v29 =	vmul.f32 $1.442695020e+00, v29;
	v30 =	vmul.f32 $1.442695020e+00, v30  }
0x2df: {  	s31 =	sshll.u32 s6, $0x5;
	[tilespmem:s17+$0x280] =	vst v13;
	(erf) = vpow2.f32 v31;
	v8 =	vmul.f32 $1.442695020e+00, v8;
	v13 =	vpop (erf)  }
0x2e0: {  	v55 =	vmovc v34;
	v34 =	vmov v6;
	s28 =	smov.u32 s0;
	s0 =	sand.u32 $0x3FFFFF00, s31;
	v31 =	vld.idx.msk [tilespmem:v62+s14+$0x0], $0xffff;
	(erf) = vpow2.f32 v30;
	v6 =	vmul.f32 v7, v13  }
0x2e1: {  	s0 =	sadd.s32 $0x11300, s0;
	v18 =	vmul.f32 v10, v12;
	v10 =	vld.idx.msk [tilespmem:v42+s14+$0x0], $0xffff;
	v12 =	vmul.f32 v33, v37  }
0x2e2: {  	s30 =	sor.u32 s25, s0;
	v7 =	vpop (erf);
	(erf) = vpow2.f32 v29;
	v2 =	vmul.f32 v2, v1;
	v1 =	vld [tilespmem:$0x1FE70]  }
0x2e3: {  	v7 =	vmul.f32 v28, v7;
	v6 =	vmul.f32 v6, v0;
	v11 =	vpop (erf);
	[tilespmem:s30+$0x0] =	vst v12  }
0x2e4: {  	(erf) = vpow2.f32 v8;
	v8 =	vmul.f32 v32, v11;
	v12 =	vld.idx.msk [tilespmem:v27+s14+$0x0], $0xffff  }
0x2e5: {  	v13 =	vmul.f32 v31, v35;
	v7 =	vmul.f32 v7, v23  }
0x2e6: {  	[tilespmem:s15+$0x100] =	vst v6;
	v27 =	vmul.f32 v59, v14;
	v6 =	vmul.f32 v8, v26  }
0x2e7: {  	v30 =	vmov v60;
	v29 =	vmul.f32 $1.442695020e+00, v13;
	[tilespmem:s29+$0x100] =	vst v7;
	v8 =	vshll.u32 v10, $0x10  }
0x2e8: {  	v4 =	vld.idx.msk [tilespmem:v4+s14+$0x0], $0xffff;
	v10 =	vmul.f32 v10, v60;
	v27 =	vmul.f32 $1.442695020e+00, v27;
	[tilespmem:s28+$0x100] =	vst v6;
	v6 =	vshll.u32 v9, $0x10;
	v9 =	vpop (erf)  }
0x2e9: {  	v33 =	vmovc v3;
	v3 =	vld.idx.msk [tilespmem:v49+s14+$0x0], $0xffff;
	v6 =	vmul.f32 v6, v9;
	v9 =	vadd.s32 $0x10, v17;
	v60 =	vmul.f32 v12, v16  }
0x2ea: {  	(erf) = vpow2.f32 v29;
	v10 =	vmul.f32 $1.442695020e+00, v10;
	v1 =	vld.idx.msk [tilespmem:v1+s14+$0x0], $0xffff  }
0x2eb: {  	v7 =	vpop (erf);
	[tilespmem:s21+$0x80] =	vst v2;
	v2 =	vmul.f32 v6, v57;
	v6 =	vmul.f32 $1.442695020e+00, v60  }
0x2ec: {  	v11 =	vshll.u32 v31, $0x10;
	v28 =	vpop (erf);
	v7 =	vmul.f32 v24, v7;
	(erf) = vpow2.f32 v10  }
0x2ed: {  	v31 =	vmov v0;
	v0 =	vmul.f32 v4, v20;
	v24 =	vpop (erf);
	[tilespmem:s23+$0x180] =	vst v2;
	(erf) = vpow2.f32 v6  }
0x2ee: {  	v2 =	vshll.u32 v3, $0x10;
	v3 =	vmul.f32 v3, v21;
	v10 =	vld.idx.msk [tilespmem:v9+s14+$0x0], $0xffff;
	(erf) = vpow2.f32 v27  }
0x2ef: {  	v0 =	vmul.f32 $1.442695020e+00, v0;
	v6 =	vshll.u32 v1, $0x10;
	v1 =	vmul.f32 v1, v22  }
0x2f0: {  	v29 =	vshll.u32 v4, $0x10;
	v4 =	vmul.f32 v19, v28;
	v3 =	vmul.f32 $1.442695020e+00, v3  }
0x2f1: {  	v16 =	vmovc v56;
	v56 =	vmov v41;
	(erf) = vpow2.f32 v0;
	v9 =	vmul.f32 $1.442695020e+00, v1  }
0x2f2: {  	(erf) = vpow2.f32 v3;
	v3 =	vmul.f32 v7, v56  }
0x2f3: {  	s21 =	smov.u32 s20;
	v7 =	vmul.f32 v10, v16  }
0x2f4: {  	[tilespmem:s21+$0x0] =	vst v3;
	v3 =	vmul.f32 v4, v63;
	v1 =	vpop (erf)  }
0x2f5: {  	v4 =	vmul.f32 $1.442695020e+00, v7;
	(erf) = vpow2.f32 v9;
	v9 =	vpop (erf)  }
0x2f6: {  	v7 =	vmul.f32 v8, v9;
	v8 =	vshll.u32 v12, $0x10;
	v9 =	vpop (erf)  }
0x2f7: {  	v8 =	vmul.f32 v8, v9;
	v9 =	vpop (erf);
	(erf) = vpow2.f32 v4;
	v4 =	vld [tilespmem:$0x1FF50];
	_ =	sdelay $0x1  }
0x2f8: {  	v1 =	vmul.f32 v11, v1;
	v11 =	vld [tilespmem:$0x1FE80]  }
0x2f9: {  	v13 =	vshll.u32 v59, $0x10  }
0x2fa: {  	[tilespmem:s10+$0x0] =	vst v3;
	v3 =	vmul.f32 v13, v9  }
0x2fb: {  	v32 =	vmov v5;
	v5 =	vmul.f32 v8, v37  }
0x2fc: {  	v8 =	vmul.f32 v3, v15;
	v3 =	vld [tilespmem:$0x1FED0]  }
0x2fd: {  	v36 =	vmov v53;
	v53 =	vmov v50;
	[tilespmem:s30+$0x80] =	vst v5;
	v5 =	vld [tilespmem:$0x1FEF0]  }
0x2fe: {  	v1 =	vmul.f32 v1, v53;
	v9 =	vld.idx.msk [tilespmem:v4+s14+$0x0], $0xffff  }
0x2ff: {  	v4 =	vld [tilespmem:$0x1FEA0]  }
0x300: {  	v0 =	vmul.f32 v46, v24;
	v11 =	vld.idx.msk [tilespmem:v11+s14+$0x0], $0xffff;
	[tilespmem:s17+$0x300] =	vst v1;
	v1 =	vmul.f32 v7, v45;
	v7 =	vpop (erf)  }
0x301: {  	v12 =	vmul.f32 v18, v3;
	v3 =	vmul.f32 v29, v7;
	v7 =	vpop (erf)  }
0x302: {  	v49 =	vmul.f32 v25, v5;
	v5 =	vpop (erf)  }
0x303: {  	v5 =	vmul.f32 v6, v5;
	v6 =	vld [tilespmem:$0x1FF00]  }
0x304: {  	v19 =	vmul.f32 v0, v58;
	v2 =	vmul.f32 v2, v7;
	v0 =	vmov v4;
	v4 =	vld [tilespmem:$0x1FEC0]  }
0x305: {  	[tilespmem:$0x1FF50] =	vst v0;
	v0 =	vld [tilespmem:$0x1FEB0]  }
0x306: {  	v25 =	vmul.f32 v2, v23;
	v2 =	vld [tilespmem:$0x1FF10];
	_ =	sdelay $0x2  }
0x307: {  	p3 =	slt.u32 s19, $0xC4;
	v60 =	vmov v39;
	v39 =	vld [tilespmem:$0x1FE90]  }
.Ltmp4:
0x308: {  	v29 =	vld [tilespmem:$0x1FEE0];
	[tilespmem:s11+$0x300] =	vst v1;
	(pc) =	sbr.rel @p3 .LBB2_3-.Ltmp4, $4  }
0x309: {  	s7 =	sadd.s32 $0x40, s7;
	s6 =	smov.u32 s19;
	s31 =	sor.u32 s13, s0;
	v6 =	vld.idx.msk [tilespmem:v6+s14+$0x0], $0xffff  }
0x30a: {  	s26 =	sor.u32 s8, s0;
	s0 =	sor.u32 s9, s0;
	s25 =	smov.u32 s16;
	v62 =	vmovc v48;
	v59 =	vmovc v63;
	v28 =	vmov v15;
	v27 =	vmov v58;
	v63 =	vmov v45;
	[tilespmem:s1+$0x0] =	vst v19;
	v4 =	vld.idx.msk [tilespmem:v4+s14+$0x0], $0xffff  }
0x30b: {  	s8 =	smov.u32 s22;
	s9 =	smov.u32 s3;
	s13 =	smov.u32 s24;
	v37 =	vmovc v57;
	v15 =	vmov v35;
	v19 =	vshll.u32 v11, $0x10;
	v1 =	vmul.f32 v11, v54;
	v0 =	vld.idx.msk [tilespmem:v0+s14+$0x0], $0xffff;
	[tilespmem:s18+$0x300] =	vst v8  }
0x30c: {  	s20 =	smov.u32 s31;
	v3 =	vmul.f32 v3, v31;
	v18 =	vshll.u32 v9, $0x10;
	[tilespmem:s4+$0x80] =	vst v12;
	s4 =	smov.u32 s10;
	s10 =	smov.u32 s26;
	v58 =	vld.idx.msk [tilespmem:v2+s14+$0x0], $0xffff;
	v2 =	vmul.f32 v9, v47  }
0x30d: {  	v7 =	vshll.u32 v10, $0x10;
	v8 =	vpop (erf)  }
0x30e: {  	v50 =	vadd.s32 $0x14, v17;
	v7 =	vmul.f32 v7, v8;
	_ =	sdelay $0x1  }
0x30f: {  	v7 =	vmul.f32 v7, v37;
	_ =	sdelay $0x1  }
0x310: {  	[tilespmem:s23+$0x200] =	vst v7  }
0x311: {  	v7 =	vld.idx.msk [tilespmem:v50+s14+$0x0], $0xffff;
	_ =	sdelay $0x4  }
0x312: {  	v8 =	vmul.f32 v7, v16  }
0x313: {  	v1 =	vmul.f32 $1.442695020e+00, v1  }
0x314: {  	v8 =	vmul.f32 $1.442695020e+00, v8  }
0x315: {  	(erf) = vpow2.f32 v1  }
0x316: {  	(erf) = vpow2.f32 v8;
	_ =	sdelay $0x7  }
0x317: {  	v1 =	vpop (erf)  }
0x318: {  	v7 =	vshll.u32 v7, $0x10;
	v8 =	vpop (erf)  }
0x319: {  	v54 =	vadd.s32 $0x18, v17;
	v7 =	vmul.f32 v7, v8;
	_ =	sdelay $0x1  }
0x31a: {  	v7 =	vmul.f32 v7, v37;
	_ =	sdelay $0x1  }
0x31b: {  	[tilespmem:s23+$0x280] =	vst v7  }
0x31c: {  	v7 =	vld.idx.msk [tilespmem:v54+s14+$0x0], $0xffff;
	_ =	sdelay $0x4  }
0x31d: {  	v8 =	vmul.f32 v7, v16;
	_ =	sdelay $0x1  }
0x31e: {  	v8 =	vmul.f32 $1.442695020e+00, v8;
	_ =	sdelay $0x1  }
0x31f: {  	(erf) = vpow2.f32 v8;
	_ =	sdelay $0x8  }
0x320: {  	v57 =	vmul.f32 v5, v26;
	[tilespmem:s15+$0x180] =	vst v3;
	v12 =	vshll.u32 v7, $0x10;
	v13 =	vpop (erf)  }
0x321: {  	[tilespmem:s29+$0x180] =	vst v25;
	v25 =	vadd.s32 $0x1C, v17;
	v24 =	vld.idx.msk [tilespmem:v52+s14+$0x0], $0xffff;
	v5 =	vmul.f32 v12, v13  }
0x322: {  	v35 =	vld.idx.msk [tilespmem:v51+s14+$0x0], $0xffff;
	[tilespmem:s28+$0x180] =	vst v57  }
0x323: {  	v9 =	vld.idx.msk [tilespmem:v38+s14+$0x0], $0xffff;
	v5 =	vmul.f32 v5, v37;
	_ =	sdelay $0x1  }
0x324: {  	v41 =	vmul.f32 v4, v15;
	[tilespmem:s23+$0x300] =	vst v5  }
0x325: {  	v42 =	vmul.f32 v24, v20;
	v7 =	vld.idx.msk [tilespmem:v25+s14+$0x0], $0xffff  }
0x326: {  	v10 =	vmul.f32 $1.442695020e+00, v41;
	v11 =	vmul.f32 v35, v21  }
0x327: {  	v12 =	vmul.f32 v9, v22;
	v5 =	vmul.f32 $1.442695020e+00, v42  }
0x328: {  	v11 =	vmul.f32 $1.442695020e+00, v11;
	v13 =	vmul.f32 v6, v30  }
0x329: {  	v12 =	vmul.f32 $1.442695020e+00, v12;
	(erf) = vpow2.f32 v5  }
0x32a: {  	(erf) = vpow2.f32 v11;
	v45 =	vmul.f32 v7, v16  }
0x32b: {  	v46 =	vmul.f32 $1.442695020e+00, v13;
	(erf) = vpow2.f32 v12  }
0x32c: {  	(erf) = vpow2.f32 v10;
	v5 =	vmul.f32 $1.442695020e+00, v45  }
0x32d: {  	(erf) = vpow2.f32 v46  }
0x32e: {  	(erf) = vpow2.f32 v5;
	_ =	sdelay $0x3  }
0x32f: {  	v8 =	vshll.u32 v24, $0x10;
	v47 =	vpop (erf)  }
0x330: {  	v48 =	vpop (erf)  }
0x331: {  	v3 =	vshll.u32 v35, $0x10;
	v5 =	vmul.f32 v8, v47;
	v50 =	vpop (erf)  }
0x332: {  	v3 =	vmul.f32 v3, v48;
	v8 =	vpop (erf)  }
0x333: {  	v9 =	vshll.u32 v9, $0x10;
	v5 =	vmul.f32 v5, v31;
	v10 =	vpop (erf)  }
0x334: {  	v7 =	vshll.u32 v7, $0x10;
	v9 =	vmul.f32 v9, v50;
	v3 =	vmul.f32 v3, v23;
	v51 =	vpop (erf)  }
0x335: {  	[tilespmem:s15+$0x200] =	vst v5;
	v7 =	vmul.f32 v7, v51  }
0x336: {  	v54 =	vmul.f32 v9, v26;
	v24 =	vld [tilespmem:$0x1FF60];
	[tilespmem:s29+$0x200] =	vst v3  }
0x337: {  	v35 =	vld [tilespmem:$0x1FF70];
	v25 =	vmul.f32 v7, v37  }
0x338: {  	[tilespmem:s28+$0x200] =	vst v54  }
0x339: {  	[tilespmem:s23+$0x380] =	vst v25  }
0x33a: {  	v42 =	vld [tilespmem:$0x1FF80];
	_ =	sdelay $0x1  }
0x33b: {  	v57 =	vmul.f32 v58, v14;
	_ =	sdelay $0x1  }
0x33c: {  	v52 =	vadd.s32 $0x20, v17;
	v38 =	vmul.f32 v0, v61;
	v41 =	vmul.f32 $1.442695020e+00, v57;
	v12 =	vld.idx.msk [tilespmem:v24+s14+$0x0], $0xffff  }
0x33d: {  	v2 =	vmul.f32 $1.442695020e+00, v2;
	v7 =	vld.idx.msk [tilespmem:v35+s14+$0x0], $0xffff  }
0x33e: {  	(erf) = vpow2.f32 v41;
	v3 =	vmul.f32 $1.442695020e+00, v38  }
0x33f: {  	(erf) = vpow2.f32 v2  }
0x340: {  	(erf) = vpow2.f32 v3;
	v51 =	vshll.u32 v4, $0x10;
	v9 =	vld.idx.msk [tilespmem:v42+s14+$0x0], $0xffff  }
0x341: {  	v4 =	vmul.f32 v51, v8;
	v11 =	vld.idx.msk [tilespmem:v52+s14+$0x0], $0xffff;
	v52 =	vshll.u32 v6, $0x10;
	v45 =	vmul.f32 v12, v20  }
0x342: {  	v57 =	vshll.u32 v58, $0x10;
	v58 =	vmul.f32 v52, v10;
	v46 =	vmul.f32 v7, v21  }
0x343: {  	v4 =	vmul.f32 v4, v53;
	v2 =	vmul.f32 $1.442695020e+00, v45  }
0x344: {  	v61 =	vmul.f32 v58, v63;
	v3 =	vmul.f32 $1.442695020e+00, v46  }
0x345: {  	(erf) = vpow2.f32 v2;
	v47 =	vmul.f32 v9, v22  }
0x346: {  	[tilespmem:s17+$0x380] =	vst v4;
	v48 =	vmul.f32 v11, v16;
	(erf) = vpow2.f32 v3  }
0x347: {  	[tilespmem:s11+$0x380] =	vst v61;
	v5 =	vmul.f32 $1.442695020e+00, v47  }
0x348: {  	v54 =	vpop (erf);
	v6 =	vld [tilespmem:$0x1FF20];
	v50 =	vmul.f32 $1.442695020e+00, v48  }
0x349: {  	(erf) = vpow2.f32 v5;
	v5 =	vmul.f32 v57, v54  }
0x34a: {  	(erf) = vpow2.f32 v50  }
0x34b: {  	v5 =	vmul.f32 v5, v28  }
0x34c: {  	v2 =	vpop (erf)  }
0x34d: {  	v3 =	vpop (erf);
	[tilespmem:s18+$0x380] =	vst v5  }
0x34e: {  	v24 =	vshll.u32 v12, $0x10;
	v13 =	vpop (erf);
	v5 =	vld [tilespmem:$0x1FF30]  }
0x34f: {  	v7 =	vshll.u32 v7, $0x10;
	v25 =	vpop (erf);
	v4 =	vmul.f32 v24, v13;
	v42 =	vld [tilespmem:$0x1FF40]  }
0x350: {  	v6 =	vld.idx.msk [tilespmem:v6+s14+$0x0], $0xffff;
	v7 =	vmul.f32 v7, v25  }
0x351: {  	v4 =	vmul.f32 v4, v31  }
0x352: {  	v7 =	vmul.f32 v7, v23;
	v35 =	vpop (erf)  }
0x353: {  	v38 =	vshll.u32 v11, $0x10;
	[tilespmem:s15+$0x280] =	vst v4;
	v41 =	vpop (erf)  }
0x354: {  	s2 =	sshll.u32 s6, $0x5;
	v45 =	vadd.s32 $0x24, v17;
	v48 =	vld.idx.msk [tilespmem:v36+s14+$0x0], $0xffff;
	[tilespmem:s29+$0x280] =	vst v7;
	v10 =	vmul.f32 v38, v41  }
0x355: {  	s2 =	sand.u32 $0x3FFFFF00, s2;
	v9 =	vshll.u32 v9, $0x10;
	v47 =	vmul.f32 v6, v15;
	v51 =	vld.idx.msk [tilespmem:v62+s14+$0x0], $0xffff  }
0x356: {  	s3 =	sadd.s32 $0x11300, s2;
	v8 =	vmul.f32 v9, v35;
	v5 =	vld.idx.msk [tilespmem:v5+s14+$0x0], $0xffff;
	v46 =	vmul.f32 v10, v37  }
0x357: {  	s2 =	sor.u32 s25, s3;
	v12 =	vld.idx.msk [tilespmem:v42+s14+$0x0], $0xffff  }
0x358: {  	v9 =	vmul.f32 $1.442695020e+00, v47;
	v8 =	vmul.f32 v8, v26;
	[tilespmem:s2+$0x0] =	vst v46  }
0x359: {  	v4 =	vld.idx.msk [tilespmem:v45+s14+$0x0], $0xffff  }
0x35a: {  	(erf) = vpow2.f32 v9;
	[tilespmem:s28+$0x280] =	vst v8  }
0x35b: {  	v58 =	vmul.f32 v51, v21;
	v8 =	vld.idx.msk [tilespmem:v34+s14+$0x0], $0xffff;
	v50 =	vmul.f32 v5, v30  }
0x35c: {  	v57 =	vmul.f32 v48, v20;
	v52 =	vmul.f32 v12, v14  }
0x35d: {  	v9 =	vmul.f32 $1.442695020e+00, v58;
	v7 =	vmul.f32 $1.442695020e+00, v50  }
0x35e: {  	v54 =	vmul.f32 $1.442695020e+00, v52;
	v61 =	vmul.f32 v4, v16  }
0x35f: {  	(erf) = vpow2.f32 v7;
	v7 =	vmul.f32 $1.442695020e+00, v57  }
0x360: {  	v62 =	vmul.f32 v8, v22;
	(erf) = vpow2.f32 v54  }
0x361: {  	v17 =	vmul.f32 $1.442695020e+00, v61;
	(erf) = vpow2.f32 v7  }
0x362: {  	v24 =	vmul.f32 $1.442695020e+00, v62;
	(erf) = vpow2.f32 v9  }
0x363: {  	(erf) = vpow2.f32 v17  }
0x364: {  	(erf) = vpow2.f32 v24;
	_ =	sdelay $0x2  }
0x365: {  	v25 =	vpop (erf)  }
0x366: {  	v6 =	vshll.u32 v6, $0x10;
	v34 =	vpop (erf)  }
0x367: {  	v6 =	vmul.f32 v6, v25;
	v35 =	vpop (erf)  }
0x368: {  	v10 =	vshll.u32 v48, $0x10;
	v36 =	vpop (erf)  }
0x369: {  	v13 =	vshll.u32 v51, $0x10;
	v6 =	vmul.f32 v6, v53;
	v38 =	vpop (erf);
	v10 =	vmul.f32 v10, v36  }
0x36a: {  	v16 =	vpop (erf);
	v7 =	vmul.f32 v13, v38  }
0x36b: {  	v8 =	vshll.u32 v8, $0x10;
	[tilespmem:s20+$0x0] =	vst v6;
	v41 =	vpop (erf);
	v10 =	vmul.f32 v10, v31  }
0x36c: {  	v8 =	vmul.f32 v8, v41;
	v42 =	vmul.f32 v7, v23;
	v7 =	vld.idx.msk [tilespmem:v60+s14+$0x0], $0xffff  }
0x36d: {  	[tilespmem:s15+$0x300] =	vst v10  }
0x36e: {  	v8 =	vmul.f32 v8, v26;
	v10 =	vld.idx.msk [tilespmem:v33+s14+$0x0], $0xffff;
	[tilespmem:s29+$0x300] =	vst v42  }
0x36f: {  	v6 =	vld.idx.msk [tilespmem:v39+s14+$0x0], $0xffff  }
0x370: {  	[tilespmem:s28+$0x300] =	vst v8  }
0x371: {  	v8 =	vld.idx.msk [tilespmem:v44+s14+$0x0], $0xffff;
	v44 =	vmul.f32 v7, v15;
	_ =	sdelay $0x1  }
0x372: {  	v45 =	vmul.f32 v10, v20;
	v13 =	vmul.f32 $1.442695020e+00, v44  }
0x373: {  	v24 =	vmul.f32 v6, v21  }
0x374: {  	v17 =	vmul.f32 $1.442695020e+00, v45;
	(erf) = vpow2.f32 v13  }
0x375: {  	v46 =	vmul.f32 v8, v22;
	v47 =	vmul.f32 $1.442695020e+00, v24  }
0x376: {  	(erf) = vpow2.f32 v17  }
0x377: {  	v48 =	vmul.f32 $1.442695020e+00, v46;
	(erf) = vpow2.f32 v47;
	_ =	sdelay $0x1  }
0x378: {  	(erf) = vpow2.f32 v48;
	_ =	sdelay $0x3  }
0x379: {  	v5 =	vshll.u32 v5, $0x10  }
0x37a: {  	v12 =	vshll.u32 v12, $0x10;
	v5 =	vmul.f32 v5, v34;
	v51 =	vpop (erf)  }
0x37b: {  	v50 =	vmul.f32 v12, v35;
	v10 =	vshll.u32 v10, $0x10;
	v52 =	vpop (erf)  }
0x37c: {  	v5 =	vmul.f32 v5, v63;
	v6 =	vshll.u32 v6, $0x10;
	v13 =	vpop (erf);
	v10 =	vmul.f32 v10, v52  }
0x37d: {  	v9 =	vmul.f32 v50, v28;
	v6 =	vmul.f32 v6, v13  }
0x37e: {  	[tilespmem:s10+$0x0] =	vst v5;
	v54 =	vshll.u32 v8, $0x10;
	v57 =	vpop (erf);
	v60 =	vmul.f32 v10, v31  }
0x37f: {  	v58 =	vld [tilespmem:$0x1FF50];
	[tilespmem:s0+$0x0] =	vst v9;
	v5 =	vmul.f32 v54, v57;
	v6 =	vmul.f32 v6, v23  }
0x380: {  	[tilespmem:s15+$0x380] =	vst v60  }
0x381: {  	v5 =	vmul.f32 v5, v26;
	[tilespmem:s29+$0x380] =	vst v6  }
0x382: {  	v6 =	vld [tilespmem:$0x1FFB0]  }
0x383: {  	[tilespmem:s28+$0x380] =	vst v5  }
0x384: {  	v24 =	vld [tilespmem:$0x1FFD0];
	_ =	sdelay $0x2  }
0x385: {  	v12 =	vld.idx.msk [tilespmem:v58+s14+$0x0], $0xffff  }
0x386: {  	v61 =	vld.idx.msk [tilespmem:v29+s14+$0x0], $0xffff;
	_ =	sdelay $0x1  }
0x387: {  	v6 =	vld.idx.msk [tilespmem:v6+s14+$0x0], $0xffff  }
0x388: {  	v62 =	vld.idx.msk [tilespmem:v55+s14+$0x0], $0xffff  }
0x389: {  	v17 =	vmul.f32 v12, v30;
	v10 =	vld.idx.msk [tilespmem:v24+s14+$0x0], $0xffff  }
0x38a: {  	v25 =	vmul.f32 v61, v14  }
0x38b: {  	v9 =	vmul.f32 $1.442695020e+00, v17  }
0x38c: {  	v13 =	vmul.f32 $1.442695020e+00, v25;
	v29 =	vmul.f32 v6, v20  }
0x38d: {  	(erf) = vpow2.f32 v9;
	v30 =	vmul.f32 v62, v21  }
0x38e: {  	v17 =	vmul.f32 $1.442695020e+00, v29;
	v33 =	vmul.f32 v10, v22  }
0x38f: {  	(erf) = vpow2.f32 v13;
	v9 =	vmul.f32 $1.442695020e+00, v30  }
0x390: {  	v34 =	vmul.f32 $1.442695020e+00, v33;
	(erf) = vpow2.f32 v17  }
0x391: {  	(erf) = vpow2.f32 v9  }
0x392: {  	(erf) = vpow2.f32 v34;
	_ =	sdelay $0x4  }
0x393: {  	v35 =	vpop (erf)  }
0x394: {  	v36 =	vpop (erf)  }
0x395: {  	v6 =	vshll.u32 v6, $0x10;
	v17 =	vpop (erf)  }
0x396: {  	v5 =	vshll.u32 v62, $0x10;
	v38 =	vpop (erf);
	v6 =	vmul.f32 v6, v17  }
0x397: {  	v10 =	vshll.u32 v10, $0x10;
	v39 =	vpop (erf);
	v5 =	vmul.f32 v5, v38  }
0x398: {  	v10 =	vmul.f32 v10, v39;
	v6 =	vmul.f32 v6, v31  }
0x399: {  	s5 =	sor.u32 s13, s3;
	v5 =	vmul.f32 v5, v23  }
0x39a: {  	s24 =	sor.u32 s8, s3;
	[tilespmem:s5+$0x0] =	vst v6;
	v41 =	vmul.f32 v10, v26  }
0x39b: {  	s3 =	sor.u32 s9, s3;
	v42 =	vld.idx.msk [tilespmem:v32+s14+$0x0], $0xffff;
	[tilespmem:s24+$0x0] =	vst v5  }
0x39c: {  	v5 =	vld.idx.msk [tilespmem:v43+s14+$0x0], $0xffff;
	[tilespmem:s3+$0x0] =	vst v41  }
0x39d: {  	v6 =	vld.idx.msk [tilespmem:v40+s14+$0x0], $0xffff;
	_ =	sdelay $0x2  }
0x39e: {  	v43 =	vmul.f32 v42, v20  }
0x39f: {  	v1 =	vmul.f32 v19, v1;
	v44 =	vmul.f32 v5, v21  }
0x3a0: {  	v4 =	vshll.u32 v4, $0x10;
	v45 =	vmul.f32 v6, v22;
	v17 =	vmul.f32 $1.442695020e+00, v43  }
0x3a1: {  	v4 =	vmul.f32 v4, v16;
	v20 =	vmul.f32 $1.442695020e+00, v44  }
0x3a2: {  	v21 =	vmul.f32 $1.442695020e+00, v45;
	(erf) = vpow2.f32 v17  }
0x3a3: {  	v1 =	vmul.f32 v1, v56;
	v46 =	vshll.u32 v0, $0x10;
	(erf) = vpow2.f32 v20  }
0x3a4: {  	v47 =	vmul.f32 v4, v37;
	v48 =	vshll.u32 v7, $0x10;
	(erf) = vpow2.f32 v21  }
0x3a5: {  	v0 =	vmul.f32 v46, v3;
	v4 =	vmul.f32 v48, v51  }
0x3a6: {  	v2 =	vmul.f32 v18, v2;
	[tilespmem:s12+$0x80] =	vst v49  }
0x3a7: {  	v0 =	vmul.f32 v0, v27;
	v50 =	vshll.u32 v12, $0x10;
	v53 =	vmul.f32 v4, v53;
	[tilespmem:s21+$0x80] =	vst v1  }
0x3a8: {  	v51 =	vshll.u32 v61, $0x10;
	v49 =	vmul.f32 v2, v59;
	[tilespmem:s2+$0x80] =	vst v47;
	v2 =	vmul.f32 v50, v35  }
0x3a9: {  	[tilespmem:s1+$0x80] =	vst v0;
	v52 =	vmul.f32 v51, v36  }
0x3aa: {  	[tilespmem:s20+$0x80] =	vst v53;
	v56 =	vmul.f32 v2, v63  }
0x3ab: {  	[tilespmem:s4+$0x80] =	vst v49;
	v1 =	vmul.f32 v52, v28;
	v54 =	vshll.u32 v42, $0x10;
	v55 =	vpop (erf)  }
0x3ac: {  	[tilespmem:s10+$0x80] =	vst v56;
	v57 =	vshll.u32 v5, $0x10;
	v4 =	vmul.f32 v54, v55;
	v58 =	vpop (erf)  }
0x3ad: {  	[tilespmem:s0+$0x80] =	vst v1;
	v59 =	vshll.u32 v6, $0x10;
	v60 =	vpop (erf);
	v2 =	vmul.f32 v57, v58  }
0x3ae: {  	s0 =	rddreg [dreg:$0x12];
	v61 =	vmul.f32 v59, v60;
	v62 =	vmul.f32 v4, v31  }
0x3af: {  	s0 =	smul.u32 $0x6400, s0;
	v63 =	vmul.f32 v2, v23  }
0x3b0: {  	s26 =	simm.s32 $0x0;
	[tilespmem:s5+$0x80] =	vst v62;
	v0 =	vmul.f32 v61, v26  }
.Ltmp5:
0x3b1: {  	s25 =	rddreg [dreg:$0x4];
	s0 =	sshrl.u32 s0, $0x3;
	[tilespmem:s24+$0x80] =	vst v63;
	(pc) =	sbr.rel @p2 .LBB2_8-.Ltmp5, $4  }
0x3b2: {  	s30 =	simm.s32 $0x400;
	s28 =	simm.s32 $0x4B00;
	s0 =	sadd.s32 s25, s0;
	[tilespmem:s3+$0x80] =	vst v0  }
0x3b3: {  	[hbm4b:s0+s26] =	stream.linear.scatter [tilespmem:s28], [sflag:$0x3], $0x6400, $0x38;
	[tilespmem:$0x1D1E0] =	vst v63  }
0x3b4: {  	s31 =	simm.s32 $0x11300;
	s29 =	simm.s32 $0x100;
	s0 =	sadd.s32 $0x186A00, s0  }
0x3b5: {  	[hbm4b:s0+s29] =	stream.strided.scatter [tilespmem:s31], [sflag:$0x3], $0x1900, s30, s29, $0x38;
	[tilespmem:$0x1D1E0] =	vst v63  }
0x3b6: {  	s0 =	rddreg [dreg:$0xa]  }
0x3b7: {  	s1 =	rddreg [dreg:$0x11]  }
0x3b8: {  	s0 =	sadd.s32 s0, s1  }
0x3b9: {  	p2 =	sgt.u32 s0, $0x1F3  }
0x3ba: {  	s0 =	smul.u32 @!p2 $0x190, s0  }
0x3bb: {  	s1 =	rddreg [dreg:$0x7];
	s2 =	simm.s32 @!p2 $0xC80  }
0x3bc: {  	s3 =	simm.s32 @!p2 $0x186A00;
	s4 =	simm.s32 @!p2 $0x0;
	s1 =	sadd.s32 @!p2 s1, s0  }
0x3bd: {  	[tilespmem:s4], [sflag:$0x1] =	stream.strided.gather @!p2 [hbm4b:s1+s2], $0x1900, s3, s2, $0x38;
	[tilespmem:$0x1D1E0] =	vst v63  }
0x3be: {  	s1 =	rddreg [dreg:$0x1]  }
0x3bf: {  	s9 =	simm.s32 $0x2;
	s0 =	sadd.s32 @!p2 s1, s0;
	s1 =	simm.s32 @!p2 $0x3200  }
0x3c0: {  	[tilespmem:s1], [sflag:$0x1] =	stream.linear.gather @!p2 [hbm4b:s0+s4], $0xC80, $0x38;
	[tilespmem:$0x1D1E0] =	vst v63  }
0x3c1: {  	_ =	swait.ge [sflag:s9], $0x1900  }
0x3c2: {  	[sflag:s9] =	ssyncset.done $0x0  }
0x3c3: {  	[sflag:s9] =	ssyncadd.s32 $0xFFFFE700  }
0x3c4: {  	_ =	swait.ge [sflag:s9], $0xC80  }
0x3c5: {  	[sflag:s9] =	ssyncset.done $0x0  }
0x3c6: {  	s0 =	simm.s32 @!p1 $0x4;
	[sflag:s9] =	ssyncadd.s32 $0xFFFFF380  }
0x3c7: {  	_ =	swait.ge @!p1 [sflag:s0], $0x6400  }
0x3c8: {  	[sflag:s0] =	ssyncset.done @!p1 $0x0  }
0x3c9: {  	[sflag:s0] =	ssyncadd.s32 @!p1 $0xFFFF9C00  }
0x3ca: {  	_ =	swait.ge @!p1 [sflag:s0], $0x1900  }
0x3cb: {  	[sflag:s0] =	ssyncset.done @!p1 $0x0  }
0x3cc: {  	s10 =	simm.s32 $0x3EA0;
	[sflag:s0] =	ssyncadd.s32 @!p1 $0xFFFFE700  }
0x3cd: {  	v1 =	vld [tilespmem:s10+$0x10];
	_ =	sdelay $0x4  }
0x3ce: {  	v0 =	vand.u32 $0x7FFFFF, v1  }
0x3cf: {  	v2 =	vld [tilespmem:s10+$0xFFFFFFE0];
	v3 =	vor.u32 $0x3F800000, v0  }
0x3d0: {  	s11 =	simm.s32 $0x25B0;
	v4 =	vld [tilespmem:s10+$0xFFFFFFF0];
	v5 =	vmul.f32 $5.486285310e-02, v3  }
0x3d1: {  	v6 =	vld [tilespmem:s11+$0xFFFFF380]  }
0x3d2: {  	v7 =	vld [tilespmem:s11+$0x0];
	v5 =	vsub.f32 $4.358618560e-01, v5;
	_ =	sdelay $0x1  }
0x3d3: {  	v8 =	vadd.f32 $-6.000000000e+00, v1;
	v5 =	vmul.f32 v3, v5  }
0x3d4: {  	v9 =	vand.u32 $0x7FFFFF, v2;
	v10 =	vadd.f32 $-6.000000000e+00, v2;
	v0 =	vld [tilespmem:s10+$0x0]  }
0x3d5: {  	v6 =	vshll.u32 v6, $0x1;
	v8 =	vmul.f32 $5.000000000e+00, v8;
	v5 =	vadd.f32 $-1.442481040e+00, v5  }
0x3d6: {  	v11 =	vand.u32 $0x7FFFFF, v4;
	v13 =	vshra.s32 v1, $0x17;
	v6 =	vadd.s32 v7, v6  }
0x3d7: {  	v13 =	vadd.s32 $0xFFFFFF81, v13;
	v7 =	vmul.f32 $1.442695020e+00, v8;
	v5 =	vmul.f32 v3, v5  }
0x3d8: {  	v9 =	vor.u32 $0x3F800000, v9;
	v11 =	vor.u32 $0x3F800000, v11;
	v13 =	vcvt.s32.f32 v13  }
0x3d9: {  	v12 =	vand.u32 $0x7FFFFF, v0;
	(erf) = vpow2.f32 v7;
	v5 =	vadd.f32 $2.792255160e+00, v5  }
0x3da: {  	v8 =	vmul.f32 $5.486285310e-02, v9;
	v7 =	vmul.f32 $5.486285310e-02, v11;
	v12 =	vor.u32 $0x3F800000, v12  }
0x3db: {  	v14 =	vmul.f32 $5.486285310e-02, v12;
	v3 =	vmul.f32 v3, v5  }
0x3dc: {  	v10 =	vmul.f32 $5.000000000e+00, v10;
	v8 =	vsub.f32 $4.358618560e-01, v8;
	v5 =	vsub.f32 $4.358618560e-01, v7;
	v7 =	vld.idx.msk [tilespmem:v6+s14+$0x0], $0xffff  }
0x3dd: {  	v13 =	vmul.f32 $6.931471820e-01, v13;
	v14 =	vsub.f32 $4.358618560e-01, v14;
	v3 =	vadd.f32 $-1.730631710e+00, v3  }
0x3de: {  	v15 =	vadd.f32 $-6.000000000e+00, v4;
	v10 =	vmul.f32 $1.442695020e+00, v10;
	v8 =	vmul.f32 v9, v8  }
0x3df: {  	v14 =	vmul.f32 v12, v14;
	v17 =	vmul.f32 v11, v5;
	v5 =	vadd.f32 v3, v13  }
0x3e0: {  	v16 =	vadd.f32 $-6.000000000e+00, v0;
	v3 =	vadd.f32 $-1.442481040e+00, v8;
	v8 =	vmul.f32 $5.000000000e+00, v15  }
0x3e1: {  	v19 =	vld [tilespmem:s11+$0xFFFFF360];
	(erf) = vpow2.f32 v10;
	v14 =	vadd.f32 $-1.442481040e+00, v14;
	v15 =	vmul.f32 v7, v5  }
0x3e2: {  	v18 =	vpop (erf);
	v13 =	vmul.f32 $5.000000000e+00, v16;
	v8 =	vmul.f32 $1.442695020e+00, v8  }
0x3e3: {  	v10 =	vadd.f32 $1.000000000e+00, v18;
	v18 =	vld [tilespmem:s11+$0xFFFFF370];
	v14 =	vmul.f32 v12, v14;
	v15 =	vmul.f32 $1.442695020e+00, v15  }
0x3e4: {  	v16 =	vld [tilespmem:s11+$0xFFFFF350];
	v13 =	vmul.f32 $1.442695020e+00, v13;
	(erf) = vpow2.f32 v8  }
0x3e5: {  	v1 =	vmul.f32 v10, v1;
	v8 =	vld [tilespmem:s11+$0xFFFFFFD0];
	(erf) = vpow2.f32 v15  }
0x3e6: {  	v19 =	vshll.u32 v19, $0x1;
	v10 =	vld [tilespmem:s11+$0xFFFFFFE0];
	v14 =	vadd.f32 $2.792255160e+00, v14;
	(erf) = vpow2.f32 v13  }
0x3e7: {  	v22 =	vshra.s32 v0, $0x17;
	v3 =	vmul.f32 v9, v3;
	v13 =	vld [tilespmem:s11+$0xFFFFFFF0];
	(erf) = vrcp.f32 v1  }
0x3e8: {  	v17 =	vadd.f32 $-1.442481040e+00, v17;
	v12 =	vmul.f32 v12, v14;
	v7 =	vshll.u32 v7, $0x10  }
0x3e9: {  	v18 =	vshll.u32 v18, $0x1;
	v3 =	vadd.f32 $2.792255160e+00, v3;
	v16 =	vshll.u32 v16, $0x1  }
0x3ea: {  	v12 =	vadd.f32 $-1.730631710e+00, v12;
	v15 =	vmul.f32 v11, v17;
	v21 =	vadd.s32 v8, v16  }
0x3eb: {  	v20 =	vadd.s32 v10, v19;
	v19 =	vadd.s32 $0x4, v6;
	v17 =	vshra.s32 v2, $0x17  }
0x3ec: {  	v10 =	vpop (erf);
	v3 =	vmul.f32 v9, v3;
	v15 =	vadd.f32 $2.792255160e+00, v15;
	v16 =	vadd.s32 v13, v18  }
0x3ed: {  	v10 =	vadd.f32 $1.000000000e+00, v10;
	v1 =	vshra.s32 v4, $0x17;
	v8 =	vadd.s32 $0xFFFFFF81, v17;
	v13 =	vpop (erf)  }
0x3ee: {  	v1 =	vadd.s32 $0xFFFFFF81, v1;
	v9 =	vmul.f32 v11, v15;
	v8 =	vcvt.s32.f32 v8;
	v14 =	vpop (erf)  }
0x3ef: {  	s12 =	simm.s32 $0x0;
	v11 =	vadd.s32 $0xFFFFFF81, v22;
	v1 =	vcvt.s32.f32 v1;
	v18 =	vld.idx.msk [tilespmem:v21+s14+$0x0], $0xffff;
	v7 =	vmul.f32 v7, v14;
	v23 =	vpop (erf)  }
0x3f0: {  	s13 =	simm.s32 $0x30;
	s0 =	sand.u32 $0x3FFFFC00, s12;
	v3 =	vadd.f32 $-1.730631710e+00, v3;
	v24 =	vld.idx.msk [tilespmem:v20+s14+$0x0], $0xffff;
	v11 =	vcvt.s32.f32 v11;
	v8 =	vmul.f32 $6.931471820e-01, v8;
	v22 =	vpop (erf)  }
0x3f1: {  	s16 =	sand.u32 $0x70, s13;
	s15 =	sadd.s32 $0xAF00, s0;
	v9 =	vadd.f32 $-1.730631710e+00, v9;
	v1 =	vmul.f32 $6.931471820e-01, v1;
	v25 =	vld.idx.msk [tilespmem:v16+s14+$0x0], $0xffff;
	v7 =	vmul.f32 v7, v22  }
0x3f2: {  	s17 =	sor.u32 s16, s15;
	v11 =	vmul.f32 $6.931471820e-01, v11;
	v17 =	vadd.f32 v3, v8;
	v3 =	vadd.f32 $1.000000000e+00, v13  }
0x3f3: {  	v57 =	vadd.f32 v9, v1;
	v1 =	vmul.f32 v10, v2;
	[tilespmem:s17+$0x0] =	vst v7  }
0x3f4: {  	v14 =	vadd.f32 v12, v11;
	v2 =	vmul.f32 v3, v4;
	v3 =	vmul.f32 v18, v17;
	v4 =	vld.idx.msk [tilespmem:v19+s14+$0x0], $0xffff  }
0x3f5: {  	(erf) = vrcp.f32 v1;
	v1 =	vmul.f32 v24, v57  }
0x3f6: {  	v3 =	vmul.f32 $1.442695020e+00, v3;
	v7 =	vmul.f32 v25, v14  }
0x3f7: {  	v1 =	vmul.f32 $1.442695020e+00, v1;
	(erf) = vrcp.f32 v2  }
0x3f8: {  	v2 =	vadd.f32 $1.000000000e+00, v23;
	(erf) = vpow2.f32 v3;
	v7 =	vmul.f32 $1.442695020e+00, v7  }
0x3f9: {  	(erf) = vpow2.f32 v1;
	v1 =	vmul.f32 v4, v5  }
0x3fa: {  	v0 =	vmul.f32 v2, v0;
	(erf) = vpow2.f32 v7  }
0x3fb: {  	v1 =	vmul.f32 $1.442695020e+00, v1  }
0x3fc: {  	(erf) = vrcp.f32 v0  }
0x3fd: {  	(erf) = vpow2.f32 v1;
	_ =	sdelay $0x1  }
0x3fe: {  	v13 =	vpop (erf)  }
0x3ff: {  	v3 =	vshll.u32 v24, $0x10;
	v11 =	vpop (erf)  }
0x400: {  	v0 =	vshll.u32 v18, $0x10;
	v1 =	vpop (erf)  }
0x401: {  	v2 =	vadd.s32 $0x4, v21;
	v8 =	vshll.u32 v25, $0x10;
	v0 =	vmul.f32 v0, v1;
	v1 =	vpop (erf)  }
0x402: {  	s19 =	simm.s32 $0x0;
	v7 =	vadd.s32 $0x4, v20;
	v1 =	vmul.f32 v3, v1;
	v3 =	vpop (erf)  }
0x403: {  	s20 =	simm.s32 $0x10;
	s18 =	sand.u32 $0x40, s19;
	v9 =	vadd.s32 $0x4, v16;
	v0 =	vmul.f32 v0, v13;
	v3 =	vmul.f32 v8, v3  }
0x404: {  	s21 =	simm.s32 $0x20;
	s2 =	sand.u32 $0x50, s20;
	s12 =	sor.u32 s18, s15;
	v8 =	vpop (erf);
	v1 =	vmul.f32 v1, v11  }
0x405: {  	s8 =	sand.u32 $0x60, s21;
	s11 =	sor.u32 s2, s15;
	[tilespmem:s12+$0x0] =	vst v0;
	v0 =	vmul.f32 v3, v8;
	v3 =	vshll.u32 v4, $0x10;
	v4 =	vpop (erf)  }
0x406: {  	s9 =	sor.u32 s8, s15;
	v2 =	vld.idx.msk [tilespmem:v2+s14+$0x0], $0xffff;
	[tilespmem:s11+$0x0] =	vst v1;
	v1 =	vmul.f32 v3, v4;
	v3 =	vadd.s32 $0x8, v6  }
0x407: {  	v4 =	vld.idx.msk [tilespmem:v7+s14+$0x0], $0xffff;
	[tilespmem:s9+$0x0] =	vst v0  }
0x408: {  	v0 =	vld.idx.msk [tilespmem:v9+s14+$0x0], $0xffff;
	v1 =	vmul.f32 v1, v22;
	_ =	sdelay $0x1  }
0x409: {  	[tilespmem:s17+$0x80] =	vst v1  }
0x40a: {  	v1 =	vmul.f32 v2, v17;
	v3 =	vld.idx.msk [tilespmem:v3+s14+$0x0], $0xffff  }
0x40b: {  	v7 =	vmul.f32 v4, v57  }
0x40c: {  	v10 =	vmov v8;
	v1 =	vmul.f32 $1.442695020e+00, v1;
	v8 =	vmul.f32 v0, v14  }
0x40d: {  	v7 =	vmul.f32 $1.442695020e+00, v7  }
0x40e: {  	v8 =	vmul.f32 $1.442695020e+00, v8;
	(erf) = vpow2.f32 v1  }
0x40f: {  	(erf) = vpow2.f32 v7;
	v1 =	vmul.f32 v3, v5  }
0x410: {  	(erf) = vpow2.f32 v8  }
0x411: {  	v1 =	vmul.f32 $1.442695020e+00, v1;
	_ =	sdelay $0x1  }
0x412: {  	(erf) = vpow2.f32 v1;
	_ =	sdelay $0x2  }
0x413: {  	v4 =	vshll.u32 v4, $0x10  }
0x414: {  	v1 =	vshll.u32 v2, $0x10;
	v2 =	vpop (erf)  }
0x415: {  	v7 =	vadd.s32 $0x8, v21;
	v1 =	vmul.f32 v1, v2;
	v2 =	vpop (erf)  }
0x416: {  	v0 =	vshll.u32 v0, $0x10;
	v8 =	vadd.s32 $0x8, v20;
	v2 =	vmul.f32 v4, v2;
	v4 =	vpop (erf)  }
0x417: {  	v9 =	vadd.s32 $0x8, v16;
	v1 =	vmul.f32 v1, v13;
	v0 =	vmul.f32 v0, v4  }
0x418: {  	v2 =	vmul.f32 v2, v11  }
0x419: {  	[tilespmem:s12+$0x80] =	vst v1;
	v0 =	vmul.f32 v0, v10;
	v1 =	vshll.u32 v3, $0x10;
	v3 =	vpop (erf)  }
0x41a: {  	v4 =	vld.idx.msk [tilespmem:v7+s14+$0x0], $0xffff;
	[tilespmem:s11+$0x80] =	vst v2;
	v2 =	vadd.s32 $0xC, v6;
	v1 =	vmul.f32 v1, v3  }
0x41b: {  	v3 =	vld.idx.msk [tilespmem:v8+s14+$0x0], $0xffff;
	[tilespmem:s9+$0x80] =	vst v0  }
0x41c: {  	v0 =	vld.idx.msk [tilespmem:v9+s14+$0x0], $0xffff;
	v1 =	vmul.f32 v1, v22;
	_ =	sdelay $0x1  }
0x41d: {  	[tilespmem:s17+$0x100] =	vst v1  }
0x41e: {  	v1 =	vmul.f32 v4, v17;
	v2 =	vld.idx.msk [tilespmem:v2+s14+$0x0], $0xffff  }
0x41f: {  	v7 =	vmul.f32 v3, v57  }
0x420: {  	v1 =	vmul.f32 $1.442695020e+00, v1;
	v8 =	vmul.f32 v0, v14  }
0x421: {  	v7 =	vmul.f32 $1.442695020e+00, v7  }
0x422: {  	v8 =	vmul.f32 $1.442695020e+00, v8;
	(erf) = vpow2.f32 v1  }
0x423: {  	(erf) = vpow2.f32 v7;
	v1 =	vmul.f32 v2, v5  }
0x424: {  	(erf) = vpow2.f32 v8  }
0x425: {  	v1 =	vmul.f32 $1.442695020e+00, v1;
	_ =	sdelay $0x1  }
0x426: {  	(erf) = vpow2.f32 v1;
	_ =	sdelay $0x3  }
0x427: {  	v1 =	vshll.u32 v4, $0x10;
	v4 =	vpop (erf)  }
0x428: {  	v3 =	vshll.u32 v3, $0x10;
	v7 =	vadd.s32 $0xC, v21;
	v1 =	vmul.f32 v1, v4;
	v4 =	vpop (erf)  }
0x429: {  	v0 =	vshll.u32 v0, $0x10;
	v8 =	vadd.s32 $0xC, v20;
	v3 =	vmul.f32 v3, v4;
	v4 =	vpop (erf)  }
0x42a: {  	v9 =	vadd.s32 $0xC, v16;
	v1 =	vmul.f32 v1, v13;
	v0 =	vmul.f32 v0, v4  }
0x42b: {  	v3 =	vmul.f32 v3, v11  }
0x42c: {  	[tilespmem:s12+$0x100] =	vst v1;
	v0 =	vmul.f32 v0, v10;
	v1 =	vshll.u32 v2, $0x10;
	v2 =	vpop (erf)  }
0x42d: {  	v4 =	vld.idx.msk [tilespmem:v7+s14+$0x0], $0xffff;
	[tilespmem:s11+$0x100] =	vst v3;
	v1 =	vmul.f32 v1, v2;
	v2 =	vadd.s32 $0x10, v6  }
0x42e: {  	v3 =	vld.idx.msk [tilespmem:v8+s14+$0x0], $0xffff;
	[tilespmem:s9+$0x100] =	vst v0  }
0x42f: {  	v0 =	vld.idx.msk [tilespmem:v9+s14+$0x0], $0xffff;
	v1 =	vmul.f32 v1, v22;
	_ =	sdelay $0x1  }
0x430: {  	[tilespmem:s17+$0x180] =	vst v1  }
0x431: {  	v1 =	vld.idx.msk [tilespmem:v2+s14+$0x0], $0xffff;
	v2 =	vmul.f32 v4, v17  }
0x432: {  	v7 =	vmul.f32 v3, v57  }
0x433: {  	v8 =	vmul.f32 v0, v14;
	v2 =	vmul.f32 $1.442695020e+00, v2  }
0x434: {  	v7 =	vmul.f32 $1.442695020e+00, v7  }
0x435: {  	v8 =	vmul.f32 $1.442695020e+00, v8;
	(erf) = vpow2.f32 v2  }
0x436: {  	(erf) = vpow2.f32 v7  }
0x437: {  	v2 =	vmul.f32 v1, v5;
	(erf) = vpow2.f32 v8;
	_ =	sdelay $0x1  }
0x438: {  	v2 =	vmul.f32 $1.442695020e+00, v2;
	_ =	sdelay $0x1  }
0x439: {  	(erf) = vpow2.f32 v2;
	_ =	sdelay $0x2  }
0x43a: {  	s22 =	simm.s32 $0x3EE0;
	v2 =	vshll.u32 v4, $0x10;
	v4 =	vpop (erf)  }
0x43b: {  	v9 =	vld [tilespmem:s22+$0x10];
	v3 =	vshll.u32 v3, $0x10;
	v8 =	vadd.s32 $0x10, v21;
	v2 =	vmul.f32 v2, v4;
	v4 =	vpop (erf)  }
0x43c: {  	v0 =	vshll.u32 v0, $0x10;
	v3 =	vmul.f32 v3, v4;
	v4 =	vpop (erf)  }
0x43d: {  	v18 =	vadd.s32 $0x10, v16;
	v12 =	vmovc v11;
	v7 =	vld [tilespmem:s22+$0xFFFFFFE0];
	v2 =	vmul.f32 v2, v13;
	v0 =	vmul.f32 v0, v4  }
0x43e: {  	v11 =	vmov v10;
	v10 =	vadd.s32 $0x10, v20;
	v4 =	vld [tilespmem:s22+$0xFFFFFFF0];
	v19 =	vmul.f32 v3, v12  }
0x43f: {  	v3 =	vld [tilespmem:s22+$0x0];
	[tilespmem:s12+$0x180] =	vst v2;
	v0 =	vmul.f32 v0, v11  }
0x440: {  	s23 =	simm.s32 $0x25F0;
	v1 =	vshll.u32 v1, $0x10;
	v23 =	vpop (erf);
	[tilespmem:s11+$0x180] =	vst v19;
	v2 =	vld.idx.msk [tilespmem:v8+s14+$0x0], $0xffff;
	v8 =	vand.u32 $0x7FFFFF, v9  }
0x441: {  	v23 =	vmul.f32 v1, v23;
	v19 =	vld [tilespmem:s23+$0xFFFFF380];
	[tilespmem:s9+$0x180] =	vst v0;
	v8 =	vor.u32 $0x3F800000, v8  }
0x442: {  	v24 =	vadd.s32 $0x14, v6;
	v0 =	vld.idx.msk [tilespmem:v18+s14+$0x0], $0xffff;
	v18 =	vmul.f32 $5.486285310e-02, v8  }
0x443: {  	v1 =	vld.idx.msk [tilespmem:v10+s14+$0x0], $0xffff;
	v10 =	vmul.f32 v23, v22  }
0x444: {  	v26 =	vld [tilespmem:s23+$0x0];
	v18 =	vsub.f32 $4.358618560e-01, v18  }
0x445: {  	v27 =	vadd.f32 $-6.000000000e+00, v9;
	v39 =	vshra.s32 v9, $0x17;
	[tilespmem:s17+$0x200] =	vst v10;
	v10 =	vand.u32 $0x7FFFFF, v7  }
0x446: {  	v25 =	vand.u32 $0x7FFFFF, v4;
	v10 =	vor.u32 $0x3F800000, v10;
	v18 =	vmul.f32 v8, v18  }
0x447: {  	v27 =	vmul.f32 $5.000000000e+00, v27;
	v29 =	vor.u32 $0x3F800000, v25;
	v24 =	vld.idx.msk [tilespmem:v24+s14+$0x0], $0xffff;
	v28 =	vmul.f32 $5.486285310e-02, v10  }
0x448: {  	v30 =	vand.u32 $0x7FFFFF, v3;
	v19 =	vshll.u32 v19, $0x1;
	v18 =	vadd.f32 $-1.442481040e+00, v18  }
0x449: {  	v34 =	vsub.f32 $4.358618560e-01, v28;
	v28 =	vadd.s32 v26, v19;
	v19 =	vmul.f32 $1.442695020e+00, v27  }
0x44a: {  	v31 =	vmul.f32 $5.486285310e-02, v29;
	v30 =	vor.u32 $0x3F800000, v30;
	v18 =	vmul.f32 v8, v18  }
0x44b: {  	v62 =	vadd.s32 $0xFFFFFF81, v39;
	v26 =	vmul.f32 $5.486285310e-02, v30;
	(erf) = vpow2.f32 v19  }
0x44c: {  	v27 =	vsub.f32 $4.358618560e-01, v31;
	v31 =	vmul.f32 v24, v5;
	v18 =	vadd.f32 $2.792255160e+00, v18  }
0x44d: {  	v19 =	vmul.f32 v10, v34;
	v34 =	vcvt.s32.f32 v62  }
0x44e: {  	v31 =	vmul.f32 $1.442695020e+00, v31;
	v8 =	vmul.f32 v8, v18  }
0x44f: {  	v23 =	vadd.f32 $-6.000000000e+00, v7;
	v26 =	vsub.f32 $4.358618560e-01, v26;
	v27 =	vmul.f32 v29, v27  }
0x450: {  	v63 =	vld.idx.msk [tilespmem:v28+s14+$0x0], $0xffff;
	(erf) = vpow2.f32 v31;
	v31 =	vmul.f32 $6.931471820e-01, v34;
	v8 =	vadd.f32 $-1.730631710e+00, v8  }
0x451: {  	v33 =	vld [tilespmem:s23+$0xFFFFF370];
	v42 =	vmul.f32 $5.000000000e+00, v23;
	v27 =	vadd.f32 $-1.442481040e+00, v27;
	v26 =	vmul.f32 v30, v26  }
0x452: {  	v35 =	vadd.f32 $-6.000000000e+00, v4;
	v23 =	vadd.f32 v8, v31  }
0x453: {  	v8 =	vadd.f32 $-1.442481040e+00, v26;
	v26 =	vmul.f32 v29, v27;
	v27 =	vmul.f32 $1.442695020e+00, v42  }
0x454: {  	v35 =	vmul.f32 $5.000000000e+00, v35;
	v19 =	vadd.f32 $-1.442481040e+00, v19;
	v18 =	vadd.f32 $-6.000000000e+00, v3;
	v44 =	vpop (erf)  }
0x455: {  	v31 =	vmul.f32 v63, v23;
	(erf) = vpow2.f32 v27;
	v27 =	vadd.f32 $1.000000000e+00, v44  }
0x456: {  	v47 =	vshll.u32 v33, $0x1;
	v25 =	vld [tilespmem:s23+$0xFFFFF350];
	v43 =	vmul.f32 $1.442695020e+00, v35;
	v18 =	vmul.f32 $5.000000000e+00, v18  }
0x457: {  	v45 =	vshra.s32 v7, $0x17;
	v19 =	vmul.f32 v10, v19;
	v31 =	vmul.f32 $1.442695020e+00, v31  }
0x458: {  	v32 =	vld [tilespmem:s23+$0xFFFFF360];
	v48 =	vadd.s32 $0xFFFFFF81, v45;
	v18 =	vmul.f32 $1.442695020e+00, v18;
	(erf) = vpow2.f32 v43  }
0x459: {  	v36 =	vld [tilespmem:s23+$0xFFFFFFD0];
	v24 =	vshll.u32 v24, $0x10;
	v9 =	vmul.f32 v27, v9;
	(erf) = vpow2.f32 v31;
	v27 =	vpop (erf)  }
0x45a: {  	v37 =	vld [tilespmem:s23+$0xFFFFFFE0];
	v31 =	vadd.s32 $0x18, v6;
	(erf) = vpow2.f32 v18;
	v18 =	vmul.f32 v24, v27  }
0x45b: {  	v46 =	vshra.s32 v4, $0x17;
	v25 =	vshll.u32 v25, $0x1;
	(erf) = vrcp.f32 v9  }
0x45c: {  	v38 =	vld [tilespmem:s23+$0xFFFFFFF0];
	v52 =	vadd.s32 $0x4, v28;
	v19 =	vadd.f32 $2.792255160e+00, v19;
	v18 =	vmul.f32 v18, v22  }
0x45d: {  	v34 =	vadd.s32 $0xFFFFFF81, v46;
	v8 =	vmul.f32 v30, v8;
	v24 =	vadd.f32 $2.792255160e+00, v26  }
0x45e: {  	v10 =	vmul.f32 v10, v19;
	v26 =	vshll.u32 v32, $0x1;
	v27 =	vadd.s32 v36, v25;
	[tilespmem:s17+$0x280] =	vst v18  }
0x45f: {  	v8 =	vadd.f32 $2.792255160e+00, v8;
	v25 =	vadd.s32 v37, v26;
	v18 =	vmul.f32 v29, v24;
	v29 =	vld.idx.msk [tilespmem:v31+s14+$0x0], $0xffff  }
0x460: {  	v49 =	vshll.u32 v63, $0x10;
	v9 =	vshra.s32 v3, $0x17;
	v26 =	vcvt.s32.f32 v48;
	v19 =	vpop (erf)  }
0x461: {  	v8 =	vmul.f32 v30, v8;
	v9 =	vadd.s32 $0xFFFFFF81, v9;
	v24 =	vadd.s32 v38, v47;
	v30 =	vpop (erf)  }
0x462: {  	v10 =	vadd.f32 $-1.730631710e+00, v10;
	v9 =	vcvt.s32.f32 v9;
	v54 =	vmul.f32 $6.931471820e-01, v26;
	v50 =	vpop (erf)  }
0x463: {  	s24 =	simm.s32 $0x200;
	s25 =	simm.s32 $0x70;
	v31 =	vcvt.s32.f32 v34;
	v51 =	vld.idx.msk [tilespmem:v27+s14+$0x0], $0xffff;
	v19 =	vadd.f32 $1.000000000e+00, v19;
	v32 =	vmul.f32 v49, v50;
	v53 =	vpop (erf)  }
0x464: {  	s1 =	sand.u32 $0x3FFFFC00, s24;
	v8 =	vadd.f32 $-1.730631710e+00, v8;
	v9 =	vmul.f32 $6.931471820e-01, v9;
	v37 =	vld.idx.msk [tilespmem:v25+s14+$0x0], $0xffff;
	v26 =	vpop (erf);
	v55 =	vmul.f32 v29, v5  }
0x465: {  	s1 =	sadd.s32 $0xAF00, s1;
	s15 =	sand.u32 $0x70, s25;
	v58 =	vadd.f32 v10, v54;
	v7 =	vmul.f32 v19, v7;
	v32 =	vmul.f32 v32, v26  }
0x466: {  	s5 =	sor.u32 s15, s1;
	v18 =	vadd.f32 $-1.730631710e+00, v18;
	v31 =	vmul.f32 $6.931471820e-01, v31;
	v38 =	vld.idx.msk [tilespmem:v24+s14+$0x0], $0xffff;
	v10 =	vmul.f32 $1.442695020e+00, v55  }
0x467: {  	v30 =	vadd.f32 $1.000000000e+00, v30;
	v61 =	vadd.f32 v8, v9;
	(erf) = vrcp.f32 v7;
	[tilespmem:s5+$0x0] =	vst v32  }
0x468: {  	v62 =	vadd.f32 v18, v31;
	v8 =	vmul.f32 v51, v58;
	v7 =	vld.idx.msk [tilespmem:v52+s14+$0x0], $0xffff;
	(erf) = vpow2.f32 v10  }
0x469: {  	v4 =	vmul.f32 v30, v4  }
0x46a: {  	v8 =	vmul.f32 $1.442695020e+00, v8;
	v9 =	vmul.f32 v37, v62  }
0x46b: {  	v10 =	vmul.f32 v38, v61;
	(erf) = vrcp.f32 v4  }
0x46c: {  	v30 =	vadd.f32 $1.000000000e+00, v53;
	(erf) = vpow2.f32 v8;
	v9 =	vmul.f32 $1.442695020e+00, v9  }
0x46d: {  	v4 =	vmul.f32 $1.442695020e+00, v10;
	v8 =	vmul.f32 v7, v23  }
0x46e: {  	v3 =	vmul.f32 v30, v3;
	(erf) = vpow2.f32 v9  }
0x46f: {  	(erf) = vpow2.f32 v4;
	v4 =	vmul.f32 $1.442695020e+00, v8  }
0x470: {  	v56 =	vpop (erf);
	(erf) = vrcp.f32 v3  }
0x471: {  	v3 =	vmul.f32 v2, v17;
	(erf) = vpow2.f32 v4;
	v4 =	vshll.u32 v29, $0x10;
	v8 =	vpop (erf)  }
0x472: {  	v4 =	vmul.f32 v4, v8  }
0x473: {  	v3 =	vmul.f32 $1.442695020e+00, v3  }
0x474: {  	v9 =	vmul.f32 v1, v57;
	v8 =	vadd.s32 $0x1C, v6;
	v59 =	vpop (erf);
	v4 =	vmul.f32 v4, v22  }
0x475: {  	v31 =	vshll.u32 v51, $0x10;
	v30 =	vpop (erf)  }
0x476: {  	v9 =	vmul.f32 $1.442695020e+00, v9;
	v30 =	vmul.f32 v31, v30  }
0x477: {  	v10 =	vadd.s32 $0x4, v27;
	(erf) = vpow2.f32 v3;
	v3 =	vpop (erf)  }
0x478: {  	s26 =	simm.s32 $0x40;
	v36 =	vshll.u32 v37, $0x10;
	v29 =	vadd.s32 $0x4, v25;
	[tilespmem:s17+$0x300] =	vst v4;
	(erf) = vpow2.f32 v9;
	v4 =	vpop (erf)  }
0x479: {  	s31 =	sand.u32 $0x40, s26;
	v31 =	vshll.u32 v38, $0x10;
	v9 =	vmul.f32 v30, v56;
	v3 =	vmul.f32 v36, v3;
	v8 =	vld.idx.msk [tilespmem:v8+s14+$0x0], $0xffff;
	v19 =	vpop (erf)  }
0x47a: {  	s6 =	simm.s32 $0x50;
	s21 =	sor.u32 s31, s1;
	v63 =	vadd.s32 $0x4, v24;
	v7 =	vshll.u32 v7, $0x10;
	v4 =	vmul.f32 v31, v4;
	v30 =	vpop (erf)  }
0x47b: {  	s29 =	simm.s32 $0x60;
	s26 =	sand.u32 $0x50, s6;
	[tilespmem:s21+$0x0] =	vst v9;
	v3 =	vmul.f32 v3, v59;
	v7 =	vmul.f32 v7, v30  }
0x47c: {  	s20 =	sand.u32 $0x60, s29;
	s4 =	sor.u32 s26, s1;
	v9 =	vld.idx.msk [tilespmem:v10+s14+$0x0], $0xffff;
	v30 =	vadd.s32 $0x8, v28;
	v4 =	vmul.f32 v4, v19  }
0x47d: {  	s1 =	sor.u32 s20, s1;
	v31 =	vmul.f32 v0, v14;
	[tilespmem:s4+$0x0] =	vst v3;
	v3 =	vmul.f32 v7, v26  }
0x47e: {  	v10 =	vld.idx.msk [tilespmem:v29+s14+$0x0], $0xffff;
	[tilespmem:s1+$0x0] =	vst v4;
	v4 =	vmul.f32 v8, v5  }
0x47f: {  	v7 =	vmul.f32 $1.442695020e+00, v31;
	v29 =	vld.idx.msk [tilespmem:v63+s14+$0x0], $0xffff  }
0x480: {  	[tilespmem:s5+$0x80] =	vst v3;
	v4 =	vmul.f32 $1.442695020e+00, v4  }
0x481: {  	v2 =	vshll.u32 v2, $0x10;
	(erf) = vpow2.f32 v7;
	v7 =	vld.idx.msk [tilespmem:v30+s14+$0x0], $0xffff;
	v30 =	vmul.f32 v9, v58;
	v3 =	vpop (erf)  }
0x482: {  	v1 =	vshll.u32 v1, $0x10;
	(erf) = vpow2.f32 v4;
	v2 =	vmul.f32 v2, v3;
	v3 =	vpop (erf)  }
0x483: {  	v1 =	vmul.f32 v1, v3;
	v3 =	vmul.f32 v10, v62  }
0x484: {  	v4 =	vmul.f32 $1.442695020e+00, v30;
	v30 =	vmul.f32 v29, v61  }
0x485: {  	v3 =	vmul.f32 $1.442695020e+00, v3  }
0x486: {  	v31 =	vmul.f32 v7, v23;
	v30 =	vmul.f32 $1.442695020e+00, v30  }
0x487: {  	v37 =	vadd.s32 $0x14, v21;
	(erf) = vpow2.f32 v4  }
0x488: {  	(erf) = vpow2.f32 v3;
	v3 =	vmul.f32 $1.442695020e+00, v31  }
0x489: {  	v2 =	vmul.f32 v2, v13;
	(erf) = vpow2.f32 v30  }
0x48a: {  	v30 =	vpop (erf);
	(erf) = vpow2.f32 v3  }
0x48b: {  	v0 =	vshll.u32 v0, $0x10;
	v4 =	vadd.s32 $0x14, v20;
	v1 =	vmul.f32 v1, v12;
	[tilespmem:s12+$0x200] =	vst v2  }
0x48c: {  	v2 =	vld.idx.msk [tilespmem:v37+s14+$0x0], $0xffff;
	v0 =	vmul.f32 v0, v30  }
0x48d: {  	[tilespmem:s11+$0x200] =	vst v1;
	v1 =	vshll.u32 v8, $0x10;
	v3 =	vadd.s32 $0x14, v16;
	v8 =	vpop (erf)  }
0x48e: {  	v1 =	vmul.f32 v1, v8;
	v8 =	vadd.s32 $0x20, v6;
	v0 =	vmul.f32 v0, v11  }
0x48f: {  	v9 =	vshll.u32 v9, $0x10  }
0x490: {  	v10 =	vshll.u32 v10, $0x10;
	v7 =	vshll.u32 v7, $0x10;
	v4 =	vld.idx.msk [tilespmem:v4+s14+$0x0], $0xffff;
	v38 =	vpop (erf);
	[tilespmem:s9+$0x200] =	vst v0;
	v0 =	vmul.f32 v1, v22  }
0x491: {  	v30 =	vadd.s32 $0x8, v27;
	v39 =	vmul.f32 v2, v17;
	v9 =	vmul.f32 v9, v38;
	v40 =	vpop (erf)  }
0x492: {  	v1 =	vadd.s32 $0x8, v25;
	v3 =	vld.idx.msk [tilespmem:v3+s14+$0x0], $0xffff;
	[tilespmem:s17+$0x380] =	vst v0;
	v0 =	vshll.u32 v29, $0x10;
	v10 =	vmul.f32 v10, v40;
	v41 =	vpop (erf)  }
0x493: {  	v31 =	vadd.s32 $0x8, v24;
	v9 =	vmul.f32 v9, v56;
	v8 =	vld.idx.msk [tilespmem:v8+s14+$0x0], $0xffff;
	v0 =	vmul.f32 v0, v41;
	v42 =	vpop (erf)  }
0x494: {  	v43 =	vadd.s32 $0xC, v28;
	v10 =	vmul.f32 v10, v59;
	v7 =	vmul.f32 v7, v42  }
0x495: {  	v29 =	vmul.f32 v4, v57;
	[tilespmem:s21+$0x80] =	vst v9;
	v0 =	vmul.f32 v0, v19  }
0x496: {  	v9 =	vmul.f32 $1.442695020e+00, v39;
	v30 =	vld.idx.msk [tilespmem:v30+s14+$0x0], $0xffff;
	[tilespmem:s4+$0x80] =	vst v10;
	v7 =	vmul.f32 v7, v26  }
0x497: {  	v44 =	vmul.f32 v3, v14;
	v10 =	vmul.f32 $1.442695020e+00, v29;
	v1 =	vld.idx.msk [tilespmem:v1+s14+$0x0], $0xffff;
	[tilespmem:s1+$0x80] =	vst v0  }
0x498: {  	(erf) = vpow2.f32 v9;
	v0 =	vmul.f32 v8, v5;
	v9 =	vld.idx.msk [tilespmem:v31+s14+$0x0], $0xffff;
	[tilespmem:s5+$0x100] =	vst v7  }
0x499: {  	v29 =	vmul.f32 $1.442695020e+00, v44;
	(erf) = vpow2.f32 v10;
	v7 =	vld.idx.msk [tilespmem:v43+s14+$0x0], $0xffff  }
0x49a: {  	v0 =	vmul.f32 $1.442695020e+00, v0  }
0x49b: {  	(erf) = vpow2.f32 v29;
	v10 =	vmul.f32 v30, v58  }
0x49c: {  	(erf) = vpow2.f32 v0  }
0x49d: {  	v10 =	vmul.f32 $1.442695020e+00, v10;
	v0 =	vmul.f32 v1, v62  }
0x49e: {  	v29 =	vmul.f32 v9, v61;
	v31 =	vmul.f32 v7, v23  }
0x49f: {  	v0 =	vmul.f32 $1.442695020e+00, v0  }
0x4a0: {  	(erf) = vpow2.f32 v10;
	v29 =	vmul.f32 $1.442695020e+00, v29  }
0x4a1: {  	v10 =	vpop (erf);
	(erf) = vpow2.f32 v0;
	v0 =	vmul.f32 $1.442695020e+00, v31  }
0x4a2: {  	v2 =	vshll.u32 v2, $0x10;
	v4 =	vshll.u32 v4, $0x10;
	(erf) = vpow2.f32 v29;
	v31 =	vpop (erf)  }
0x4a3: {  	v3 =	vshll.u32 v3, $0x10;
	(erf) = vpow2.f32 v0;
	v4 =	vmul.f32 v4, v31  }
0x4a4: {  	v8 =	vshll.u32 v8, $0x10;
	v2 =	vmul.f32 v2, v10;
	v29 =	vadd.s32 $0x18, v21;
	v10 =	vpop (erf)  }
0x4a5: {  	v0 =	vadd.s32 $0x18, v20;
	v31 =	vpop (erf);
	v3 =	vmul.f32 v3, v10;
	v4 =	vmul.f32 v4, v12  }
0x4a6: {  	s30 =	simm.s32 $0x0;
	v6 =	vadd.s32 $0x24, v6;
	v2 =	vmul.f32 v2, v13;
	v8 =	vmul.f32 v8, v31  }
0x4a7: {  	s3 =	sand.u32 $0x3FFFFF00, s30;
	v31 =	vadd.s32 $0x18, v16;
	v3 =	vmul.f32 v3, v11  }
0x4a8: {  	s13 =	sadd.s32 $0x12C00, s3;
	[tilespmem:s12+$0x280] =	vst v2;
	v2 =	vmul.f32 v8, v22  }
0x4a9: {  	s22 =	sor.u32 s16, s13;
	v9 =	vshll.u32 v9, $0x10;
	v10 =	vshll.u32 v30, $0x10;
	v29 =	vld.idx.msk [tilespmem:v29+s14+$0x0], $0xffff;
	[tilespmem:s11+$0x280] =	vst v4;
	v4 =	vpop (erf)  }
0x4aa: {  	v1 =	vshll.u32 v1, $0x10;
	v8 =	vadd.s32 $0xC, v27;
	v45 =	vld.idx.msk [tilespmem:v0+s14+$0x0], $0xffff;
	[tilespmem:s22+$0x0] =	vst v2;
	v4 =	vmul.f32 v10, v4;
	v0 =	vpop (erf)  }
0x4ab: {  	v7 =	vshll.u32 v7, $0x10;
	v30 =	vadd.s32 $0xC, v25;
	[tilespmem:s9+$0x280] =	vst v3;
	v6 =	vld.idx.msk [tilespmem:v6+s14+$0x0], $0xffff;
	v1 =	vmul.f32 v1, v0;
	v3 =	vpop (erf)  }
0x4ac: {  	v2 =	vadd.s32 $0xC, v24;
	v0 =	vld.idx.msk [tilespmem:v31+s14+$0x0], $0xffff;
	v4 =	vmul.f32 v4, v56;
	v3 =	vmul.f32 v9, v3;
	v9 =	vpop (erf)  }
0x4ad: {  	v1 =	vmul.f32 v1, v59;
	v7 =	vmul.f32 v7, v9;
	v9 =	vadd.s32 $0x10, v28  }
0x4ae: {  	v10 =	vmul.f32 v29, v17;
	[tilespmem:s21+$0x100] =	vst v4;
	v3 =	vmul.f32 v3, v19  }
0x4af: {  	v4 =	vmul.f32 v45, v57;
	v8 =	vld.idx.msk [tilespmem:v8+s14+$0x0], $0xffff;
	[tilespmem:s4+$0x100] =	vst v1;
	v1 =	vmul.f32 v7, v26  }
0x4b0: {  	v7 =	vmul.f32 $1.442695020e+00, v10;
	v10 =	vld.idx.msk [tilespmem:v30+s14+$0x0], $0xffff;
	[tilespmem:s1+$0x100] =	vst v3;
	v3 =	vmul.f32 v6, v5  }
0x4b1: {  	v5 =	vmul.f32 v0, v14;
	v4 =	vmul.f32 $1.442695020e+00, v4;
	v2 =	vld.idx.msk [tilespmem:v2+s14+$0x0], $0xffff;
	[tilespmem:s5+$0x180] =	vst v1  }
0x4b2: {  	(erf) = vpow2.f32 v7;
	v1 =	vmul.f32 $1.442695020e+00, v3;
	v9 =	vld.idx.msk [tilespmem:v9+s14+$0x0], $0xffff  }
0x4b3: {  	v3 =	vmul.f32 $1.442695020e+00, v5;
	(erf) = vpow2.f32 v4  }
0x4b4: {  	v4 =	vmul.f32 v8, v58;
	(erf) = vpow2.f32 v1  }
0x4b5: {  	v1 =	vmul.f32 v10, v62;
	(erf) = vpow2.f32 v3  }
0x4b6: {  	v3 =	vmul.f32 $1.442695020e+00, v4;
	v4 =	vmul.f32 v2, v61  }
0x4b7: {  	v1 =	vmul.f32 $1.442695020e+00, v1;
	v5 =	vmul.f32 v9, v23  }
0x4b8: {  	v4 =	vmul.f32 $1.442695020e+00, v4;
	(erf) = vpow2.f32 v3  }
0x4b9: {  	(erf) = vpow2.f32 v1;
	v1 =	vmul.f32 $1.442695020e+00, v5  }
0x4ba: {  	(erf) = vpow2.f32 v4  }
0x4bb: {  	(erf) = vpow2.f32 v1;
	_ =	sdelay $0x1  }
0x4bc: {  	s3 =	simm.s32 $0x3F20;
	v1 =	vpop (erf)  }
0x4bd: {  	v30 =	vld [tilespmem:s3+$0x10];
	v7 =	vshll.u32 v45, $0x10;
	v4 =	vpop (erf)  }
0x4be: {  	s6 =	simm.s32 $0x2630;
	v6 =	vshll.u32 v6, $0x10;
	v3 =	vshll.u32 v29, $0x10;
	v5 =	vpop (erf)  }
0x4bf: {  	v49 =	vld [tilespmem:s6+$0xFFFFF380];
	v10 =	vshll.u32 v10, $0x10;
	v3 =	vmul.f32 v3, v1;
	v1 =	vpop (erf)  }
0x4c0: {  	v8 =	vshll.u32 v8, $0x10;
	v4 =	vmul.f32 v7, v4;
	v7 =	vpop (erf)  }
0x4c1: {  	v48 =	vadd.s32 $0x14, v28;
	v29 =	vmul.f32 v6, v5;
	v5 =	vmul.f32 v8, v7;
	v6 =	vpop (erf)  }
0x4c2: {  	v46 =	vand.u32 $0x7FFFFF, v30;
	v51 =	vadd.f32 $-6.000000000e+00, v30;
	v6 =	vmul.f32 v10, v6;
	v10 =	vpop (erf)  }
0x4c3: {  	v31 =	vshll.u32 v2, $0x10;
	v7 =	vld [tilespmem:s3+$0xFFFFFFE0];
	v2 =	vmul.f32 v5, v56;
	v5 =	vshll.u32 v9, $0x10;
	v9 =	vpop (erf)  }
0x4c4: {  	v52 =	vshll.u32 v49, $0x1;
	v35 =	vor.u32 $0x3F800000, v46;
	v8 =	vld [tilespmem:s3+$0xFFFFFFF0];
	v47 =	vmul.f32 v5, v9  }
0x4c5: {  	v45 =	vshra.s32 v30, $0x17;
	v32 =	vmul.f32 $5.486285310e-02, v35;
	v43 =	vmul.f32 $5.000000000e+00, v51  }
0x4c6: {  	v49 =	vadd.s32 $0xFFFFFF81, v45;
	v31 =	vmul.f32 v31, v10;
	v33 =	vmul.f32 v47, v26  }
0x4c7: {  	v32 =	vsub.f32 $4.358618560e-01, v32;
	v53 =	vmul.f32 $1.442695020e+00, v43;
	v43 =	vcvt.s32.f32 v49  }
0x4c8: {  	v50 =	vld [tilespmem:s6+$0x0];
	v9 =	vmul.f32 v6, v59;
	v6 =	vmul.f32 v31, v19;
	v31 =	vand.u32 $0x7FFFFF, v7;
	[tilespmem:s5+$0x200] =	vst v33  }
0x4c9: {  	v51 =	vmul.f32 $6.931471820e-01, v43;
	v38 =	vor.u32 $0x3F800000, v31;
	v31 =	vand.u32 $0x7FFFFF, v8;
	v34 =	vld.idx.msk [tilespmem:v48+s14+$0x0], $0xffff  }
0x4ca: {  	v3 =	vmul.f32 v3, v13;
	v5 =	vld [tilespmem:s3+$0x0];
	v39 =	vor.u32 $0x3F800000, v31;
	v31 =	vmul.f32 v35, v32  }
0x4cb: {  	v4 =	vmul.f32 v4, v12;
	v37 =	vadd.f32 $-6.000000000e+00, v7;
	v44 =	vadd.f32 $-6.000000000e+00, v8  }
0x4cc: {  	(erf) = vpow2.f32 v53;
	v40 =	vmul.f32 $5.486285310e-02, v38;
	v31 =	vadd.f32 $-1.442481040e+00, v31  }
0x4cd: {  	v32 =	vadd.s32 v50, v52;
	v37 =	vmul.f32 $5.000000000e+00, v37;
	v52 =	vmul.f32 $5.000000000e+00, v44  }
0x4ce: {  	v10 =	vadd.s32 $0x1C, v21;
	v31 =	vmul.f32 v35, v31;
	v63 =	vmul.f32 v34, v23  }
0x4cf: {  	v41 =	vand.u32 $0x7FFFFF, v5;
	v42 =	vmul.f32 $5.486285310e-02, v39;
	v40 =	vsub.f32 $4.358618560e-01, v40  }
0x4d0: {  	v41 =	vor.u32 $0x3F800000, v41;
	v31 =	vadd.f32 $2.792255160e+00, v31;
	v48 =	vmul.f32 $1.442695020e+00, v63  }
0x4d1: {  	v60 =	vmul.f32 $5.486285310e-02, v41;
	v42 =	vsub.f32 $4.358618560e-01, v42;
	v47 =	vmul.f32 v38, v40  }
0x4d2: {  	v50 =	vadd.f32 $-6.000000000e+00, v5;
	v31 =	vmul.f32 v35, v31;
	(erf) = vpow2.f32 v48  }
0x4d3: {  	v37 =	vmul.f32 $1.442695020e+00, v37;
	v36 =	vsub.f32 $4.358618560e-01, v60;
	v42 =	vmul.f32 v39, v42;
	v45 =	vld.idx.msk [tilespmem:v32+s14+$0x0], $0xffff  }
0x4d4: {  	v43 =	vmul.f32 $1.442695020e+00, v52;
	v33 =	vadd.f32 $-1.442481040e+00, v47;
	v31 =	vadd.f32 $-1.730631710e+00, v31  }
0x4d5: {  	v47 =	vshra.s32 v7, $0x17;
	v34 =	vshll.u32 v34, $0x10;
	v42 =	vadd.f32 $-1.442481040e+00, v42  }
0x4d6: {  	v36 =	vmul.f32 v41, v36;
	v47 =	vadd.s32 $0xFFFFFF81, v47;
	v31 =	vadd.f32 v31, v51  }
0x4d7: {  	v35 =	vmul.f32 $5.000000000e+00, v50;
	v33 =	vmul.f32 v38, v33;
	v50 =	vshra.s32 v8, $0x17  }
0x4d8: {  	v46 =	vld [tilespmem:s6+$0xFFFFF350];
	v36 =	vadd.f32 $-1.442481040e+00, v36;
	v40 =	vmul.f32 v39, v42;
	v48 =	vpop (erf);
	v53 =	vmul.f32 v45, v31  }
0x4d9: {  	v49 =	vld [tilespmem:s6+$0xFFFFF360];
	v35 =	vmul.f32 $1.442695020e+00, v35;
	(erf) = vpow2.f32 v37;
	v60 =	vadd.f32 $1.000000000e+00, v48  }
0x4da: {  	v33 =	vadd.f32 $2.792255160e+00, v33;
	(erf) = vpow2.f32 v43;
	v43 =	vld [tilespmem:s6+$0xFFFFFFD0];
	v44 =	vmul.f32 $1.442695020e+00, v53  }
0x4db: {  	v36 =	vmul.f32 v41, v36;
	v51 =	vshra.s32 v5, $0x17;
	v48 =	vld [tilespmem:s6+$0xFFFFF370];
	v30 =	vmul.f32 v60, v30;
	v63 =	vpop (erf)  }
0x4dc: {  	v37 =	vld [tilespmem:s6+$0xFFFFFFE0];
	(erf) = vpow2.f32 v44;
	v44 =	vadd.s32 $0x18, v28;
	v34 =	vmul.f32 v34, v63  }
0x4dd: {  	v38 =	vmul.f32 v38, v33;
	v52 =	vadd.f32 $2.792255160e+00, v36;
	(erf) = vpow2.f32 v35;
	v35 =	vld [tilespmem:s6+$0xFFFFFFF0]  }
0x4de: {  	v53 =	vshll.u32 v46, $0x1;
	(erf) = vrcp.f32 v30;
	v34 =	vmul.f32 v34, v26  }
0x4df: {  	v38 =	vadd.f32 $-1.730631710e+00, v38;
	v60 =	vshll.u32 v49, $0x1;
	v36 =	vadd.s32 v43, v53  }
0x4e0: {  	v48 =	vshll.u32 v48, $0x1;
	v30 =	vadd.f32 $2.792255160e+00, v40;
	v63 =	vadd.s32 $0xFFFFFF81, v50;
	[tilespmem:s5+$0x280] =	vst v34  }
0x4e1: {  	v50 =	vadd.s32 $0xFFFFFF81, v51;
	v51 =	vmul.f32 v41, v52;
	v34 =	vadd.s32 v37, v60;
	v37 =	vld.idx.msk [tilespmem:v44+s14+$0x0], $0xffff  }
0x4e2: {  	v54 =	vmovc v11;
	v40 =	vcvt.s32.f32 v47;
	v52 =	vcvt.s32.f32 v63;
	v33 =	vadd.s32 v35, v48  }
0x4e3: {  	v45 =	vshll.u32 v45, $0x10;
	v43 =	vcvt.s32.f32 v50;
	v30 =	vmul.f32 v39, v30;
	v39 =	vpop (erf)  }
0x4e4: {  	v47 =	vadd.f32 $-1.730631710e+00, v51;
	v40 =	vmul.f32 $6.931471820e-01, v40;
	v63 =	vpop (erf);
	v39 =	vadd.f32 $1.000000000e+00, v39;
	v48 =	vld.idx.msk [tilespmem:v36+s14+$0x0], $0xffff  }
0x4e5: {  	v41 =	vmul.f32 $6.931471820e-01, v52;
	v43 =	vmul.f32 $6.931471820e-01, v43;
	v30 =	vadd.f32 $-1.730631710e+00, v30;
	v53 =	vpop (erf)  }
0x4e6: {  	s7 =	simm.s32 $0x400;
	v60 =	vadd.s32 $0x4, v32;
	v45 =	vmul.f32 v45, v53;
	v49 =	vpop (erf);
	v50 =	vld.idx.msk [tilespmem:v34+s14+$0x0], $0xffff;
	v52 =	vmul.f32 v37, v23  }
0x4e7: {  	s0 =	sand.u32 $0x3FFFFC00, s7;
	s10 =	simm.s32 $0xB0;
	v11 =	vadd.f32 v38, v40;
	v44 =	vadd.f32 $1.000000000e+00, v63;
	v63 =	vmul.f32 v39, v7;
	v35 =	vpop (erf);
	v51 =	vld.idx.msk [tilespmem:v33+s14+$0x0], $0xffff  }
0x4e8: {  	s0 =	sadd.s32 $0xAF00, s0;
	s19 =	sand.u32 $0x70, s10;
	v55 =	vmovc v12;
	v12 =	vadd.f32 v30, v41;
	v45 =	vmul.f32 v45, v35;
	v30 =	vmul.f32 $1.442695020e+00, v52  }
0x4e9: {  	s29 =	sor.u32 s19, s0;
	v18 =	vadd.f32 v47, v43;
	(erf) = vrcp.f32 v63;
	v47 =	vmul.f32 v48, v11  }
0x4ea: {  	v39 =	vmul.f32 v44, v8;
	v63 =	vadd.s32 $0x10, v24;
	[tilespmem:s29+$0x0] =	vst v45;
	(erf) = vpow2.f32 v30  }
0x4eb: {  	[tilespmem:s12+$0x300] =	vst v3;
	v53 =	vadd.s32 $0x10, v25;
	v3 =	vmul.f32 $1.442695020e+00, v47;
	v40 =	vld.idx.msk [tilespmem:v60+s14+$0x0], $0xffff;
	v30 =	vmul.f32 v50, v12  }
0x4ec: {  	v52 =	vadd.s32 $0x10, v27;
	v60 =	vmul.f32 v51, v18;
	(erf) = vrcp.f32 v39  }
0x4ed: {  	[tilespmem:s11+$0x300] =	vst v4;
	v30 =	vmul.f32 $1.442695020e+00, v30;
	(erf) = vpow2.f32 v3  }
0x4ee: {  	v0 =	vshll.u32 v0, $0x10;
	[tilespmem:s1+$0x180] =	vst v6;
	v10 =	vld.idx.msk [tilespmem:v10+s14+$0x0], $0xffff  }
0x4ef: {  	[tilespmem:s4+$0x180] =	vst v9;
	v4 =	vadd.f32 $1.000000000e+00, v49;
	v6 =	vld.idx.msk [tilespmem:v63+s14+$0x0], $0xffff;
	v38 =	vmul.f32 $1.442695020e+00, v60;
	(erf) = vpow2.f32 v30  }
0x4f0: {  	v0 =	vmul.f32 v0, v1;
	[tilespmem:s21+$0x180] =	vst v2;
	v42 =	vadd.s32 $0x1C, v20;
	v1 =	vld.idx.msk [tilespmem:v53+s14+$0x0], $0xffff;
	v2 =	vmul.f32 v40, v31  }
0x4f1: {  	v4 =	vmul.f32 v4, v5;
	v30 =	vld.idx.msk [tilespmem:v52+s14+$0x0], $0xffff;
	(erf) = vpow2.f32 v38  }
0x4f2: {  	v0 =	vmul.f32 v0, v54;
	v53 =	vpop (erf);
	v2 =	vmul.f32 $1.442695020e+00, v2  }
0x4f3: {  	v9 =	vshll.u32 v37, $0x10;
	v5 =	vmul.f32 v10, v17;
	(erf) = vrcp.f32 v4;
	v49 =	vpop (erf)  }
0x4f4: {  	v37 =	vadd.s32 $0x1C, v28;
	(erf) = vpow2.f32 v2;
	v9 =	vmul.f32 v9, v49  }
0x4f5: {  	v3 =	vld.idx.msk [tilespmem:v42+s14+$0x0], $0xffff;
	v44 =	vmul.f32 v6, v61;
	v42 =	vmul.f32 v1, v62;
	v4 =	vadd.s32 $0x1C, v16;
	v63 =	vpop (erf)  }
0x4f6: {  	v52 =	vshll.u32 v48, $0x10;
	v41 =	vmul.f32 v30, v58;
	v60 =	vpop (erf);
	v9 =	vmul.f32 v9, v26  }
0x4f7: {  	v38 =	vadd.s32 $0x4, v36;
	v44 =	vmul.f32 $1.442695020e+00, v44;
	v43 =	vmul.f32 v52, v60  }
0x4f8: {  	s16 =	simm.s32 $0x80;
	v48 =	vshll.u32 v50, $0x10;
	v42 =	vmul.f32 $1.442695020e+00, v42;
	v41 =	vmul.f32 $1.442695020e+00, v41;
	v49 =	vpop (erf);
	[tilespmem:s5+$0x300] =	vst v9  }
0x4f9: {  	s10 =	sand.u32 $0x40, s16;
	[tilespmem:s9+$0x300] =	vst v0;
	v39 =	vadd.s32 $0x4, v34;
	v45 =	vmul.f32 v48, v49;
	v43 =	vmul.f32 v43, v53;
	v37 =	vld.idx.msk [tilespmem:v37+s14+$0x0], $0xffff  }
0x4fa: {  	s17 =	simm.s32 $0x90;
	s3 =	sor.u32 s10, s0;
	v2 =	vmul.f32 $1.442695020e+00, v5;
	v0 =	vld.idx.msk [tilespmem:v4+s14+$0x0], $0xffff;
	v4 =	vshll.u32 v51, $0x10;
	(erf) = vpow2.f32 v41;
	v9 =	vpop (erf)  }
0x4fb: {  	s24 =	sand.u32 $0x50, s17;
	v50 =	vadd.s32 $0x4, v33;
	v51 =	vmul.f32 v45, v63;
	[tilespmem:s3+$0x0] =	vst v43;
	v4 =	vmul.f32 v4, v9  }
0x4fc: {  	s7 =	simm.s32 $0xA0;
	s17 =	sor.u32 s24, s0;
	v5 =	vmul.f32 v3, v57;
	(erf) = vpow2.f32 v42;
	v60 =	vpop (erf);
	v38 =	vld.idx.msk [tilespmem:v38+s14+$0x0], $0xffff  }
0x4fd: {  	s7 =	sand.u32 $0x60, s7;
	v40 =	vshll.u32 v40, $0x10;
	(erf) = vpow2.f32 v44;
	v52 =	vpop (erf);
	[tilespmem:s17+$0x0] =	vst v51;
	v4 =	vmul.f32 v4, v60  }
0x4fe: {  	s16 =	sor.u32 s7, s0;
	v45 =	vadd.s32 $0x8, v32;
	v40 =	vmul.f32 v40, v52;
	v39 =	vld.idx.msk [tilespmem:v39+s14+$0x0], $0xffff;
	v48 =	vmul.f32 v37, v23  }
0x4ff: {  	v5 =	vmul.f32 $1.442695020e+00, v5;
	(erf) = vpow2.f32 v2;
	[tilespmem:s16+$0x0] =	vst v4  }
0x500: {  	v40 =	vmul.f32 v40, v35;
	v4 =	vld.idx.msk [tilespmem:v50+s14+$0x0], $0xffff;
	v2 =	vmul.f32 $1.442695020e+00, v48  }
0x501: {  	(erf) = vpow2.f32 v5;
	v5 =	vmul.f32 v38, v11  }
0x502: {  	[tilespmem:s29+$0x80] =	vst v40;
	(erf) = vpow2.f32 v2  }
0x503: {  	v30 =	vshll.u32 v30, $0x10;
	v49 =	vpop (erf);
	v40 =	vld.idx.msk [tilespmem:v45+s14+$0x0], $0xffff;
	v2 =	vmul.f32 v39, v12;
	v5 =	vmul.f32 $1.442695020e+00, v5  }
0x504: {  	v47 =	vmul.f32 v0, v14;
	v30 =	vmul.f32 v30, v49  }
0x505: {  	v10 =	vshll.u32 v10, $0x10;
	v2 =	vmul.f32 $1.442695020e+00, v2;
	v50 =	vmul.f32 v4, v18  }
0x506: {  	v1 =	vshll.u32 v1, $0x10;
	v30 =	vmul.f32 v30, v56;
	(erf) = vpow2.f32 v5  }
0x507: {  	v51 =	vadd.s32 $0x14, v27;
	v5 =	vpop (erf);
	(erf) = vpow2.f32 v2;
	v43 =	vmul.f32 $1.442695020e+00, v50  }
0x508: {  	v2 =	vmul.f32 v40, v31;
	v1 =	vmul.f32 v1, v5;
	v5 =	vshll.u32 v6, $0x10;
	v6 =	vpop (erf)  }
0x509: {  	v42 =	vmul.f32 $1.442695020e+00, v47;
	v52 =	vadd.s32 $0x14, v25;
	v5 =	vmul.f32 v5, v6  }
0x50a: {  	v48 =	vadd.s32 $0x14, v24;
	v6 =	vpop (erf);
	(erf) = vpow2.f32 v43;
	v2 =	vmul.f32 $1.442695020e+00, v2  }
0x50b: {  	v37 =	vshll.u32 v37, $0x10;
	[tilespmem:s21+$0x200] =	vst v30;
	v1 =	vmul.f32 v1, v59;
	v30 =	vpop (erf);
	(erf) = vpow2.f32 v42  }
0x50c: {  	v5 =	vmul.f32 v5, v19;
	(erf) = vpow2.f32 v2;
	v2 =	vshll.u32 v3, $0x10;
	v3 =	vld.idx.msk [tilespmem:v51+s14+$0x0], $0xffff;
	v49 =	vpop (erf)  }
0x50d: {  	[tilespmem:s4+$0x200] =	vst v1;
	v1 =	vmul.f32 v10, v6;
	v6 =	vmul.f32 v37, v49  }
0x50e: {  	[tilespmem:s1+$0x200] =	vst v5  }
0x50f: {  	v50 =	vshll.u32 v39, $0x10;
	v2 =	vmul.f32 v2, v30;
	v30 =	vshll.u32 v38, $0x10;
	v39 =	vld.idx.msk [tilespmem:v48+s14+$0x0], $0xffff  }
0x510: {  	v10 =	vadd.s32 $0x20, v28  }
0x511: {  	v42 =	vld.idx.msk [tilespmem:v52+s14+$0x0], $0xffff;
	v5 =	vmul.f32 v6, v26;
	v6 =	vpop (erf);
	v51 =	vmul.f32 v3, v58  }
0x512: {  	v41 =	vadd.s32 $0x8, v34;
	v1 =	vmul.f32 v1, v13;
	[tilespmem:$0x1FD70] =	vst v55;
	v6 =	vmul.f32 v30, v6;
	v30 =	vpop (erf)  }
0x513: {  	v37 =	vadd.s32 $0x8, v36;
	[tilespmem:s5+$0x380] =	vst v5;
	v5 =	vmul.f32 v50, v30;
	v43 =	vmul.f32 $1.442695020e+00, v51  }
0x514: {  	v4 =	vshll.u32 v4, $0x10;
	v30 =	vpop (erf);
	v50 =	vmul.f32 v39, v61;
	v6 =	vmul.f32 v6, v53  }
0x515: {  	v52 =	vadd.s32 $0x8, v33;
	v10 =	vld.idx.msk [tilespmem:v10+s14+$0x0], $0xffff;
	v4 =	vmul.f32 v4, v30;
	v48 =	vpop (erf);
	v5 =	vmul.f32 v5, v63  }
0x516: {  	v30 =	vmul.f32 v42, v62;
	v49 =	vpop (erf);
	(erf) = vpow2.f32 v43;
	[tilespmem:s3+$0x80] =	vst v6;
	v6 =	vshll.u32 v40, $0x10  }
0x517: {  	v4 =	vmul.f32 v4, v60;
	[tilespmem:s17+$0x80] =	vst v5;
	v5 =	vmul.f32 v6, v49;
	v6 =	vadd.s32 $0xC, v32  }
0x518: {  	v2 =	vmul.f32 v2, v55;
	v51 =	vadd.s32 $0x20, v21;
	v30 =	vmul.f32 $1.442695020e+00, v30;
	v37 =	vld.idx.msk [tilespmem:v37+s14+$0x0], $0xffff  }
0x519: {  	v45 =	vmul.f32 $1.442695020e+00, v50;
	v41 =	vld.idx.msk [tilespmem:v41+s14+$0x0], $0xffff;
	[tilespmem:s16+$0x80] =	vst v4;
	v4 =	vadd.s32 $0x20, v20;
	v5 =	vmul.f32 v5, v35  }
0x51a: {  	v0 =	vshll.u32 v0, $0x10;
	(erf) = vpow2.f32 v30;
	v38 =	vld.idx.msk [tilespmem:v52+s14+$0x0], $0xffff;
	v52 =	vmul.f32 v10, v23  }
0x51b: {  	v0 =	vmul.f32 v0, v48;
	(erf) = vpow2.f32 v45;
	[tilespmem:s29+$0x100] =	vst v5  }
0x51c: {  	[tilespmem:s12+$0x380] =	vst v1;
	v30 =	vmul.f32 $1.442695020e+00, v52;
	v5 =	vld.idx.msk [tilespmem:v6+s14+$0x0], $0xffff  }
0x51d: {  	[tilespmem:s11+$0x380] =	vst v2;
	v0 =	vmul.f32 v0, v54;
	v1 =	vmul.f32 v37, v11;
	v6 =	vld.idx.msk [tilespmem:v51+s14+$0x0], $0xffff  }
0x51e: {  	(erf) = vpow2.f32 v30;
	v2 =	vmul.f32 v41, v12;
	v30 =	vadd.s32 $0x20, v16;
	v4 =	vld.idx.msk [tilespmem:v4+s14+$0x0], $0xffff;
	[tilespmem:$0x1FD90] =	vst v54  }
0x51f: {  	v1 =	vmul.f32 $1.442695020e+00, v1;
	v48 =	vmul.f32 v38, v18;
	[tilespmem:s9+$0x380] =	vst v0;
	v0 =	vshll.u32 v3, $0x10;
	v50 =	vpop (erf)  }
0x520: {  	v2 =	vmul.f32 $1.442695020e+00, v2;
	v0 =	vmul.f32 v0, v50  }
0x521: {  	v44 =	vadd.s32 $0x18, v25;
	v40 =	vmul.f32 $1.442695020e+00, v48;
	(erf) = vpow2.f32 v1  }
0x522: {  	v28 =	vadd.s32 $0x24, v28;
	(erf) = vpow2.f32 v2;
	v2 =	vmul.f32 v5, v31  }
0x523: {  	v39 =	vshll.u32 v39, $0x10;
	v49 =	vmul.f32 v6, v17;
	v51 =	vpop (erf);
	(erf) = vpow2.f32 v40;
	v30 =	vld.idx.msk [tilespmem:v30+s14+$0x0], $0xffff  }
0x524: {  	v42 =	vshll.u32 v42, $0x10;
	v0 =	vmul.f32 v0, v56;
	v52 =	vpop (erf);
	v2 =	vmul.f32 $1.442695020e+00, v2  }
0x525: {  	v43 =	vadd.s32 $0x18, v27;
	v3 =	vmul.f32 v4, v57;
	v39 =	vmul.f32 v39, v52  }
0x526: {  	v1 =	vadd.s32 $0x18, v24;
	v46 =	vmul.f32 $1.442695020e+00, v49;
	(erf) = vpow2.f32 v2  }
0x527: {  	v10 =	vshll.u32 v10, $0x10;
	v2 =	vmul.f32 v42, v51;
	v39 =	vmul.f32 v39, v19;
	v47 =	vpop (erf)  }
0x528: {  	s23 =	simm.s32 $0x80;
	v45 =	vadd.s32 $0xC, v36;
	[tilespmem:s21+$0x280] =	vst v0;
	v10 =	vmul.f32 v10, v47;
	v0 =	vmul.f32 v30, v14  }
0x529: {  	s0 =	sand.u32 $0x3FFFFF00, s23;
	v37 =	vshll.u32 v37, $0x10;
	v3 =	vmul.f32 $1.442695020e+00, v3;
	v2 =	vmul.f32 v2, v59  }
0x52a: {  	s30 =	sadd.s32 $0x12C00, s0;
	v41 =	vshll.u32 v41, $0x10;
	v42 =	vld.idx.msk [tilespmem:v43+s14+$0x0], $0xffff;
	[tilespmem:s1+$0x280] =	vst v39;
	v10 =	vmul.f32 v10, v26;
	v49 =	vpop (erf);
	v0 =	vmul.f32 $1.442695020e+00, v0  }
0x52b: {  	s5 =	sor.u32 s15, s30;
	v38 =	vshll.u32 v38, $0x10;
	v1 =	vld.idx.msk [tilespmem:v1+s14+$0x0], $0xffff;
	[tilespmem:s4+$0x280] =	vst v2;
	v2 =	vmul.f32 v37, v49;
	v50 =	vpop (erf);
	(erf) = vpow2.f32 v46  }
0x52c: {  	v48 =	vadd.s32 $0xC, v34;
	v51 =	vld.idx.msk [tilespmem:v44+s14+$0x0], $0xffff;
	[tilespmem:s5+$0x0] =	vst v10;
	v10 =	vmul.f32 v41, v50;
	v52 =	vpop (erf);
	(erf) = vpow2.f32 v3  }
0x52d: {  	v44 =	vadd.s32 $0xC, v33;
	v28 =	vld.idx.msk [tilespmem:v28+s14+$0x0], $0xffff;
	v2 =	vmul.f32 v2, v53;
	v37 =	vmul.f32 v38, v52  }
0x52e: {  	(erf) = vpow2.f32 v0;
	v3 =	vmul.f32 v10, v63  }
0x52f: {  	v5 =	vshll.u32 v5, $0x10;
	v10 =	vmul.f32 v42, v58;
	[tilespmem:s3+$0x100] =	vst v2;
	v2 =	vmul.f32 v37, v60;
	v46 =	vpop (erf)  }
0x530: {  	v49 =	vmul.f32 v1, v61;
	v47 =	vld.idx.msk [tilespmem:v45+s14+$0x0], $0xffff;
	[tilespmem:s17+$0x100] =	vst v3;
	v0 =	vmul.f32 v5, v46  }
0x531: {  	v3 =	vadd.s32 $0x10, v32;
	v5 =	vmul.f32 v51, v62;
	v10 =	vmul.f32 $1.442695020e+00, v10;
	v48 =	vld.idx.msk [tilespmem:v48+s14+$0x0], $0xffff;
	[tilespmem:s16+$0x100] =	vst v2  }
0x532: {  	v2 =	vld.idx.msk [tilespmem:v44+s14+$0x0], $0xffff;
	v23 =	vmul.f32 v28, v23;
	v0 =	vmul.f32 v0, v35  }
0x533: {  	v5 =	vmul.f32 $1.442695020e+00, v5;
	(erf) = vpow2.f32 v10  }
0x534: {  	v10 =	vmul.f32 $1.442695020e+00, v23;
	[tilespmem:s29+$0x180] =	vst v0;
	v0 =	vmul.f32 $1.442695020e+00, v49  }
0x535: {  	(erf) = vpow2.f32 v5;
	v5 =	vmul.f32 v47, v11  }
0x536: {  	v3 =	vld.idx.msk [tilespmem:v3+s14+$0x0], $0xffff;
	(erf) = vpow2.f32 v10;
	v10 =	vmul.f32 v48, v12  }
0x537: {  	v23 =	vmul.f32 v2, v18;
	(erf) = vpow2.f32 v0  }
0x538: {  	v0 =	vmul.f32 $1.442695020e+00, v5;
	v10 =	vmul.f32 $1.442695020e+00, v10  }
0x539: {  	v5 =	vadd.s32 $0x24, v21;
	v21 =	vmul.f32 $1.442695020e+00, v23  }
0x53a: {  	v6 =	vshll.u32 v6, $0x10;
	(erf) = vpow2.f32 v0  }
0x53b: {  	v4 =	vshll.u32 v4, $0x10;
	v0 =	vmul.f32 v3, v31;
	v23 =	vpop (erf);
	(erf) = vpow2.f32 v10  }
0x53c: {  	v6 =	vmul.f32 v6, v23;
	v10 =	vpop (erf);
	(erf) = vpow2.f32 v21;
	v23 =	vshll.u32 v30, $0x10  }
0x53d: {  	v0 =	vmul.f32 $1.442695020e+00, v0;
	v21 =	vpop (erf);
	v4 =	vmul.f32 v4, v10  }
0x53e: {  	v6 =	vmul.f32 v6, v13;
	v21 =	vmul.f32 v23, v21  }
0x53f: {  	v23 =	vpop (erf);
	(erf) = vpow2.f32 v0;
	v0 =	vmul.f32 v29, v22  }
0x540: {  	v10 =	vshll.u32 v42, $0x10;
	v29 =	vmul.f32 v4, v55;
	v4 =	vshll.u32 v28, $0x10  }
0x541: {  	s0 =	sor.u32 s18, s13;
	v22 =	vshll.u32 v51, $0x10;
	v10 =	vmul.f32 v10, v23;
	v23 =	vpop (erf);
	[tilespmem:$0x1FD60] =	vst v0  }
0x542: {  	v20 =	vadd.s32 $0x24, v20;
	v0 =	vmul.f32 v21, v54;
	v21 =	vmul.f32 v22, v23;
	[tilespmem:s0+$0x0] =	vst v6;
	v6 =	vpop (erf)  }
0x543: {  	v28 =	vld.idx.msk [tilespmem:v5+s14+$0x0], $0xffff;
	v5 =	vshll.u32 v1, $0x10;
	v22 =	vmul.f32 v4, v6;
	v4 =	vpop (erf);
	v1 =	vadd.s32 $0x24, v16  }
0x544: {  	s25 =	simm.s32 $0x3F60;
	v6 =	vmul.f32 v10, v56;
	v10 =	vshll.u32 v47, $0x10;
	v5 =	vmul.f32 v5, v4;
	v16 =	vpop (erf)  }
0x545: {  	v42 =	vld [tilespmem:s25+$0x10];
	v4 =	vmul.f32 v21, v59;
	v21 =	vshll.u32 v48, $0x10;
	v10 =	vmul.f32 v10, v16;
	v16 =	vpop (erf)  }
0x546: {  	v16 =	vmul.f32 v21, v16  }
0x547: {  	s6 =	sor.u32 s2, s13  }
0x548: {  	v2 =	vshll.u32 v2, $0x10;
	[tilespmem:s6+$0x0] =	vst v29  }
0x549: {  	v3 =	vshll.u32 v3, $0x10;
	v29 =	vld.idx.msk [tilespmem:v20+s14+$0x0], $0xffff;
	v41 =	vmul.f32 v22, v26;
	v20 =	vpop (erf);
	v23 =	vmul.f32 v10, v53  }
0x54a: {  	v22 =	vand.u32 $0x7FFFFF, v42;
	v17 =	vmul.f32 v28, v17;
	v10 =	vmul.f32 v16, v63;
	v16 =	vpop (erf)  }
0x54b: {  	v38 =	vld [tilespmem:s25+$0xFFFFFFF0];
	v2 =	vmul.f32 v2, v20;
	v22 =	vor.u32 $0x3F800000, v22;
	v16 =	vmul.f32 v3, v16  }
0x54c: {  	v51 =	vmul.f32 $5.486285310e-02, v22;
	v17 =	vmul.f32 $1.442695020e+00, v17  }
0x54d: {  	s2 =	simm.s32 $0x2670;
	v50 =	vadd.s32 $0x14, v32;
	v20 =	vld [tilespmem:s25+$0xFFFFFFE0];
	v16 =	vmul.f32 v16, v35  }
0x54e: {  	v39 =	vmul.f32 v2, v60;
	v2 =	vld [tilespmem:s2+$0xFFFFF380];
	(erf) = vpow2.f32 v17;
	v17 =	vsub.f32 $4.358618560e-01, v51  }
0x54f: {  	[tilespmem:s29+$0x200] =	vst v16;
	v16 =	vld [tilespmem:s2+$0x0]  }
0x550: {  	v7 =	vld [tilespmem:s25+$0x0];
	v54 =	vadd.f32 $-6.000000000e+00, v42;
	v55 =	vand.u32 $0x7FFFFF, v38;
	v17 =	vmul.f32 v22, v17  }
0x551: {  	v48 =	vor.u32 $0x3F800000, v55  }
0x552: {  	v3 =	vmul.f32 v29, v57;
	v57 =	vmul.f32 $5.000000000e+00, v54;
	v37 =	vld.idx.msk [tilespmem:v50+s14+$0x0], $0xffff;
	v55 =	vadd.f32 $-1.442481040e+00, v17  }
0x553: {  	v49 =	vmul.f32 $5.486285310e-02, v48;
	v52 =	vand.u32 $0x7FFFFF, v20;
	v2 =	vshll.u32 v2, $0x1  }
0x554: {  	v43 =	vmul.f32 $1.442695020e+00, v57;
	v17 =	vadd.s32 v16, v2;
	v2 =	vmul.f32 v22, v55  }
0x555: {  	v54 =	vand.u32 $0x7FFFFF, v7;
	v49 =	vsub.f32 $4.358618560e-01, v49;
	v46 =	vor.u32 $0x3F800000, v52  }
0x556: {  	v47 =	vmul.f32 $5.486285310e-02, v46;
	(erf) = vpow2.f32 v43;
	v2 =	vadd.f32 $2.792255160e+00, v2  }
0x557: {  	v44 =	vadd.f32 $-6.000000000e+00, v20;
	v49 =	vmul.f32 v48, v49;
	v52 =	vmul.f32 v37, v31  }
0x558: {  	v57 =	vsub.f32 $4.358618560e-01, v47;
	v55 =	vshra.s32 v42, $0x17;
	v2 =	vmul.f32 v22, v2  }
0x559: {  	v16 =	vadd.f32 $-6.000000000e+00, v38;
	v50 =	vadd.s32 $0xFFFFFF81, v55;
	v47 =	vmul.f32 $1.442695020e+00, v52  }
0x55a: {  	v45 =	vmul.f32 v46, v57;
	v50 =	vcvt.s32.f32 v50;
	v2 =	vadd.f32 $-1.730631710e+00, v2  }
0x55b: {  	v51 =	vor.u32 $0x3F800000, v54;
	v57 =	vmul.f32 $5.000000000e+00, v16;
	(erf) = vpow2.f32 v47  }
0x55c: {  	v44 =	vmul.f32 $5.000000000e+00, v44;
	v43 =	vadd.f32 $-6.000000000e+00, v7;
	v50 =	vmul.f32 $6.931471820e-01, v50;
	v47 =	vld.idx.msk [tilespmem:v17+s14+$0x0], $0xffff  }
0x55d: {  	v54 =	vmul.f32 $5.486285310e-02, v51;
	v49 =	vadd.f32 $-1.442481040e+00, v49;
	v45 =	vadd.f32 $-1.442481040e+00, v45  }
0x55e: {  	v44 =	vmul.f32 $1.442695020e+00, v44;
	v43 =	vmul.f32 $5.000000000e+00, v43;
	v16 =	vadd.f32 v2, v50;
	v2 =	vpop (erf)  }
0x55f: {  	v30 =	vadd.s32 $0x10, v36;
	v45 =	vmul.f32 v46, v45;
	v52 =	vmul.f32 $1.442695020e+00, v57;
	v57 =	vpop (erf)  }
0x560: {  	v49 =	vmul.f32 v48, v49;
	v22 =	vsub.f32 $4.358618560e-01, v54;
	v57 =	vadd.f32 $1.000000000e+00, v57  }
0x561: {  	v43 =	vmul.f32 $1.442695020e+00, v43;
	v45 =	vadd.f32 $2.792255160e+00, v45;
	v54 =	vmul.f32 v47, v16  }
0x562: {  	v21 =	vadd.s32 $0x1C, v27;
	v22 =	vmul.f32 v51, v22;
	(erf) = vpow2.f32 v44;
	v50 =	vld [tilespmem:s2+$0xFFFFF350]  }
0x563: {  	v9 =	vld [tilespmem:s2+$0xFFFFFFD0];
	v49 =	vadd.f32 $2.792255160e+00, v49;
	v46 =	vmul.f32 v46, v45;
	v54 =	vmul.f32 $1.442695020e+00, v54  }
0x564: {  	v37 =	vshll.u32 v37, $0x10;
	(erf) = vpow2.f32 v52;
	v52 =	vld [tilespmem:s2+$0xFFFFF360];
	v42 =	vmul.f32 v57, v42;
	v57 =	vpop (erf)  }
0x565: {  	v55 =	vshra.s32 v20, $0x17;
	v44 =	vld [tilespmem:s2+$0xFFFFF370];
	(erf) = vpow2.f32 v54;
	v37 =	vmul.f32 v37, v57  }
0x566: {  	v22 =	vadd.f32 $-1.442481040e+00, v22;
	v54 =	vadd.s32 $0x18, v32;
	(erf) = vpow2.f32 v43;
	v57 =	vld [tilespmem:s2+$0xFFFFFFE0]  }
0x567: {  	v50 =	vshll.u32 v50, $0x1;
	(erf) = vrcp.f32 v42;
	v42 =	vld [tilespmem:s2+$0xFFFFFFF0];
	v37 =	vmul.f32 v37, v35  }
0x568: {  	v43 =	vadd.s32 v9, v50;
	v50 =	vshra.s32 v38, $0x17;
	v9 =	vshra.s32 v7, $0x17  }
0x569: {  	[tilespmem:s29+$0x280] =	vst v37;
	v37 =	vshll.u32 v52, $0x1;
	v52 =	vadd.s32 $0xFFFFFF81, v55;
	v55 =	vadd.s32 $0xFFFFFF81, v9  }
0x56a: {  	s11 =	sor.u32 s8, s13;
	v22 =	vmul.f32 v51, v22;
	v44 =	vshll.u32 v44, $0x1;
	v50 =	vadd.s32 $0xFFFFFF81, v50  }
0x56b: {  	v40 =	vmovc v13;
	[tilespmem:s11+$0x0] =	vst v0;
	v54 =	vld.idx.msk [tilespmem:v54+s14+$0x0], $0xffff;
	v45 =	vadd.s32 v57, v37;
	v37 =	vcvt.s32.f32 v52;
	v57 =	vcvt.s32.f32 v50  }
0x56c: {  	[tilespmem:s21+$0x300] =	vst v6;
	v13 =	vld.idx.msk [tilespmem:v1+s14+$0x0], $0xffff;
	v22 =	vadd.f32 $2.792255160e+00, v22;
	v1 =	vadd.s32 v42, v44;
	v52 =	vcvt.s32.f32 v55;
	v55 =	vpop (erf)  }
0x56d: {  	v6 =	vld.idx.msk [tilespmem:v21+s14+$0x0], $0xffff;
	v48 =	vmul.f32 v48, v49;
	v21 =	vmul.f32 $6.931471820e-01, v37;
	v37 =	vadd.f32 $1.000000000e+00, v55  }
0x56e: {  	v47 =	vshll.u32 v47, $0x10;
	v22 =	vmul.f32 v51, v22;
	v44 =	vadd.f32 $-1.730631710e+00, v46;
	v49 =	vpop (erf)  }
0x56f: {  	v46 =	vadd.f32 $-1.730631710e+00, v48;
	v50 =	vld.idx.msk [tilespmem:v43+s14+$0x0], $0xffff;
	v42 =	vmul.f32 $6.931471820e-01, v57;
	v48 =	vmul.f32 $6.931471820e-01, v52;
	v57 =	vpop (erf)  }
0x570: {  	s9 =	simm.s32 $0x600;
	v51 =	vadd.s32 $0x4, v17;
	v52 =	vmul.f32 v54, v31;
	v55 =	vld.idx.msk [tilespmem:v45+s14+$0x0], $0xffff;
	v47 =	vmul.f32 v47, v57;
	v15 =	vpop (erf)  }
0x571: {  	s12 =	simm.s32 $0xF0;
	s8 =	sand.u32 $0x3FFFFC00, s9;
	v26 =	vadd.s32 $0x10, v34;
	v57 =	vmul.f32 v37, v20;
	v20 =	vadd.f32 v44, v21;
	v44 =	vld.idx.msk [tilespmem:v1+s14+$0x0], $0xffff;
	v37 =	vpop (erf)  }
0x572: {  	s15 =	sadd.s32 $0xAF00, s8;
	s25 =	sand.u32 $0x70, s12;
	v22 =	vadd.f32 $-1.730631710e+00, v22;
	v52 =	vmul.f32 $1.442695020e+00, v52;
	v47 =	vmul.f32 v47, v37  }
0x573: {  	s28 =	sor.u32 s25, s15;
	v21 =	vadd.f32 v46, v42;
	(erf) = vrcp.f32 v57;
	v57 =	vadd.f32 $1.000000000e+00, v49  }
0x574: {  	v22 =	vadd.f32 v22, v48;
	(erf) = vpow2.f32 v52;
	v52 =	vmul.f32 v50, v20;
	[tilespmem:s28+$0x0] =	vst v47  }
0x575: {  	v8 =	vadd.s32 $0x10, v33;
	v38 =	vmul.f32 v57, v38;
	v57 =	vmul.f32 v55, v21;
	v47 =	vld.idx.msk [tilespmem:v51+s14+$0x0], $0xffff  }
0x576: {  	[tilespmem:s3+$0x180] =	vst v23;
	v23 =	vmul.f32 $1.442695020e+00, v52;
	v52 =	vmul.f32 v44, v22  }
0x577: {  	[tilespmem:s17+$0x180] =	vst v10;
	v30 =	vld.idx.msk [tilespmem:v30+s14+$0x0], $0xffff;
	v10 =	vadd.f32 $1.000000000e+00, v15;
	(erf) = vrcp.f32 v38;
	v42 =	vmul.f32 $1.442695020e+00, v57  }
0x578: {  	v38 =	vld.idx.msk [tilespmem:v26+s14+$0x0], $0xffff;
	v26 =	vmul.f32 $1.442695020e+00, v52;
	(erf) = vpow2.f32 v23  }
0x579: {  	[tilespmem:s16+$0x180] =	vst v39;
	v10 =	vmul.f32 v10, v7;
	(erf) = vpow2.f32 v42  }
0x57a: {  	v39 =	vld.idx.msk [tilespmem:v8+s14+$0x0], $0xffff;
	(erf) = vpow2.f32 v26;
	v26 =	vmul.f32 v47, v16  }
0x57b: {  	v5 =	vmul.f32 v5, v19;
	v46 =	vmul.f32 v6, v58;
	v23 =	vadd.s32 $0x1C, v25  }
0x57c: {  	v42 =	vadd.s32 $0x1C, v24;
	(erf) = vrcp.f32 v10;
	v8 =	vpop (erf);
	v26 =	vmul.f32 $1.442695020e+00, v26  }
0x57d: {  	v48 =	vshll.u32 v54, $0x10;
	v10 =	vmul.f32 v30, v11;
	v57 =	vmul.f32 v38, v12;
	v54 =	vpop (erf)  }
0x57e: {  	v48 =	vmul.f32 v48, v54;
	(erf) = vpow2.f32 v26  }
0x57f: {  	[tilespmem:s4+$0x300] =	vst v4;
	v46 =	vmul.f32 $1.442695020e+00, v46;
	v49 =	vadd.s32 $0x1C, v32;
	v52 =	vmul.f32 v39, v18  }
0x580: {  	[tilespmem:s1+$0x300] =	vst v5;
	v4 =	vmul.f32 $1.442695020e+00, v10;
	v26 =	vmul.f32 v48, v35;
	v48 =	vld.idx.msk [tilespmem:v23+s14+$0x0], $0xffff;
	v23 =	vpop (erf)  }
0x581: {  	v52 =	vmul.f32 $1.442695020e+00, v52;
	v51 =	vmul.f32 $1.442695020e+00, v57;
	v10 =	vld.idx.msk [tilespmem:v42+s14+$0x0], $0xffff;
	v42 =	vshll.u32 v50, $0x10;
	v57 =	vpop (erf)  }
0x582: {  	(erf) = vpow2.f32 v4;
	v4 =	vshll.u32 v55, $0x10;
	[tilespmem:s29+$0x300] =	vst v26;
	v26 =	vmul.f32 v42, v57;
	v55 =	vpop (erf)  }
0x583: {  	s23 =	simm.s32 $0xC0;
	v5 =	vadd.s32 $0x4, v43;
	(erf) = vpow2.f32 v51;
	v4 =	vmul.f32 v4, v55  }
0x584: {  	s13 =	simm.s32 $0xD0;
	v0 =	vmovc v62;
	s12 =	sand.u32 $0x40, s23;
	v7 =	vadd.s32 $0x4, v45;
	(erf) = vpow2.f32 v52;
	v49 =	vld.idx.msk [tilespmem:v49+s14+$0x0], $0xffff;
	v51 =	vmul.f32 v26, v8  }
0x585: {  	s18 =	simm.s32 $0xE0;
	s8 =	sand.u32 $0x50, s13;
	s13 =	sor.u32 s12, s15;
	v44 =	vshll.u32 v44, $0x10;
	v57 =	vpop (erf);
	v62 =	vmul.f32 v48, v62;
	v4 =	vmul.f32 v4, v23  }
0x586: {  	s9 =	sand.u32 $0x60, s18;
	s18 =	sor.u32 s8, s15;
	v3 =	vmul.f32 $1.442695020e+00, v3;
	v50 =	vadd.s32 $0x4, v1;
	v42 =	vmul.f32 v44, v57;
	v26 =	vpop (erf);
	[tilespmem:s13+$0x0] =	vst v51  }
0x587: {  	(erf) = vpow2.f32 v46;
	[tilespmem:s18+$0x0] =	vst v4;
	v4 =	vmul.f32 $1.442695020e+00, v62;
	v62 =	vshll.u32 v47, $0x10;
	v54 =	vpop (erf)  }
0x588: {  	v42 =	vmul.f32 v42, v26;
	v5 =	vld.idx.msk [tilespmem:v5+s14+$0x0], $0xffff;
	v47 =	vadd.s32 $0x8, v17;
	v44 =	vmul.f32 v62, v54  }
0x589: {  	s15 =	sor.u32 s9, s15;
	v15 =	vmov v11;
	v57 =	vmul.f32 v10, v61;
	v55 =	vmul.f32 v49, v31;
	v11 =	vld.idx.msk [tilespmem:v7+s14+$0x0], $0xffff  }
0x58a: {  	[tilespmem:s15+$0x0] =	vst v42;
	(erf) = vpow2.f32 v4;
	v4 =	vmul.f32 v44, v37  }
0x58b: {  	v30 =	vshll.u32 v30, $0x10;
	v42 =	vmul.f32 $1.442695020e+00, v57;
	v46 =	vld.idx.msk [tilespmem:v50+s14+$0x0], $0xffff;
	v57 =	vmul.f32 $1.442695020e+00, v55;
	v62 =	vpop (erf)  }
0x58c: {  	v9 =	vmul.f32 v13, v14;
	v30 =	vmul.f32 v30, v62;
	[tilespmem:s28+$0x80] =	vst v4  }
0x58d: {  	v38 =	vshll.u32 v38, $0x10;
	v52 =	vpop (erf);
	(erf) = vpow2.f32 v57;
	v55 =	vmul.f32 v5, v20;
	v47 =	vld.idx.msk [tilespmem:v47+s14+$0x0], $0xffff  }
0x58e: {  	v39 =	vshll.u32 v39, $0x10;
	v38 =	vmul.f32 v38, v52;
	v54 =	vpop (erf);
	v4 =	vmul.f32 v11, v21  }
0x58f: {  	v39 =	vmul.f32 v39, v54;
	v50 =	vmul.f32 $1.442695020e+00, v55  }
0x590: {  	v30 =	vmul.f32 v30, v53;
	v57 =	vmul.f32 v46, v22  }
0x591: {  	v54 =	vadd.s32 $0x14, v36;
	v4 =	vmul.f32 $1.442695020e+00, v4;
	(erf) = vpow2.f32 v50  }
0x592: {  	v55 =	vadd.s32 $0x14, v34;
	v52 =	vmul.f32 $1.442695020e+00, v57;
	v62 =	vmul.f32 v47, v16  }
0x593: {  	v14 =	vadd.s32 $0x20, v24;
	v6 =	vshll.u32 v6, $0x10;
	(erf) = vpow2.f32 v4  }
0x594: {  	v51 =	vadd.s32 $0x20, v27;
	v38 =	vmul.f32 v38, v63;
	v57 =	vpop (erf);
	(erf) = vpow2.f32 v52  }
0x595: {  	[tilespmem:s3+$0x200] =	vst v30;
	v50 =	vadd.s32 $0x14, v33;
	v4 =	vadd.s32 $0x24, v27;
	v27 =	vmul.f32 v39, v60;
	v30 =	vpop (erf)  }
0x596: {  	[tilespmem:s17+$0x200] =	vst v38;
	v39 =	vld.idx.msk [tilespmem:v54+s14+$0x0], $0xffff;
	(erf) = vpow2.f32 v42;
	v42 =	vshll.u32 v49, $0x10;
	v38 =	vmul.f32 $1.442695020e+00, v62;
	v62 =	vpop (erf)  }
0x597: {  	v52 =	vld.idx.msk [tilespmem:v55+s14+$0x0], $0xffff;
	[tilespmem:s16+$0x200] =	vst v27;
	v27 =	vadd.s32 $0x20, v32;
	(erf) = vpow2.f32 v3;
	v3 =	vmul.f32 v42, v62  }
0x598: {  	v7 =	vmul.f32 $1.442695020e+00, v9;
	v44 =	vadd.s32 $0x20, v25;
	(erf) = vpow2.f32 v38  }
0x599: {  	v46 =	vshll.u32 v46, $0x10;
	v55 =	vshll.u32 v48, $0x10;
	v3 =	vmul.f32 v3, v35  }
0x59a: {  	v48 =	vadd.s32 $0x8, v43;
	v30 =	vmul.f32 v55, v30;
	v42 =	vld.idx.msk [tilespmem:v50+s14+$0x0], $0xffff;
	v50 =	vmul.f32 v6, v57  }
0x59b: {  	v6 =	vmul.f32 v39, v15;
	(erf) = vpow2.f32 v7;
	[tilespmem:s29+$0x380] =	vst v3;
	v3 =	vshll.u32 v5, $0x10;
	v5 =	vpop (erf)  }
0x59c: {  	v7 =	vshll.u32 v11, $0x10;
	v57 =	vmul.f32 v52, v12;
	v3 =	vmul.f32 v3, v5;
	v5 =	vpop (erf);
	v27 =	vld.idx.msk [tilespmem:v27+s14+$0x0], $0xffff  }
0x59d: {  	v49 =	vadd.s32 $0x8, v45;
	v6 =	vmul.f32 $1.442695020e+00, v6;
	v7 =	vmul.f32 v7, v5;
	v9 =	vpop (erf)  }
0x59e: {  	v5 =	vadd.s32 $0x24, v25;
	v25 =	vmul.f32 v3, v8;
	v46 =	vmul.f32 v46, v9  }
0x59f: {  	v62 =	vmul.f32 v42, v18;
	v9 =	vadd.s32 $0x8, v1;
	v55 =	vpop (erf);
	v7 =	vmul.f32 v7, v23  }
0x5a0: {  	v3 =	vadd.s32 $0x24, v24;
	v38 =	vpop (erf);
	[tilespmem:s13+$0x80] =	vst v25;
	v24 =	vmul.f32 v46, v26;
	v25 =	vmul.f32 $1.442695020e+00, v57  }
0x5a1: {  	v47 =	vshll.u32 v47, $0x10;
	v57 =	vpop (erf);
	v46 =	vld.idx.msk [tilespmem:v48+s14+$0x0], $0xffff;
	[tilespmem:s18+$0x80] =	vst v7;
	v7 =	vmul.f32 $1.442695020e+00, v62;
	v62 =	vmul.f32 v27, v31  }
0x5a2: {  	(erf) = vpow2.f32 v6;
	v6 =	vmul.f32 v47, v57;
	v57 =	vadd.s32 $0xC, v17;
	v49 =	vld.idx.msk [tilespmem:v49+s14+$0x0], $0xffff  }
0x5a3: {  	[tilespmem:s15+$0x80] =	vst v24;
	(erf) = vpow2.f32 v25;
	v24 =	vmul.f32 $1.442695020e+00, v62  }
0x5a4: {  	(erf) = vpow2.f32 v7;
	v7 =	vmul.f32 v6, v37  }
0x5a5: {  	v10 =	vshll.u32 v10, $0x10;
	v50 =	vmul.f32 v50, v56;
	v62 =	vld.idx.msk [tilespmem:v9+s14+$0x0], $0xffff;
	(erf) = vpow2.f32 v24  }
0x5a6: {  	v24 =	vshll.u32 v28, $0x10;
	v28 =	vmul.f32 v30, v59;
	[tilespmem:s28+$0x100] =	vst v7;
	v30 =	vmul.f32 v46, v20  }
0x5a7: {  	v54 =	vadd.s32 $0x18, v33;
	v7 =	vmul.f32 v24, v2;
	v47 =	vld.idx.msk [tilespmem:v57+s14+$0x0], $0xffff;
	v2 =	vmul.f32 v49, v21  }
0x5a8: {  	v32 =	vadd.s32 $0x24, v32;
	v11 =	vadd.s32 $0x20, v34;
	v10 =	vmul.f32 v10, v55  }
0x5a9: {  	[tilespmem:s21+$0x380] =	vst v50;
	v30 =	vmul.f32 $1.442695020e+00, v30;
	v57 =	vmul.f32 $1.442695020e+00, v2;
	v2 =	vadd.s32 $0x1C, v33  }
0x5aa: {  	v42 =	vshll.u32 v42, $0x10;
	v10 =	vmul.f32 v10, v19;
	v50 =	vpop (erf);
	v55 =	vmul.f32 v62, v22;
	[tilespmem:$0x1FDB0] =	vst v2  }
0x5ab: {  	(erf) = vpow2.f32 v30;
	v30 =	vshll.u32 v39, $0x10;
	[tilespmem:s4+$0x380] =	vst v28;
	v28 =	vmov v60;
	v60 =	vpop (erf)  }
0x5ac: {  	v9 =	vadd.s32 $0x20, v36;
	v39 =	vld.idx.msk [tilespmem:v51+s14+$0x0], $0xffff;
	v51 =	vmul.f32 v30, v60;
	v60 =	vmul.f32 v47, v16  }
0x5ad: {  	v48 =	vadd.s32 $0x18, v36;
	v27 =	vshll.u32 v27, $0x10;
	v55 =	vmul.f32 $1.442695020e+00, v55;
	[tilespmem:$0x1FCF0] =	vst v9  }
0x5ae: {  	(erf) = vpow2.f32 v57;
	v30 =	vpop (erf);
	[tilespmem:s1+$0x380] =	vst v10;
	v10 =	vshll.u32 v52, $0x10;
	v9 =	vmul.f32 $1.442695020e+00, v60  }
0x5af: {  	v25 =	vadd.s32 $0x18, v34;
	(erf) = vpow2.f32 v55;
	v44 =	vld.idx.msk [tilespmem:v44+s14+$0x0], $0xffff;
	v10 =	vmul.f32 v10, v30  }
0x5b0: {  	v52 =	vpop (erf);
	v55 =	vld.idx.msk [tilespmem:v14+s14+$0x0], $0xffff;
	[tilespmem:$0x1FD00] =	vst v11;
	v51 =	vmul.f32 v51, v53;
	(erf) = vpow2.f32 v9;
	v9 =	vadd.s32 $0x20, v33  }
0x5b1: {  	v6 =	vadd.s32 $0x1C, v36;
	v42 =	vmul.f32 v42, v52;
	v60 =	vpop (erf);
	v57 =	vmul.f32 v39, v58;
	[tilespmem:$0x1FD10] =	vst v9  }
0x5b2: {  	v10 =	vmul.f32 v10, v63;
	v27 =	vmul.f32 v27, v60;
	v60 =	vshll.u32 v29, $0x10;
	[tilespmem:s3+$0x280] =	vst v51  }
0x5b3: {  	v46 =	vshll.u32 v46, $0x10;
	v42 =	vmul.f32 v42, v28;
	v9 =	vmul.f32 v60, v38;
	v48 =	vld.idx.msk [tilespmem:v48+s14+$0x0], $0xffff  }
0x5b4: {  	v38 =	vmul.f32 v44, v0;
	v60 =	vadd.s32 $0x24, v36;
	v36 =	vmul.f32 $1.442695020e+00, v57  }
0x5b5: {  	s21 =	simm.s32 $0x100;
	v2 =	vmovc v0;
	v0 =	vshll.u32 v13, $0x10;
	v57 =	vmul.f32 v55, v61;
	v27 =	vmul.f32 v27, v35  }
0x5b6: {  	s1 =	sand.u32 $0x3FFFFF00, s21;
	[tilespmem:s17+$0x280] =	vst v10;
	v10 =	vadd.s32 $0xC, v43;
	v52 =	vpop (erf);
	v0 =	vmul.f32 v0, v50;
	(erf) = vpow2.f32 v36  }
0x5b7: {  	s29 =	sadd.s32 $0x12C00, s1;
	v25 =	vld.idx.msk [tilespmem:v25+s14+$0x0], $0xffff;
	[tilespmem:s16+$0x280] =	vst v42;
	v42 =	vmul.f32 v46, v52;
	v50 =	vpop (erf);
	v51 =	vmul.f32 $1.442695020e+00, v57;
	v57 =	vshll.u32 v49, $0x10  }
0x5b8: {  	s19 =	sor.u32 s19, s29;
	v49 =	vld.idx.msk [tilespmem:v54+s14+$0x0], $0xffff;
	v54 =	vadd.s32 $0xC, v45;
	v36 =	vmul.f32 v57, v50;
	v57 =	vmul.f32 v48, v15  }
0x5b9: {  	v11 =	vadd.s32 $0x24, v34;
	v38 =	vmul.f32 $1.442695020e+00, v38;
	[tilespmem:s19+$0x0] =	vst v27;
	v42 =	vmul.f32 v42, v8  }
0x5ba: {  	v13 =	vmul.f32 v7, v40;
	v27 =	vshll.u32 v62, $0x10;
	v52 =	vpop (erf);
	v46 =	vld.idx.msk [tilespmem:v32+s14+$0x0], $0xffff;
	[tilespmem:$0x1FD20] =	vst v11;
	v36 =	vmul.f32 v36, v23  }
0x5bb: {  	(erf) = vpow2.f32 v38;
	v27 =	vmul.f32 v27, v52;
	[tilespmem:s13+$0x100] =	vst v42  }
0x5bc: {  	v62 =	vmul.f32 v25, v12;
	v11 =	vld.idx.msk [tilespmem:v10+s14+$0x0], $0xffff;
	v10 =	vshll.u32 v47, $0x10;
	v50 =	vmul.f32 $1.442695020e+00, v57;
	[tilespmem:s18+$0x100] =	vst v36;
	v57 =	vpop (erf)  }
0x5bd: {  	v38 =	vadd.s32 $0xC, v1;
	(erf) = vpow2.f32 v51;
	v54 =	vld.idx.msk [tilespmem:v54+s14+$0x0], $0xffff;
	v10 =	vmul.f32 v10, v57  }
0x5be: {  	v24 =	vadd.s32 $0x1C, v34;
	v34 =	vmul.f32 v27, v26;
	v62 =	vmul.f32 $1.442695020e+00, v62  }
0x5bf: {  	v32 =	vadd.s32 $0x10, v17;
	v31 =	vmul.f32 v46, v31;
	v10 =	vmul.f32 v10, v37  }
0x5c0: {  	v42 =	vmul.f32 v49, v18;
	[tilespmem:s15+$0x100] =	vst v34;
	(erf) = vpow2.f32 v50  }
0x5c1: {  	v7 =	vadd.s32 $0x14, v43;
	v31 =	vmul.f32 $1.442695020e+00, v31;
	(erf) = vpow2.f32 v62;
	[tilespmem:s28+$0x180] =	vst v10  }
0x5c2: {  	v57 =	vld.idx.msk [tilespmem:v38+s14+$0x0], $0xffff;
	v62 =	vmul.f32 $1.442695020e+00, v42;
	[tilespmem:$0x1FD30] =	vst v7;
	v7 =	vmul.f32 v54, v21  }
0x5c3: {  	v50 =	vshll.u32 v39, $0x10;
	(erf) = vpow2.f32 v31  }
0x5c4: {  	v40 =	vpop (erf);
	(erf) = vpow2.f32 v62;
	v10 =	vld.idx.msk [tilespmem:v32+s14+$0x0], $0xffff;
	v62 =	vmul.f32 $1.442695020e+00, v7;
	v7 =	vadd.s32 $0x14, v1  }
0x5c5: {  	v30 =	vmov v12;
	v12 =	vadd.s32 $0x14, v45;
	v31 =	vmul.f32 v50, v40;
	[tilespmem:$0x1FD50] =	vst v7;
	v7 =	vld [tilespmem:$0x1FD60]  }
0x5c6: {  	v42 =	vmul.f32 v11, v20;
	[tilespmem:$0x1FD40] =	vst v12  }
0x5c7: {  	v31 =	vmul.f32 v31, v56;
	[tilespmem:s5+$0x80] =	vst v41  }
0x5c8: {  	v29 =	vadd.s32 $0x24, v33;
	v33 =	vmul.f32 $1.442695020e+00, v42;
	[tilespmem:s0+$0x80] =	vst v13;
	s5 =	sor.u32 s31, s30  }
0x5c9: {  	v47 =	vshll.u32 v44, $0x10;
	v50 =	vpop (erf);
	[tilespmem:s5+$0x0] =	vst v31  }
0x5ca: {  	v47 =	vmul.f32 v47, v50;
	v50 =	vshll.u32 v55, $0x10;
	(erf) = vpow2.f32 v33;
	[tilespmem:s22+$0x80] =	vst v7  }
0x5cb: {  	v55 =	vpop (erf);
	v39 =	vmul.f32 v57, v22;
	(erf) = vpow2.f32 v62;
	v62 =	vshll.u32 v48, $0x10;
	v7 =	vld [tilespmem:$0x1FD70]  }
0x5cc: {  	v55 =	vmul.f32 v50, v55  }
0x5cd: {  	v39 =	vmul.f32 $1.442695020e+00, v39;
	v42 =	vpop (erf);
	v44 =	vmul.f32 v10, v16  }
0x5ce: {  	v13 =	vmul.f32 v47, v59;
	v48 =	vmul.f32 v62, v42;
	v62 =	vpop (erf)  }
0x5cf: {  	s4 =	sor.u32 s26, s30;
	(erf) = vpow2.f32 v39;
	v39 =	vmul.f32 $1.442695020e+00, v44;
	v44 =	vshll.u32 v46, $0x10;
	v46 =	vpop (erf)  }
0x5d0: {  	v44 =	vmul.f32 v44, v46;
	[tilespmem:s4+$0x0] =	vst v13;
	v46 =	vmul.f32 v9, v7;
	v7 =	vadd.s32 $0x20, v43  }
0x5d1: {  	v55 =	vmul.f32 v55, v19;
	[tilespmem:$0x1FD80] =	vst v7  }
0x5d2: {  	s1 =	sor.u32 s20, s30;
	v7 =	vld.idx.msk [tilespmem:v4+s14+$0x0], $0xffff  }
0x5d3: {  	v4 =	vmul.f32 v48, v53;
	[tilespmem:s1+$0x0] =	vst v55;
	v48 =	vld.idx.msk [tilespmem:v5+s14+$0x0], $0xffff  }
0x5d4: {  	v5 =	vld [tilespmem:$0x1FD90];
	_ =	sdelay $0x1  }
0x5d5: {  	v25 =	vshll.u32 v25, $0x10  }
0x5d6: {  	v49 =	vshll.u32 v49, $0x10;
	v25 =	vmul.f32 v25, v62;
	v50 =	vpop (erf)  }
0x5d7: {  	v31 =	vshll.u32 v11, $0x10;
	v12 =	vmul.f32 v49, v50;
	v11 =	vpop (erf);
	v35 =	vmul.f32 v44, v35  }
0x5d8: {  	v47 =	vmul.f32 v31, v11;
	v11 =	vshll.u32 v54, $0x10;
	v49 =	vmul.f32 v0, v5;
	v0 =	vpop (erf)  }
0x5d9: {  	[tilespmem:s3+$0x300] =	vst v4;
	v4 =	vshll.u32 v57, $0x10;
	v54 =	vmul.f32 v11, v0;
	v0 =	vpop (erf)  }
0x5da: {  	v25 =	vmul.f32 v25, v63;
	[tilespmem:s19+$0x80] =	vst v35;
	v5 =	vmul.f32 v4, v0;
	v0 =	vadd.s32 $0x20, v1  }
0x5db: {  	[tilespmem:$0x1FDA0] =	vst v0  }
0x5dc: {  	v0 =	vld.idx.msk [tilespmem:v3+s14+$0x0], $0xffff;
	v3 =	vmul.f32 v12, v28;
	[tilespmem:s17+$0x300] =	vst v25  }
0x5dd: {  	[tilespmem:s6+$0x80] =	vst v46  }
0x5de: {  	v34 =	vadd.s32 $0x18, v1;
	v38 =	vadd.s32 $0x10, v1;
	v40 =	vadd.s32 $0x24, v1;
	[tilespmem:s16+$0x300] =	vst v3  }
0x5df: {  	v27 =	vmovc v19;
	v44 =	vadd.s32 $0x1C, v1;
	v19 =	vshll.u32 v7, $0x10;
	v1 =	vmul.f32 v7, v58;
	v7 =	vld [tilespmem:$0x1FDB0];
	_ =	sdelay $0x3  }
0x5e0: {  	v52 =	vadd.s32 $0x10, v43;
	v51 =	vadd.s32 $0x10, v45  }
0x5e1: {  	v36 =	vadd.s32 $0x18, v43;
	v33 =	vadd.s32 $0x1C, v43;
	(erf) = vpow2.f32 v39  }
0x5e2: {  	v32 =	vadd.s32 $0x24, v43;
	v62 =	vadd.s32 $0x18, v45;
	v39 =	vadd.s32 $0x1C, v45;
	v4 =	vld.idx.msk [tilespmem:v6+s14+$0x0], $0xffff  }
0x5e3: {  	v14 =	vmovc v18;
	s20 =	sor.u32 s10, s29;
	s10 =	sor.u32 s24, s29;
	s0 =	sor.u32 s7, s29;
	v43 =	vadd.s32 $0x24, v45;
	v55 =	vadd.s32 $0x20, v45;
	v2 =	vmul.f32 v48, v2;
	v6 =	vld.idx.msk [tilespmem:v24+s14+$0x0], $0xffff  }
0x5e4: {  	s7 =	simm.s32 $0x3FA0;
	v31 =	vmovc v8;
	s19 =	simm.s32 $0xC;
	v18 =	vshll.u32 v48, $0x10;
	v25 =	vmul.f32 v54, v23;
	s6 =	simm.s32 $0xC;
	v3 =	vmul.f32 v47, v8;
	v58 =	vld.idx.msk [tilespmem:v7+s14+$0x0], $0xffff  }
.LBB2_6:
0x5e5: {  	[tilespmem:$0x1FBF0] =	vst v15  }
0x5e6: {  	[tilespmem:$0x1FC10] =	vst v18  }
0x5e7: {  	v5 =	vmul.f32 v5, v26;
	[tilespmem:s18+$0x180] =	vst v25  }
0x5e8: {  	[tilespmem:s13+$0x180] =	vst v3;
	v2 =	vmul.f32 $1.442695020e+00, v2  }
0x5e9: {  	v24 =	vld [tilespmem:s7+$0x10];
	v35 =	vmov v20;
	v20 =	vmul.f32 $1.442695020e+00, v1;
	[tilespmem:s15+$0x180] =	vst v5;
	v7 =	vshll.u32 v4, $0x10  }
0x5ea: {  	s2 =	sadd.s32 $0x40, s2;
	v1 =	vld [tilespmem:s7+$0xFFFFFFF0];
	v5 =	vshll.u32 v10, $0x10;
	v10 =	vpop (erf);
	v3 =	vshll.u32 v0, $0x10;
	v0 =	vmul.f32 v0, v61;
	[tilespmem:$0x1FBA0] =	vst v2  }
0x5eb: {  	v45 =	vmov v23;
	v23 =	vld [tilespmem:s2+$0xFFFFF380];
	v2 =	vmul.f32 v5, v10;
	[tilespmem:$0x1FC20] =	vst v3  }
0x5ec: {  	v50 =	vld [tilespmem:s2+$0xFFFFF360];
	v8 =	vmul.f32 v4, v15;
	v4 =	vmovc v27;
	[tilespmem:$0x1FB90] =	vst v7;
	v0 =	vmul.f32 $1.442695020e+00, v0;
	v7 =	vmov v30  }
0x5ed: {  	v41 =	vld [tilespmem:s2+$0xFFFFF350];
	v10 =	vadd.s32 $0x14, v17;
	(erf) = vpow2.f32 v20;
	[tilespmem:$0x1FCC0] =	vst v4  }
0x5ee: {  	v3 =	vld [tilespmem:s7+$0xFFFFFFE0];
	v18 =	vshll.u32 v6, $0x10;
	v4 =	vand.u32 $0x7FFFFF, v24;
	v12 =	vmul.f32 v2, v37;
	[tilespmem:$0x1FBC0] =	vst v0  }
0x5ef: {  	v9 =	vmovc v43;
	v5 =	vmul.f32 $1.442695020e+00, v8;
	v4 =	vor.u32 $0x3F800000, v4;
	v0 =	vld [tilespmem:s7+$0x0];
	[tilespmem:$0x1FC00] =	vst v7;
	v46 =	vmul.f32 v6, v7;
	v7 =	vmovc v28  }
0x5f0: {  	v61 =	vmovc v14;
	v14 =	vmovc v22;
	v22 =	vand.u32 $0x7FFFFF, v1;
	v43 =	vadd.f32 $-6.000000000e+00, v1;
	v23 =	vshll.u32 v23, $0x1;
	[tilespmem:s11+$0x80] =	vst v49  }
0x5f1: {  	v50 =	vshll.u32 v50, $0x1;
	v25 =	vmul.f32 $5.486285310e-02, v4;
	[tilespmem:s28+$0x200] =	vst v12;
	v22 =	vor.u32 $0x3F800000, v22  }
0x5f2: {  	v49 =	vshra.s32 v24, $0x17;
	v41 =	vshll.u32 v41, $0x1;
	v10 =	vld.idx.msk [tilespmem:v10+s14+$0x0], $0xffff;
	v57 =	vmul.f32 $5.486285310e-02, v22;
	[tilespmem:$0x1FBE0] =	vst v7;
	v7 =	vmovc v33  }
0x5f3: {  	[tilespmem:$0x1FCA0] =	vst v59;
	v42 =	vld [tilespmem:s2+$0x0];
	v43 =	vmul.f32 $5.000000000e+00, v43;
	v20 =	vand.u32 $0x7FFFFF, v3;
	v25 =	vsub.f32 $4.358618560e-01, v25  }
0x5f4: {  	[tilespmem:$0x1FC50] =	vst v60;
	v60 =	vmovc v21;
	v15 =	vmovc v26;
	v21 =	vadd.f32 $-6.000000000e+00, v3;
	v20 =	vor.u32 $0x3F800000, v20;
	v26 =	vand.u32 $0x7FFFFF, v0  }
0x5f5: {  	v2 =	vmovc v44;
	v25 =	vmul.f32 v4, v25;
	v26 =	vor.u32 $0x3F800000, v26;
	[tilespmem:$0x1FC90] =	vst v7;
	v7 =	vmovc v40;
	v40 =	vadd.f32 $-6.000000000e+00, v24  }
0x5f6: {  	v11 =	vmovc v39;
	[tilespmem:$0x1FCE0] =	vst v2;
	v39 =	vsub.f32 $4.358618560e-01, v57;
	v2 =	vmul.f32 $5.486285310e-02, v20;
	v59 =	vmul.f32 $5.486285310e-02, v26  }
0x5f7: {  	v6 =	vld.idx.msk [tilespmem:v51+s14+$0x0], $0xffff;
	v21 =	vmul.f32 $5.000000000e+00, v21;
	v25 =	vadd.f32 $-1.442481040e+00, v25;
	v51 =	vmul.f32 $5.000000000e+00, v40  }
0x5f8: {  	v44 =	vsub.f32 $4.358618560e-01, v59;
	v59 =	vadd.s32 v42, v23;
	v23 =	vmul.f32 v10, v16  }
0x5f9: {  	[tilespmem:$0x1FC30] =	vst v56;
	v56 =	vadd.s32 $0xFFFFFF81, v49;
	v25 =	vmul.f32 v4, v25;
	v51 =	vmul.f32 $1.442695020e+00, v51  }
0x5fa: {  	[tilespmem:$0x1FBD0] =	vst v55;
	v54 =	vld [tilespmem:s2+$0xFFFFF370];
	v49 =	vadd.s32 $0x18, v17;
	v39 =	vmul.f32 v22, v39;
	v23 =	vmul.f32 $1.442695020e+00, v23  }
0x5fb: {  	[tilespmem:$0x1FCB0] =	vst v7;
	v7 =	vsub.f32 $4.358618560e-01, v2;
	v2 =	vpop (erf);
	v25 =	vadd.f32 $2.792255160e+00, v25;
	(erf) = vpow2.f32 v51  }
0x5fc: {  	[tilespmem:$0x1FC70] =	vst v9;
	v55 =	vadd.f32 $-6.000000000e+00, v0;
	v9 =	vmul.f32 $1.442695020e+00, v21;
	(erf) = vpow2.f32 v23  }
0x5fd: {  	v8 =	vmovc v29;
	v27 =	vshra.s32 v0, $0x17;
	v4 =	vmul.f32 v4, v25;
	v51 =	vcvt.s32.f32 v56  }
0x5fe: {  	[tilespmem:$0x1FC80] =	vst v8;
	v39 =	vadd.f32 $-1.442481040e+00, v39;
	v44 =	vmul.f32 v26, v44;
	v33 =	vmul.f32 v20, v7;
	v8 =	vld.idx.msk [tilespmem:v59+s14+$0x0], $0xffff  }
0x5ff: {  	v54 =	vshll.u32 v54, $0x1;
	v4 =	vadd.f32 $-1.730631710e+00, v4;
	v51 =	vmul.f32 $6.931471820e-01, v51  }
0x600: {  	v39 =	vmul.f32 v22, v39;
	v44 =	vadd.f32 $-1.442481040e+00, v44;
	v33 =	vadd.f32 $-1.442481040e+00, v33  }
0x601: {  	v55 =	vmul.f32 $5.000000000e+00, v55;
	v10 =	vshll.u32 v10, $0x10;
	v56 =	vadd.f32 v4, v51  }
0x602: {  	v39 =	vadd.f32 $2.792255160e+00, v39;
	v44 =	vmul.f32 v26, v44;
	v42 =	vmul.f32 v20, v33  }
0x603: {  	v7 =	vld [tilespmem:s2+$0xFFFFFFE0];
	v25 =	vshra.s32 v1, $0x17;
	(erf) = vpow2.f32 v9;
	v51 =	vmul.f32 v8, v56  }
0x604: {  	v57 =	vld [tilespmem:s2+$0xFFFFFFD0];
	v23 =	vshra.s32 v3, $0x17;
	v4 =	vadd.f32 $2.792255160e+00, v42;
	v42 =	vmul.f32 $1.442695020e+00, v43;
	v21 =	vpop (erf)  }
0x605: {  	v48 =	vld.idx.msk [tilespmem:v52+s14+$0x0], $0xffff;
	v33 =	vmul.f32 $1.442695020e+00, v55;
	v51 =	vmul.f32 $1.442695020e+00, v51;
	v21 =	vadd.f32 $1.000000000e+00, v21;
	v40 =	vpop (erf)  }
0x606: {  	v52 =	vld [tilespmem:s2+$0xFFFFFFF0];
	v44 =	vadd.f32 $2.792255160e+00, v44;
	(erf) = vpow2.f32 v42;
	v10 =	vmul.f32 v10, v40  }
0x607: {  	v23 =	vadd.s32 $0xFFFFFF81, v23;
	(erf) = vpow2.f32 v51;
	v21 =	vmul.f32 v21, v24  }
0x608: {  	v55 =	vadd.s32 v7, v50;
	(erf) = vpow2.f32 v33;
	v10 =	vmul.f32 v10, v37  }
0x609: {  	v43 =	vadd.s32 v57, v41;
	v7 =	vmul.f32 v26, v44;
	(erf) = vrcp.f32 v21  }
0x60a: {  	v4 =	vmul.f32 v20, v4;
	v20 =	vmul.f32 v22, v39;
	v24 =	vadd.s32 $0xFFFFFF81, v25;
	[tilespmem:s28+$0x280] =	vst v10  }
0x60b: {  	v41 =	vadd.s32 v52, v54;
	v7 =	vadd.f32 $-1.730631710e+00, v7;
	v21 =	vcvt.s32.f32 v24;
	v26 =	vld.idx.msk [tilespmem:v49+s14+$0x0], $0xffff  }
0x60c: {  	v22 =	vadd.f32 $-1.730631710e+00, v20;
	v25 =	vadd.s32 $0xFFFFFF81, v27;
	v10 =	vcvt.s32.f32 v23;
	v23 =	vpop (erf)  }
0x60d: {  	v20 =	vcvt.s32.f32 v25;
	v23 =	vadd.f32 $1.000000000e+00, v23;
	v21 =	vmul.f32 $6.931471820e-01, v21  }
0x60e: {  	v8 =	vshll.u32 v8, $0x10;
	v4 =	vadd.f32 $-1.730631710e+00, v4;
	v9 =	vmul.f32 $6.931471820e-01, v10  }
0x60f: {  	v24 =	vld.idx.msk [tilespmem:v43+s14+$0x0], $0xffff;
	v27 =	vmul.f32 $6.931471820e-01, v20;
	v21 =	vadd.f32 v22, v21;
	v3 =	vmul.f32 v23, v3;
	v33 =	vpop (erf)  }
0x610: {  	s19 =	sadd.s32 $0x4, s19;
	s23 =	sadd.s32 $0x40, s23;
	v20 =	vadd.f32 v4, v9;
	v4 =	vld.idx.msk [tilespmem:v55+s14+$0x0], $0xffff;
	v10 =	vpop (erf);
	v23 =	vadd.f32 $1.000000000e+00, v33;
	v54 =	vmul.f32 v26, v16  }
0x611: {  	s29 =	sshll.u32 s19, $0x7;
	s22 =	sadd.s32 $0x30, s23;
	v44 =	vld.idx.msk [tilespmem:v41+s14+$0x0], $0xffff;
	v22 =	vadd.f32 v7, v27;
	v8 =	vmul.f32 v8, v10;
	v10 =	vadd.s32 $0x4, v59;
	v40 =	vpop (erf)  }
0x612: {  	s11 =	smov.u32 s1;
	s1 =	smov.u32 s0;
	s0 =	sand.u32 $0x3FFFFC00, s29;
	v7 =	vadd.f32 $1.000000000e+00, v40;
	v1 =	vmul.f32 v23, v1;
	v57 =	vpop (erf);
	v27 =	vmul.f32 $1.442695020e+00, v54  }
0x613: {  	s22 =	sand.u32 $0x70, s22;
	s31 =	sadd.s32 $0xAF00, s0;
	(erf) = vrcp.f32 v3;
	v8 =	vmul.f32 v8, v57  }
0x614: {  	s29 =	sor.u32 s22, s31;
	v3 =	vmul.f32 v24, v20;
	v0 =	vmul.f32 v7, v0  }
0x615: {  	(erf) = vpow2.f32 v27;
	[tilespmem:s29+$0x0] =	vst v8;
	v8 =	vshll.u32 v4, $0x10;
	v4 =	vmul.f32 v4, v21  }
0x616: {  	v3 =	vmul.f32 $1.442695020e+00, v3;
	v7 =	vld.idx.msk [tilespmem:v10+s14+$0x0], $0xffff;
	v10 =	vmul.f32 v44, v22  }
0x617: {  	(erf) = vrcp.f32 v1;
	v23 =	vmul.f32 $1.442695020e+00, v4  }
0x618: {  	v27 =	vshll.u32 v44, $0x10;
	(erf) = vpow2.f32 v3;
	v44 =	vmul.f32 $1.442695020e+00, v10  }
0x619: {  	(erf) = vpow2.f32 v23  }
0x61a: {  	(erf) = vpow2.f32 v44  }
0x61b: {  	[tilespmem:$0x1FBB0] =	vst v53;
	v53 =	vld.idx.msk [tilespmem:v38+s14+$0x0], $0xffff;
	v23 =	vmul.f32 v7, v56  }
0x61c: {  	v28 =	vmul.f32 v6, v60;
	v50 =	vmul.f32 v48, v35;
	v1 =	vadd.s32 $0xC, v41  }
0x61d: {  	[tilespmem:$0x1FC40] =	vst v1;
	(erf) = vrcp.f32 v0;
	v0 =	vpop (erf);
	v1 =	vmul.f32 $1.442695020e+00, v23  }
0x61e: {  	v26 =	vshll.u32 v26, $0x10;
	v44 =	vmul.f32 $1.442695020e+00, v50;
	v29 =	vpop (erf)  }
0x61f: {  	v33 =	vshll.u32 v24, $0x10;
	v26 =	vmul.f32 v26, v29;
	(erf) = vpow2.f32 v1  }
0x620: {  	v30 =	vmul.f32 v53, v14;
	v13 =	vshll.u32 v6, $0x10;
	v23 =	vpop (erf)  }
0x621: {  	v6 =	vmul.f32 $1.442695020e+00, v28;
	v29 =	vadd.s32 $0x1C, v17;
	v28 =	vpop (erf);
	(erf) = vpow2.f32 v44  }
0x622: {  	v1 =	vmul.f32 v26, v37;
	v28 =	vmul.f32 v33, v28;
	v33 =	vpop (erf)  }
0x623: {  	v25 =	vadd.s32 $0x4, v55;
	(erf) = vpow2.f32 v6;
	v6 =	vmul.f32 v8, v33;
	v26 =	vpop (erf)  }
0x624: {  	s21 =	sadd.s32 $0x10, s23;
	v30 =	vmul.f32 $1.442695020e+00, v30;
	v42 =	vadd.s32 $0x4, v43;
	v27 =	vmul.f32 v27, v26  }
0x625: {  	s30 =	sadd.s32 $0x20, s23;
	s24 =	sand.u32 $0x50, s21;
	[tilespmem:s28+$0x300] =	vst v1;
	v40 =	vmul.f32 v6, v23  }
0x626: {  	s26 =	sand.u32 $0x40, s23;
	s21 =	sand.u32 $0x60, s30;
	s30 =	sor.u32 s24, s31;
	v29 =	vld.idx.msk [tilespmem:v29+s14+$0x0], $0xffff;
	(erf) = vpow2.f32 v30;
	v28 =	vmul.f32 v28, v0  }
0x627: {  	s0 =	sor.u32 s21, s31;
	s31 =	sor.u32 s26, s31;
	v26 =	vpop (erf);
	[tilespmem:s30+$0x0] =	vst v40  }
0x628: {  	v46 =	vmul.f32 $1.442695020e+00, v46;
	v7 =	vshll.u32 v7, $0x10;
	[tilespmem:s31+$0x0] =	vst v28;
	v39 =	vmul.f32 v27, v26;
	v25 =	vld.idx.msk [tilespmem:v25+s14+$0x0], $0xffff;
	v27 =	vpop (erf)  }
0x629: {  	v28 =	vld.idx.msk [tilespmem:v42+s14+$0x0], $0xffff;
	(erf) = vpow2.f32 v5;
	v7 =	vmul.f32 v7, v27  }
0x62a: {  	v33 =	vpop (erf);
	(erf) = vpow2.f32 v46  }
0x62b: {  	[tilespmem:$0x1FCD0] =	vst v11;
	v11 =	vshll.u32 v48, $0x10;
	v27 =	vmul.f32 v29, v16;
	v7 =	vmul.f32 v7, v57  }
0x62c: {  	v50 =	vmov v31;
	v11 =	vmul.f32 v11, v33  }
0x62d: {  	v27 =	vmul.f32 $1.442695020e+00, v27;
	v40 =	vpop (erf);
	[tilespmem:s29+$0x80] =	vst v7;
	v7 =	vshll.u32 v25, $0x10;
	v25 =	vmul.f32 v25, v21  }
0x62e: {  	v42 =	vmovc v62;
	v62 =	vmovc v36;
	v36 =	vshll.u32 v28, $0x10;
	v28 =	vmul.f32 v28, v20;
	v13 =	vmul.f32 v13, v40  }
0x62f: {  	v12 =	vshll.u32 v53, $0x10;
	v40 =	vpop (erf);
	v11 =	vmul.f32 v11, v50;
	v25 =	vmul.f32 $1.442695020e+00, v25  }
0x630: {  	v12 =	vmul.f32 v12, v40;
	v40 =	vmul.f32 $1.442695020e+00, v28  }
0x631: {  	(erf) = vpow2.f32 v27  }
0x632: {  	v9 =	vadd.s32 $0x4, v41;
	[tilespmem:s13+$0x200] =	vst v11;
	v11 =	vmul.f32 v13, v45;
	(erf) = vpow2.f32 v40;
	v27 =	vpop (erf)  }
0x633: {  	v8 =	vadd.s32 $0x14, v55;
	(erf) = vpow2.f32 v25;
	v25 =	vpop (erf)  }
0x634: {  	[tilespmem:s18+$0x200] =	vst v11;
	v11 =	vld [tilespmem:$0x1FD40];
	v25 =	vmul.f32 v18, v25;
	v18 =	vmov v8  }
0x635: {  	[tilespmem:$0x1FD40] =	vst v18;
	v18 =	vld [tilespmem:$0x1FD50]  }
0x636: {  	[tilespmem:s0+$0x0] =	vst v39;
	v12 =	vmul.f32 v12, v15  }
0x637: {  	v47 =	vmul.f32 v58, v61;
	v5 =	vld.idx.msk [tilespmem:v9+s14+$0x0], $0xffff;
	v9 =	vadd.s32 $0x8, v59  }
0x638: {  	[tilespmem:s15+$0x200] =	vst v12;
	v12 =	vld [tilespmem:$0x1FB90]  }
0x639: {  	v47 =	vmul.f32 $1.442695020e+00, v47;
	v48 =	vadd.s32 $0x18, v55;
	v52 =	vadd.s32 $0x10, v43  }
0x63a: {  	v38 =	vadd.s32 $0x10, v41;
	v53 =	vadd.s32 $0x18, v43;
	v51 =	vadd.s32 $0x10, v55  }
0x63b: {  	v49 =	vadd.s32 $0xC, v55;
	v24 =	vadd.s32 $0x8, v43;
	v54 =	vadd.s32 $0x8, v55  }
0x63c: {  	v3 =	vadd.s32 $0x1C, v43;
	v4 =	vadd.s32 $0xC, v43;
	v1 =	vadd.s32 $0x1C, v55;
	v9 =	vld.idx.msk [tilespmem:v9+s14+$0x0], $0xffff  }
0x63d: {  	v10 =	vadd.s32 $0x8, v41;
	v33 =	vmul.f32 v5, v22;
	v12 =	vmul.f32 v12, v27;
	v27 =	vld.idx.msk [tilespmem:v18+s14+$0x0], $0xffff  }
0x63e: {  	v31 =	vadd.s32 $0x14, v43;
	v44 =	vadd.s32 $0x1C, v41;
	v30 =	vadd.s32 $0x14, v41;
	v18 =	vld [tilespmem:$0x1FBA0]  }
0x63f: {  	[tilespmem:$0x1FC60] =	vst v1;
	v6 =	vadd.s32 $0x18, v41;
	v1 =	vmovc v34;
	v34 =	vadd.s32 $0x20, v55;
	v33 =	vmul.f32 $1.442695020e+00, v33  }
0x640: {  	v46 =	vadd.s32 $0x20, v41;
	v39 =	vmovc v32;
	v32 =	vadd.s32 $0x20, v43;
	v28 =	vshll.u32 v5, $0x10  }
0x641: {  	v13 =	vld [tilespmem:$0x1FD30];
	v40 =	vadd.s32 $0x24, v41;
	(erf) = vpow2.f32 v33;
	v41 =	vmul.f32 v9, v56  }
0x642: {  	v5 =	vadd.s32 $0x24, v43;
	v43 =	vadd.s32 $0x24, v55;
	v55 =	vmovc v31;
	(erf) = vpow2.f32 v47  }
0x643: {  	v8 =	vmul.f32 $1.442695020e+00, v41;
	v41 =	vld [tilespmem:$0x1FBB0];
	v31 =	vpop (erf);
	(erf) = vpow2.f32 v18;
	v18 =	vmov v30  }
0x644: {  	[tilespmem:$0x1FD50] =	vst v18;
	v18 =	vld [tilespmem:$0x1FCF0];
	_ =	sdelay $0x3  }
0x645: {  	[tilespmem:$0x1FD30] =	vst v55;
	v55 =	vmul.f32 v12, v41  }
0x646: {  	v13 =	vld.idx.msk [tilespmem:v13+s14+$0x0], $0xffff;
	(erf) = vpow2.f32 v8;
	v8 =	vmul.f32 v25, v63  }
0x647: {  	v11 =	vld.idx.msk [tilespmem:v11+s14+$0x0], $0xffff;
	[tilespmem:s3+$0x380] =	vst v55  }
0x648: {  	[tilespmem:s17+$0x380] =	vst v8;
	v8 =	vld [tilespmem:$0x1FBC0]  }
0x649: {  	v30 =	vld.idx.msk [tilespmem:v18+s14+$0x0], $0xffff  }
0x64a: {  	v18 =	vld [tilespmem:$0x1FD80]  }
0x64b: {  	v29 =	vshll.u32 v29, $0x10  }
0x64c: {  	v29 =	vmul.f32 v29, v31;
	v31 =	vadd.s32 $0x20, v17;
	_ =	sdelay $0x1  }
0x64d: {  	v29 =	vmul.f32 v29, v37  }
0x64e: {  	v12 =	vpop (erf);
	(erf) = vpow2.f32 v8;
	v8 =	vmov v18;
	v18 =	vld [tilespmem:$0x1FD00]  }
0x64f: {  	v2 =	vmul.f32 v19, v2;
	[tilespmem:s28+$0x380] =	vst v29  }
0x650: {  	v19 =	vmul.f32 v27, v14;
	[tilespmem:$0x1FCF0] =	vst v8;
	v8 =	vmul.f32 v36, v12;
	v36 =	vshll.u32 v27, $0x10;
	v27 =	vld.idx.msk [tilespmem:v31+s14+$0x0], $0xffff  }
0x651: {  	v31 =	vld [tilespmem:$0x1FBD0]  }
0x652: {  	v33 =	vshll.u32 v11, $0x10;
	v11 =	vmul.f32 v11, v60;
	v12 =	vpop (erf)  }
0x653: {  	v25 =	vshll.u32 v13, $0x10;
	v13 =	vmul.f32 v13, v35;
	v7 =	vmul.f32 v7, v12;
	v12 =	vpop (erf)  }
0x654: {  	v8 =	vmul.f32 v8, v0;
	v47 =	vmul.f32 v28, v12  }
0x655: {  	v58 =	vshll.u32 v58, $0x10;
	s3 =	smov.u32 s13;
	s13 =	smov.u32 s31;
	v11 =	vmul.f32 $1.442695020e+00, v11;
	v13 =	vmul.f32 $1.442695020e+00, v13  }
0x656: {  	v28 =	vpop (erf);
	v7 =	vmul.f32 v7, v23;
	[tilespmem:s13+$0x80] =	vst v8;
	v8 =	vmul.f32 v47, v26;
	v29 =	vld.idx.msk [tilespmem:v18+s14+$0x0], $0xffff;
	v18 =	vmov v31  }
0x657: {  	s17 =	smov.u32 s18;
	s18 =	smov.u32 s30;
	[tilespmem:$0x1FD00] =	vst v18;
	v18 =	vmul.f32 v58, v28;
	v28 =	vmul.f32 v27, v16  }
0x658: {  	v12 =	vpop (erf);
	(erf) = vpow2.f32 v13;
	[tilespmem:s18+$0x80] =	vst v7;
	v7 =	vmul.f32 $1.442695020e+00, v19;
	v58 =	vld [tilespmem:$0x1FBE0]  }
0x659: {  	[tilespmem:s0+$0x80] =	vst v8;
	v8 =	vshll.u32 v9, $0x10;
	v9 =	vpop (erf);
	(erf) = vpow2.f32 v11;
	v31 =	vld.idx.msk [tilespmem:v24+s14+$0x0], $0xffff;
	v28 =	vmul.f32 $1.442695020e+00, v28  }
0x65a: {  	v13 =	vld.idx.msk [tilespmem:v54+s14+$0x0], $0xffff;
	(erf) = vpow2.f32 v7  }
0x65b: {  	v11 =	vpop (erf);
	(erf) = vpow2.f32 v28;
	v28 =	vld [tilespmem:$0x1FDA0]  }
0x65c: {  	v8 =	vmul.f32 v8, v9  }
0x65d: {  	v32 =	vmov v32;
	v7 =	vmul.f32 v18, v58  }
0x65e: {  	[tilespmem:$0x1FD80] =	vst v32;
	v8 =	vmul.f32 v8, v57  }
0x65f: {  	s28 =	smov.u32 s29;
	v10 =	vld.idx.msk [tilespmem:v10+s14+$0x0], $0xffff;
	[tilespmem:s16+$0x380] =	vst v7;
	v7 =	vshll.u32 v31, $0x10;
	v31 =	vmul.f32 v31, v20  }
0x660: {  	[tilespmem:s28+$0x100] =	vst v8;
	v18 =	vmovc v46;
	v32 =	vmov v28;
	v28 =	vshll.u32 v13, $0x10;
	v13 =	vmul.f32 v13, v21  }
0x661: {  	v8 =	vld [tilespmem:$0x1FD10];
	[tilespmem:$0x1FDA0] =	vst v18;
	v18 =	vmul.f32 $1.442695020e+00, v31  }
0x662: {  	v46 =	vpop (erf);
	v13 =	vmul.f32 $1.442695020e+00, v13  }
0x663: {  	v9 =	vadd.s32 $0xC, v59;
	(erf) = vpow2.f32 v18;
	v31 =	vpop (erf)  }
0x664: {  	(erf) = vpow2.f32 v13;
	v13 =	vmul.f32 v25, v46;
	v25 =	vpop (erf)  }
0x665: {  	[tilespmem:$0x1FD10] =	vst v32;
	v32 =	vshll.u32 v10, $0x10;
	v10 =	vmul.f32 v10, v22;
	v25 =	vmul.f32 v36, v25  }
0x666: {  	v47 =	vld [tilespmem:$0x1FC00]  }
0x667: {  	v54 =	vld [tilespmem:$0x1FBF0];
	v10 =	vmul.f32 $1.442695020e+00, v10;
	v25 =	vmul.f32 v25, v15  }
0x668: {  	v9 =	vld.idx.msk [tilespmem:v9+s14+$0x0], $0xffff;
	s16 =	smov.u32 s15  }
0x669: {  	v27 =	vshll.u32 v27, $0x10;
	v8 =	vld.idx.msk [tilespmem:v8+s14+$0x0], $0xffff;
	(erf) = vpow2.f32 v10;
	v36 =	vpop (erf);
	[tilespmem:s16+$0x280] =	vst v25  }
0x66a: {  	v10 =	vmul.f32 v33, v31;
	v33 =	vmul.f32 v27, v36;
	v27 =	vadd.s32 $0x24, v17;
	v17 =	vmovc v59;
	v59 =	vld.idx.msk [tilespmem:v1+s14+$0x0], $0xffff  }
0x66b: {  	v1 =	vld [tilespmem:$0x1FC20];
	_ =	sdelay $0x1  }
0x66c: {  	v31 =	vmul.f32 v9, v56;
	v10 =	vmul.f32 v10, v45  }
0x66d: {  	v19 =	vshll.u32 v29, $0x10;
	v29 =	vmul.f32 v29, v47;
	v13 =	vmul.f32 v13, v50  }
0x66e: {  	v24 =	vshll.u32 v30, $0x10;
	v30 =	vmul.f32 v30, v54;
	v31 =	vmul.f32 $1.442695020e+00, v31;
	[tilespmem:s17+$0x280] =	vst v10;
	v10 =	vld [tilespmem:$0x1FC10]  }
0x66f: {  	v46 =	vshll.u32 v8, $0x10;
	v8 =	vmul.f32 v8, v61;
	v25 =	vmul.f32 v1, v11;
	v1 =	vld [tilespmem:$0x1FC30]  }
0x670: {  	v29 =	vmul.f32 $1.442695020e+00, v29;
	v30 =	vmul.f32 $1.442695020e+00, v30  }
0x671: {  	s31 =	sshll.u32 s6, $0x5;
	[tilespmem:s3+$0x280] =	vst v13;
	(erf) = vpow2.f32 v31;
	v8 =	vmul.f32 $1.442695020e+00, v8;
	v13 =	vpop (erf)  }
0x672: {  	v55 =	vmovc v34;
	v34 =	vmov v6;
	s15 =	smov.u32 s0;
	s0 =	sand.u32 $0x3FFFFF00, s31;
	v31 =	vld.idx.msk [tilespmem:v62+s14+$0x0], $0xffff;
	(erf) = vpow2.f32 v30;
	v6 =	vmul.f32 v7, v13  }
0x673: {  	s0 =	sadd.s32 $0x12C00, s0;
	v18 =	vmul.f32 v10, v12;
	v10 =	vld.idx.msk [tilespmem:v42+s14+$0x0], $0xffff;
	v12 =	vmul.f32 v33, v37  }
0x674: {  	s30 =	sor.u32 s25, s0;
	v7 =	vpop (erf);
	(erf) = vpow2.f32 v29;
	v2 =	vmul.f32 v2, v1;
	v1 =	vld [tilespmem:$0x1FC40]  }
0x675: {  	v7 =	vmul.f32 v28, v7;
	v6 =	vmul.f32 v6, v0;
	v11 =	vpop (erf);
	[tilespmem:s30+$0x0] =	vst v12  }
0x676: {  	(erf) = vpow2.f32 v8;
	v8 =	vmul.f32 v32, v11;
	v12 =	vld.idx.msk [tilespmem:v27+s14+$0x0], $0xffff  }
0x677: {  	v13 =	vmul.f32 v31, v35;
	v7 =	vmul.f32 v7, v23  }
0x678: {  	[tilespmem:s13+$0x100] =	vst v6;
	v27 =	vmul.f32 v59, v14;
	v6 =	vmul.f32 v8, v26  }
0x679: {  	v30 =	vmov v60;
	v29 =	vmul.f32 $1.442695020e+00, v13;
	[tilespmem:s18+$0x100] =	vst v7;
	v8 =	vshll.u32 v10, $0x10  }
0x67a: {  	v4 =	vld.idx.msk [tilespmem:v4+s14+$0x0], $0xffff;
	v10 =	vmul.f32 v10, v60;
	v27 =	vmul.f32 $1.442695020e+00, v27;
	[tilespmem:s15+$0x100] =	vst v6;
	v6 =	vshll.u32 v9, $0x10;
	v9 =	vpop (erf)  }
0x67b: {  	v33 =	vmovc v3;
	v3 =	vld.idx.msk [tilespmem:v49+s14+$0x0], $0xffff;
	v6 =	vmul.f32 v6, v9;
	v9 =	vadd.s32 $0x10, v17;
	v60 =	vmul.f32 v12, v16  }
0x67c: {  	(erf) = vpow2.f32 v29;
	v10 =	vmul.f32 $1.442695020e+00, v10;
	v1 =	vld.idx.msk [tilespmem:v1+s14+$0x0], $0xffff  }
0x67d: {  	v7 =	vpop (erf);
	[tilespmem:s5+$0x80] =	vst v2;
	v2 =	vmul.f32 v6, v57;
	v6 =	vmul.f32 $1.442695020e+00, v60  }
0x67e: {  	v11 =	vshll.u32 v31, $0x10;
	v28 =	vpop (erf);
	v7 =	vmul.f32 v24, v7;
	(erf) = vpow2.f32 v10  }
0x67f: {  	v31 =	vmov v0;
	v0 =	vmul.f32 v4, v20;
	v24 =	vpop (erf);
	[tilespmem:s28+$0x180] =	vst v2;
	(erf) = vpow2.f32 v6  }
0x680: {  	v2 =	vshll.u32 v3, $0x10;
	v3 =	vmul.f32 v3, v21;
	v10 =	vld.idx.msk [tilespmem:v9+s14+$0x0], $0xffff;
	(erf) = vpow2.f32 v27  }
0x681: {  	v0 =	vmul.f32 $1.442695020e+00, v0;
	v6 =	vshll.u32 v1, $0x10;
	v1 =	vmul.f32 v1, v22  }
0x682: {  	v29 =	vshll.u32 v4, $0x10;
	v4 =	vmul.f32 v19, v28;
	v3 =	vmul.f32 $1.442695020e+00, v3  }
0x683: {  	v16 =	vmovc v56;
	v56 =	vmov v41;
	(erf) = vpow2.f32 v0;
	v9 =	vmul.f32 $1.442695020e+00, v1  }
0x684: {  	(erf) = vpow2.f32 v3;
	v3 =	vmul.f32 v7, v56  }
0x685: {  	s5 =	smov.u32 s20;
	v7 =	vmul.f32 v10, v16  }
0x686: {  	[tilespmem:s5+$0x0] =	vst v3;
	v3 =	vmul.f32 v4, v63;
	v1 =	vpop (erf)  }
0x687: {  	v4 =	vmul.f32 $1.442695020e+00, v7;
	(erf) = vpow2.f32 v9;
	v9 =	vpop (erf)  }
0x688: {  	v7 =	vmul.f32 v8, v9;
	v8 =	vshll.u32 v12, $0x10;
	v9 =	vpop (erf)  }
0x689: {  	v8 =	vmul.f32 v8, v9;
	v9 =	vpop (erf);
	(erf) = vpow2.f32 v4;
	v4 =	vld [tilespmem:$0x1FD20];
	_ =	sdelay $0x1  }
0x68a: {  	v1 =	vmul.f32 v11, v1;
	v11 =	vld [tilespmem:$0x1FC50]  }
0x68b: {  	v13 =	vshll.u32 v59, $0x10  }
0x68c: {  	[tilespmem:s10+$0x0] =	vst v3;
	v3 =	vmul.f32 v13, v9  }
0x68d: {  	v32 =	vmov v5;
	v5 =	vmul.f32 v8, v37  }
0x68e: {  	v8 =	vmul.f32 v3, v15;
	v3 =	vld [tilespmem:$0x1FCA0]  }
0x68f: {  	v36 =	vmov v53;
	v53 =	vmov v50;
	[tilespmem:s30+$0x80] =	vst v5;
	v5 =	vld [tilespmem:$0x1FCC0]  }
0x690: {  	v1 =	vmul.f32 v1, v53;
	v9 =	vld.idx.msk [tilespmem:v4+s14+$0x0], $0xffff  }
0x691: {  	v4 =	vld [tilespmem:$0x1FC70]  }
0x692: {  	v0 =	vmul.f32 v46, v24;
	v11 =	vld.idx.msk [tilespmem:v11+s14+$0x0], $0xffff;
	[tilespmem:s3+$0x300] =	vst v1;
	v1 =	vmul.f32 v7, v45;
	v7 =	vpop (erf)  }
0x693: {  	v12 =	vmul.f32 v18, v3;
	v3 =	vmul.f32 v29, v7;
	v7 =	vpop (erf)  }
0x694: {  	v49 =	vmul.f32 v25, v5;
	v5 =	vpop (erf)  }
0x695: {  	v5 =	vmul.f32 v6, v5;
	v6 =	vld [tilespmem:$0x1FCD0]  }
0x696: {  	v19 =	vmul.f32 v0, v58;
	v2 =	vmul.f32 v2, v7;
	v0 =	vmov v4;
	v4 =	vld [tilespmem:$0x1FC90]  }
0x697: {  	[tilespmem:$0x1FD20] =	vst v0;
	v0 =	vld [tilespmem:$0x1FC80]  }
0x698: {  	v25 =	vmul.f32 v2, v23;
	v2 =	vld [tilespmem:$0x1FCE0];
	_ =	sdelay $0x2  }
0x699: {  	p1 =	slt.u32 s19, $0xC4;
	v60 =	vmov v39;
	v39 =	vld [tilespmem:$0x1FC60]  }
.Ltmp6:
0x69a: {  	v29 =	vld [tilespmem:$0x1FCB0];
	[tilespmem:s17+$0x300] =	vst v1;
	(pc) =	sbr.rel @p1 .LBB2_6-.Ltmp6, $4  }
0x69b: {  	s7 =	sadd.s32 $0x40, s7;
	s6 =	smov.u32 s19;
	s31 =	sor.u32 s12, s0;
	v6 =	vld.idx.msk [tilespmem:v6+s14+$0x0], $0xffff  }
0x69c: {  	s29 =	sor.u32 s8, s0;
	s0 =	sor.u32 s9, s0;
	s25 =	smov.u32 s22;
	v62 =	vmovc v48;
	v59 =	vmovc v63;
	v28 =	vmov v15;
	v27 =	vmov v58;
	v63 =	vmov v45;
	[tilespmem:s1+$0x0] =	vst v19;
	v4 =	vld.idx.msk [tilespmem:v4+s14+$0x0], $0xffff  }
0x69d: {  	s8 =	smov.u32 s24;
	s9 =	smov.u32 s21;
	s12 =	smov.u32 s26;
	v37 =	vmovc v57;
	v15 =	vmov v35;
	v19 =	vshll.u32 v11, $0x10;
	v1 =	vmul.f32 v11, v54;
	v0 =	vld.idx.msk [tilespmem:v0+s14+$0x0], $0xffff;
	[tilespmem:s16+$0x300] =	vst v8  }
0x69e: {  	s20 =	smov.u32 s31;
	v3 =	vmul.f32 v3, v31;
	v18 =	vshll.u32 v9, $0x10;
	[tilespmem:s4+$0x80] =	vst v12;
	s4 =	smov.u32 s10;
	s10 =	smov.u32 s29;
	v58 =	vld.idx.msk [tilespmem:v2+s14+$0x0], $0xffff;
	v2 =	vmul.f32 v9, v47  }
0x69f: {  	v7 =	vshll.u32 v10, $0x10;
	v8 =	vpop (erf)  }
0x6a0: {  	v50 =	vadd.s32 $0x14, v17;
	v7 =	vmul.f32 v7, v8;
	_ =	sdelay $0x1  }
0x6a1: {  	v7 =	vmul.f32 v7, v37;
	_ =	sdelay $0x1  }
0x6a2: {  	[tilespmem:s28+$0x200] =	vst v7  }
0x6a3: {  	v7 =	vld.idx.msk [tilespmem:v50+s14+$0x0], $0xffff;
	_ =	sdelay $0x4  }
0x6a4: {  	v8 =	vmul.f32 v7, v16  }
0x6a5: {  	v1 =	vmul.f32 $1.442695020e+00, v1  }
0x6a6: {  	v8 =	vmul.f32 $1.442695020e+00, v8  }
0x6a7: {  	(erf) = vpow2.f32 v1  }
0x6a8: {  	(erf) = vpow2.f32 v8;
	_ =	sdelay $0x7  }
0x6a9: {  	v1 =	vpop (erf)  }
0x6aa: {  	v7 =	vshll.u32 v7, $0x10;
	v8 =	vpop (erf)  }
0x6ab: {  	v54 =	vadd.s32 $0x18, v17;
	v7 =	vmul.f32 v7, v8;
	_ =	sdelay $0x1  }
0x6ac: {  	v7 =	vmul.f32 v7, v37;
	_ =	sdelay $0x1  }
0x6ad: {  	[tilespmem:s28+$0x280] =	vst v7  }
0x6ae: {  	v7 =	vld.idx.msk [tilespmem:v54+s14+$0x0], $0xffff;
	_ =	sdelay $0x4  }
0x6af: {  	v8 =	vmul.f32 v7, v16;
	_ =	sdelay $0x1  }
0x6b0: {  	v8 =	vmul.f32 $1.442695020e+00, v8;
	_ =	sdelay $0x1  }
0x6b1: {  	(erf) = vpow2.f32 v8;
	_ =	sdelay $0x8  }
0x6b2: {  	v57 =	vmul.f32 v5, v26;
	[tilespmem:s13+$0x180] =	vst v3;
	v12 =	vshll.u32 v7, $0x10;
	v13 =	vpop (erf)  }
0x6b3: {  	[tilespmem:s18+$0x180] =	vst v25;
	v25 =	vadd.s32 $0x1C, v17;
	v24 =	vld.idx.msk [tilespmem:v52+s14+$0x0], $0xffff;
	v5 =	vmul.f32 v12, v13  }
0x6b4: {  	v35 =	vld.idx.msk [tilespmem:v51+s14+$0x0], $0xffff;
	[tilespmem:s15+$0x180] =	vst v57  }
0x6b5: {  	v9 =	vld.idx.msk [tilespmem:v38+s14+$0x0], $0xffff;
	v5 =	vmul.f32 v5, v37;
	_ =	sdelay $0x1  }
0x6b6: {  	v41 =	vmul.f32 v4, v15;
	[tilespmem:s28+$0x300] =	vst v5  }
0x6b7: {  	v42 =	vmul.f32 v24, v20;
	v7 =	vld.idx.msk [tilespmem:v25+s14+$0x0], $0xffff  }
0x6b8: {  	v10 =	vmul.f32 $1.442695020e+00, v41;
	v11 =	vmul.f32 v35, v21  }
0x6b9: {  	v12 =	vmul.f32 v9, v22;
	v5 =	vmul.f32 $1.442695020e+00, v42  }
0x6ba: {  	v11 =	vmul.f32 $1.442695020e+00, v11;
	v13 =	vmul.f32 v6, v30  }
0x6bb: {  	v12 =	vmul.f32 $1.442695020e+00, v12;
	(erf) = vpow2.f32 v5  }
0x6bc: {  	(erf) = vpow2.f32 v11;
	v45 =	vmul.f32 v7, v16  }
0x6bd: {  	v46 =	vmul.f32 $1.442695020e+00, v13;
	(erf) = vpow2.f32 v12  }
0x6be: {  	(erf) = vpow2.f32 v10;
	v5 =	vmul.f32 $1.442695020e+00, v45  }
0x6bf: {  	(erf) = vpow2.f32 v46  }
0x6c0: {  	(erf) = vpow2.f32 v5;
	_ =	sdelay $0x3  }
0x6c1: {  	v8 =	vshll.u32 v24, $0x10;
	v47 =	vpop (erf)  }
0x6c2: {  	v48 =	vpop (erf)  }
0x6c3: {  	v3 =	vshll.u32 v35, $0x10;
	v5 =	vmul.f32 v8, v47;
	v50 =	vpop (erf)  }
0x6c4: {  	v3 =	vmul.f32 v3, v48;
	v8 =	vpop (erf)  }
0x6c5: {  	v9 =	vshll.u32 v9, $0x10;
	v5 =	vmul.f32 v5, v31;
	v10 =	vpop (erf)  }
0x6c6: {  	v7 =	vshll.u32 v7, $0x10;
	v9 =	vmul.f32 v9, v50;
	v3 =	vmul.f32 v3, v23;
	v51 =	vpop (erf)  }
0x6c7: {  	[tilespmem:s13+$0x200] =	vst v5;
	v7 =	vmul.f32 v7, v51  }
0x6c8: {  	v54 =	vmul.f32 v9, v26;
	v24 =	vld [tilespmem:$0x1FD30];
	[tilespmem:s18+$0x200] =	vst v3  }
0x6c9: {  	v35 =	vld [tilespmem:$0x1FD40];
	v25 =	vmul.f32 v7, v37  }
0x6ca: {  	[tilespmem:s15+$0x200] =	vst v54  }
0x6cb: {  	[tilespmem:s28+$0x380] =	vst v25  }
0x6cc: {  	v42 =	vld [tilespmem:$0x1FD50];
	_ =	sdelay $0x1  }
0x6cd: {  	v57 =	vmul.f32 v58, v14;
	_ =	sdelay $0x1  }
0x6ce: {  	v52 =	vadd.s32 $0x20, v17;
	v38 =	vmul.f32 v0, v61;
	v41 =	vmul.f32 $1.442695020e+00, v57;
	v12 =	vld.idx.msk [tilespmem:v24+s14+$0x0], $0xffff  }
0x6cf: {  	v2 =	vmul.f32 $1.442695020e+00, v2;
	v7 =	vld.idx.msk [tilespmem:v35+s14+$0x0], $0xffff  }
0x6d0: {  	(erf) = vpow2.f32 v41;
	v3 =	vmul.f32 $1.442695020e+00, v38  }
0x6d1: {  	(erf) = vpow2.f32 v2  }
0x6d2: {  	(erf) = vpow2.f32 v3;
	v51 =	vshll.u32 v4, $0x10;
	v9 =	vld.idx.msk [tilespmem:v42+s14+$0x0], $0xffff  }
0x6d3: {  	v4 =	vmul.f32 v51, v8;
	v11 =	vld.idx.msk [tilespmem:v52+s14+$0x0], $0xffff;
	v52 =	vshll.u32 v6, $0x10;
	v45 =	vmul.f32 v12, v20  }
0x6d4: {  	v57 =	vshll.u32 v58, $0x10;
	v58 =	vmul.f32 v52, v10;
	v46 =	vmul.f32 v7, v21  }
0x6d5: {  	v4 =	vmul.f32 v4, v53;
	v2 =	vmul.f32 $1.442695020e+00, v45  }
0x6d6: {  	v61 =	vmul.f32 v58, v63;
	v3 =	vmul.f32 $1.442695020e+00, v46  }
0x6d7: {  	(erf) = vpow2.f32 v2;
	v47 =	vmul.f32 v9, v22  }
0x6d8: {  	[tilespmem:s3+$0x380] =	vst v4;
	v48 =	vmul.f32 v11, v16;
	(erf) = vpow2.f32 v3  }
0x6d9: {  	[tilespmem:s17+$0x380] =	vst v61;
	v5 =	vmul.f32 $1.442695020e+00, v47  }
0x6da: {  	v54 =	vpop (erf);
	v6 =	vld [tilespmem:$0x1FCF0];
	v50 =	vmul.f32 $1.442695020e+00, v48  }
0x6db: {  	(erf) = vpow2.f32 v5;
	v5 =	vmul.f32 v57, v54  }
0x6dc: {  	(erf) = vpow2.f32 v50  }
0x6dd: {  	v5 =	vmul.f32 v5, v28  }
0x6de: {  	v2 =	vpop (erf)  }
0x6df: {  	v3 =	vpop (erf);
	[tilespmem:s16+$0x380] =	vst v5  }
0x6e0: {  	v24 =	vshll.u32 v12, $0x10;
	v13 =	vpop (erf);
	v5 =	vld [tilespmem:$0x1FD00]  }
0x6e1: {  	v7 =	vshll.u32 v7, $0x10;
	v25 =	vpop (erf);
	v4 =	vmul.f32 v24, v13;
	v42 =	vld [tilespmem:$0x1FD10]  }
0x6e2: {  	v6 =	vld.idx.msk [tilespmem:v6+s14+$0x0], $0xffff;
	v7 =	vmul.f32 v7, v25  }
0x6e3: {  	v4 =	vmul.f32 v4, v31  }
0x6e4: {  	v7 =	vmul.f32 v7, v23;
	v35 =	vpop (erf)  }
0x6e5: {  	v38 =	vshll.u32 v11, $0x10;
	[tilespmem:s13+$0x280] =	vst v4;
	v41 =	vpop (erf)  }
0x6e6: {  	s2 =	sshll.u32 s6, $0x5;
	v45 =	vadd.s32 $0x24, v17;
	v48 =	vld.idx.msk [tilespmem:v36+s14+$0x0], $0xffff;
	[tilespmem:s18+$0x280] =	vst v7;
	v10 =	vmul.f32 v38, v41  }
0x6e7: {  	s2 =	sand.u32 $0x3FFFFF00, s2;
	v9 =	vshll.u32 v9, $0x10;
	v47 =	vmul.f32 v6, v15;
	v51 =	vld.idx.msk [tilespmem:v62+s14+$0x0], $0xffff  }
0x6e8: {  	s23 =	sadd.s32 $0x12C00, s2;
	v8 =	vmul.f32 v9, v35;
	v5 =	vld.idx.msk [tilespmem:v5+s14+$0x0], $0xffff;
	v46 =	vmul.f32 v10, v37  }
0x6e9: {  	s2 =	sor.u32 s25, s23;
	v12 =	vld.idx.msk [tilespmem:v42+s14+$0x0], $0xffff  }
0x6ea: {  	v9 =	vmul.f32 $1.442695020e+00, v47;
	v8 =	vmul.f32 v8, v26;
	[tilespmem:s2+$0x0] =	vst v46  }
0x6eb: {  	v4 =	vld.idx.msk [tilespmem:v45+s14+$0x0], $0xffff  }
0x6ec: {  	(erf) = vpow2.f32 v9;
	[tilespmem:s15+$0x280] =	vst v8  }
0x6ed: {  	v58 =	vmul.f32 v51, v21;
	v8 =	vld.idx.msk [tilespmem:v34+s14+$0x0], $0xffff;
	v50 =	vmul.f32 v5, v30  }
0x6ee: {  	v57 =	vmul.f32 v48, v20;
	v52 =	vmul.f32 v12, v14  }
0x6ef: {  	v9 =	vmul.f32 $1.442695020e+00, v58;
	v7 =	vmul.f32 $1.442695020e+00, v50  }
0x6f0: {  	v54 =	vmul.f32 $1.442695020e+00, v52;
	v61 =	vmul.f32 v4, v16  }
0x6f1: {  	(erf) = vpow2.f32 v7;
	v7 =	vmul.f32 $1.442695020e+00, v57  }
0x6f2: {  	v62 =	vmul.f32 v8, v22;
	(erf) = vpow2.f32 v54  }
0x6f3: {  	v17 =	vmul.f32 $1.442695020e+00, v61;
	(erf) = vpow2.f32 v7  }
0x6f4: {  	v24 =	vmul.f32 $1.442695020e+00, v62;
	(erf) = vpow2.f32 v9  }
0x6f5: {  	(erf) = vpow2.f32 v17  }
0x6f6: {  	(erf) = vpow2.f32 v24;
	_ =	sdelay $0x2  }
0x6f7: {  	v25 =	vpop (erf)  }
0x6f8: {  	v6 =	vshll.u32 v6, $0x10;
	v34 =	vpop (erf)  }
0x6f9: {  	v6 =	vmul.f32 v6, v25;
	v35 =	vpop (erf)  }
0x6fa: {  	v10 =	vshll.u32 v48, $0x10;
	v36 =	vpop (erf)  }
0x6fb: {  	v13 =	vshll.u32 v51, $0x10;
	v6 =	vmul.f32 v6, v53;
	v38 =	vpop (erf);
	v10 =	vmul.f32 v10, v36  }
0x6fc: {  	v16 =	vpop (erf);
	v7 =	vmul.f32 v13, v38  }
0x6fd: {  	v8 =	vshll.u32 v8, $0x10;
	[tilespmem:s20+$0x0] =	vst v6;
	v41 =	vpop (erf);
	v10 =	vmul.f32 v10, v31  }
0x6fe: {  	v8 =	vmul.f32 v8, v41;
	v42 =	vmul.f32 v7, v23;
	v7 =	vld.idx.msk [tilespmem:v60+s14+$0x0], $0xffff  }
0x6ff: {  	[tilespmem:s13+$0x300] =	vst v10  }
0x700: {  	v8 =	vmul.f32 v8, v26;
	v10 =	vld.idx.msk [tilespmem:v33+s14+$0x0], $0xffff;
	[tilespmem:s18+$0x300] =	vst v42  }
0x701: {  	v6 =	vld.idx.msk [tilespmem:v39+s14+$0x0], $0xffff  }
0x702: {  	[tilespmem:s15+$0x300] =	vst v8  }
0x703: {  	v8 =	vld.idx.msk [tilespmem:v44+s14+$0x0], $0xffff;
	v44 =	vmul.f32 v7, v15;
	_ =	sdelay $0x1  }
0x704: {  	v45 =	vmul.f32 v10, v20;
	v13 =	vmul.f32 $1.442695020e+00, v44  }
0x705: {  	v24 =	vmul.f32 v6, v21  }
0x706: {  	v17 =	vmul.f32 $1.442695020e+00, v45;
	(erf) = vpow2.f32 v13  }
0x707: {  	v46 =	vmul.f32 v8, v22;
	v47 =	vmul.f32 $1.442695020e+00, v24  }
0x708: {  	(erf) = vpow2.f32 v17  }
0x709: {  	v48 =	vmul.f32 $1.442695020e+00, v46;
	(erf) = vpow2.f32 v47;
	_ =	sdelay $0x1  }
0x70a: {  	(erf) = vpow2.f32 v48;
	_ =	sdelay $0x3  }
0x70b: {  	v5 =	vshll.u32 v5, $0x10  }
0x70c: {  	v12 =	vshll.u32 v12, $0x10;
	v5 =	vmul.f32 v5, v34;
	v51 =	vpop (erf)  }
0x70d: {  	v50 =	vmul.f32 v12, v35;
	v10 =	vshll.u32 v10, $0x10;
	v52 =	vpop (erf)  }
0x70e: {  	v5 =	vmul.f32 v5, v63;
	v6 =	vshll.u32 v6, $0x10;
	v13 =	vpop (erf);
	v10 =	vmul.f32 v10, v52  }
0x70f: {  	v9 =	vmul.f32 v50, v28;
	v6 =	vmul.f32 v6, v13  }
0x710: {  	[tilespmem:s10+$0x0] =	vst v5;
	v54 =	vshll.u32 v8, $0x10;
	v57 =	vpop (erf);
	v60 =	vmul.f32 v10, v31  }
0x711: {  	v58 =	vld [tilespmem:$0x1FD20];
	[tilespmem:s0+$0x0] =	vst v9;
	v5 =	vmul.f32 v54, v57;
	v6 =	vmul.f32 v6, v23  }
0x712: {  	[tilespmem:s13+$0x380] =	vst v60  }
0x713: {  	v5 =	vmul.f32 v5, v26;
	[tilespmem:s18+$0x380] =	vst v6  }
0x714: {  	v6 =	vld [tilespmem:$0x1FD80]  }
0x715: {  	[tilespmem:s15+$0x380] =	vst v5  }
0x716: {  	v24 =	vld [tilespmem:$0x1FDA0];
	_ =	sdelay $0x2  }
0x717: {  	v12 =	vld.idx.msk [tilespmem:v58+s14+$0x0], $0xffff  }
0x718: {  	v61 =	vld.idx.msk [tilespmem:v29+s14+$0x0], $0xffff;
	_ =	sdelay $0x1  }
0x719: {  	v6 =	vld.idx.msk [tilespmem:v6+s14+$0x0], $0xffff  }
0x71a: {  	v62 =	vld.idx.msk [tilespmem:v55+s14+$0x0], $0xffff  }
0x71b: {  	v17 =	vmul.f32 v12, v30;
	v10 =	vld.idx.msk [tilespmem:v24+s14+$0x0], $0xffff  }
0x71c: {  	v25 =	vmul.f32 v61, v14  }
0x71d: {  	v9 =	vmul.f32 $1.442695020e+00, v17  }
0x71e: {  	v13 =	vmul.f32 $1.442695020e+00, v25;
	v29 =	vmul.f32 v6, v20  }
0x71f: {  	(erf) = vpow2.f32 v9;
	v30 =	vmul.f32 v62, v21  }
0x720: {  	v17 =	vmul.f32 $1.442695020e+00, v29;
	v33 =	vmul.f32 v10, v22  }
0x721: {  	(erf) = vpow2.f32 v13;
	v9 =	vmul.f32 $1.442695020e+00, v30  }
0x722: {  	v34 =	vmul.f32 $1.442695020e+00, v33;
	(erf) = vpow2.f32 v17  }
0x723: {  	(erf) = vpow2.f32 v9  }
0x724: {  	(erf) = vpow2.f32 v34;
	_ =	sdelay $0x4  }
0x725: {  	v35 =	vpop (erf)  }
0x726: {  	v36 =	vpop (erf)  }
0x727: {  	v6 =	vshll.u32 v6, $0x10;
	v17 =	vpop (erf)  }
0x728: {  	v5 =	vshll.u32 v62, $0x10;
	v38 =	vpop (erf);
	v6 =	vmul.f32 v6, v17  }
0x729: {  	v10 =	vshll.u32 v10, $0x10;
	v39 =	vpop (erf);
	v5 =	vmul.f32 v5, v38  }
0x72a: {  	v10 =	vmul.f32 v10, v39;
	v6 =	vmul.f32 v6, v31  }
0x72b: {  	s24 =	sor.u32 s12, s23;
	v5 =	vmul.f32 v5, v23  }
0x72c: {  	s7 =	sor.u32 s8, s23;
	[tilespmem:s24+$0x0] =	vst v6;
	v41 =	vmul.f32 v10, v26  }
0x72d: {  	s3 =	sor.u32 s9, s23;
	v42 =	vld.idx.msk [tilespmem:v32+s14+$0x0], $0xffff;
	[tilespmem:s7+$0x0] =	vst v5  }
0x72e: {  	v5 =	vld.idx.msk [tilespmem:v43+s14+$0x0], $0xffff;
	[tilespmem:s3+$0x0] =	vst v41  }
0x72f: {  	v6 =	vld.idx.msk [tilespmem:v40+s14+$0x0], $0xffff;
	_ =	sdelay $0x2  }
0x730: {  	v43 =	vmul.f32 v42, v20  }
0x731: {  	v1 =	vmul.f32 v19, v1;
	v44 =	vmul.f32 v5, v21  }
0x732: {  	v4 =	vshll.u32 v4, $0x10;
	v45 =	vmul.f32 v6, v22;
	v17 =	vmul.f32 $1.442695020e+00, v43  }
0x733: {  	v4 =	vmul.f32 v4, v16;
	v20 =	vmul.f32 $1.442695020e+00, v44  }
0x734: {  	v21 =	vmul.f32 $1.442695020e+00, v45;
	(erf) = vpow2.f32 v17  }
0x735: {  	v1 =	vmul.f32 v1, v56;
	v46 =	vshll.u32 v0, $0x10;
	(erf) = vpow2.f32 v20  }
0x736: {  	v47 =	vmul.f32 v4, v37;
	v48 =	vshll.u32 v7, $0x10;
	(erf) = vpow2.f32 v21  }
0x737: {  	v0 =	vmul.f32 v46, v3;
	v4 =	vmul.f32 v48, v51  }
0x738: {  	v2 =	vmul.f32 v18, v2;
	[tilespmem:s11+$0x80] =	vst v49  }
0x739: {  	v0 =	vmul.f32 v0, v27;
	v50 =	vshll.u32 v12, $0x10;
	v53 =	vmul.f32 v4, v53;
	[tilespmem:s5+$0x80] =	vst v1  }
0x73a: {  	v51 =	vshll.u32 v61, $0x10;
	v49 =	vmul.f32 v2, v59;
	[tilespmem:s2+$0x80] =	vst v47;
	v2 =	vmul.f32 v50, v35  }
0x73b: {  	[tilespmem:s1+$0x80] =	vst v0;
	v52 =	vmul.f32 v51, v36  }
0x73c: {  	[tilespmem:s20+$0x80] =	vst v53;
	v56 =	vmul.f32 v2, v63  }
0x73d: {  	[tilespmem:s4+$0x80] =	vst v49;
	v1 =	vmul.f32 v52, v28;
	v54 =	vshll.u32 v42, $0x10;
	v55 =	vpop (erf)  }
0x73e: {  	[tilespmem:s10+$0x80] =	vst v56;
	v57 =	vshll.u32 v5, $0x10;
	v4 =	vmul.f32 v54, v55;
	v58 =	vpop (erf)  }
0x73f: {  	[tilespmem:s0+$0x80] =	vst v1;
	v59 =	vshll.u32 v6, $0x10;
	v60 =	vpop (erf);
	v2 =	vmul.f32 v57, v58  }
0x740: {  	s0 =	rddreg [dreg:$0x10];
	v61 =	vmul.f32 v59, v60;
	v62 =	vmul.f32 v4, v31  }
0x741: {  	s0 =	smul.u32 $0x6400, s0;
	v63 =	vmul.f32 v2, v23  }
0x742: {  	s26 =	simm.s32 $0x0;
	[tilespmem:s24+$0x80] =	vst v62;
	v0 =	vmul.f32 v61, v26  }
.Ltmp7:
0x743: {  	s25 =	rddreg [dreg:$0x4];
	s0 =	sshrl.u32 s0, $0x3;
	[tilespmem:s7+$0x80] =	vst v63;
	(pc) =	sbr.rel .LBB2_8-.Ltmp7, $4  }
0x744: {  	s29 =	simm.s32 $0x100;
	s28 =	simm.s32 $0xAF00;
	s0 =	sadd.s32 s25, s0;
	[tilespmem:s3+$0x80] =	vst v0  }
0x745: {  	[hbm4b:s0+s26] =	stream.linear.scatter [tilespmem:s28], [sflag:$0x4], $0x6400, $0x38;
	[tilespmem:$0x1D1E0] =	vst v63  }
0x746: {  	s30 =	simm.s32 $0x400;
	s31 =	simm.s32 $0x12C00;
	s0 =	sadd.s32 $0x186A00, s0  }
0x747: {  	[hbm4b:s0+s29] =	stream.strided.scatter [tilespmem:s31], [sflag:$0x4], $0x1900, s30, s29, $0x38;
	[tilespmem:$0x1D1E0] =	vst v63  }
.LBB2_9:
0x748: {  	s0 =	simm.s32 $0x3  }
0x749: {  	_ =	swait.ge [sflag:s0], $0x6400  }
0x74a: {  	[sflag:s0] =	ssyncset.done $0x0  }
0x74b: {  	[sflag:s0] =	ssyncadd.s32 $0xFFFF9C00  }
0x74c: {  	_ =	swait.ge [sflag:s0], $0x1900  }
0x74d: {  	[sflag:s0] =	ssyncset.done $0x0  }
0x74e: {  	s31 =	simm.s32 $0x4;
	[sflag:s0] =	ssyncadd.s32 $0xFFFFE700  }
0x74f: {  	_ =	swait.ge [sflag:s31], $0x6400  }
.Ltmp8:
0x750: {  	[sflag:s31] =	ssyncset.done $0x0;
	(pc) =	sbr.rel @p0 .LBB2_15-.Ltmp8, $4  }
0x751: {  	[sflag:s31] =	ssyncadd.s32 $0xFFFF9C00  }
0x752: {  	_ =	swait.ge [sflag:s31], $0x1900  }
0x753: {  	s6 =	simm.s32 $0x5;
	[sflag:s31] =	ssyncset.done $0x0  }
0x754: {  	s7 =	simm.s32 $0x154A0;
	v39 =	vld [tilespmem:$0x1FFF0];
	s1 =	rddreg [dreg:$0xe];
	[sflag:s31] =	ssyncadd.s32 $0xFFFFE700  }
0x755: {  	s0 =	simm.s32 $0x0;
	s1 =	rddreg [dreg:$0xb];
	s2 =	simm.s32 $0x14500  }
0x756: {  	[tilespmem:s2], [sflag:$0x5] =	stream.linear.gather [hbm4b:s1+s0], $0xFA0, $0x38;
	[tilespmem:$0x1D1E0] =	vst v63  }
0x757: {  	_ =	swait.ge [sflag:s6], $0xFA0  }
0x758: {  	[sflag:s6] =	ssyncset.done $0x0  }
0x759: {  	s19 =	simm.s32 $0x14520;
	[sflag:s6] =	ssyncadd.s32 $0xFFFFF060  }
0x75a: {  	v0 =	vld [tilespmem:s19+$0x10]  }
0x75b: {  	v3 =	vld [tilespmem:s19+$0xFFFFFFE0];
	_ =	sdelay $0x2  }
0x75c: {  	v1 =	vld [tilespmem:s19+$0xFFFFFFF0]  }
0x75d: {  	v4 =	vadd.s32 $0x28, v0  }
0x75e: {  	v8 =	vadd.s32 $0x28, v3  }
0x75f: {  	s20 =	simm.s32 $0x30;
	v2 =	vld [tilespmem:s19+$0x0]  }
0x760: {  	s22 =	simm.s32 $0x14560;
	v7 =	vmov s20  }
0x761: {  	v10 =	vmov s0;
	v7 =	vshll.u32 v7, $0x3;
	v12 =	vld [tilespmem:s22+$0x10];
	v5 =	vadd.s32 $0x28, v1  }
0x762: {  	v10 =	vshll.u32 v10, $0x3;
	v7 =	vor.u32 v39, v7;
	v4 =	vld.idx.msk [tilespmem:v4+s14+$0x0], $0xffff  }
0x763: {  	s21 =	simm.s32 $0x10;
	v10 =	vor.u32 v39, v10;
	v9 =	vadd.s32 $0x2A, v0;
	v8 =	vld.idx.msk [tilespmem:v8+s14+$0x0], $0xffff  }
0x764: {  	v11 =	vmov s21;
	v14 =	vld [tilespmem:s22+$0xFFFFFFF0];
	v6 =	vadd.s32 $0x28, v2  }
0x765: {  	v11 =	vshll.u32 v11, $0x3;
	v16 =	vld [tilespmem:s22+$0x0]  }
0x766: {  	s23 =	simm.s32 $0x20;
	v11 =	vor.u32 v39, v11;
	v13 =	vadd.s32 $0x2A, v3;
	v5 =	vld.idx.msk [tilespmem:v5+s14+$0x0], $0xffff  }
0x767: {  	v19 =	vld [tilespmem:s22+$0xFFFFFFE0];
	[tilespmem:v7+s7+$0x0] =	vst.idx.msk $0xffff, v4;
	v4 =	vmov s23  }
0x768: {  	v18 =	vor.u32 $0x1, v7;
	[tilespmem:v10+s7+$0x0] =	vst.idx.msk $0xffff, v8;
	v8 =	vadd.s32 $0x28, v12;
	v9 =	vld.idx.msk [tilespmem:v9+s14+$0x0], $0xffff;
	v4 =	vshll.u32 v4, $0x3  }
0x769: {  	s29 =	simm.s32 $0x145A0;
	v15 =	vadd.s32 $0x2A, v1;
	v6 =	vld.idx.msk [tilespmem:v6+s14+$0x0], $0xffff;
	v4 =	vor.u32 v39, v4  }
0x76a: {  	v32 =	vld [tilespmem:s29+$0xFFFFFFF0];
	v0 =	vadd.s32 $0x2C, v0  }
0x76b: {  	v20 =	vor.u32 $0x1, v10;
	[tilespmem:v11+s7+$0x0] =	vst.idx.msk $0xffff, v5;
	v5 =	vld.idx.msk [tilespmem:v13+s14+$0x0], $0xffff;
	v13 =	vadd.s32 $0x28, v14  }
0x76c: {  	v34 =	vld [tilespmem:s29+$0x0];
	v3 =	vadd.s32 $0x2C, v3  }
0x76d: {  	s24 =	simm.s32 $0x70;
	v23 =	vor.u32 $0x1, v11;
	v28 =	vor.u32 $0x2, v10;
	v8 =	vld.idx.msk [tilespmem:v8+s14+$0x0], $0xffff;
	[tilespmem:v18+s7+$0x0] =	vst.idx.msk $0xffff, v9;
	v9 =	vadd.s32 $0x28, v19  }
0x76e: {  	v17 =	vadd.s32 $0x2A, v2;
	v22 =	vadd.s32 $0x2C, v1;
	v18 =	vmov s24;
	[tilespmem:v4+s7+$0x0] =	vst.idx.msk $0xffff, v6;
	v6 =	vld.idx.msk [tilespmem:v15+s14+$0x0], $0xffff  }
0x76f: {  	s25 =	simm.s32 $0x40;
	v1 =	vadd.s32 $0x2A, v12;
	v15 =	vadd.s32 $0x28, v16;
	v21 =	vld.idx.msk [tilespmem:v0+s14+$0x0], $0xffff;
	v0 =	vshll.u32 v18, $0x3  }
0x770: {  	s26 =	simm.s32 $0x50;
	v13 =	vld.idx.msk [tilespmem:v13+s14+$0x0], $0xffff;
	[tilespmem:v20+s7+$0x0] =	vst.idx.msk $0xffff, v5;
	v18 =	vor.u32 v39, v0;
	v0 =	vor.u32 $0x2, v11;
	v11 =	vmov s25  }
0x771: {  	s28 =	simm.s32 $0x60;
	v25 =	vadd.s32 $0x2C, v2;
	v2 =	vmov s26;
	v26 =	vld.idx.msk [tilespmem:v3+s14+$0x0], $0xffff;
	v5 =	vshll.u32 v11, $0x3  }
0x772: {  	v2 =	vshll.u32 v2, $0x3;
	v11 =	vmov s28;
	v20 =	vor.u32 v39, v5;
	v9 =	vld.idx.msk [tilespmem:v9+s14+$0x0], $0xffff  }
0x773: {  	v27 =	vadd.s32 $0x2A, v19;
	v3 =	vshll.u32 v11, $0x3;
	v11 =	vor.u32 v39, v2;
	v5 =	vld [tilespmem:s29+$0x10]  }
0x774: {  	v31 =	vadd.s32 $0x2A, v16;
	v10 =	vadd.s32 $0x2A, v14;
	v29 =	vor.u32 v39, v3;
	v15 =	vld.idx.msk [tilespmem:v15+s14+$0x0], $0xffff;
	[tilespmem:v23+s7+$0x0] =	vst.idx.msk $0xffff, v6  }
0x775: {  	s3 =	simm.s32 $0xA0;
	v38 =	vadd.s32 $0x2C, v19;
	v12 =	vadd.s32 $0x2C, v12;
	v24 =	vor.u32 $0x1, v4;
	v17 =	vld.idx.msk [tilespmem:v17+s14+$0x0], $0xffff;
	[tilespmem:v18+s7+$0x0] =	vst.idx.msk $0xffff, v8  }
0x776: {  	v19 =	vmov s3;
	v33 =	vor.u32 $0x1, v18;
	v3 =	vadd.s32 $0x2C, v14;
	[tilespmem:v28+s7+$0x0] =	vst.idx.msk $0xffff, v26;
	v30 =	vld.idx.msk [tilespmem:v1+s14+$0x0], $0xffff  }
0x777: {  	v37 =	vld [tilespmem:s29+$0xFFFFFFE0];
	v14 =	vor.u32 $0x2, v7;
	v35 =	vor.u32 $0x1, v11;
	v2 =	vor.u32 $0x2, v11;
	[tilespmem:v20+s7+$0x0] =	vst.idx.msk $0xffff, v9  }
0x778: {  	v7 =	vor.u32 $0x2, v20;
	v23 =	vor.u32 $0x1, v20;
	[tilespmem:v11+s7+$0x0] =	vst.idx.msk $0xffff, v13;
	v11 =	vadd.s32 $0x28, v5;
	v13 =	vld.idx.msk [tilespmem:v27+s14+$0x0], $0xffff  }
0x779: {  	v36 =	vor.u32 $0x1, v29;
	v6 =	vadd.s32 $0x2C, v32;
	v26 =	vshll.u32 v19, $0x3;
	[tilespmem:v29+s7+$0x0] =	vst.idx.msk $0xffff, v15;
	v15 =	vld.idx.msk [tilespmem:v10+s14+$0x0], $0xffff  }
0x77a: {  	s31 =	simm.s32 $0x90;
	v8 =	vadd.s32 $0x2C, v16;
	v16 =	vadd.s32 $0x28, v32;
	[tilespmem:v24+s7+$0x0] =	vst.idx.msk $0xffff, v17;
	v20 =	vadd.s32 $0x28, v34;
	v31 =	vld.idx.msk [tilespmem:v31+s14+$0x0], $0xffff  }
0x77b: {  	s30 =	simm.s32 $0xB0;
	v17 =	vmov s31;
	v1 =	vor.u32 $0x2, v4;
	[tilespmem:v33+s7+$0x0] =	vst.idx.msk $0xffff, v30;
	v30 =	vor.u32 $0x2, v18;
	v18 =	vld.idx.msk [tilespmem:v22+s14+$0x0], $0xffff  }
0x77c: {  	v4 =	vor.u32 $0x2, v29;
	v27 =	vadd.s32 $0x28, v37;
	v29 =	vld.idx.msk [tilespmem:v12+s14+$0x0], $0xffff;
	v12 =	vmov s30  }
0x77d: {  	v28 =	vadd.s32 $0x2A, v5;
	v9 =	vadd.s32 $0x2A, v32;
	[tilespmem:v14+s7+$0x0] =	vst.idx.msk $0xffff, v21;
	v21 =	vld.idx.msk [tilespmem:v11+s14+$0x0], $0xffff;
	v12 =	vshll.u32 v12, $0x3  }
0x77e: {  	s0 =	simm.s32 $0x80;
	v10 =	vadd.s32 $0x2A, v34;
	v11 =	vshll.u32 v17, $0x3;
	v17 =	vld.idx.msk [tilespmem:v25+s14+$0x0], $0xffff;
	v12 =	vor.u32 v39, v12  }
0x77f: {  	v14 =	vmov s0;
	v24 =	vor.u32 v39, v11;
	v25 =	vld.idx.msk [tilespmem:v20+s14+$0x0], $0xffff;
	v20 =	vor.u32 v39, v26;
	[tilespmem:v23+s7+$0x0] =	vst.idx.msk $0xffff, v13  }
0x780: {  	v22 =	vld.idx.msk [tilespmem:v16+s14+$0x0], $0xffff;
	v13 =	vshll.u32 v14, $0x3;
	[tilespmem:v35+s7+$0x0] =	vst.idx.msk $0xffff, v15;
	v23 =	vadd.s32 $0x2A, v37;
	v14 =	vor.u32 $0x1, v24  }
0x781: {  	v27 =	vld.idx.msk [tilespmem:v27+s14+$0x0], $0xffff;
	v11 =	vor.u32 $0x1, v20;
	v26 =	vor.u32 $0x2, v24;
	v19 =	vor.u32 v39, v13;
	[tilespmem:v36+s7+$0x0] =	vst.idx.msk $0xffff, v31  }
0x782: {  	s1 =	simm.s32 $0x8;
	s2 =	simm.s32 $0x145E0;
	v15 =	vadd.s32 $0x2C, v34;
	v13 =	vadd.s32 $0x2C, v37;
	v16 =	vor.u32 $0x1, v19;
	[tilespmem:v30+s7+$0x0] =	vst.idx.msk $0xffff, v29;
	v29 =	vld.idx.msk [tilespmem:v38+s14+$0x0], $0xffff  }
.LBB2_11:
0x783: {  	v30 =	vld [tilespmem:s2+$0x10];
	s1 =	sadd.s32 $0x4, s1;
	v31 =	vor.u32 $0x2, v19;
	v32 =	vor.u32 $0x2, v20;
	[tilespmem:v12+s7+$0x0] =	vst.idx.msk $0xffff, v21  }
0x784: {  	p1 =	slt.u32 s1, $0xF4;
	v21 =	vld.idx.msk [tilespmem:v28+s14+$0x0], $0xffff;
	[tilespmem:v0+s7+$0x0] =	vst.idx.msk $0xffff, v18;
	v0 =	vmov v2;
	v2 =	vmov v26  }
0x785: {  	v18 =	vld [tilespmem:s2+$0xFFFFFFF0];
	[tilespmem:v24+s7+$0x0] =	vst.idx.msk $0xffff, v22;
	v22 =	vor.u32 $0x1, v12  }
0x786: {  	v33 =	vld [tilespmem:s2+$0x0];
	[tilespmem:v20+s7+$0x0] =	vst.idx.msk $0xffff, v25;
	v20 =	vadd.s32 $0x2C, v5  }
0x787: {  	v34 =	vld [tilespmem:s2+$0xFFFFFFE0];
	[tilespmem:v19+s7+$0x0] =	vst.idx.msk $0xffff, v27  }
0x788: {  	v19 =	vadd.s32 $0x28, v30;
	v23 =	vld.idx.msk [tilespmem:v23+s14+$0x0], $0xffff;
	[tilespmem:v7+s7+$0x0] =	vst.idx.msk $0xffff, v29;
	v5 =	vmov v30;
	v7 =	vmov v31  }
0x789: {  	v25 =	vld.idx.msk [tilespmem:v9+s14+$0x0], $0xffff;
	[tilespmem:v1+s7+$0x0] =	vst.idx.msk $0xffff, v17;
	v1 =	vmov v4;
	v4 =	vmov v32  }
0x78a: {  	s0 =	sadd.s32 $0x40, s0;
	v24 =	vadd.s32 $0x28, v18;
	v9 =	vadd.s32 $0x2A, v18;
	v17 =	vadd.s32 $0x2C, v18;
	v30 =	vld.idx.msk [tilespmem:v10+s14+$0x0], $0xffff;
	[tilespmem:v22+s7+$0x0] =	vst.idx.msk $0xffff, v21  }
0x78b: {  	s3 =	sadd.s32 $0x10, s0;
	s4 =	sadd.s32 $0x20, s0;
	s5 =	sadd.s32 $0x30, s0;
	v22 =	vmov s0;
	v26 =	vadd.s32 $0x28, v33;
	v10 =	vadd.s32 $0x2A, v33;
	v29 =	vld.idx.msk [tilespmem:v20+s14+$0x0], $0xffff  }
0x78c: {  	v31 =	vor.u32 $0x2, v12;
	v20 =	vmov s5;
	v27 =	vadd.s32 $0x28, v34;
	v18 =	vld.idx.msk [tilespmem:v3+s14+$0x0], $0xffff;
	v3 =	vmovc v6;
	v6 =	vmovc v17  }
0x78d: {  	v12 =	vmov s3;
	v17 =	vmov s4;
	v20 =	vshll.u32 v20, $0x3;
	v21 =	vld.idx.msk [tilespmem:v19+s14+$0x0], $0xffff  }
.Ltmp9:
0x78e: {  	v19 =	vshll.u32 v12, $0x3;
	v32 =	vshll.u32 v17, $0x3;
	v12 =	vor.u32 v39, v20;
	[tilespmem:v16+s7+$0x0] =	vst.idx.msk $0xffff, v23;
	v17 =	vld.idx.msk [tilespmem:v8+s14+$0x0], $0xffff;
	(pc) =	sbr.rel @p1 .LBB2_11-.Ltmp9, $4  }
0x78f: {  	v28 =	vadd.s32 $0x2A, v5;
	v16 =	vshll.u32 v22, $0x3;
	v22 =	vld.idx.msk [tilespmem:v24+s14+$0x0], $0xffff;
	v24 =	vor.u32 v39, v19;
	[tilespmem:v14+s7+$0x0] =	vst.idx.msk $0xffff, v25  }
0x790: {  	v23 =	vadd.s32 $0x2A, v34;
	v20 =	vor.u32 v39, v32;
	v8 =	vmovc v15;
	v19 =	vor.u32 v39, v16;
	v25 =	vld.idx.msk [tilespmem:v26+s14+$0x0], $0xffff  }
0x791: {  	v32 =	vor.u32 $0x1, v20;
	v16 =	vor.u32 $0x1, v19;
	v14 =	vor.u32 $0x1, v24;
	v27 =	vld.idx.msk [tilespmem:v27+s14+$0x0], $0xffff;
	[tilespmem:v31+s7+$0x0] =	vst.idx.msk $0xffff, v29  }
0x792: {  	s2 =	sadd.s32 $0x40, s2;
	v15 =	vadd.s32 $0x2C, v33;
	v26 =	vor.u32 $0x2, v24;
	v29 =	vld.idx.msk [tilespmem:v13+s14+$0x0], $0xffff;
	v13 =	vadd.s32 $0x2C, v34;
	[tilespmem:v11+s7+$0x0] =	vst.idx.msk $0xffff, v30;
	v11 =	vmovc v32  }
0x793: {  	_ =	sdelay $0x3  }
0x794: {  	[tilespmem:v12+s7+$0x0] =	vst.idx.msk $0xffff, v21  }
0x795: {  	[tilespmem:v0+s7+$0x0] =	vst.idx.msk $0xffff, v18  }
0x796: {  	v57 =	vor.u32 $0x1, v12;
	v21 =	vld.idx.msk [tilespmem:v28+s14+$0x0], $0xffff;
	[tilespmem:v24+s7+$0x0] =	vst.idx.msk $0xffff, v22  }
0x797: {  	v5 =	vadd.s32 $0x2C, v5;
	[tilespmem:v20+s7+$0x0] =	vst.idx.msk $0xffff, v25;
	v9 =	vld.idx.msk [tilespmem:v9+s14+$0x0], $0xffff  }
0x798: {  	[tilespmem:v19+s7+$0x0] =	vst.idx.msk $0xffff, v27;
	v10 =	vld.idx.msk [tilespmem:v10+s14+$0x0], $0xffff  }
0x799: {  	[tilespmem:v1+s7+$0x0] =	vst.idx.msk $0xffff, v17;
	v58 =	vld.idx.msk [tilespmem:v23+s14+$0x0], $0xffff  }
0x79a: {  	v3 =	vld.idx.msk [tilespmem:v3+s14+$0x0], $0xffff;
	[tilespmem:v7+s7+$0x0] =	vst.idx.msk $0xffff, v29  }
0x79b: {  	v8 =	vld.idx.msk [tilespmem:v8+s14+$0x0], $0xffff;
	[tilespmem:v57+s7+$0x0] =	vst.idx.msk $0xffff, v21  }
0x79c: {  	v59 =	vor.u32 $0x2, v12;
	v5 =	vld.idx.msk [tilespmem:v5+s14+$0x0], $0xffff;
	[tilespmem:v14+s7+$0x0] =	vst.idx.msk $0xffff, v9  }
0x79d: {  	[tilespmem:v11+s7+$0x0] =	vst.idx.msk $0xffff, v10;
	v6 =	vld.idx.msk [tilespmem:v6+s14+$0x0], $0xffff  }
0x79e: {  	v62 =	vor.u32 $0x2, v20;
	[tilespmem:v16+s7+$0x0] =	vst.idx.msk $0xffff, v58;
	v63 =	vld.idx.msk [tilespmem:v15+s14+$0x0], $0xffff  }
0x79f: {  	v60 =	vor.u32 $0x2, v19;
	[tilespmem:v2+s7+$0x0] =	vst.idx.msk $0xffff, v3;
	v61 =	vld.idx.msk [tilespmem:v13+s14+$0x0], $0xffff  }
0x7a0: {  	[tilespmem:v4+s7+$0x0] =	vst.idx.msk $0xffff, v8  }
0x7a1: {  	[tilespmem:v59+s7+$0x0] =	vst.idx.msk $0xffff, v5  }
0x7a2: {  	[tilespmem:v26+s7+$0x0] =	vst.idx.msk $0xffff, v6  }
0x7a3: {  	[tilespmem:v62+s7+$0x0] =	vst.idx.msk $0xffff, v63  }
0x7a4: {  	s0 =	simm.s32 $0xF80;
	s1 =	simm.s32 $0x15480;
	[tilespmem:v60+s7+$0x0] =	vst.idx.msk $0xffff, v61  }
.LBB2_13:
0x7a5: {  	v0 =	vld [tilespmem:s1+$0x0];
	_ =	sdelay $0x4  }
0x7a6: {  	v1 =	vadd.s32 $0x28, v0;
	_ =	sdelay $0x2  }
0x7a7: {  	v2 =	vmov s0  }
0x7a8: {  	v2 =	vshll.u32 v2, $0x3  }
0x7a9: {  	v2 =	vor.u32 v39, v2;
	v1 =	vld.idx.msk [tilespmem:v1+s14+$0x0], $0xffff  }
0x7aa: {  	v3 =	vadd.s32 $0x2A, v0;
	_ =	sdelay $0x3  }
0x7ab: {  	[tilespmem:v2+s7+$0x0] =	vst.idx.msk $0xffff, v1  }
0x7ac: {  	v62 =	vor.u32 $0x1, v2;
	v1 =	vld.idx.msk [tilespmem:v3+s14+$0x0], $0xffff  }
0x7ad: {  	v0 =	vadd.s32 $0x2C, v0;
	_ =	sdelay $0x3  }
0x7ae: {  	[tilespmem:v62+s7+$0x0] =	vst.idx.msk $0xffff, v1  }
0x7af: {  	p1 =	sne.s32 s0, $0xF90;
	v63 =	vor.u32 $0x2, v2;
	v0 =	vld.idx.msk [tilespmem:v0+s14+$0x0], $0xffff  }
.Ltmp10:
0x7b0: {  	_ = 	snop;
	(pc) =	sbr.rel @p1 .LBB2_13-.Ltmp10, $2  }
0x7b1: {  	_ =	sdelay $0x2  }
0x7b2: {  	s1 =	sadd.s32 $0x10, s1;
	s0 =	sadd.s32 $0x10, s0;
	[tilespmem:v63+s7+$0x0] =	vst.idx.msk $0xffff, v0  }
.Ltmp11:
0x7b3: {  	s0 =	simm.s32 $0x0;
	s1 =	rddreg [dreg:$0xc];
	(pc) =	sbr.rel .LBB2_15-.Ltmp11, $4  }
0x7b4: {  	[hbm4b:s1+s0] =	stream.linear.scatter [tilespmem:s7], [sflag:$0x5], $0x7D00, $0x38;
	[tilespmem:$0x1D1E0] =	vst v63  }
0x7b5: {  	_ =	swait.ge [sflag:s6], $0x7D00  }
0x7b6: {  	[sflag:s6] =	ssyncset.done $0x0  }
0x7b7: {  	s1 =	rddreg [dreg:$0xe];
	[sflag:s6] =	ssyncadd.s32 $0xFFFF8300  }
.LBB2_16:
0x7b8: {  	_ =	sfence.sel $0x180000  }
0x7b9: {  	[bflag:$0x0] =	sbarrier.arrive $0xFFFF  }
0x7ba: {  	_ =	strace $0x90000047  }
0x7bb: {  	s0 =	stileid.u32;
	[bflag:$0x2] =	sbarrier.arrive $0xFFFF  }
0x7bc: {  	p0 =	sne.s32 s0, $0x0;
	s0 =	rddreg [dreg:$0x5]  }
0x7bd: {  	s0 =	sadd.s32 @!p0 $0x100000, s0  }
0x7be: {  	[sflag:s0] =	ssyncadd.tile.s32 @!p0 $0x1;
	_ =	shalt  }
.Lfunc_end2:
_tile_overlayer_lowered:
.L_overlay_start_2:
0x7bf: {  	(tag) =	ssettag $0x2  }
0x7c0: {  	s0 =	rddreg [dreg:$0x0];
	s2 =	stileid.u32  }
0x7c1: {  	s1 =	rddreg [dreg:$0x1];
	p0 =	sne.s32 s2, $0x0  }
0x7c2: {  	s3 =	rddreg [dreg:$0x2];
	[bflag:$0x3] =	sbarrier.arrive $0xFFFF;
	s2 =	simm.s32 @!p0 $0x1C05  }
0x7c3: {  	[timem:s3], [sflag:s2] =	dma.local @!p0 [hbm:s0], s1  }
0x7c4: {  	s0 =	simm.s32 @!p0 $0x5  }
0x7c5: {  	_ =	swait.ge @!p0 [sflag:s0], s1  }
0x7c6: {  	s1 =	ssub.s32 @!p0 $0x0, s1;
	[sflag:s0] =	ssyncset.done @!p0 $0x0  }
0x7c7: {  	[sflag:s0] =	ssyncadd.s32 @!p0 s1  }
0x7c8: {  	[bflag:$0x3] =	sbarrier.arrive $0xFFFF  }
0x7c9: {  	_ =	shalt  }

</sc_bundles>
